<compile_context>
chip_gen: v7x
topology: tpu7x:2x2x1
jax: 0.10.2.dev20260603
libtpu: 0.0.44.dev20260713+nightly
codegen_flags: <defaults>
</compile_context>

<pallas_src>
import functools

import jax
import jax.numpy as jnp
from jax import lax
from jax.experimental import pallas as pl
from jax.experimental.pallas import tpu as pltpu
from jax.experimental.pallas import tpu_sc as plsc

B = 1024
D = 64
NE = 1000000
NC = 2
NS = 16
NW = NC * NS
RPW = (2 * B) // NW
NBUF = 8
LW = 128


def _gather_one_table(tab_t, idx_va, rows, slabs, sems):
    iota16 = lax.iota(jnp.int32, 16)

    CW = 32

    def fire(va, k):
        cb = pl.multiple_of((va[k // 16][k % 16] >> 7) * LW, LW)
        pltpu.async_copy(tab_t.at[:, pl.ds(cb, LW)],
                         slabs[k % NBUF], sems[k % NBUF])

    def extract(va, c, k):
        lane = va[k // 16][k % 16] & (LW - 1)
        cols16 = lax.broadcast(lane, (16,))
        row16 = lax.broadcast(c * CW + k, (16,))
        for q in range(D // 16):
            rows16 = q * 16 + iota16
            vals = plsc.load_gather(slabs[k % NBUF], [rows16, cols16])
            plsc.store_scatter(rows, [row16, q * 16 + iota16], vals)

    def chunk(c, _):
        va = (idx_va[pl.ds(c * CW, 16)], idx_va[pl.ds(c * CW + 16, 16)])
        for k in range(NBUF):
            fire(va, k)
        for k in range(CW):
            pltpu.make_async_copy(tab_t.at[:, pl.ds(0, LW)],
                                  slabs[k % NBUF], sems[k % NBUF]).wait()
            extract(va, c, k)
            if k + NBUF < CW:
                fire(va, k + NBUF)
        return 0

    lax.fori_loop(0, RPW // CW, chunk, 0)


def _sc_gather_body(pos_t, neg, ent_t, rel_t, ent_out, rel_out,
                    idx_va, idx_vb, rows_a, rows_b,
                    slab0, slab1, slab2, slab3, slab4, slab5, slab6, slab7,
                    sem0, sem1, sem2, sem3, sem4, sem5, sem6, sem7):
    wid = lax.axis_index("s") * NC + lax.axis_index("c")
    base = wid * RPW
    slabs = (slab0, slab1, slab2, slab3, slab4, slab5, slab6, slab7)
    sems = (sem0, sem1, sem2, sem3, sem4, sem5, sem6, sem7)
    @pl.when(wid < NW // 2)
    def _():
        pltpu.sync_copy(pos_t.at[0, pl.ds(base, RPW)], idx_va)
        pltpu.sync_copy(pos_t.at[2, pl.ds(base, RPW)], idx_vb)

    @pl.when(wid >= NW // 2)
    def _():
        pltpu.sync_copy(pos_t.at[1, pl.ds(base - B, RPW)], idx_va)
        pltpu.sync_copy(neg.at[pl.ds(base - B, RPW)], idx_vb)
    _gather_one_table(ent_t, idx_va, rows_a, slabs, sems)
    pltpu.sync_copy(rows_a, ent_out.at[pl.ds(base, RPW)])
    _gather_one_table(rel_t, idx_vb, rows_b, slabs, sems)
    pltpu.sync_copy(rows_b, rel_out.at[pl.ds(base, RPW)])


@functools.lru_cache(maxsize=1)
def _sc_gather():
    return pl.kernel(
        _sc_gather_body,
        mesh=plsc.VectorSubcoreMesh(core_axis_name="c", subcore_axis_name="s",
                                    num_cores=NC, num_subcores=NS),
        out_type=(
            jax.ShapeDtypeStruct((2 * B, D), jnp.float32),
            jax.ShapeDtypeStruct((2 * B, D), jnp.float32),
        ),
        scratch_types=[
            pltpu.VMEM((RPW,), jnp.int32),
            pltpu.VMEM((RPW,), jnp.int32),
            pltpu.VMEM((RPW, D), jnp.float32),
            pltpu.VMEM((RPW, D), jnp.float32),
            pltpu.VMEM((D, LW), jnp.float32),
            pltpu.VMEM((D, LW), jnp.float32),
            pltpu.VMEM((D, LW), jnp.float32),
            pltpu.VMEM((D, LW), jnp.float32),
            pltpu.VMEM((D, LW), jnp.float32),
            pltpu.VMEM((D, LW), jnp.float32),
            pltpu.VMEM((D, LW), jnp.float32),
            pltpu.VMEM((D, LW), jnp.float32),
            pltpu.SemaphoreType.DMA,
            pltpu.SemaphoreType.DMA,
            pltpu.SemaphoreType.DMA,
            pltpu.SemaphoreType.DMA,
            pltpu.SemaphoreType.DMA,
            pltpu.SemaphoreType.DMA,
            pltpu.SemaphoreType.DMA,
            pltpu.SemaphoreType.DMA,
        ],
        compiler_params=pltpu.CompilerParams(needs_layout_passes=False),
    )


def _tc_score_body(ent_ref, rel_ref, pos_ref, neg_ref):
    head = ent_ref[0:B, :]
    tail = ent_ref[B:2 * B, :]
    pos_r = rel_ref[0:B, :]
    neg_r = rel_ref[B:2 * B, :]
    dn = (((1,), (1,)), ((), ()))
    pos_ref[...] = lax.dot_general(head * pos_r, tail, dn,
                                   preferred_element_type=jnp.float32,
                                   precision=lax.Precision.HIGHEST)
    neg_ref[...] = lax.dot_general(head * neg_r, tail, dn,
                                   preferred_element_type=jnp.float32,
                                   precision=lax.Precision.HIGHEST)


def kernel(pos_data, neg_data, entity_embedding, relation_embedding):
    pos_data = pos_data.astype(jnp.int32)
    neg_data = neg_data.astype(jnp.int32)
    ent_rows, rel_rows = _sc_gather()(pos_data.T, neg_data,
                                      entity_embedding.T,
                                      relation_embedding.T)
    pos_score, neg_score = pl.pallas_call(
        _tc_score_body,
        out_shape=(
            jax.ShapeDtypeStruct((B, B), jnp.float32),
            jax.ShapeDtypeStruct((B, B), jnp.float32),
        ),
    )(ent_rows, rel_rows)
    return (pos_score, neg_score)

# --- scband reference (transcript-rebuilt; emitter-appended) ---
"""Pipeline reference for scband-kgemodel-31258771980719 (READ-ONLY COPY).

The authoritative reference and input builder live on the scoring server;
editing this copy changes nothing except your own understanding.
"""

import jax, jax.numpy as jnp
import numpy as np

NENTITY = 1000000
NRELATION = 1000000
DIM = 64
B = 1024

def setup_inputs(seed: int = 0) -> dict:
    key = jax.random.key(seed)
    k1, k2, k3, k4 = jax.random.split(key, 4)
    pos_data = jax.random.randint(k1, (B, 3), 0, NENTITY)
    neg_data = jax.random.randint(k2, (B,), 0, NRELATION)
    # init_embedding('uniform') with embedding_range=0.01
    entity_embedding = jax.random.uniform(k3, (NENTITY, DIM), minval=-0.01, maxval=0.01, dtype=jnp.float32)
    relation_embedding = jax.random.uniform(k4, (NRELATION, DIM), minval=-0.01, maxval=0.01, dtype=jnp.float32)
    return {"pos_data": pos_data, "neg_data": neg_data,
            "entity_embedding": entity_embedding, "relation_embedding": relation_embedding}


def reference(pos_data, neg_data, entity_embedding, relation_embedding):
    # mode = 'single' (training, negative sampling); dropout p=0.0 -> identity
    head = jnp.take(entity_embedding, pos_data[:, 0], axis=0)        # [B, D]
    tail = jnp.take(entity_embedding, pos_data[:, 1], axis=0)        # [B, D]
    pos_relation = jnp.take(relation_embedding, pos_data[:, 2], axis=0)  # [B, D]
    # DistMult, mode != 'all': torch broadcast (B,1,D)*(B,D) -> (B,B,D), sum(-1) -> (B,B)
    pos_score = jnp.sum((head * pos_relation)[:, None, :] * tail[None, :, :], axis=-1)
    neg_relation = jnp.take(relation_embedding, neg_data, axis=0)    # [B, D]
    neg_score = jnp.sum((head * neg_relation)[:, None, :] * tail[None, :, :], axis=-1)
    return (pos_score, neg_score)

if __name__ == "__main__":
    import jax
    _d = setup_inputs()
    print(jax.jit(kernel)(*tuple(_d.values())))

</pallas_src>

<mosaic_0001>
#map = affine_map<(d0, d1) -> (0, 0)>
#map1 = affine_map<(d0, d1) -> (0)>
module attributes {stable_mosaic.version = 14 : i64} {
  func.func @_sc_gather_body(%arg0: i32, %arg1: i32, %arg2: memref<3x1024xi32, #tpu.memory_space<hbm>>, %arg3: memref<1024xi32, #tpu.memory_space<hbm>>, %arg4: memref<64x1000000xf32, #tpu.memory_space<hbm>>, %arg5: memref<64x1000000xf32, #tpu.memory_space<hbm>>, %arg6: memref<2048x64xf32, #tpu.memory_space<hbm>>, %arg7: memref<2048x64xf32, #tpu.memory_space<hbm>>, %arg8: memref<64xi32, #tpu.memory_space<vmem>>, %arg9: memref<64xi32, #tpu.memory_space<vmem>>, %arg10: memref<64x64xf32, #tpu.memory_space<vmem>>, %arg11: memref<64x64xf32, #tpu.memory_space<vmem>>, %arg12: memref<64x128xf32, #tpu.memory_space<vmem>>, %arg13: memref<64x128xf32, #tpu.memory_space<vmem>>, %arg14: memref<64x128xf32, #tpu.memory_space<vmem>>, %arg15: memref<64x128xf32, #tpu.memory_space<vmem>>, %arg16: memref<64x128xf32, #tpu.memory_space<vmem>>, %arg17: memref<64x128xf32, #tpu.memory_space<vmem>>, %arg18: memref<64x128xf32, #tpu.memory_space<vmem>>, %arg19: memref<64x128xf32, #tpu.memory_space<vmem>>, %arg20: memref<!tpu.dma_semaphore, #tpu.memory_space<semaphore_mem>>, %arg21: memref<!tpu.dma_semaphore, #tpu.memory_space<semaphore_mem>>, %arg22: memref<!tpu.dma_semaphore, #tpu.memory_space<semaphore_mem>>, %arg23: memref<!tpu.dma_semaphore, #tpu.memory_space<semaphore_mem>>, %arg24: memref<!tpu.dma_semaphore, #tpu.memory_space<semaphore_mem>>, %arg25: memref<!tpu.dma_semaphore, #tpu.memory_space<semaphore_mem>>, %arg26: memref<!tpu.dma_semaphore, #tpu.memory_space<semaphore_mem>>, %arg27: memref<!tpu.dma_semaphore, #tpu.memory_space<semaphore_mem>>) attributes {dimension_semantics = [#tpu.dimension_semantics<core_parallel>, #tpu.dimension_semantics<subcore_parallel>], iteration_bounds = array<i64: 2, 16>, scalar_prefetch = 0 : i64, scratch_operands = 20 : i64, tpu.core_type = #tpu.core_type<sc_vector_subcore>, window_params = [{transform_indices = #map}, {transform_indices = #map1}, {transform_indices = #map}, {transform_indices = #map}, {transform_indices = #map}, {transform_indices = #map}]} {
    %mul3A = arith.constant 2 : i32
    %mul3A_0 = arith.muli %arg1, %mul3A : i32
    %add3A = arith.addi %mul3A_0, %arg0 : i32
    %mul3A_1 = arith.constant 64 : i32
    %mul3A_2 = arith.muli %add3A, %mul3A_1 : i32
    %lt3A = arith.constant 16 : i32
    %lt3A_3 = arith.cmpi slt, %add3A, %lt3A : i32
    %convert_element_type3A = arith.extui %lt3A_3 : i1 to i32
    %cond3A = arith.constant 0 : i32
    %cond3A_4 = arith.cmpi ne, %convert_element_type3A, %cond3A : i32
    scf.if %cond3A_4 {
      %run_scoped3A = arith.constant 0 : i32
      "tpu.region"() ({
        %run_scoped3A_24 = tpu.sem_alloc : memref<!tpu.dma_semaphore, #tpu.memory_space<semaphore_mem>>
        %dma_start3A = tpu.memref_slice %arg2[%run_scoped3A, %mul3A_2] : memref<3x1024xi32, #tpu.memory_space<hbm>> -> memref<1x64xi32, #tpu.memory_space<hbm>>
        %dma_start3A_25 = tpu.memref_squeeze %dma_start3A : memref<1x64xi32, #tpu.memory_space<hbm>> -> memref<64xi32, #tpu.memory_space<hbm>>
        %dma_start3A_26 = tpu.memref_slice %arg2[%run_scoped3A, %mul3A_2] : memref<3x1024xi32, #tpu.memory_space<hbm>> -> memref<1x64xi32, #tpu.memory_space<hbm>>
        %dma_start3A_27 = tpu.memref_squeeze %dma_start3A_26 : memref<1x64xi32, #tpu.memory_space<hbm>> -> memref<64xi32, #tpu.memory_space<hbm>>
        tpu.enqueue_dma source(%dma_start3A_27 : memref<64xi32, #tpu.memory_space<hbm>>) target(%arg8 : memref<64xi32, #tpu.memory_space<vmem>>) target_semaphore(%run_scoped3A_24 : memref<!tpu.dma_semaphore, #tpu.memory_space<semaphore_mem>>)
        %dma_wait3A = tpu.memref_slice %arg2[%run_scoped3A, %mul3A_2] : memref<3x1024xi32, #tpu.memory_space<hbm>> -> memref<1x64xi32, #tpu.memory_space<hbm>>
        %dma_wait3A_28 = tpu.memref_squeeze %dma_wait3A : memref<1x64xi32, #tpu.memory_space<hbm>> -> memref<64xi32, #tpu.memory_space<hbm>>
        %dma_wait3A_29 = tpu.memref_slice %arg2[%run_scoped3A, %mul3A_2] : memref<3x1024xi32, #tpu.memory_space<hbm>> -> memref<1x64xi32, #tpu.memory_space<hbm>>
        %dma_wait3A_30 = tpu.memref_squeeze %dma_wait3A_29 : memref<1x64xi32, #tpu.memory_space<hbm>> -> memref<64xi32, #tpu.memory_space<hbm>>
        tpu.wait_dma2 semaphore(%run_scoped3A_24 : memref<!tpu.dma_semaphore, #tpu.memory_space<semaphore_mem>>) src(%dma_wait3A_30 : memref<64xi32, #tpu.memory_space<hbm>>) dst(%arg8 : memref<64xi32, #tpu.memory_space<vmem>>)
        tpu.yield
      }) : () -> ()
      %run_scoped3A_23 = arith.constant 2 : i32
      "tpu.region"() ({
        %run_scoped3A_24 = tpu.sem_alloc : memref<!tpu.dma_semaphore, #tpu.memory_space<semaphore_mem>>
        %dma_start3A = tpu.memref_slice %arg2[%run_scoped3A_23, %mul3A_2] : memref<3x1024xi32, #tpu.memory_space<hbm>> -> memref<1x64xi32, #tpu.memory_space<hbm>>
        %dma_start3A_25 = tpu.memref_squeeze %dma_start3A : memref<1x64xi32, #tpu.memory_space<hbm>> -> memref<64xi32, #tpu.memory_space<hbm>>
        %dma_start3A_26 = tpu.memref_slice %arg2[%run_scoped3A_23, %mul3A_2] : memref<3x1024xi32, #tpu.memory_space<hbm>> -> memref<1x64xi32, #tpu.memory_space<hbm>>
        %dma_start3A_27 = tpu.memref_squeeze %dma_start3A_26 : memref<1x64xi32, #tpu.memory_space<hbm>> -> memref<64xi32, #tpu.memory_space<hbm>>
        tpu.enqueue_dma source(%dma_start3A_27 : memref<64xi32, #tpu.memory_space<hbm>>) target(%arg9 : memref<64xi32, #tpu.memory_space<vmem>>) target_semaphore(%run_scoped3A_24 : memref<!tpu.dma_semaphore, #tpu.memory_space<semaphore_mem>>)
        %dma_wait3A = tpu.memref_slice %arg2[%run_scoped3A_23, %mul3A_2] : memref<3x1024xi32, #tpu.memory_space<hbm>> -> memref<1x64xi32, #tpu.memory_space<hbm>>
        %dma_wait3A_28 = tpu.memref_squeeze %dma_wait3A : memref<1x64xi32, #tpu.memory_space<hbm>> -> memref<64xi32, #tpu.memory_space<hbm>>
        %dma_wait3A_29 = tpu.memref_slice %arg2[%run_scoped3A_23, %mul3A_2] : memref<3x1024xi32, #tpu.memory_space<hbm>> -> memref<1x64xi32, #tpu.memory_space<hbm>>
        %dma_wait3A_30 = tpu.memref_squeeze %dma_wait3A_29 : memref<1x64xi32, #tpu.memory_space<hbm>> -> memref<64xi32, #tpu.memory_space<hbm>>
        tpu.wait_dma2 semaphore(%run_scoped3A_24 : memref<!tpu.dma_semaphore, #tpu.memory_space<semaphore_mem>>) src(%dma_wait3A_30 : memref<64xi32, #tpu.memory_space<hbm>>) dst(%arg9 : memref<64xi32, #tpu.memory_space<vmem>>)
        tpu.yield
      }) : () -> ()
    } else {
    }
    %ge3A = arith.constant 16 : i32
    %ge3A_5 = arith.cmpi sge, %add3A, %ge3A : i32
    %convert_element_type3A_6 = arith.extui %ge3A_5 : i1 to i32
    %cond3A_7 = arith.constant 0 : i32
    %cond3A_8 = arith.cmpi ne, %convert_element_type3A_6, %cond3A_7 : i32
    scf.if %cond3A_8 {
      %sub3A = arith.constant 1024 : i32
      %sub3A_23 = arith.subi %mul3A_2, %sub3A : i32
      %run_scoped3A = arith.constant 1 : i32
      "tpu.region"() ({
        %run_scoped3A_26 = tpu.sem_alloc : memref<!tpu.dma_semaphore, #tpu.memory_space<semaphore_mem>>
        %dma_start3A = tpu.memref_slice %arg2[%run_scoped3A, %sub3A_23] : memref<3x1024xi32, #tpu.memory_space<hbm>> -> memref<1x64xi32, #tpu.memory_space<hbm>>
        %dma_start3A_27 = tpu.memref_squeeze %dma_start3A : memref<1x64xi32, #tpu.memory_space<hbm>> -> memref<64xi32, #tpu.memory_space<hbm>>
        %dma_start3A_28 = tpu.memref_slice %arg2[%run_scoped3A, %sub3A_23] : memref<3x1024xi32, #tpu.memory_space<hbm>> -> memref<1x64xi32, #tpu.memory_space<hbm>>
        %dma_start3A_29 = tpu.memref_squeeze %dma_start3A_28 : memref<1x64xi32, #tpu.memory_space<hbm>> -> memref<64xi32, #tpu.memory_space<hbm>>
        tpu.enqueue_dma source(%dma_start3A_29 : memref<64xi32, #tpu.memory_space<hbm>>) target(%arg8 : memref<64xi32, #tpu.memory_space<vmem>>) target_semaphore(%run_scoped3A_26 : memref<!tpu.dma_semaphore, #tpu.memory_space<semaphore_mem>>)
        %dma_wait3A = tpu.memref_slice %arg2[%run_scoped3A, %sub3A_23] : memref<3x1024xi32, #tpu.memory_space<hbm>> -> memref<1x64xi32, #tpu.memory_space<hbm>>
        %dma_wait3A_30 = tpu.memref_squeeze %dma_wait3A : memref<1x64xi32, #tpu.memory_space<hbm>> -> memref<64xi32, #tpu.memory_space<hbm>>
        %dma_wait3A_31 = tpu.memref_slice %arg2[%run_scoped3A, %sub3A_23] : memref<3x1024xi32, #tpu.memory_space<hbm>> -> memref<1x64xi32, #tpu.memory_space<hbm>>
        %dma_wait3A_32 = tpu.memref_squeeze %dma_wait3A_31 : memref<1x64xi32, #tpu.memory_space<hbm>> -> memref<64xi32, #tpu.memory_space<hbm>>
        tpu.wait_dma2 semaphore(%run_scoped3A_26 : memref<!tpu.dma_semaphore, #tpu.memory_space<semaphore_mem>>) src(%dma_wait3A_32 : memref<64xi32, #tpu.memory_space<hbm>>) dst(%arg8 : memref<64xi32, #tpu.memory_space<vmem>>)
        tpu.yield
      }) : () -> ()
      %sub3A_24 = arith.constant 1024 : i32
      %sub3A_25 = arith.subi %mul3A_2, %sub3A_24 : i32
      "tpu.region"() ({
        %run_scoped3A_26 = tpu.sem_alloc : memref<!tpu.dma_semaphore, #tpu.memory_space<semaphore_mem>>
        %dma_start3A = tpu.memref_slice %arg3[%sub3A_25] : memref<1024xi32, #tpu.memory_space<hbm>> -> memref<64xi32, #tpu.memory_space<hbm>>
        %dma_start3A_27 = tpu.memref_slice %arg3[%sub3A_25] : memref<1024xi32, #tpu.memory_space<hbm>> -> memref<64xi32, #tpu.memory_space<hbm>>
        tpu.enqueue_dma source(%dma_start3A_27 : memref<64xi32, #tpu.memory_space<hbm>>) target(%arg9 : memref<64xi32, #tpu.memory_space<vmem>>) target_semaphore(%run_scoped3A_26 : memref<!tpu.dma_semaphore, #tpu.memory_space<semaphore_mem>>)
        %dma_wait3A = tpu.memref_slice %arg3[%sub3A_25] : memref<1024xi32, #tpu.memory_space<hbm>> -> memref<64xi32, #tpu.memory_space<hbm>>
        %dma_wait3A_28 = tpu.memref_slice %arg3[%sub3A_25] : memref<1024xi32, #tpu.memory_space<hbm>> -> memref<64xi32, #tpu.memory_space<hbm>>
        tpu.wait_dma2 semaphore(%run_scoped3A_26 : memref<!tpu.dma_semaphore, #tpu.memory_space<semaphore_mem>>) src(%dma_wait3A_28 : memref<64xi32, #tpu.memory_space<hbm>>) dst(%arg9 : memref<64xi32, #tpu.memory_space<vmem>>)
        tpu.yield
      }) : () -> ()
    } else {
    }
    %iota3A = tpu.iota {dimensions = array<i32: 0>} : vector<16xi32>
    %scan3A = arith.constant 0 : i32
    %scan3A_9 = arith.constant 0 : i32
    %scan3A_10 = arith.constant 2 : i32
    %scan3A_11 = arith.addi %scan3A_9, %scan3A_10 : i32
    %scan3A_12 = arith.constant 1 : i32
    %scan3A_13 = scf.for %scan3A_23 = %scan3A_9 to %scan3A_11 step %scan3A_12 iter_args(%scan3A_24 = %scan3A) -> (i32)  : i32 {
      %mul3A_25 = arith.constant 32 : i32
      %mul3A_26 = arith.muli %scan3A_23, %mul3A_25 : i32
      %get3A = arith.index_cast %mul3A_26 : i32 to index
      %get3A_27 = tpu.vector_load %arg8[%get3A] {strides = array<i32>} : memref<64xi32, #tpu.memory_space<vmem>>, vector<16xi32>,
      %mul3A_28 = arith.constant 32 : i32
      %mul3A_29 = arith.muli %scan3A_23, %mul3A_28 : i32
      %add3A_30 = arith.constant 16 : i32
      %add3A_31 = arith.addi %mul3A_29, %add3A_30 : i32
      %get3A_32 = arith.index_cast %add3A_31 : i32 to index
      %get3A_33 = tpu.vector_load %arg8[%get3A_32] {strides = array<i32>} : memref<64xi32, #tpu.memory_space<vmem>>, vector<16xi32>,
      %slice3A = vector.extract_strided_slice %get3A_27 {offsets = [0], sizes = [1], strides = [1]} : vector<16xi32> to vector<1xi32>
      %squeeze3A = vector.extract %slice3A[0] : i32 from vector<1xi32>
      %shift_right_arithmetic3A = arith.constant 7 : i32
      %shift_right_arithmetic3A_34 = arith.shrsi %squeeze3A, %shift_right_arithmetic3A : i32
      %mul3A_35 = arith.constant 128 : i32
      %mul3A_36 = arith.muli %shift_right_arithmetic3A_34, %mul3A_35 : i32
      %multiple_of3A = tpu.assume_multiple %mul3A_36, 128 : i32
      %dma_start3A = arith.constant 0 : i32
      %dma_start3A_37 = tpu.memref_slice %arg4[%dma_start3A, %multiple_of3A] : memref<64x1000000xf32, #tpu.memory_space<hbm>> -> memref<64x128xf32, #tpu.memory_space<hbm>>
      %dma_start3A_38 = arith.constant 0 : i32
      %dma_start3A_39 = tpu.memref_slice %arg4[%dma_start3A_38, %multiple_of3A] : memref<64x1000000xf32, #tpu.memory_space<hbm>> -> memref<64x128xf32, #tpu.memory_space<hbm>>
      tpu.enqueue_dma source(%dma_start3A_39 : memref<64x128xf32, #tpu.memory_space<hbm>>) target(%arg12 : memref<64x128xf32, #tpu.memory_space<vmem>>) target_semaphore(%arg20 : memref<!tpu.dma_semaphore, #tpu.memory_space<semaphore_mem>>)
      %slice3A_40 = vector.extract_strided_slice %get3A_27 {offsets = [1], sizes = [1], strides = [1]} : vector<16xi32> to vector<1xi32>
      %squeeze3A_41 = vector.extract %slice3A_40[0] : i32 from vector<1xi32>
      %shift_right_arithmetic3A_42 = arith.constant 7 : i32
      %shift_right_arithmetic3A_43 = arith.shrsi %squeeze3A_41, %shift_right_arithmetic3A_42 : i32
      %mul3A_44 = arith.constant 128 : i32
      %mul3A_45 = arith.muli %shift_right_arithmetic3A_43, %mul3A_44 : i32
      %multiple_of3A_46 = tpu.assume_multiple %mul3A_45, 128 : i32
      %dma_start3A_47 = arith.constant 0 : i32
      %dma_start3A_48 = tpu.memref_slice %arg4[%dma_start3A_47, %multiple_of3A_46] : memref<64x1000000xf32, #tpu.memory_space<hbm>> -> memref<64x128xf32, #tpu.memory_space<hbm>>
      %dma_start3A_49 = arith.constant 0 : i32
      %dma_start3A_50 = tpu.memref_slice %arg4[%dma_start3A_49, %multiple_of3A_46] : memref<64x1000000xf32, #tpu.memory_space<hbm>> -> memref<64x128xf32, #tpu.memory_space<hbm>>
      tpu.enqueue_dma source(%dma_start3A_50 : memref<64x128xf32, #tpu.memory_space<hbm>>) target(%arg13 : memref<64x128xf32, #tpu.memory_space<vmem>>) target_semaphore(%arg21 : memref<!tpu.dma_semaphore, #tpu.memory_space<semaphore_mem>>)
      %slice3A_51 = vector.extract_strided_slice %get3A_27 {offsets = [2], sizes = [1], strides = [1]} : vector<16xi32> to vector<1xi32>
      %squeeze3A_52 = vector.extract %slice3A_51[0] : i32 from vector<1xi32>
      %shift_right_arithmetic3A_53 = arith.constant 7 : i32
      %shift_right_arithmetic3A_54 = arith.shrsi %squeeze3A_52, %shift_right_arithmetic3A_53 : i32
      %mul3A_55 = arith.constant 128 : i32
      %mul3A_56 = arith.muli %shift_right_arithmetic3A_54, %mul3A_55 : i32
      %multiple_of3A_57 = tpu.assume_multiple %mul3A_56, 128 : i32
      %dma_start3A_58 = arith.constant 0 : i32
      %dma_start3A_59 = tpu.memref_slice %arg4[%dma_start3A_58, %multiple_of3A_57] : memref<64x1000000xf32, #tpu.memory_space<hbm>> -> memref<64x128xf32, #tpu.memory_space<hbm>>
      %dma_start3A_60 = arith.constant 0 : i32
      %dma_start3A_61 = tpu.memref_slice %arg4[%dma_start3A_60, %multiple_of3A_57] : memref<64x1000000xf32, #tpu.memory_space<hbm>> -> memref<64x128xf32, #tpu.memory_space<hbm>>
      tpu.enqueue_dma source(%dma_start3A_61 : memref<64x128xf32, #tpu.memory_space<hbm>>) target(%arg14 : memref<64x128xf32, #tpu.memory_space<vmem>>) target_semaphore(%arg22 : memref<!tpu.dma_semaphore, #tpu.memory_space<semaphore_mem>>)
      %slice3A_62 = vector.extract_strided_slice %get3A_27 {offsets = [3], sizes = [1], strides = [1]} : vector<16xi32> to vector<1xi32>
      %squeeze3A_63 = vector.extract %slice3A_62[0] : i32 from vector<1xi32>
      %shift_right_arithmetic3A_64 = arith.constant 7 : i32
      %shift_right_arithmetic3A_65 = arith.shrsi %squeeze3A_63, %shift_right_arithmetic3A_64 : i32
      %mul3A_66 = arith.constant 128 : i32
      %mul3A_67 = arith.muli %shift_right_arithmetic3A_65, %mul3A_66 : i32
      %multiple_of3A_68 = tpu.assume_multiple %mul3A_67, 128 : i32
      %dma_start3A_69 = arith.constant 0 : i32
      %dma_start3A_70 = tpu.memref_slice %arg4[%dma_start3A_69, %multiple_of3A_68] : memref<64x1000000xf32, #tpu.memory_space<hbm>> -> memref<64x128xf32, #tpu.memory_space<hbm>>
      %dma_start3A_71 = arith.constant 0 : i32
      %dma_start3A_72 = tpu.memref_slice %arg4[%dma_start3A_71, %multiple_of3A_68] : memref<64x1000000xf32, #tpu.memory_space<hbm>> -> memref<64x128xf32, #tpu.memory_space<hbm>>
      tpu.enqueue_dma source(%dma_start3A_72 : memref<64x128xf32, #tpu.memory_space<hbm>>) target(%arg15 : memref<64x128xf32, #tpu.memory_space<vmem>>) target_semaphore(%arg23 : memref<!tpu.dma_semaphore, #tpu.memory_space<semaphore_mem>>)
      %slice3A_73 = vector.extract_strided_slice %get3A_27 {offsets = [4], sizes = [1], strides = [1]} : vector<16xi32> to vector<1xi32>
      %squeeze3A_74 = vector.extract %slice3A_73[0] : i32 from vector<1xi32>
      %shift_right_arithmetic3A_75 = arith.constant 7 : i32
      %shift_right_arithmetic3A_76 = arith.shrsi %squeeze3A_74, %shift_right_arithmetic3A_75 : i32
      %mul3A_77 = arith.constant 128 : i32
      %mul3A_78 = arith.muli %shift_right_arithmetic3A_76, %mul3A_77 : i32
      %multiple_of3A_79 = tpu.assume_multiple %mul3A_78, 128 : i32
      %dma_start3A_80 = arith.constant 0 : i32
      %dma_start3A_81 = tpu.memref_slice %arg4[%dma_start3A_80, %multiple_of3A_79] : memref<64x1000000xf32, #tpu.memory_space<hbm>> -> memref<64x128xf32, #tpu.memory_space<hbm>>
      %dma_start3A_82 = arith.constant 0 : i32
      %dma_start3A_83 = tpu.memref_slice %arg4[%dma_start3A_82, %multiple_of3A_79] : memref<64x1000000xf32, #tpu.memory_space<hbm>> -> memref<64x128xf32, #tpu.memory_space<hbm>>
      tpu.enqueue_dma source(%dma_start3A_83 : memref<64x128xf32, #tpu.memory_space<hbm>>) target(%arg16 : memref<64x128xf32, #tpu.memory_space<vmem>>) target_semaphore(%arg24 : memref<!tpu.dma_semaphore, #tpu.memory_space<semaphore_mem>>)
      %slice3A_84 = vector.extract_strided_slice %get3A_27 {offsets = [5], sizes = [1], strides = [1]} : vector<16xi32> to vector<1xi32>
      %squeeze3A_85 = vector.extract %slice3A_84[0] : i32 from vector<1xi32>
      %shift_right_arithmetic3A_86 = arith.constant 7 : i32
      %shift_right_arithmetic3A_87 = arith.shrsi %squeeze3A_85, %shift_right_arithmetic3A_86 : i32
      %mul3A_88 = arith.constant 128 : i32
      %mul3A_89 = arith.muli %shift_right_arithmetic3A_87, %mul3A_88 : i32
      %multiple_of3A_90 = tpu.assume_multiple %mul3A_89, 128 : i32
      %dma_start3A_91 = arith.constant 0 : i32
      %dma_start3A_92 = tpu.memref_slice %arg4[%dma_start3A_91, %multiple_of3A_90] : memref<64x1000000xf32, #tpu.memory_space<hbm>> -> memref<64x128xf32, #tpu.memory_space<hbm>>
      %dma_start3A_93 = arith.constant 0 : i32
      %dma_start3A_94 = tpu.memref_slice %arg4[%dma_start3A_93, %multiple_of3A_90] : memref<64x1000000xf32, #tpu.memory_space<hbm>> -> memref<64x128xf32, #tpu.memory_space<hbm>>
      tpu.enqueue_dma source(%dma_start3A_94 : memref<64x128xf32, #tpu.memory_space<hbm>>) target(%arg17 : memref<64x128xf32, #tpu.memory_space<vmem>>) target_semaphore(%arg25 : memref<!tpu.dma_semaphore, #tpu.memory_space<semaphore_mem>>)
      %slice3A_95 = vector.extract_strided_slice %get3A_27 {offsets = [6], sizes = [1], strides = [1]} : vector<16xi32> to vector<1xi32>
      %squeeze3A_96 = vector.extract %slice3A_95[0] : i32 from vector<1xi32>
      %shift_right_arithmetic3A_97 = arith.constant 7 : i32
      %shift_right_arithmetic3A_98 = arith.shrsi %squeeze3A_96, %shift_right_arithmetic3A_97 : i32
      %mul3A_99 = arith.constant 128 : i32
      %mul3A_100 = arith.muli %shift_right_arithmetic3A_98, %mul3A_99 : i32
      %multiple_of3A_101 = tpu.assume_multiple %mul3A_100, 128 : i32
      %dma_start3A_102 = arith.constant 0 : i32
      %dma_start3A_103 = tpu.memref_slice %arg4[%dma_start3A_102, %multiple_of3A_101] : memref<64x1000000xf32, #tpu.memory_space<hbm>> -> memref<64x128xf32, #tpu.memory_space<hbm>>
      %dma_start3A_104 = arith.constant 0 : i32
      %dma_start3A_105 = tpu.memref_slice %arg4[%dma_start3A_104, %multiple_of3A_101] : memref<64x1000000xf32, #tpu.memory_space<hbm>> -> memref<64x128xf32, #tpu.memory_space<hbm>>
      tpu.enqueue_dma source(%dma_start3A_105 : memref<64x128xf32, #tpu.memory_space<hbm>>) target(%arg18 : memref<64x128xf32, #tpu.memory_space<vmem>>) target_semaphore(%arg26 : memref<!tpu.dma_semaphore, #tpu.memory_space<semaphore_mem>>)
      %slice3A_106 = vector.extract_strided_slice %get3A_27 {offsets = [7], sizes = [1], strides = [1]} : vector<16xi32> to vector<1xi32>
      %squeeze3A_107 = vector.extract %slice3A_106[0] : i32 from vector<1xi32>
      %shift_right_arithmetic3A_108 = arith.constant 7 : i32
      %shift_right_arithmetic3A_109 = arith.shrsi %squeeze3A_107, %shift_right_arithmetic3A_108 : i32
      %mul3A_110 = arith.constant 128 : i32
      %mul3A_111 = arith.muli %shift_right_arithmetic3A_109, %mul3A_110 : i32
      %multiple_of3A_112 = tpu.assume_multiple %mul3A_111, 128 : i32
      %dma_start3A_113 = arith.constant 0 : i32
      %dma_start3A_114 = tpu.memref_slice %arg4[%dma_start3A_113, %multiple_of3A_112] : memref<64x1000000xf32, #tpu.memory_space<hbm>> -> memref<64x128xf32, #tpu.memory_space<hbm>>
      %dma_start3A_115 = arith.constant 0 : i32
      %dma_start3A_116 = tpu.memref_slice %arg4[%dma_start3A_115, %multiple_of3A_112] : memref<64x1000000xf32, #tpu.memory_space<hbm>> -> memref<64x128xf32, #tpu.memory_space<hbm>>
      tpu.enqueue_dma source(%dma_start3A_116 : memref<64x128xf32, #tpu.memory_space<hbm>>) target(%arg19 : memref<64x128xf32, #tpu.memory_space<vmem>>) target_semaphore(%arg27 : memref<!tpu.dma_semaphore, #tpu.memory_space<semaphore_mem>>)
      %dma_wait3A = arith.constant 0 : i32
      %dma_wait3A_117 = arith.constant 0 : i32
      %dma_wait3A_118 = tpu.memref_slice %arg4[%dma_wait3A, %dma_wait3A_117] : memref<64x1000000xf32, #tpu.memory_space<hbm>> -> memref<64x128xf32, #tpu.memory_space<hbm>>
      %dma_wait3A_119 = arith.constant 0 : i32
      %dma_wait3A_120 = arith.constant 0 : i32
      %dma_wait3A_121 = tpu.memref_slice %arg4[%dma_wait3A_119, %dma_wait3A_120] : memref<64x1000000xf32, #tpu.memory_space<hbm>> -> memref<64x128xf32, #tpu.memory_space<hbm>>
      tpu.wait_dma2 semaphore(%arg20 : memref<!tpu.dma_semaphore, #tpu.memory_space<semaphore_mem>>) src(%dma_wait3A_121 : memref<64x128xf32, #tpu.memory_space<hbm>>) dst(%arg12 : memref<64x128xf32, #tpu.memory_space<vmem>>)
      %slice3A_122 = vector.extract_strided_slice %get3A_27 {offsets = [0], sizes = [1], strides = [1]} : vector<16xi32> to vector<1xi32>
      %squeeze3A_123 = vector.extract %slice3A_122[0] : i32 from vector<1xi32>
      %and3A = arith.constant 127 : i32
      %and3A_124 = arith.andi %squeeze3A_123, %and3A : i32
      %broadcast_in_dim3A = vector.broadcast %and3A_124 : i32 to vector<16xi32>
      %mul3A_125 = arith.constant 32 : i32
      %mul3A_126 = arith.muli %scan3A_23, %mul3A_125 : i32
      %add3A_127 = arith.constant 0 : i32
      %add3A_128 = arith.addi %mul3A_126, %add3A_127 : i32
      %broadcast_in_dim3A_129 = vector.broadcast %add3A_128 : i32 to vector<16xi32>
      %add3A_130 = arith.constant 0 : i32
      %add3A_131 = vector.broadcast %add3A_130 : i32 to vector<16xi32>
      %add3A_132 = arith.addi %add3A_131, %iota3A : vector<16xi32>
      %gather3A = tpu.vector_load_idx %arg12[%add3A_132, %broadcast_in_dim3A] : memref<64x128xf32, #tpu.memory_space<vmem>>[vector<16xi32>, vector<16xi32>], vector<16xf32>,
      %add3A_133 = arith.constant 0 : i32
      %add3A_134 = vector.broadcast %add3A_133 : i32 to vector<16xi32>
      %add3A_135 = arith.addi %add3A_134, %iota3A : vector<16xi32>
      tpu.vector_store_idx %arg10[%broadcast_in_dim3A_129, %add3A_135], %gather3A : memref<64x64xf32, #tpu.memory_space<vmem>>[vector<16xi32>, vector<16xi32>], vector<16xf32>,
      %add3A_136 = arith.constant 16 : i32
      %add3A_137 = vector.broadcast %add3A_136 : i32 to vector<16xi32>
      %add3A_138 = arith.addi %add3A_137, %iota3A : vector<16xi32>
      %gather3A_139 = tpu.vector_load_idx %arg12[%add3A_138, %broadcast_in_dim3A] : memref<64x128xf32, #tpu.memory_space<vmem>>[vector<16xi32>, vector<16xi32>], vector<16xf32>,
      %add3A_140 = arith.constant 16 : i32
      %add3A_141 = vector.broadcast %add3A_140 : i32 to vector<16xi32>
      %add3A_142 = arith.addi %add3A_141, %iota3A : vector<16xi32>
      tpu.vector_store_idx %arg10[%broadcast_in_dim3A_129, %add3A_142], %gather3A_139 : memref<64x64xf32, #tpu.memory_space<vmem>>[vector<16xi32>, vector<16xi32>], vector<16xf32>,
      %add3A_143 = arith.constant 32 : i32
      %add3A_144 = vector.broadcast %add3A_143 : i32 to vector<16xi32>
      %add3A_145 = arith.addi %add3A_144, %iota3A : vector<16xi32>
      %gather3A_146 = tpu.vector_load_idx %arg12[%add3A_145, %broadcast_in_dim3A] : memref<64x128xf32, #tpu.memory_space<vmem>>[vector<16xi32>, vector<16xi32>], vector<16xf32>,
      %add3A_147 = arith.constant 32 : i32
      %add3A_148 = vector.broadcast %add3A_147 : i32 to vector<16xi32>
      %add3A_149 = arith.addi %add3A_148, %iota3A : vector<16xi32>
      tpu.vector_store_idx %arg10[%broadcast_in_dim3A_129, %add3A_149], %gather3A_146 : memref<64x64xf32, #tpu.memory_space<vmem>>[vector<16xi32>, vector<16xi32>], vector<16xf32>,
      %add3A_150 = arith.constant 48 : i32
      %add3A_151 = vector.broadcast %add3A_150 : i32 to vector<16xi32>
      %add3A_152 = arith.addi %add3A_151, %iota3A : vector<16xi32>
      %gather3A_153 = tpu.vector_load_idx %arg12[%add3A_152, %broadcast_in_dim3A] : memref<64x128xf32, #tpu.memory_space<vmem>>[vector<16xi32>, vector<16xi32>], vector<16xf32>,
      %add3A_154 = arith.constant 48 : i32
      %add3A_155 = vector.broadcast %add3A_154 : i32 to vector<16xi32>
      %add3A_156 = arith.addi %add3A_155, %iota3A : vector<16xi32>
      tpu.vector_store_idx %arg10[%broadcast_in_dim3A_129, %add3A_156], %gather3A_153 : memref<64x64xf32, #tpu.memory_space<vmem>>[vector<16xi32>, vector<16xi32>], vector<16xf32>,
      %slice3A_157 = vector.extract_strided_slice %get3A_27 {offsets = [8], sizes = [1], strides = [1]} : vector<16xi32> to vector<1xi32>
      %squeeze3A_158 = vector.extract %slice3A_157[0] : i32 from vector<1xi32>
      %shift_right_arithmetic3A_159 = arith.constant 7 : i32
      %shift_right_arithmetic3A_160 = arith.shrsi %squeeze3A_158, %shift_right_arithmetic3A_159 : i32
      %mul3A_161 = arith.constant 128 : i32
      %mul3A_162 = arith.muli %shift_right_arithmetic3A_160, %mul3A_161 : i32
      %multiple_of3A_163 = tpu.assume_multiple %mul3A_162, 128 : i32
      %dma_start3A_164 = arith.constant 0 : i32
      %dma_start3A_165 = tpu.memref_slice %arg4[%dma_start3A_164, %multiple_of3A_163] : memref<64x1000000xf32, #tpu.memory_space<hbm>> -> memref<64x128xf32, #tpu.memory_space<hbm>>
      %dma_start3A_166 = arith.constant 0 : i32
      %dma_start3A_167 = tpu.memref_slice %arg4[%dma_start3A_166, %multiple_of3A_163] : memref<64x1000000xf32, #tpu.memory_space<hbm>> -> memref<64x128xf32, #tpu.memory_space<hbm>>
      tpu.enqueue_dma source(%dma_start3A_167 : memref<64x128xf32, #tpu.memory_space<hbm>>) target(%arg12 : memref<64x128xf32, #tpu.memory_space<vmem>>) target_semaphore(%arg20 : memref<!tpu.dma_semaphore, #tpu.memory_space<semaphore_mem>>)
      %dma_wait3A_168 = arith.constant 0 : i32
      %dma_wait3A_169 = arith.constant 0 : i32
      %dma_wait3A_170 = tpu.memref_slice %arg4[%dma_wait3A_168, %dma_wait3A_169] : memref<64x1000000xf32, #tpu.memory_space<hbm>> -> memref<64x128xf32, #tpu.memory_space<hbm>>
      %dma_wait3A_171 = arith.constant 0 : i32
      %dma_wait3A_172 = arith.constant 0 : i32
      %dma_wait3A_173 = tpu.memref_slice %arg4[%dma_wait3A_171, %dma_wait3A_172] : memref<64x1000000xf32, #tpu.memory_space<hbm>> -> memref<64x128xf32, #tpu.memory_space<hbm>>
      tpu.wait_dma2 semaphore(%arg21 : memref<!tpu.dma_semaphore, #tpu.memory_space<semaphore_mem>>) src(%dma_wait3A_173 : memref<64x128xf32, #tpu.memory_space<hbm>>) dst(%arg13 : memref<64x128xf32, #tpu.memory_space<vmem>>)
      %slice3A_174 = vector.extract_strided_slice %get3A_27 {offsets = [1], sizes = [1], strides = [1]} : vector<16xi32> to vector<1xi32>
      %squeeze3A_175 = vector.extract %slice3A_174[0] : i32 from vector<1xi32>
      %and3A_176 = arith.constant 127 : i32
      %and3A_177 = arith.andi %squeeze3A_175, %and3A_176 : i32
      %broadcast_in_dim3A_178 = vector.broadcast %and3A_177 : i32 to vector<16xi32>
      %mul3A_179 = arith.constant 32 : i32
      %mul3A_180 = arith.muli %scan3A_23, %mul3A_179 : i32
      %add3A_181 = arith.constant 1 : i32
      %add3A_182 = arith.addi %mul3A_180, %add3A_181 : i32
      %broadcast_in_dim3A_183 = vector.broadcast %add3A_182 : i32 to vector<16xi32>
      %add3A_184 = arith.constant 0 : i32
      %add3A_185 = vector.broadcast %add3A_184 : i32 to vector<16xi32>
      %add3A_186 = arith.addi %add3A_185, %iota3A : vector<16xi32>
      %gather3A_187 = tpu.vector_load_idx %arg13[%add3A_186, %broadcast_in_dim3A_178] : memref<64x128xf32, #tpu.memory_space<vmem>>[vector<16xi32>, vector<16xi32>], vector<16xf32>,
      %add3A_188 = arith.constant 0 : i32
      %add3A_189 = vector.broadcast %add3A_188 : i32 to vector<16xi32>
      %add3A_190 = arith.addi %add3A_189, %iota3A : vector<16xi32>
      tpu.vector_store_idx %arg10[%broadcast_in_dim3A_183, %add3A_190], %gather3A_187 : memref<64x64xf32, #tpu.memory_space<vmem>>[vector<16xi32>, vector<16xi32>], vector<16xf32>,
      %add3A_191 = arith.constant 16 : i32
      %add3A_192 = vector.broadcast %add3A_191 : i32 to vector<16xi32>
      %add3A_193 = arith.addi %add3A_192, %iota3A : vector<16xi32>
      %gather3A_194 = tpu.vector_load_idx %arg13[%add3A_193, %broadcast_in_dim3A_178] : memref<64x128xf32, #tpu.memory_space<vmem>>[vector<16xi32>, vector<16xi32>], vector<16xf32>,
      %add3A_195 = arith.constant 16 : i32
      %add3A_196 = vector.broadcast %add3A_195 : i32 to vector<16xi32>
      %add3A_197 = arith.addi %add3A_196, %iota3A : vector<16xi32>
      tpu.vector_store_idx %arg10[%broadcast_in_dim3A_183, %add3A_197], %gather3A_194 : memref<64x64xf32, #tpu.memory_space<vmem>>[vector<16xi32>, vector<16xi32>], vector<16xf32>,
      %add3A_198 = arith.constant 32 : i32
      %add3A_199 = vector.broadcast %add3A_198 : i32 to vector<16xi32>
      %add3A_200 = arith.addi %add3A_199, %iota3A : vector<16xi32>
      %gather3A_201 = tpu.vector_load_idx %arg13[%add3A_200, %broadcast_in_dim3A_178] : memref<64x128xf32, #tpu.memory_space<vmem>>[vector<16xi32>, vector<16xi32>], vector<16xf32>,
      %add3A_202 = arith.constant 32 : i32
      %add3A_203 = vector.broadcast %add3A_202 : i32 to vector<16xi32>
      %add3A_204 = arith.addi %add3A_203, %iota3A : vector<16xi32>
      tpu.vector_store_idx %arg10[%broadcast_in_dim3A_183, %add3A_204], %gather3A_201 : memref<64x64xf32, #tpu.memory_space<vmem>>[vector<16xi32>, vector<16xi32>], vector<16xf32>,
      %add3A_205 = arith.constant 48 : i32
      %add3A_206 = vector.broadcast %add3A_205 : i32 to vector<16xi32>
      %add3A_207 = arith.addi %add3A_206, %iota3A : vector<16xi32>
      %gather3A_208 = tpu.vector_load_idx %arg13[%add3A_207, %broadcast_in_dim3A_178] : memref<64x128xf32, #tpu.memory_space<vmem>>[vector<16xi32>, vector<16xi32>], vector<16xf32>,
      %add3A_209 = arith.constant 48 : i32
      %add3A_210 = vector.broadcast %add3A_209 : i32 to vector<16xi32>
      %add3A_211 = arith.addi %add3A_210, %iota3A : vector<16xi32>
      tpu.vector_store_idx %arg10[%broadcast_in_dim3A_183, %add3A_211], %gather3A_208 : memref<64x64xf32, #tpu.memory_space<vmem>>[vector<16xi32>, vector<16xi32>], vector<16xf32>,
      %slice3A_212 = vector.extract_strided_slice %get3A_27 {offsets = [9], sizes = [1], strides = [1]} : vector<16xi32> to vector<1xi32>
      %squeeze3A_213 = vector.extract %slice3A_212[0] : i32 from vector<1xi32>
      %shift_right_arithmetic3A_214 = arith.constant 7 : i32
      %shift_right_arithmetic3A_215 = arith.shrsi %squeeze3A_213, %shift_right_arithmetic3A_214 : i32
      %mul3A_216 = arith.constant 128 : i32
      %mul3A_217 = arith.muli %shift_right_arithmetic3A_215, %mul3A_216 : i32
      %multiple_of3A_218 = tpu.assume_multiple %mul3A_217, 128 : i32
      %dma_start3A_219 = arith.constant 0 : i32
      %dma_start3A_220 = tpu.memref_slice %arg4[%dma_start3A_219, %multiple_of3A_218] : memref<64x1000000xf32, #tpu.memory_space<hbm>> -> memref<64x128xf32, #tpu.memory_space<hbm>>
      %dma_start3A_221 = arith.constant 0 : i32
      %dma_start3A_222 = tpu.memref_slice %arg4[%dma_start3A_221, %multiple_of3A_218] : memref<64x1000000xf32, #tpu.memory_space<hbm>> -> memref<64x128xf32, #tpu.memory_space<hbm>>
      tpu.enqueue_dma source(%dma_start3A_222 : memref<64x128xf32, #tpu.memory_space<hbm>>) target(%arg13 : memref<64x128xf32, #tpu.memory_space<vmem>>) target_semaphore(%arg21 : memref<!tpu.dma_semaphore, #tpu.memory_space<semaphore_mem>>)
      %dma_wait3A_223 = arith.constant 0 : i32
      %dma_wait3A_224 = arith.constant 0 : i32
      %dma_wait3A_225 = tpu.memref_slice %arg4[%dma_wait3A_223, %dma_wait3A_224] : memref<64x1000000xf32, #tpu.memory_space<hbm>> -> memref<64x128xf32, #tpu.memory_space<hbm>>
      %dma_wait3A_226 = arith.constant 0 : i32
      %dma_wait3A_227 = arith.constant 0 : i32
      %dma_wait3A_228 = tpu.memref_slice %arg4[%dma_wait3A_226, %dma_wait3A_227] : memref<64x1000000xf32, #tpu.memory_space<hbm>> -> memref<64x128xf32, #tpu.memory_space<hbm>>
      tpu.wait_dma2 semaphore(%arg22 : memref<!tpu.dma_semaphore, #tpu.memory_space<semaphore_mem>>) src(%dma_wait3A_228 : memref<64x128xf32, #tpu.memory_space<hbm>>) dst(%arg14 : memref<64x128xf32, #tpu.memory_space<vmem>>)
      %slice3A_229 = vector.extract_strided_slice %get3A_27 {offsets = [2], sizes = [1], strides = [1]} : vector<16xi32> to vector<1xi32>
      %squeeze3A_230 = vector.extract %slice3A_229[0] : i32 from vector<1xi32>
      %and3A_231 = arith.constant 127 : i32
      %and3A_232 = arith.andi %squeeze3A_230, %and3A_231 : i32
      %broadcast_in_dim3A_233 = vector.broadcast %and3A_232 : i32 to vector<16xi32>
      %mul3A_234 = arith.constant 32 : i32
      %mul3A_235 = arith.muli %scan3A_23, %mul3A_234 : i32
      %add3A_236 = arith.constant 2 : i32
      %add3A_237 = arith.addi %mul3A_235, %add3A_236 : i32
      %broadcast_in_dim3A_238 = vector.broadcast %add3A_237 : i32 to vector<16xi32>
      %add3A_239 = arith.constant 0 : i32
      %add3A_240 = vector.broadcast %add3A_239 : i32 to vector<16xi32>
      %add3A_241 = arith.addi %add3A_240, %iota3A : vector<16xi32>
      %gather3A_242 = tpu.vector_load_idx %arg14[%add3A_241, %broadcast_in_dim3A_233] : memref<64x128xf32, #tpu.memory_space<vmem>>[vector<16xi32>, vector<16xi32>], vector<16xf32>,
      %add3A_243 = arith.constant 0 : i32
      %add3A_244 = vector.broadcast %add3A_243 : i32 to vector<16xi32>
      %add3A_245 = arith.addi %add3A_244, %iota3A : vector<16xi32>
      tpu.vector_store_idx %arg10[%broadcast_in_dim3A_238, %add3A_245], %gather3A_242 : memref<64x64xf32, #tpu.memory_space<vmem>>[vector<16xi32>, vector<16xi32>], vector<16xf32>,
      %add3A_246 = arith.constant 16 : i32
      %add3A_247 = vector.broadcast %add3A_246 : i32 to vector<16xi32>
      %add3A_248 = arith.addi %add3A_247, %iota3A : vector<16xi32>
      %gather3A_249 = tpu.vector_load_idx %arg14[%add3A_248, %broadcast_in_dim3A_233] : memref<64x128xf32, #tpu.memory_space<vmem>>[vector<16xi32>, vector<16xi32>], vector<16xf32>,
      %add3A_250 = arith.constant 16 : i32
      %add3A_251 = vector.broadcast %add3A_250 : i32 to vector<16xi32>
      %add3A_252 = arith.addi %add3A_251, %iota3A : vector<16xi32>
      tpu.vector_store_idx %arg10[%broadcast_in_dim3A_238, %add3A_252], %gather3A_249 : memref<64x64xf32, #tpu.memory_space<vmem>>[vector<16xi32>, vector<16xi32>], vector<16xf32>,
      %add3A_253 = arith.constant 32 : i32
      %add3A_254 = vector.broadcast %add3A_253 : i32 to vector<16xi32>
      %add3A_255 = arith.addi %add3A_254, %iota3A : vector<16xi32>
      %gather3A_256 = tpu.vector_load_idx %arg14[%add3A_255, %broadcast_in_dim3A_233] : memref<64x128xf32, #tpu.memory_space<vmem>>[vector<16xi32>, vector<16xi32>], vector<16xf32>,
      %add3A_257 = arith.constant 32 : i32
      %add3A_258 = vector.broadcast %add3A_257 : i32 to vector<16xi32>
      %add3A_259 = arith.addi %add3A_258, %iota3A : vector<16xi32>
      tpu.vector_store_idx %arg10[%broadcast_in_dim3A_238, %add3A_259], %gather3A_256 : memref<64x64xf32, #tpu.memory_space<vmem>>[vector<16xi32>, vector<16xi32>], vector<16xf32>,
      %add3A_260 = arith.constant 48 : i32
      %add3A_261 = vector.broadcast %add3A_260 : i32 to vector<16xi32>
      %add3A_262 = arith.addi %add3A_261, %iota3A : vector<16xi32>
      %gather3A_263 = tpu.vector_load_idx %arg14[%add3A_262, %broadcast_in_dim3A_233] : memref<64x128xf32, #tpu.memory_space<vmem>>[vector<16xi32>, vector<16xi32>], vector<16xf32>,
      %add3A_264 = arith.constant 48 : i32
      %add3A_265 = vector.broadcast %add3A_264 : i32 to vector<16xi32>
      %add3A_266 = arith.addi %add3A_265, %iota3A : vector<16xi32>
      tpu.vector_store_idx %arg10[%broadcast_in_dim3A_238, %add3A_266], %gather3A_263 : memref<64x64xf32, #tpu.memory_space<vmem>>[vector<16xi32>, vector<16xi32>], vector<16xf32>,
      %slice3A_267 = vector.extract_strided_slice %get3A_27 {offsets = [10], sizes = [1], strides = [1]} : vector<16xi32> to vector<1xi32>
      %squeeze3A_268 = vector.extract %slice3A_267[0] : i32 from vector<1xi32>
      %shift_right_arithmetic3A_269 = arith.constant 7 : i32
      %shift_right_arithmetic3A_270 = arith.shrsi %squeeze3A_268, %shift_right_arithmetic3A_269 : i32
      %mul3A_271 = arith.constant 128 : i32
      %mul3A_272 = arith.muli %shift_right_arithmetic3A_270, %mul3A_271 : i32
      %multiple_of3A_273 = tpu.assume_multiple %mul3A_272, 128 : i32
      %dma_start3A_274 = arith.constant 0 : i32
      %dma_start3A_275 = tpu.memref_slice %arg4[%dma_start3A_274, %multiple_of3A_273] : memref<64x1000000xf32, #tpu.memory_space<hbm>> -> memref<64x128xf32, #tpu.memory_space<hbm>>
      %dma_start3A_276 = arith.constant 0 : i32
      %dma_start3A_277 = tpu.memref_slice %arg4[%dma_start3A_276, %multiple_of3A_273] : memref<64x1000000xf32, #tpu.memory_space<hbm>> -> memref<64x128xf32, #tpu.memory_space<hbm>>
      tpu.enqueue_dma source(%dma_start3A_277 : memref<64x128xf32, #tpu.memory_space<hbm>>) target(%arg14 : memref<64x128xf32, #tpu.memory_space<vmem>>) target_semaphore(%arg22 : memref<!tpu.dma_semaphore, #tpu.memory_space<semaphore_mem>>)
      %dma_wait3A_278 = arith.constant 0 : i32
      %dma_wait3A_279 = arith.constant 0 : i32
      %dma_wait3A_280 = tpu.memref_slice %arg4[%dma_wait3A_278, %dma_wait3A_279] : memref<64x1000000xf32, #tpu.memory_space<hbm>> -> memref<64x128xf32, #tpu.memory_space<hbm>>
      %dma_wait3A_281 = arith.constant 0 : i32
      %dma_wait3A_282 = arith.constant 0 : i32
      %dma_wait3A_283 = tpu.memref_slice %arg4[%dma_wait3A_281, %dma_wait3A_282] : memref<64x1000000xf32, #tpu.memory_space<hbm>> -> memref<64x128xf32, #tpu.memory_space<hbm>>
      tpu.wait_dma2 semaphore(%arg23 : memref<!tpu.dma_semaphore, #tpu.memory_space<semaphore_mem>>) src(%dma_wait3A_283 : memref<64x128xf32, #tpu.memory_space<hbm>>) dst(%arg15 : memref<64x128xf32, #tpu.memory_space<vmem>>)
      %slice3A_284 = vector.extract_strided_slice %get3A_27 {offsets = [3], sizes = [1], strides = [1]} : vector<16xi32> to vector<1xi32>
      %squeeze3A_285 = vector.extract %slice3A_284[0] : i32 from vector<1xi32>
      %and3A_286 = arith.constant 127 : i32
      %and3A_287 = arith.andi %squeeze3A_285, %and3A_286 : i32
      %broadcast_in_dim3A_288 = vector.broadcast %and3A_287 : i32 to vector<16xi32>
      %mul3A_289 = arith.constant 32 : i32
      %mul3A_290 = arith.muli %scan3A_23, %mul3A_289 : i32
      %add3A_291 = arith.constant 3 : i32
      %add3A_292 = arith.addi %mul3A_290, %add3A_291 : i32
      %broadcast_in_dim3A_293 = vector.broadcast %add3A_292 : i32 to vector<16xi32>
      %add3A_294 = arith.constant 0 : i32
      %add3A_295 = vector.broadcast %add3A_294 : i32 to vector<16xi32>
      %add3A_296 = arith.addi %add3A_295, %iota3A : vector<16xi32>
      %gather3A_297 = tpu.vector_load_idx %arg15[%add3A_296, %broadcast_in_dim3A_288] : memref<64x128xf32, #tpu.memory_space<vmem>>[vector<16xi32>, vector<16xi32>], vector<16xf32>,
      %add3A_298 = arith.constant 0 : i32
      %add3A_299 = vector.broadcast %add3A_298 : i32 to vector<16xi32>
      %add3A_300 = arith.addi %add3A_299, %iota3A : vector<16xi32>
      tpu.vector_store_idx %arg10[%broadcast_in_dim3A_293, %add3A_300], %gather3A_297 : memref<64x64xf32, #tpu.memory_space<vmem>>[vector<16xi32>, vector<16xi32>], vector<16xf32>,
      %add3A_301 = arith.constant 16 : i32
      %add3A_302 = vector.broadcast %add3A_301 : i32 to vector<16xi32>
      %add3A_303 = arith.addi %add3A_302, %iota3A : vector<16xi32>
      %gather3A_304 = tpu.vector_load_idx %arg15[%add3A_303, %broadcast_in_dim3A_288] : memref<64x128xf32, #tpu.memory_space<vmem>>[vector<16xi32>, vector<16xi32>], vector<16xf32>,
      %add3A_305 = arith.constant 16 : i32
      %add3A_306 = vector.broadcast %add3A_305 : i32 to vector<16xi32>
      %add3A_307 = arith.addi %add3A_306, %iota3A : vector<16xi32>
      tpu.vector_store_idx %arg10[%broadcast_in_dim3A_293, %add3A_307], %gather3A_304 : memref<64x64xf32, #tpu.memory_space<vmem>>[vector<16xi32>, vector<16xi32>], vector<16xf32>,
      %add3A_308 = arith.constant 32 : i32
      %add3A_309 = vector.broadcast %add3A_308 : i32 to vector<16xi32>
      %add3A_310 = arith.addi %add3A_309, %iota3A : vector<16xi32>
      %gather3A_311 = tpu.vector_load_idx %arg15[%add3A_310, %broadcast_in_dim3A_288] : memref<64x128xf32, #tpu.memory_space<vmem>>[vector<16xi32>, vector<16xi32>], vector<16xf32>,
      %add3A_312 = arith.constant 32 : i32
      %add3A_313 = vector.broadcast %add3A_312 : i32 to vector<16xi32>
      %add3A_314 = arith.addi %add3A_313, %iota3A : vector<16xi32>
      tpu.vector_store_idx %arg10[%broadcast_in_dim3A_293, %add3A_314], %gather3A_311 : memref<64x64xf32, #tpu.memory_space<vmem>>[vector<16xi32>, vector<16xi32>], vector<16xf32>,
      %add3A_315 = arith.constant 48 : i32
      %add3A_316 = vector.broadcast %add3A_315 : i32 to vector<16xi32>
      %add3A_317 = arith.addi %add3A_316, %iota3A : vector<16xi32>
      %gather3A_318 = tpu.vector_load_idx %arg15[%add3A_317, %broadcast_in_dim3A_288] : memref<64x128xf32, #tpu.memory_space<vmem>>[vector<16xi32>, vector<16xi32>], vector<16xf32>,
      %add3A_319 = arith.constant 48 : i32
      %add3A_320 = vector.broadcast %add3A_319 : i32 to vector<16xi32>
      %add3A_321 = arith.addi %add3A_320, %iota3A : vector<16xi32>
      tpu.vector_store_idx %arg10[%broadcast_in_dim3A_293, %add3A_321], %gather3A_318 : memref<64x64xf32, #tpu.memory_space<vmem>>[vector<16xi32>, vector<16xi32>], vector<16xf32>,
      %slice3A_322 = vector.extract_strided_slice %get3A_27 {offsets = [11], sizes = [1], strides = [1]} : vector<16xi32> to vector<1xi32>
      %squeeze3A_323 = vector.extract %slice3A_322[0] : i32 from vector<1xi32>
      %shift_right_arithmetic3A_324 = arith.constant 7 : i32
      %shift_right_arithmetic3A_325 = arith.shrsi %squeeze3A_323, %shift_right_arithmetic3A_324 : i32
      %mul3A_326 = arith.constant 128 : i32
      %mul3A_327 = arith.muli %shift_right_arithmetic3A_325, %mul3A_326 : i32
      %multiple_of3A_328 = tpu.assume_multiple %mul3A_327, 128 : i32
      %dma_start3A_329 = arith.constant 0 : i32
      %dma_start3A_330 = tpu.memref_slice %arg4[%dma_start3A_329, %multiple_of3A_328] : memref<64x1000000xf32, #tpu.memory_space<hbm>> -> memref<64x128xf32, #tpu.memory_space<hbm>>
      %dma_start3A_331 = arith.constant 0 : i32
      %dma_start3A_332 = tpu.memref_slice %arg4[%dma_start3A_331, %multiple_of3A_328] : memref<64x1000000xf32, #tpu.memory_space<hbm>> -> memref<64x128xf32, #tpu.memory_space<hbm>>
      tpu.enqueue_dma source(%dma_start3A_332 : memref<64x128xf32, #tpu.memory_space<hbm>>) target(%arg15 : memref<64x128xf32, #tpu.memory_space<vmem>>) target_semaphore(%arg23 : memref<!tpu.dma_semaphore, #tpu.memory_space<semaphore_mem>>)
      %dma_wait3A_333 = arith.constant 0 : i32
      %dma_wait3A_334 = arith.constant 0 : i32
      %dma_wait3A_335 = tpu.memref_slice %arg4[%dma_wait3A_333, %dma_wait3A_334] : memref<64x1000000xf32, #tpu.memory_space<hbm>> -> memref<64x128xf32, #tpu.memory_space<hbm>>
      %dma_wait3A_336 = arith.constant 0 : i32
      %dma_wait3A_337 = arith.constant 0 : i32
      %dma_wait3A_338 = tpu.memref_slice %arg4[%dma_wait3A_336, %dma_wait3A_337] : memref<64x1000000xf32, #tpu.memory_space<hbm>> -> memref<64x128xf32, #tpu.memory_space<hbm>>
      tpu.wait_dma2 semaphore(%arg24 : memref<!tpu.dma_semaphore, #tpu.memory_space<semaphore_mem>>) src(%dma_wait3A_338 : memref<64x128xf32, #tpu.memory_space<hbm>>) dst(%arg16 : memref<64x128xf32, #tpu.memory_space<vmem>>)
      %slice3A_339 = vector.extract_strided_slice %get3A_27 {offsets = [4], sizes = [1], strides = [1]} : vector<16xi32> to vector<1xi32>
      %squeeze3A_340 = vector.extract %slice3A_339[0] : i32 from vector<1xi32>
      %and3A_341 = arith.constant 127 : i32
      %and3A_342 = arith.andi %squeeze3A_340, %and3A_341 : i32
      %broadcast_in_dim3A_343 = vector.broadcast %and3A_342 : i32 to vector<16xi32>
      %mul3A_344 = arith.constant 32 : i32
      %mul3A_345 = arith.muli %scan3A_23, %mul3A_344 : i32
      %add3A_346 = arith.constant 4 : i32
      %add3A_347 = arith.addi %mul3A_345, %add3A_346 : i32
      %broadcast_in_dim3A_348 = vector.broadcast %add3A_347 : i32 to vector<16xi32>
      %add3A_349 = arith.constant 0 : i32
      %add3A_350 = vector.broadcast %add3A_349 : i32 to vector<16xi32>
      %add3A_351 = arith.addi %add3A_350, %iota3A : vector<16xi32>
      %gather3A_352 = tpu.vector_load_idx %arg16[%add3A_351, %broadcast_in_dim3A_343] : memref<64x128xf32, #tpu.memory_space<vmem>>[vector<16xi32>, vector<16xi32>], vector<16xf32>,
      %add3A_353 = arith.constant 0 : i32
      %add3A_354 = vector.broadcast %add3A_353 : i32 to vector<16xi32>
      %add3A_355 = arith.addi %add3A_354, %iota3A : vector<16xi32>
      tpu.vector_store_idx %arg10[%broadcast_in_dim3A_348, %add3A_355], %gather3A_352 : memref<64x64xf32, #tpu.memory_space<vmem>>[vector<16xi32>, vector<16xi32>], vector<16xf32>,
      %add3A_356 = arith.constant 16 : i32
      %add3A_357 = vector.broadcast %add3A_356 : i32 to vector<16xi32>
      %add3A_358 = arith.addi %add3A_357, %iota3A : vector<16xi32>
      %gather3A_359 = tpu.vector_load_idx %arg16[%add3A_358, %broadcast_in_dim3A_343] : memref<64x128xf32, #tpu.memory_space<vmem>>[vector<16xi32>, vector<16xi32>], vector<16xf32>,
      %add3A_360 = arith.constant 16 : i32
      %add3A_361 = vector.broadcast %add3A_360 : i32 to vector<16xi32>
      %add3A_362 = arith.addi %add3A_361, %iota3A : vector<16xi32>
      tpu.vector_store_idx %arg10[%broadcast_in_dim3A_348, %add3A_362], %gather3A_359 : memref<64x64xf32, #tpu.memory_space<vmem>>[vector<16xi32>, vector<16xi32>], vector<16xf32>,
      %add3A_363 = arith.constant 32 : i32
      %add3A_364 = vector.broadcast %add3A_363 : i32 to vector<16xi32>
      %add3A_365 = arith.addi %add3A_364, %iota3A : vector<16xi32>
      %gather3A_366 = tpu.vector_load_idx %arg16[%add3A_365, %broadcast_in_dim3A_343] : memref<64x128xf32, #tpu.memory_space<vmem>>[vector<16xi32>, vector<16xi32>], vector<16xf32>,
      %add3A_367 = arith.constant 32 : i32
      %add3A_368 = vector.broadcast %add3A_367 : i32 to vector<16xi32>
      %add3A_369 = arith.addi %add3A_368, %iota3A : vector<16xi32>
      tpu.vector_store_idx %arg10[%broadcast_in_dim3A_348, %add3A_369], %gather3A_366 : memref<64x64xf32, #tpu.memory_space<vmem>>[vector<16xi32>, vector<16xi32>], vector<16xf32>,
      %add3A_370 = arith.constant 48 : i32
      %add3A_371 = vector.broadcast %add3A_370 : i32 to vector<16xi32>
      %add3A_372 = arith.addi %add3A_371, %iota3A : vector<16xi32>
      %gather3A_373 = tpu.vector_load_idx %arg16[%add3A_372, %broadcast_in_dim3A_343] : memref<64x128xf32, #tpu.memory_space<vmem>>[vector<16xi32>, vector<16xi32>], vector<16xf32>,
      %add3A_374 = arith.constant 48 : i32
      %add3A_375 = vector.broadcast %add3A_374 : i32 to vector<16xi32>
      %add3A_376 = arith.addi %add3A_375, %iota3A : vector<16xi32>
      tpu.vector_store_idx %arg10[%broadcast_in_dim3A_348, %add3A_376], %gather3A_373 : memref<64x64xf32, #tpu.memory_space<vmem>>[vector<16xi32>, vector<16xi32>], vector<16xf32>,
      %slice3A_377 = vector.extract_strided_slice %get3A_27 {offsets = [12], sizes = [1], strides = [1]} : vector<16xi32> to vector<1xi32>
      %squeeze3A_378 = vector.extract %slice3A_377[0] : i32 from vector<1xi32>
      %shift_right_arithmetic3A_379 = arith.constant 7 : i32
      %shift_right_arithmetic3A_380 = arith.shrsi %squeeze3A_378, %shift_right_arithmetic3A_379 : i32
      %mul3A_381 = arith.constant 128 : i32
      %mul3A_382 = arith.muli %shift_right_arithmetic3A_380, %mul3A_381 : i32
      %multiple_of3A_383 = tpu.assume_multiple %mul3A_382, 128 : i32
      %dma_start3A_384 = arith.constant 0 : i32
      %dma_start3A_385 = tpu.memref_slice %arg4[%dma_start3A_384, %multiple_of3A_383] : memref<64x1000000xf32, #tpu.memory_space<hbm>> -> memref<64x128xf32, #tpu.memory_space<hbm>>
      %dma_start3A_386 = arith.constant 0 : i32
      %dma_start3A_387 = tpu.memref_slice %arg4[%dma_start3A_386, %multiple_of3A_383] : memref<64x1000000xf32, #tpu.memory_space<hbm>> -> memref<64x128xf32, #tpu.memory_space<hbm>>
      tpu.enqueue_dma source(%dma_start3A_387 : memref<64x128xf32, #tpu.memory_space<hbm>>) target(%arg16 : memref<64x128xf32, #tpu.memory_space<vmem>>) target_semaphore(%arg24 : memref<!tpu.dma_semaphore, #tpu.memory_space<semaphore_mem>>)
      %dma_wait3A_388 = arith.constant 0 : i32
      %dma_wait3A_389 = arith.constant 0 : i32
      %dma_wait3A_390 = tpu.memref_slice %arg4[%dma_wait3A_388, %dma_wait3A_389] : memref<64x1000000xf32, #tpu.memory_space<hbm>> -> memref<64x128xf32, #tpu.memory_space<hbm>>
      %dma_wait3A_391 = arith.constant 0 : i32
      %dma_wait3A_392 = arith.constant 0 : i32
      %dma_wait3A_393 = tpu.memref_slice %arg4[%dma_wait3A_391, %dma_wait3A_392] : memref<64x1000000xf32, #tpu.memory_space<hbm>> -> memref<64x128xf32, #tpu.memory_space<hbm>>
      tpu.wait_dma2 semaphore(%arg25 : memref<!tpu.dma_semaphore, #tpu.memory_space<semaphore_mem>>) src(%dma_wait3A_393 : memref<64x128xf32, #tpu.memory_space<hbm>>) dst(%arg17 : memref<64x128xf32, #tpu.memory_space<vmem>>)
      %slice3A_394 = vector.extract_strided_slice %get3A_27 {offsets = [5], sizes = [1], strides = [1]} : vector<16xi32> to vector<1xi32>
      %squeeze3A_395 = vector.extract %slice3A_394[0] : i32 from vector<1xi32>
      %and3A_396 = arith.constant 127 : i32
      %and3A_397 = arith.andi %squeeze3A_395, %and3A_396 : i32
      %broadcast_in_dim3A_398 = vector.broadcast %and3A_397 : i32 to vector<16xi32>
      %mul3A_399 = arith.constant 32 : i32
      %mul3A_400 = arith.muli %scan3A_23, %mul3A_399 : i32
      %add3A_401 = arith.constant 5 : i32
      %add3A_402 = arith.addi %mul3A_400, %add3A_401 : i32
      %broadcast_in_dim3A_403 = vector.broadcast %add3A_402 : i32 to vector<16xi32>
      %add3A_404 = arith.constant 0 : i32
      %add3A_405 = vector.broadcast %add3A_404 : i32 to vector<16xi32>
      %add3A_406 = arith.addi %add3A_405, %iota3A : vector<16xi32>
      %gather3A_407 = tpu.vector_load_idx %arg17[%add3A_406, %broadcast_in_dim3A_398] : memref<64x128xf32, #tpu.memory_space<vmem>>[vector<16xi32>, vector<16xi32>], vector<16xf32>,
      %add3A_408 = arith.constant 0 : i32
      %add3A_409 = vector.broadcast %add3A_408 : i32 to vector<16xi32>
      %add3A_410 = arith.addi %add3A_409, %iota3A : vector<16xi32>
      tpu.vector_store_idx %arg10[%broadcast_in_dim3A_403, %add3A_410], %gather3A_407 : memref<64x64xf32, #tpu.memory_space<vmem>>[vector<16xi32>, vector<16xi32>], vector<16xf32>,
      %add3A_411 = arith.constant 16 : i32
      %add3A_412 = vector.broadcast %add3A_411 : i32 to vector<16xi32>
      %add3A_413 = arith.addi %add3A_412, %iota3A : vector<16xi32>
      %gather3A_414 = tpu.vector_load_idx %arg17[%add3A_413, %broadcast_in_dim3A_398] : memref<64x128xf32, #tpu.memory_space<vmem>>[vector<16xi32>, vector<16xi32>], vector<16xf32>,
      %add3A_415 = arith.constant 16 : i32
      %add3A_416 = vector.broadcast %add3A_415 : i32 to vector<16xi32>
      %add3A_417 = arith.addi %add3A_416, %iota3A : vector<16xi32>
      tpu.vector_store_idx %arg10[%broadcast_in_dim3A_403, %add3A_417], %gather3A_414 : memref<64x64xf32, #tpu.memory_space<vmem>>[vector<16xi32>, vector<16xi32>], vector<16xf32>,
      %add3A_418 = arith.constant 32 : i32
      %add3A_419 = vector.broadcast %add3A_418 : i32 to vector<16xi32>
      %add3A_420 = arith.addi %add3A_419, %iota3A : vector<16xi32>
      %gather3A_421 = tpu.vector_load_idx %arg17[%add3A_420, %broadcast_in_dim3A_398] : memref<64x128xf32, #tpu.memory_space<vmem>>[vector<16xi32>, vector<16xi32>], vector<16xf32>,
      %add3A_422 = arith.constant 32 : i32
      %add3A_423 = vector.broadcast %add3A_422 : i32 to vector<16xi32>
      %add3A_424 = arith.addi %add3A_423, %iota3A : vector<16xi32>
      tpu.vector_store_idx %arg10[%broadcast_in_dim3A_403, %add3A_424], %gather3A_421 : memref<64x64xf32, #tpu.memory_space<vmem>>[vector<16xi32>, vector<16xi32>], vector<16xf32>,
      %add3A_425 = arith.constant 48 : i32
      %add3A_426 = vector.broadcast %add3A_425 : i32 to vector<16xi32>
      %add3A_427 = arith.addi %add3A_426, %iota3A : vector<16xi32>
      %gather3A_428 = tpu.vector_load_idx %arg17[%add3A_427, %broadcast_in_dim3A_398] : memref<64x128xf32, #tpu.memory_space<vmem>>[vector<16xi32>, vector<16xi32>], vector<16xf32>,
      %add3A_429 = arith.constant 48 : i32
      %add3A_430 = vector.broadcast %add3A_429 : i32 to vector<16xi32>
      %add3A_431 = arith.addi %add3A_430, %iota3A : vector<16xi32>
      tpu.vector_store_idx %arg10[%broadcast_in_dim3A_403, %add3A_431], %gather3A_428 : memref<64x64xf32, #tpu.memory_space<vmem>>[vector<16xi32>, vector<16xi32>], vector<16xf32>,
      %slice3A_432 = vector.extract_strided_slice %get3A_27 {offsets = [13], sizes = [1], strides = [1]} : vector<16xi32> to vector<1xi32>
      %squeeze3A_433 = vector.extract %slice3A_432[0] : i32 from vector<1xi32>
      %shift_right_arithmetic3A_434 = arith.constant 7 : i32
      %shift_right_arithmetic3A_435 = arith.shrsi %squeeze3A_433, %shift_right_arithmetic3A_434 : i32
      %mul3A_436 = arith.constant 128 : i32
      %mul3A_437 = arith.muli %shift_right_arithmetic3A_435, %mul3A_436 : i32
      %multiple_of3A_438 = tpu.assume_multiple %mul3A_437, 128 : i32
      %dma_start3A_439 = arith.constant 0 : i32
      %dma_start3A_440 = tpu.memref_slice %arg4[%dma_start3A_439, %multiple_of3A_438] : memref<64x1000000xf32, #tpu.memory_space<hbm>> -> memref<64x128xf32, #tpu.memory_space<hbm>>
      %dma_start3A_441 = arith.constant 0 : i32
      %dma_start3A_442 = tpu.memref_slice %arg4[%dma_start3A_441, %multiple_of3A_438] : memref<64x1000000xf32, #tpu.memory_space<hbm>> -> memref<64x128xf32, #tpu.memory_space<hbm>>
      tpu.enqueue_dma source(%dma_start3A_442 : memref<64x128xf32, #tpu.memory_space<hbm>>) target(%arg17 : memref<64x128xf32, #tpu.memory_space<vmem>>) target_semaphore(%arg25 : memref<!tpu.dma_semaphore, #tpu.memory_space<semaphore_mem>>)
      %dma_wait3A_443 = arith.constant 0 : i32
      %dma_wait3A_444 = arith.constant 0 : i32
      %dma_wait3A_445 = tpu.memref_slice %arg4[%dma_wait3A_443, %dma_wait3A_444] : memref<64x1000000xf32, #tpu.memory_space<hbm>> -> memref<64x128xf32, #tpu.memory_space<hbm>>
      %dma_wait3A_446 = arith.constant 0 : i32
      %dma_wait3A_447 = arith.constant 0 : i32
      %dma_wait3A_448 = tpu.memref_slice %arg4[%dma_wait3A_446, %dma_wait3A_447] : memref<64x1000000xf32, #tpu.memory_space<hbm>> -> memref<64x128xf32, #tpu.memory_space<hbm>>
      tpu.wait_dma2 semaphore(%arg26 : memref<!tpu.dma_semaphore, #tpu.memory_space<semaphore_mem>>) src(%dma_wait3A_448 : memref<64x128xf32, #tpu.memory_space<hbm>>) dst(%arg18 : memref<64x128xf32, #tpu.memory_space<vmem>>)
      %slice3A_449 = vector.extract_strided_slice %get3A_27 {offsets = [6], sizes = [1], strides = [1]} : vector<16xi32> to vector<1xi32>
      %squeeze3A_450 = vector.extract %slice3A_449[0] : i32 from vector<1xi32>
      %and3A_451 = arith.constant 127 : i32
      %and3A_452 = arith.andi %squeeze3A_450, %and3A_451 : i32
      %broadcast_in_dim3A_453 = vector.broadcast %and3A_452 : i32 to vector<16xi32>
      %mul3A_454 = arith.constant 32 : i32
      %mul3A_455 = arith.muli %scan3A_23, %mul3A_454 : i32
      %add3A_456 = arith.constant 6 : i32
      %add3A_457 = arith.addi %mul3A_455, %add3A_456 : i32
      %broadcast_in_dim3A_458 = vector.broadcast %add3A_457 : i32 to vector<16xi32>
      %add3A_459 = arith.constant 0 : i32
      %add3A_460 = vector.broadcast %add3A_459 : i32 to vector<16xi32>
      %add3A_461 = arith.addi %add3A_460, %iota3A : vector<16xi32>
      %gather3A_462 = tpu.vector_load_idx %arg18[%add3A_461, %broadcast_in_dim3A_453] : memref<64x128xf32, #tpu.memory_space<vmem>>[vector<16xi32>, vector<16xi32>], vector<16xf32>,
      %add3A_463 = arith.constant 0 : i32
      %add3A_464 = vector.broadcast %add3A_463 : i32 to vector<16xi32>
      %add3A_465 = arith.addi %add3A_464, %iota3A : vector<16xi32>
      tpu.vector_store_idx %arg10[%broadcast_in_dim3A_458, %add3A_465], %gather3A_462 : memref<64x64xf32, #tpu.memory_space<vmem>>[vector<16xi32>, vector<16xi32>], vector<16xf32>,
      %add3A_466 = arith.constant 16 : i32
      %add3A_467 = vector.broadcast %add3A_466 : i32 to vector<16xi32>
      %add3A_468 = arith.addi %add3A_467, %iota3A : vector<16xi32>
      %gather3A_469 = tpu.vector_load_idx %arg18[%add3A_468, %broadcast_in_dim3A_453] : memref<64x128xf32, #tpu.memory_space<vmem>>[vector<16xi32>, vector<16xi32>], vector<16xf32>,
      %add3A_470 = arith.constant 16 : i32
      %add3A_471 = vector.broadcast %add3A_470 : i32 to vector<16xi32>
      %add3A_472 = arith.addi %add3A_471, %iota3A : vector<16xi32>
      tpu.vector_store_idx %arg10[%broadcast_in_dim3A_458, %add3A_472], %gather3A_469 : memref<64x64xf32, #tpu.memory_space<vmem>>[vector<16xi32>, vector<16xi32>], vector<16xf32>,
      %add3A_473 = arith.constant 32 : i32
      %add3A_474 = vector.broadcast %add3A_473 : i32 to vector<16xi32>
      %add3A_475 = arith.addi %add3A_474, %iota3A : vector<16xi32>
      %gather3A_476 = tpu.vector_load_idx %arg18[%add3A_475, %broadcast_in_dim3A_453] : memref<64x128xf32, #tpu.memory_space<vmem>>[vector<16xi32>, vector<16xi32>], vector<16xf32>,
      %add3A_477 = arith.constant 32 : i32
      %add3A_478 = vector.broadcast %add3A_477 : i32 to vector<16xi32>
      %add3A_479 = arith.addi %add3A_478, %iota3A : vector<16xi32>
      tpu.vector_store_idx %arg10[%broadcast_in_dim3A_458, %add3A_479], %gather3A_476 : memref<64x64xf32, #tpu.memory_space<vmem>>[vector<16xi32>, vector<16xi32>], vector<16xf32>,
      %add3A_480 = arith.constant 48 : i32
      %add3A_481 = vector.broadcast %add3A_480 : i32 to vector<16xi32>
      %add3A_482 = arith.addi %add3A_481, %iota3A : vector<16xi32>
      %gather3A_483 = tpu.vector_load_idx %arg18[%add3A_482, %broadcast_in_dim3A_453] : memref<64x128xf32, #tpu.memory_space<vmem>>[vector<16xi32>, vector<16xi32>], vector<16xf32>,
      %add3A_484 = arith.constant 48 : i32
      %add3A_485 = vector.broadcast %add3A_484 : i32 to vector<16xi32>
      %add3A_486 = arith.addi %add3A_485, %iota3A : vector<16xi32>
      tpu.vector_store_idx %arg10[%broadcast_in_dim3A_458, %add3A_486], %gather3A_483 : memref<64x64xf32, #tpu.memory_space<vmem>>[vector<16xi32>, vector<16xi32>], vector<16xf32>,
      %slice3A_487 = vector.extract_strided_slice %get3A_27 {offsets = [14], sizes = [1], strides = [1]} : vector<16xi32> to vector<1xi32>
      %squeeze3A_488 = vector.extract %slice3A_487[0] : i32 from vector<1xi32>
      %shift_right_arithmetic3A_489 = arith.constant 7 : i32
      %shift_right_arithmetic3A_490 = arith.shrsi %squeeze3A_488, %shift_right_arithmetic3A_489 : i32
      %mul3A_491 = arith.constant 128 : i32
      %mul3A_492 = arith.muli %shift_right_arithmetic3A_490, %mul3A_491 : i32
      %multiple_of3A_493 = tpu.assume_multiple %mul3A_492, 128 : i32
      %dma_start3A_494 = arith.constant 0 : i32
      %dma_start3A_495 = tpu.memref_slice %arg4[%dma_start3A_494, %multiple_of3A_493] : memref<64x1000000xf32, #tpu.memory_space<hbm>> -> memref<64x128xf32, #tpu.memory_space<hbm>>
      %dma_start3A_496 = arith.constant 0 : i32
      %dma_start3A_497 = tpu.memref_slice %arg4[%dma_start3A_496, %multiple_of3A_493] : memref<64x1000000xf32, #tpu.memory_space<hbm>> -> memref<64x128xf32, #tpu.memory_space<hbm>>
      tpu.enqueue_dma source(%dma_start3A_497 : memref<64x128xf32, #tpu.memory_space<hbm>>) target(%arg18 : memref<64x128xf32, #tpu.memory_space<vmem>>) target_semaphore(%arg26 : memref<!tpu.dma_semaphore, #tpu.memory_space<semaphore_mem>>)
      %dma_wait3A_498 = arith.constant 0 : i32
      %dma_wait3A_499 = arith.constant 0 : i32
      %dma_wait3A_500 = tpu.memref_slice %arg4[%dma_wait3A_498, %dma_wait3A_499] : memref<64x1000000xf32, #tpu.memory_space<hbm>> -> memref<64x128xf32, #tpu.memory_space<hbm>>
      %dma_wait3A_501 = arith.constant 0 : i32
      %dma_wait3A_502 = arith.constant 0 : i32
      %dma_wait3A_503 = tpu.memref_slice %arg4[%dma_wait3A_501, %dma_wait3A_502] : memref<64x1000000xf32, #tpu.memory_space<hbm>> -> memref<64x128xf32, #tpu.memory_space<hbm>>
      tpu.wait_dma2 semaphore(%arg27 : memref<!tpu.dma_semaphore, #tpu.memory_space<semaphore_mem>>) src(%dma_wait3A_503 : memref<64x128xf32, #tpu.memory_space<hbm>>) dst(%arg19 : memref<64x128xf32, #tpu.memory_space<vmem>>)
      %slice3A_504 = vector.extract_strided_slice %get3A_27 {offsets = [7], sizes = [1], strides = [1]} : vector<16xi32> to vector<1xi32>
      %squeeze3A_505 = vector.extract %slice3A_504[0] : i32 from vector<1xi32>
      %and3A_506 = arith.constant 127 : i32
      %and3A_507 = arith.andi %squeeze3A_505, %and3A_506 : i32
      %broadcast_in_dim3A_508 = vector.broadcast %and3A_507 : i32 to vector<16xi32>
      %mul3A_509 = arith.constant 32 : i32
      %mul3A_510 = arith.muli %scan3A_23, %mul3A_509 : i32
      %add3A_511 = arith.constant 7 : i32
      %add3A_512 = arith.addi %mul3A_510, %add3A_511 : i32
      %broadcast_in_dim3A_513 = vector.broadcast %add3A_512 : i32 to vector<16xi32>
      %add3A_514 = arith.constant 0 : i32
      %add3A_515 = vector.broadcast %add3A_514 : i32 to vector<16xi32>
      %add3A_516 = arith.addi %add3A_515, %iota3A : vector<16xi32>
      %gather3A_517 = tpu.vector_load_idx %arg19[%add3A_516, %broadcast_in_dim3A_508] : memref<64x128xf32, #tpu.memory_space<vmem>>[vector<16xi32>, vector<16xi32>], vector<16xf32>,
      %add3A_518 = arith.constant 0 : i32
      %add3A_519 = vector.broadcast %add3A_518 : i32 to vector<16xi32>
      %add3A_520 = arith.addi %add3A_519, %iota3A : vector<16xi32>
      tpu.vector_store_idx %arg10[%broadcast_in_dim3A_513, %add3A_520], %gather3A_517 : memref<64x64xf32, #tpu.memory_space<vmem>>[vector<16xi32>, vector<16xi32>], vector<16xf32>,
      %add3A_521 = arith.constant 16 : i32
      %add3A_522 = vector.broadcast %add3A_521 : i32 to vector<16xi32>
      %add3A_523 = arith.addi %add3A_522, %iota3A : vector<16xi32>
      %gather3A_524 = tpu.vector_load_idx %arg19[%add3A_523, %broadcast_in_dim3A_508] : memref<64x128xf32, #tpu.memory_space<vmem>>[vector<16xi32>, vector<16xi32>], vector<16xf32>,
      %add3A_525 = arith.constant 16 : i32
      %add3A_526 = vector.broadcast %add3A_525 : i32 to vector<16xi32>
      %add3A_527 = arith.addi %add3A_526, %iota3A : vector<16xi32>
      tpu.vector_store_idx %arg10[%broadcast_in_dim3A_513, %add3A_527], %gather3A_524 : memref<64x64xf32, #tpu.memory_space<vmem>>[vector<16xi32>, vector<16xi32>], vector<16xf32>,
      %add3A_528 = arith.constant 32 : i32
      %add3A_529 = vector.broadcast %add3A_528 : i32 to vector<16xi32>
      %add3A_530 = arith.addi %add3A_529, %iota3A : vector<16xi32>
      %gather3A_531 = tpu.vector_load_idx %arg19[%add3A_530, %broadcast_in_dim3A_508] : memref<64x128xf32, #tpu.memory_space<vmem>>[vector<16xi32>, vector<16xi32>], vector<16xf32>,
      %add3A_532 = arith.constant 32 : i32
      %add3A_533 = vector.broadcast %add3A_532 : i32 to vector<16xi32>
      %add3A_534 = arith.addi %add3A_533, %iota3A : vector<16xi32>
      tpu.vector_store_idx %arg10[%broadcast_in_dim3A_513, %add3A_534], %gather3A_531 : memref<64x64xf32, #tpu.memory_space<vmem>>[vector<16xi32>, vector<16xi32>], vector<16xf32>,
      %add3A_535 = arith.constant 48 : i32
      %add3A_536 = vector.broadcast %add3A_535 : i32 to vector<16xi32>
      %add3A_537 = arith.addi %add3A_536, %iota3A : vector<16xi32>
      %gather3A_538 = tpu.vector_load_idx %arg19[%add3A_537, %broadcast_in_dim3A_508] : memref<64x128xf32, #tpu.memory_space<vmem>>[vector<16xi32>, vector<16xi32>], vector<16xf32>,
      %add3A_539 = arith.constant 48 : i32
      %add3A_540 = vector.broadcast %add3A_539 : i32 to vector<16xi32>
      %add3A_541 = arith.addi %add3A_540, %iota3A : vector<16xi32>
      tpu.vector_store_idx %arg10[%broadcast_in_dim3A_513, %add3A_541], %gather3A_538 : memref<64x64xf32, #tpu.memory_space<vmem>>[vector<16xi32>, vector<16xi32>], vector<16xf32>,
      %slice3A_542 = vector.extract_strided_slice %get3A_27 {offsets = [15], sizes = [1], strides = [1]} : vector<16xi32> to vector<1xi32>
      %squeeze3A_543 = vector.extract %slice3A_542[0] : i32 from vector<1xi32>
      %shift_right_arithmetic3A_544 = arith.constant 7 : i32
      %shift_right_arithmetic3A_545 = arith.shrsi %squeeze3A_543, %shift_right_arithmetic3A_544 : i32
      %mul3A_546 = arith.constant 128 : i32
      %mul3A_547 = arith.muli %shift_right_arithmetic3A_545, %mul3A_546 : i32
      %multiple_of3A_548 = tpu.assume_multiple %mul3A_547, 128 : i32
      %dma_start3A_549 = arith.constant 0 : i32
      %dma_start3A_550 = tpu.memref_slice %arg4[%dma_start3A_549, %multiple_of3A_548] : memref<64x1000000xf32, #tpu.memory_space<hbm>> -> memref<64x128xf32, #tpu.memory_space<hbm>>
      %dma_start3A_551 = arith.constant 0 : i32
      %dma_start3A_552 = tpu.memref_slice %arg4[%dma_start3A_551, %multiple_of3A_548] : memref<64x1000000xf32, #tpu.memory_space<hbm>> -> memref<64x128xf32, #tpu.memory_space<hbm>>
      tpu.enqueue_dma source(%dma_start3A_552 : memref<64x128xf32, #tpu.memory_space<hbm>>) target(%arg19 : memref<64x128xf32, #tpu.memory_space<vmem>>) target_semaphore(%arg27 : memref<!tpu.dma_semaphore, #tpu.memory_space<semaphore_mem>>)
      %dma_wait3A_553 = arith.constant 0 : i32
      %dma_wait3A_554 = arith.constant 0 : i32
      %dma_wait3A_555 = tpu.memref_slice %arg4[%dma_wait3A_553, %dma_wait3A_554] : memref<64x1000000xf32, #tpu.memory_space<hbm>> -> memref<64x128xf32, #tpu.memory_space<hbm>>
      %dma_wait3A_556 = arith.constant 0 : i32
      %dma_wait3A_557 = arith.constant 0 : i32
      %dma_wait3A_558 = tpu.memref_slice %arg4[%dma_wait3A_556, %dma_wait3A_557] : memref<64x1000000xf32, #tpu.memory_space<hbm>> -> memref<64x128xf32, #tpu.memory_space<hbm>>
      tpu.wait_dma2 semaphore(%arg20 : memref<!tpu.dma_semaphore, #tpu.memory_space<semaphore_mem>>) src(%dma_wait3A_558 : memref<64x128xf32, #tpu.memory_space<hbm>>) dst(%arg12 : memref<64x128xf32, #tpu.memory_space<vmem>>)
      %slice3A_559 = vector.extract_strided_slice %get3A_27 {offsets = [8], sizes = [1], strides = [1]} : vector<16xi32> to vector<1xi32>
      %squeeze3A_560 = vector.extract %slice3A_559[0] : i32 from vector<1xi32>
      %and3A_561 = arith.constant 127 : i32
      %and3A_562 = arith.andi %squeeze3A_560, %and3A_561 : i32
      %broadcast_in_dim3A_563 = vector.broadcast %and3A_562 : i32 to vector<16xi32>
      %mul3A_564 = arith.constant 32 : i32
      %mul3A_565 = arith.muli %scan3A_23, %mul3A_564 : i32
      %add3A_566 = arith.constant 8 : i32
      %add3A_567 = arith.addi %mul3A_565, %add3A_566 : i32
      %broadcast_in_dim3A_568 = vector.broadcast %add3A_567 : i32 to vector<16xi32>
      %add3A_569 = arith.constant 0 : i32
      %add3A_570 = vector.broadcast %add3A_569 : i32 to vector<16xi32>
      %add3A_571 = arith.addi %add3A_570, %iota3A : vector<16xi32>
      %gather3A_572 = tpu.vector_load_idx %arg12[%add3A_571, %broadcast_in_dim3A_563] : memref<64x128xf32, #tpu.memory_space<vmem>>[vector<16xi32>, vector<16xi32>], vector<16xf32>,
      %add3A_573 = arith.constant 0 : i32
      %add3A_574 = vector.broadcast %add3A_573 : i32 to vector<16xi32>
      %add3A_575 = arith.addi %add3A_574, %iota3A : vector<16xi32>
      tpu.vector_store_idx %arg10[%broadcast_in_dim3A_568, %add3A_575], %gather3A_572 : memref<64x64xf32, #tpu.memory_space<vmem>>[vector<16xi32>, vector<16xi32>], vector<16xf32>,
      %add3A_576 = arith.constant 16 : i32
      %add3A_577 = vector.broadcast %add3A_576 : i32 to vector<16xi32>
      %add3A_578 = arith.addi %add3A_577, %iota3A : vector<16xi32>
      %gather3A_579 = tpu.vector_load_idx %arg12[%add3A_578, %broadcast_in_dim3A_563] : memref<64x128xf32, #tpu.memory_space<vmem>>[vector<16xi32>, vector<16xi32>], vector<16xf32>,
      %add3A_580 = arith.constant 16 : i32
      %add3A_581 = vector.broadcast %add3A_580 : i32 to vector<16xi32>
      %add3A_582 = arith.addi %add3A_581, %iota3A : vector<16xi32>
      tpu.vector_store_idx %arg10[%broadcast_in_dim3A_568, %add3A_582], %gather3A_579 : memref<64x64xf32, #tpu.memory_space<vmem>>[vector<16xi32>, vector<16xi32>], vector<16xf32>,
      %add3A_583 = arith.constant 32 : i32
      %add3A_584 = vector.broadcast %add3A_583 : i32 to vector<16xi32>
      %add3A_585 = arith.addi %add3A_584, %iota3A : vector<16xi32>
      %gather3A_586 = tpu.vector_load_idx %arg12[%add3A_585, %broadcast_in_dim3A_563] : memref<64x128xf32, #tpu.memory_space<vmem>>[vector<16xi32>, vector<16xi32>], vector<16xf32>,
      %add3A_587 = arith.constant 32 : i32
      %add3A_588 = vector.broadcast %add3A_587 : i32 to vector<16xi32>
      %add3A_589 = arith.addi %add3A_588, %iota3A : vector<16xi32>
      tpu.vector_store_idx %arg10[%broadcast_in_dim3A_568, %add3A_589], %gather3A_586 : memref<64x64xf32, #tpu.memory_space<vmem>>[vector<16xi32>, vector<16xi32>], vector<16xf32>,
      %add3A_590 = arith.constant 48 : i32
      %add3A_591 = vector.broadcast %add3A_590 : i32 to vector<16xi32>
      %add3A_592 = arith.addi %add3A_591, %iota3A : vector<16xi32>
      %gather3A_593 = tpu.vector_load_idx %arg12[%add3A_592, %broadcast_in_dim3A_563] : memref<64x128xf32, #tpu.memory_space<vmem>>[vector<16xi32>, vector<16xi32>], vector<16xf32>,
      %add3A_594 = arith.constant 48 : i32
      %add3A_595 = vector.broadcast %add3A_594 : i32 to vector<16xi32>
      %add3A_596 = arith.addi %add3A_595, %iota3A : vector<16xi32>
      tpu.vector_store_idx %arg10[%broadcast_in_dim3A_568, %add3A_596], %gather3A_593 : memref<64x64xf32, #tpu.memory_space<vmem>>[vector<16xi32>, vector<16xi32>], vector<16xf32>,
      %slice3A_597 = vector.extract_strided_slice %get3A_33 {offsets = [0], sizes = [1], strides = [1]} : vector<16xi32> to vector<1xi32>
      %squeeze3A_598 = vector.extract %slice3A_597[0] : i32 from vector<1xi32>
      %shift_right_arithmetic3A_599 = arith.constant 7 : i32
      %shift_right_arithmetic3A_600 = arith.shrsi %squeeze3A_598, %shift_right_arithmetic3A_599 : i32
      %mul3A_601 = arith.constant 128 : i32
      %mul3A_602 = arith.muli %shift_right_arithmetic3A_600, %mul3A_601 : i32
      %multiple_of3A_603 = tpu.assume_multiple %mul3A_602, 128 : i32
      %dma_start3A_604 = arith.constant 0 : i32
      %dma_start3A_605 = tpu.memref_slice %arg4[%dma_start3A_604, %multiple_of3A_603] : memref<64x1000000xf32, #tpu.memory_space<hbm>> -> memref<64x128xf32, #tpu.memory_space<hbm>>
      %dma_start3A_606 = arith.constant 0 : i32
      %dma_start3A_607 = tpu.memref_slice %arg4[%dma_start3A_606, %multiple_of3A_603] : memref<64x1000000xf32, #tpu.memory_space<hbm>> -> memref<64x128xf32, #tpu.memory_space<hbm>>
      tpu.enqueue_dma source(%dma_start3A_607 : memref<64x128xf32, #tpu.memory_space<hbm>>) target(%arg12 : memref<64x128xf32, #tpu.memory_space<vmem>>) target_semaphore(%arg20 : memref<!tpu.dma_semaphore, #tpu.memory_space<semaphore_mem>>)
      %dma_wait3A_608 = arith.constant 0 : i32
      %dma_wait3A_609 = arith.constant 0 : i32
      %dma_wait3A_610 = tpu.memref_slice %arg4[%dma_wait3A_608, %dma_wait3A_609] : memref<64x1000000xf32, #tpu.memory_space<hbm>> -> memref<64x128xf32, #tpu.memory_space<hbm>>
      %dma_wait3A_611 = arith.constant 0 : i32
      %dma_wait3A_612 = arith.constant 0 : i32
      %dma_wait3A_613 = tpu.memref_slice %arg4[%dma_wait3A_611, %dma_wait3A_612] : memref<64x1000000xf32, #tpu.memory_space<hbm>> -> memref<64x128xf32, #tpu.memory_space<hbm>>
      tpu.wait_dma2 semaphore(%arg21 : memref<!tpu.dma_semaphore, #tpu.memory_space<semaphore_mem>>) src(%dma_wait3A_613 : memref<64x128xf32, #tpu.memory_space<hbm>>) dst(%arg13 : memref<64x128xf32, #tpu.memory_space<vmem>>)
      %slice3A_614 = vector.extract_strided_slice %get3A_27 {offsets = [9], sizes = [1], strides = [1]} : vector<16xi32> to vector<1xi32>
      %squeeze3A_615 = vector.extract %slice3A_614[0] : i32 from vector<1xi32>
      %and3A_616 = arith.constant 127 : i32
      %and3A_617 = arith.andi %squeeze3A_615, %and3A_616 : i32
      %broadcast_in_dim3A_618 = vector.broadcast %and3A_617 : i32 to vector<16xi32>
      %mul3A_619 = arith.constant 32 : i32
      %mul3A_620 = arith.muli %scan3A_23, %mul3A_619 : i32
      %add3A_621 = arith.constant 9 : i32
      %add3A_622 = arith.addi %mul3A_620, %add3A_621 : i32
      %broadcast_in_dim3A_623 = vector.broadcast %add3A_622 : i32 to vector<16xi32>
      %add3A_624 = arith.constant 0 : i32
      %add3A_625 = vector.broadcast %add3A_624 : i32 to vector<16xi32>
      %add3A_626 = arith.addi %add3A_625, %iota3A : vector<16xi32>
      %gather3A_627 = tpu.vector_load_idx %arg13[%add3A_626, %broadcast_in_dim3A_618] : memref<64x128xf32, #tpu.memory_space<vmem>>[vector<16xi32>, vector<16xi32>], vector<16xf32>,
      %add3A_628 = arith.constant 0 : i32
      %add3A_629 = vector.broadcast %add3A_628 : i32 to vector<16xi32>
      %add3A_630 = arith.addi %add3A_629, %iota3A : vector<16xi32>
      tpu.vector_store_idx %arg10[%broadcast_in_dim3A_623, %add3A_630], %gather3A_627 : memref<64x64xf32, #tpu.memory_space<vmem>>[vector<16xi32>, vector<16xi32>], vector<16xf32>,
      %add3A_631 = arith.constant 16 : i32
      %add3A_632 = vector.broadcast %add3A_631 : i32 to vector<16xi32>
      %add3A_633 = arith.addi %add3A_632, %iota3A : vector<16xi32>
      %gather3A_634 = tpu.vector_load_idx %arg13[%add3A_633, %broadcast_in_dim3A_618] : memref<64x128xf32, #tpu.memory_space<vmem>>[vector<16xi32>, vector<16xi32>], vector<16xf32>,
      %add3A_635 = arith.constant 16 : i32
      %add3A_636 = vector.broadcast %add3A_635 : i32 to vector<16xi32>
      %add3A_637 = arith.addi %add3A_636, %iota3A : vector<16xi32>
      tpu.vector_store_idx %arg10[%broadcast_in_dim3A_623, %add3A_637], %gather3A_634 : memref<64x64xf32, #tpu.memory_space<vmem>>[vector<16xi32>, vector<16xi32>], vector<16xf32>,
      %add3A_638 = arith.constant 32 : i32
      %add3A_639 = vector.broadcast %add3A_638 : i32 to vector<16xi32>
      %add3A_640 = arith.addi %add3A_639, %iota3A : vector<16xi32>
      %gather3A_641 = tpu.vector_load_idx %arg13[%add3A_640, %broadcast_in_dim3A_618] : memref<64x128xf32, #tpu.memory_space<vmem>>[vector<16xi32>, vector<16xi32>], vector<16xf32>,
      %add3A_642 = arith.constant 32 : i32
      %add3A_643 = vector.broadcast %add3A_642 : i32 to vector<16xi32>
      %add3A_644 = arith.addi %add3A_643, %iota3A : vector<16xi32>
      tpu.vector_store_idx %arg10[%broadcast_in_dim3A_623, %add3A_644], %gather3A_641 : memref<64x64xf32, #tpu.memory_space<vmem>>[vector<16xi32>, vector<16xi32>], vector<16xf32>,
      %add3A_645 = arith.constant 48 : i32
      %add3A_646 = vector.broadcast %add3A_645 : i32 to vector<16xi32>
      %add3A_647 = arith.addi %add3A_646, %iota3A : vector<16xi32>
      %gather3A_648 = tpu.vector_load_idx %arg13[%add3A_647, %broadcast_in_dim3A_618] : memref<64x128xf32, #tpu.memory_space<vmem>>[vector<16xi32>, vector<16xi32>], vector<16xf32>,
      %add3A_649 = arith.constant 48 : i32
      %add3A_650 = vector.broadcast %add3A_649 : i32 to vector<16xi32>
      %add3A_651 = arith.addi %add3A_650, %iota3A : vector<16xi32>
      tpu.vector_store_idx %arg10[%broadcast_in_dim3A_623, %add3A_651], %gather3A_648 : memref<64x64xf32, #tpu.memory_space<vmem>>[vector<16xi32>, vector<16xi32>], vector<16xf32>,
      %slice3A_652 = vector.extract_strided_slice %get3A_33 {offsets = [1], sizes = [1], strides = [1]} : vector<16xi32> to vector<1xi32>
      %squeeze3A_653 = vector.extract %slice3A_652[0] : i32 from vector<1xi32>
      %shift_right_arithmetic3A_654 = arith.constant 7 : i32
      %shift_right_arithmetic3A_655 = arith.shrsi %squeeze3A_653, %shift_right_arithmetic3A_654 : i32
      %mul3A_656 = arith.constant 128 : i32
      %mul3A_657 = arith.muli %shift_right_arithmetic3A_655, %mul3A_656 : i32
      %multiple_of3A_658 = tpu.assume_multiple %mul3A_657, 128 : i32
      %dma_start3A_659 = arith.constant 0 : i32
      %dma_start3A_660 = tpu.memref_slice %arg4[%dma_start3A_659, %multiple_of3A_658] : memref<64x1000000xf32, #tpu.memory_space<hbm>> -> memref<64x128xf32, #tpu.memory_space<hbm>>
      %dma_start3A_661 = arith.constant 0 : i32
      %dma_start3A_662 = tpu.memref_slice %arg4[%dma_start3A_661, %multiple_of3A_658] : memref<64x1000000xf32, #tpu.memory_space<hbm>> -> memref<64x128xf32, #tpu.memory_space<hbm>>
      tpu.enqueue_dma source(%dma_start3A_662 : memref<64x128xf32, #tpu.memory_space<hbm>>) target(%arg13 : memref<64x128xf32, #tpu.memory_space<vmem>>) target_semaphore(%arg21 : memref<!tpu.dma_semaphore, #tpu.memory_space<semaphore_mem>>)
      %dma_wait3A_663 = arith.constant 0 : i32
      %dma_wait3A_664 = arith.constant 0 : i32
      %dma_wait3A_665 = tpu.memref_slice %arg4[%dma_wait3A_663, %dma_wait3A_664] : memref<64x1000000xf32, #tpu.memory_space<hbm>> -> memref<64x128xf32, #tpu.memory_space<hbm>>
      %dma_wait3A_666 = arith.constant 0 : i32
      %dma_wait3A_667 = arith.constant 0 : i32
      %dma_wait3A_668 = tpu.memref_slice %arg4[%dma_wait3A_666, %dma_wait3A_667] : memref<64x1000000xf32, #tpu.memory_space<hbm>> -> memref<64x128xf32, #tpu.memory_space<hbm>>
      tpu.wait_dma2 semaphore(%arg22 : memref<!tpu.dma_semaphore, #tpu.memory_space<semaphore_mem>>) src(%dma_wait3A_668 : memref<64x128xf32, #tpu.memory_space<hbm>>) dst(%arg14 : memref<64x128xf32, #tpu.memory_space<vmem>>)
      %slice3A_669 = vector.extract_strided_slice %get3A_27 {offsets = [10], sizes = [1], strides = [1]} : vector<16xi32> to vector<1xi32>
      %squeeze3A_670 = vector.extract %slice3A_669[0] : i32 from vector<1xi32>
      %and3A_671 = arith.constant 127 : i32
      %and3A_672 = arith.andi %squeeze3A_670, %and3A_671 : i32
      %broadcast_in_dim3A_673 = vector.broadcast %and3A_672 : i32 to vector<16xi32>
      %mul3A_674 = arith.constant 32 : i32
      %mul3A_675 = arith.muli %scan3A_23, %mul3A_674 : i32
      %add3A_676 = arith.constant 10 : i32
      %add3A_677 = arith.addi %mul3A_675, %add3A_676 : i32
      %broadcast_in_dim3A_678 = vector.broadcast %add3A_677 : i32 to vector<16xi32>
      %add3A_679 = arith.constant 0 : i32
      %add3A_680 = vector.broadcast %add3A_679 : i32 to vector<16xi32>
      %add3A_681 = arith.addi %add3A_680, %iota3A : vector<16xi32>
      %gather3A_682 = tpu.vector_load_idx %arg14[%add3A_681, %broadcast_in_dim3A_673] : memref<64x128xf32, #tpu.memory_space<vmem>>[vector<16xi32>, vector<16xi32>], vector<16xf32>,
      %add3A_683 = arith.constant 0 : i32
      %add3A_684 = vector.broadcast %add3A_683 : i32 to vector<16xi32>
      %add3A_685 = arith.addi %add3A_684, %iota3A : vector<16xi32>
      tpu.vector_store_idx %arg10[%broadcast_in_dim3A_678, %add3A_685], %gather3A_682 : memref<64x64xf32, #tpu.memory_space<vmem>>[vector<16xi32>, vector<16xi32>], vector<16xf32>,
      %add3A_686 = arith.constant 16 : i32
      %add3A_687 = vector.broadcast %add3A_686 : i32 to vector<16xi32>
      %add3A_688 = arith.addi %add3A_687, %iota3A : vector<16xi32>
      %gather3A_689 = tpu.vector_load_idx %arg14[%add3A_688, %broadcast_in_dim3A_673] : memref<64x128xf32, #tpu.memory_space<vmem>>[vector<16xi32>, vector<16xi32>], vector<16xf32>,
      %add3A_690 = arith.constant 16 : i32
      %add3A_691 = vector.broadcast %add3A_690 : i32 to vector<16xi32>
      %add3A_692 = arith.addi %add3A_691, %iota3A : vector<16xi32>
      tpu.vector_store_idx %arg10[%broadcast_in_dim3A_678, %add3A_692], %gather3A_689 : memref<64x64xf32, #tpu.memory_space<vmem>>[vector<16xi32>, vector<16xi32>], vector<16xf32>,
      %add3A_693 = arith.constant 32 : i32
      %add3A_694 = vector.broadcast %add3A_693 : i32 to vector<16xi32>
      %add3A_695 = arith.addi %add3A_694, %iota3A : vector<16xi32>
      %gather3A_696 = tpu.vector_load_idx %arg14[%add3A_695, %broadcast_in_dim3A_673] : memref<64x128xf32, #tpu.memory_space<vmem>>[vector<16xi32>, vector<16xi32>], vector<16xf32>,
      %add3A_697 = arith.constant 32 : i32
      %add3A_698 = vector.broadcast %add3A_697 : i32 to vector<16xi32>
      %add3A_699 = arith.addi %add3A_698, %iota3A : vector<16xi32>
      tpu.vector_store_idx %arg10[%broadcast_in_dim3A_678, %add3A_699], %gather3A_696 : memref<64x64xf32, #tpu.memory_space<vmem>>[vector<16xi32>, vector<16xi32>], vector<16xf32>,
      %add3A_700 = arith.constant 48 : i32
      %add3A_701 = vector.broadcast %add3A_700 : i32 to vector<16xi32>
      %add3A_702 = arith.addi %add3A_701, %iota3A : vector<16xi32>
      %gather3A_703 = tpu.vector_load_idx %arg14[%add3A_702, %broadcast_in_dim3A_673] : memref<64x128xf32, #tpu.memory_space<vmem>>[vector<16xi32>, vector<16xi32>], vector<16xf32>,
      %add3A_704 = arith.constant 48 : i32
      %add3A_705 = vector.broadcast %add3A_704 : i32 to vector<16xi32>
      %add3A_706 = arith.addi %add3A_705, %iota3A : vector<16xi32>
      tpu.vector_store_idx %arg10[%broadcast_in_dim3A_678, %add3A_706], %gather3A_703 : memref<64x64xf32, #tpu.memory_space<vmem>>[vector<16xi32>, vector<16xi32>], vector<16xf32>,
      %slice3A_707 = vector.extract_strided_slice %get3A_33 {offsets = [2], sizes = [1], strides = [1]} : vector<16xi32> to vector<1xi32>
      %squeeze3A_708 = vector.extract %slice3A_707[0] : i32 from vector<1xi32>
      %shift_right_arithmetic3A_709 = arith.constant 7 : i32
      %shift_right_arithmetic3A_710 = arith.shrsi %squeeze3A_708, %shift_right_arithmetic3A_709 : i32
      %mul3A_711 = arith.constant 128 : i32
      %mul3A_712 = arith.muli %shift_right_arithmetic3A_710, %mul3A_711 : i32
      %multiple_of3A_713 = tpu.assume_multiple %mul3A_712, 128 : i32
      %dma_start3A_714 = arith.constant 0 : i32
      %dma_start3A_715 = tpu.memref_slice %arg4[%dma_start3A_714, %multiple_of3A_713] : memref<64x1000000xf32, #tpu.memory_space<hbm>> -> memref<64x128xf32, #tpu.memory_space<hbm>>
      %dma_start3A_716 = arith.constant 0 : i32
      %dma_start3A_717 = tpu.memref_slice %arg4[%dma_start3A_716, %multiple_of3A_713] : memref<64x1000000xf32, #tpu.memory_space<hbm>> -> memref<64x128xf32, #tpu.memory_space<hbm>>
      tpu.enqueue_dma source(%dma_start3A_717 : memref<64x128xf32, #tpu.memory_space<hbm>>) target(%arg14 : memref<64x128xf32, #tpu.memory_space<vmem>>) target_semaphore(%arg22 : memref<!tpu.dma_semaphore, #tpu.memory_space<semaphore_mem>>)
      %dma_wait3A_718 = arith.constant 0 : i32
      %dma_wait3A_719 = arith.constant 0 : i32
      %dma_wait3A_720 = tpu.memref_slice %arg4[%dma_wait3A_718, %dma_wait3A_719] : memref<64x1000000xf32, #tpu.memory_space<hbm>> -> memref<64x128xf32, #tpu.memory_space<hbm>>
      %dma_wait3A_721 = arith.constant 0 : i32
      %dma_wait3A_722 = arith.constant 0 : i32
      %dma_wait3A_723 = tpu.memref_slice %arg4[%dma_wait3A_721, %dma_wait3A_722] : memref<64x1000000xf32, #tpu.memory_space<hbm>> -> memref<64x128xf32, #tpu.memory_space<hbm>>
      tpu.wait_dma2 semaphore(%arg23 : memref<!tpu.dma_semaphore, #tpu.memory_space<semaphore_mem>>) src(%dma_wait3A_723 : memref<64x128xf32, #tpu.memory_space<hbm>>) dst(%arg15 : memref<64x128xf32, #tpu.memory_space<vmem>>)
      %slice3A_724 = vector.extract_strided_slice %get3A_27 {offsets = [11], sizes = [1], strides = [1]} : vector<16xi32> to vector<1xi32>
      %squeeze3A_725 = vector.extract %slice3A_724[0] : i32 from vector<1xi32>
      %and3A_726 = arith.constant 127 : i32
      %and3A_727 = arith.andi %squeeze3A_725, %and3A_726 : i32
      %broadcast_in_dim3A_728 = vector.broadcast %and3A_727 : i32 to vector<16xi32>
      %mul3A_729 = arith.constant 32 : i32
      %mul3A_730 = arith.muli %scan3A_23, %mul3A_729 : i32
      %add3A_731 = arith.constant 11 : i32
      %add3A_732 = arith.addi %mul3A_730, %add3A_731 : i32
      %broadcast_in_dim3A_733 = vector.broadcast %add3A_732 : i32 to vector<16xi32>
      %add3A_734 = arith.constant 0 : i32
      %add3A_735 = vector.broadcast %add3A_734 : i32 to vector<16xi32>
      %add3A_736 = arith.addi %add3A_735, %iota3A : vector<16xi32>
      %gather3A_737 = tpu.vector_load_idx %arg15[%add3A_736, %broadcast_in_dim3A_728] : memref<64x128xf32, #tpu.memory_space<vmem>>[vector<16xi32>, vector<16xi32>], vector<16xf32>,
      %add3A_738 = arith.constant 0 : i32
      %add3A_739 = vector.broadcast %add3A_738 : i32 to vector<16xi32>
      %add3A_740 = arith.addi %add3A_739, %iota3A : vector<16xi32>
      tpu.vector_store_idx %arg10[%broadcast_in_dim3A_733, %add3A_740], %gather3A_737 : memref<64x64xf32, #tpu.memory_space<vmem>>[vector<16xi32>, vector<16xi32>], vector<16xf32>,
      %add3A_741 = arith.constant 16 : i32
      %add3A_742 = vector.broadcast %add3A_741 : i32 to vector<16xi32>
      %add3A_743 = arith.addi %add3A_742, %iota3A : vector<16xi32>
      %gather3A_744 = tpu.vector_load_idx %arg15[%add3A_743, %broadcast_in_dim3A_728] : memref<64x128xf32, #tpu.memory_space<vmem>>[vector<16xi32>, vector<16xi32>], vector<16xf32>,
      %add3A_745 = arith.constant 16 : i32
      %add3A_746 = vector.broadcast %add3A_745 : i32 to vector<16xi32>
      %add3A_747 = arith.addi %add3A_746, %iota3A : vector<16xi32>
      tpu.vector_store_idx %arg10[%broadcast_in_dim3A_733, %add3A_747], %gather3A_744 : memref<64x64xf32, #tpu.memory_space<vmem>>[vector<16xi32>, vector<16xi32>], vector<16xf32>,
      %add3A_748 = arith.constant 32 : i32
      %add3A_749 = vector.broadcast %add3A_748 : i32 to vector<16xi32>
      %add3A_750 = arith.addi %add3A_749, %iota3A : vector<16xi32>
      %gather3A_751 = tpu.vector_load_idx %arg15[%add3A_750, %broadcast_in_dim3A_728] : memref<64x128xf32, #tpu.memory_space<vmem>>[vector<16xi32>, vector<16xi32>], vector<16xf32>,
      %add3A_752 = arith.constant 32 : i32
      %add3A_753 = vector.broadcast %add3A_752 : i32 to vector<16xi32>
      %add3A_754 = arith.addi %add3A_753, %iota3A : vector<16xi32>
      tpu.vector_store_idx %arg10[%broadcast_in_dim3A_733, %add3A_754], %gather3A_751 : memref<64x64xf32, #tpu.memory_space<vmem>>[vector<16xi32>, vector<16xi32>], vector<16xf32>,
      %add3A_755 = arith.constant 48 : i32
      %add3A_756 = vector.broadcast %add3A_755 : i32 to vector<16xi32>
      %add3A_757 = arith.addi %add3A_756, %iota3A : vector<16xi32>
      %gather3A_758 = tpu.vector_load_idx %arg15[%add3A_757, %broadcast_in_dim3A_728] : memref<64x128xf32, #tpu.memory_space<vmem>>[vector<16xi32>, vector<16xi32>], vector<16xf32>,
      %add3A_759 = arith.constant 48 : i32
      %add3A_760 = vector.broadcast %add3A_759 : i32 to vector<16xi32>
      %add3A_761 = arith.addi %add3A_760, %iota3A : vector<16xi32>
      tpu.vector_store_idx %arg10[%broadcast_in_dim3A_733, %add3A_761], %gather3A_758 : memref<64x64xf32, #tpu.memory_space<vmem>>[vector<16xi32>, vector<16xi32>], vector<16xf32>,
      %slice3A_762 = vector.extract_strided_slice %get3A_33 {offsets = [3], sizes = [1], strides = [1]} : vector<16xi32> to vector<1xi32>
      %squeeze3A_763 = vector.extract %slice3A_762[0] : i32 from vector<1xi32>
      %shift_right_arithmetic3A_764 = arith.constant 7 : i32
      %shift_right_arithmetic3A_765 = arith.shrsi %squeeze3A_763, %shift_right_arithmetic3A_764 : i32
      %mul3A_766 = arith.constant 128 : i32
      %mul3A_767 = arith.muli %shift_right_arithmetic3A_765, %mul3A_766 : i32
      %multiple_of3A_768 = tpu.assume_multiple %mul3A_767, 128 : i32
      %dma_start3A_769 = arith.constant 0 : i32
      %dma_start3A_770 = tpu.memref_slice %arg4[%dma_start3A_769, %multiple_of3A_768] : memref<64x1000000xf32, #tpu.memory_space<hbm>> -> memref<64x128xf32, #tpu.memory_space<hbm>>
      %dma_start3A_771 = arith.constant 0 : i32
      %dma_start3A_772 = tpu.memref_slice %arg4[%dma_start3A_771, %multiple_of3A_768] : memref<64x1000000xf32, #tpu.memory_space<hbm>> -> memref<64x128xf32, #tpu.memory_space<hbm>>
      tpu.enqueue_dma source(%dma_start3A_772 : memref<64x128xf32, #tpu.memory_space<hbm>>) target(%arg15 : memref<64x128xf32, #tpu.memory_space<vmem>>) target_semaphore(%arg23 : memref<!tpu.dma_semaphore, #tpu.memory_space<semaphore_mem>>)
      %dma_wait3A_773 = arith.constant 0 : i32
      %dma_wait3A_774 = arith.constant 0 : i32
      %dma_wait3A_775 = tpu.memref_slice %arg4[%dma_wait3A_773, %dma_wait3A_774] : memref<64x1000000xf32, #tpu.memory_space<hbm>> -> memref<64x128xf32, #tpu.memory_space<hbm>>
      %dma_wait3A_776 = arith.constant 0 : i32
      %dma_wait3A_777 = arith.constant 0 : i32
      %dma_wait3A_778 = tpu.memref_slice %arg4[%dma_wait3A_776, %dma_wait3A_777] : memref<64x1000000xf32, #tpu.memory_space<hbm>> -> memref<64x128xf32, #tpu.memory_space<hbm>>
      tpu.wait_dma2 semaphore(%arg24 : memref<!tpu.dma_semaphore, #tpu.memory_space<semaphore_mem>>) src(%dma_wait3A_778 : memref<64x128xf32, #tpu.memory_space<hbm>>) dst(%arg16 : memref<64x128xf32, #tpu.memory_space<vmem>>)
      %slice3A_779 = vector.extract_strided_slice %get3A_27 {offsets = [12], sizes = [1], strides = [1]} : vector<16xi32> to vector<1xi32>
      %squeeze3A_780 = vector.extract %slice3A_779[0] : i32 from vector<1xi32>
      %and3A_781 = arith.constant 127 : i32
      %and3A_782 = arith.andi %squeeze3A_780, %and3A_781 : i32
      %broadcast_in_dim3A_783 = vector.broadcast %and3A_782 : i32 to vector<16xi32>
      %mul3A_784 = arith.constant 32 : i32
      %mul3A_785 = arith.muli %scan3A_23, %mul3A_784 : i32
      %add3A_786 = arith.constant 12 : i32
      %add3A_787 = arith.addi %mul3A_785, %add3A_786 : i32
      %broadcast_in_dim3A_788 = vector.broadcast %add3A_787 : i32 to vector<16xi32>
      %add3A_789 = arith.constant 0 : i32
      %add3A_790 = vector.broadcast %add3A_789 : i32 to vector<16xi32>
      %add3A_791 = arith.addi %add3A_790, %iota3A : vector<16xi32>
      %gather3A_792 = tpu.vector_load_idx %arg16[%add3A_791, %broadcast_in_dim3A_783] : memref<64x128xf32, #tpu.memory_space<vmem>>[vector<16xi32>, vector<16xi32>], vector<16xf32>,
      %add3A_793 = arith.constant 0 : i32
      %add3A_794 = vector.broadcast %add3A_793 : i32 to vector<16xi32>
      %add3A_795 = arith.addi %add3A_794, %iota3A : vector<16xi32>
      tpu.vector_store_idx %arg10[%broadcast_in_dim3A_788, %add3A_795], %gather3A_792 : memref<64x64xf32, #tpu.memory_space<vmem>>[vector<16xi32>, vector<16xi32>], vector<16xf32>,
      %add3A_796 = arith.constant 16 : i32
      %add3A_797 = vector.broadcast %add3A_796 : i32 to vector<16xi32>
      %add3A_798 = arith.addi %add3A_797, %iota3A : vector<16xi32>
      %gather3A_799 = tpu.vector_load_idx %arg16[%add3A_798, %broadcast_in_dim3A_783] : memref<64x128xf32, #tpu.memory_space<vmem>>[vector<16xi32>, vector<16xi32>], vector<16xf32>,
      %add3A_800 = arith.constant 16 : i32
      %add3A_801 = vector.broadcast %add3A_800 : i32 to vector<16xi32>
      %add3A_802 = arith.addi %add3A_801, %iota3A : vector<16xi32>
      tpu.vector_store_idx %arg10[%broadcast_in_dim3A_788, %add3A_802], %gather3A_799 : memref<64x64xf32, #tpu.memory_space<vmem>>[vector<16xi32>, vector<16xi32>], vector<16xf32>,
      %add3A_803 = arith.constant 32 : i32
      %add3A_804 = vector.broadcast %add3A_803 : i32 to vector<16xi32>
      %add3A_805 = arith.addi %add3A_804, %iota3A : vector<16xi32>
      %gather3A_806 = tpu.vector_load_idx %arg16[%add3A_805, %broadcast_in_dim3A_783] : memref<64x128xf32, #tpu.memory_space<vmem>>[vector<16xi32>, vector<16xi32>], vector<16xf32>,
      %add3A_807 = arith.constant 32 : i32
      %add3A_808 = vector.broadcast %add3A_807 : i32 to vector<16xi32>
      %add3A_809 = arith.addi %add3A_808, %iota3A : vector<16xi32>
      tpu.vector_store_idx %arg10[%broadcast_in_dim3A_788, %add3A_809], %gather3A_806 : memref<64x64xf32, #tpu.memory_space<vmem>>[vector<16xi32>, vector<16xi32>], vector<16xf32>,
      %add3A_810 = arith.constant 48 : i32
      %add3A_811 = vector.broadcast %add3A_810 : i32 to vector<16xi32>
      %add3A_812 = arith.addi %add3A_811, %iota3A : vector<16xi32>
      %gather3A_813 = tpu.vector_load_idx %arg16[%add3A_812, %broadcast_in_dim3A_783] : memref<64x128xf32, #tpu.memory_space<vmem>>[vector<16xi32>, vector<16xi32>], vector<16xf32>,
      %add3A_814 = arith.constant 48 : i32
      %add3A_815 = vector.broadcast %add3A_814 : i32 to vector<16xi32>
      %add3A_816 = arith.addi %add3A_815, %iota3A : vector<16xi32>
      tpu.vector_store_idx %arg10[%broadcast_in_dim3A_788, %add3A_816], %gather3A_813 : memref<64x64xf32, #tpu.memory_space<vmem>>[vector<16xi32>, vector<16xi32>], vector<16xf32>,
      %slice3A_817 = vector.extract_strided_slice %get3A_33 {offsets = [4], sizes = [1], strides = [1]} : vector<16xi32> to vector<1xi32>
      %squeeze3A_818 = vector.extract %slice3A_817[0] : i32 from vector<1xi32>
      %shift_right_arithmetic3A_819 = arith.constant 7 : i32
      %shift_right_arithmetic3A_820 = arith.shrsi %squeeze3A_818, %shift_right_arithmetic3A_819 : i32
      %mul3A_821 = arith.constant 128 : i32
      %mul3A_822 = arith.muli %shift_right_arithmetic3A_820, %mul3A_821 : i32
      %multiple_of3A_823 = tpu.assume_multiple %mul3A_822, 128 : i32
      %dma_start3A_824 = arith.constant 0 : i32
      %dma_start3A_825 = tpu.memref_slice %arg4[%dma_start3A_824, %multiple_of3A_823] : memref<64x1000000xf32, #tpu.memory_space<hbm>> -> memref<64x128xf32, #tpu.memory_space<hbm>>
      %dma_start3A_826 = arith.constant 0 : i32
      %dma_start3A_827 = tpu.memref_slice %arg4[%dma_start3A_826, %multiple_of3A_823] : memref<64x1000000xf32, #tpu.memory_space<hbm>> -> memref<64x128xf32, #tpu.memory_space<hbm>>
      tpu.enqueue_dma source(%dma_start3A_827 : memref<64x128xf32, #tpu.memory_space<hbm>>) target(%arg16 : memref<64x128xf32, #tpu.memory_space<vmem>>) target_semaphore(%arg24 : memref<!tpu.dma_semaphore, #tpu.memory_space<semaphore_mem>>)
      %dma_wait3A_828 = arith.constant 0 : i32
      %dma_wait3A_829 = arith.constant 0 : i32
      %dma_wait3A_830 = tpu.memref_slice %arg4[%dma_wait3A_828, %dma_wait3A_829] : memref<64x1000000xf32, #tpu.memory_space<hbm>> -> memref<64x128xf32, #tpu.memory_space<hbm>>
      %dma_wait3A_831 = arith.constant 0 : i32
      %dma_wait3A_832 = arith.constant 0 : i32
      %dma_wait3A_833 = tpu.memref_slice %arg4[%dma_wait3A_831, %dma_wait3A_832] : memref<64x1000000xf32, #tpu.memory_space<hbm>> -> memref<64x128xf32, #tpu.memory_space<hbm>>
      tpu.wait_dma2 semaphore(%arg25 : memref<!tpu.dma_semaphore, #tpu.memory_space<semaphore_mem>>) src(%dma_wait3A_833 : memref<64x128xf32, #tpu.memory_space<hbm>>) dst(%arg17 : memref<64x128xf32, #tpu.memory_space<vmem>>)
      %slice3A_834 = vector.extract_strided_slice %get3A_27 {offsets = [13], sizes = [1], strides = [1]} : vector<16xi32> to vector<1xi32>
      %squeeze3A_835 = vector.extract %slice3A_834[0] : i32 from vector<1xi32>
      %and3A_836 = arith.constant 127 : i32
      %and3A_837 = arith.andi %squeeze3A_835, %and3A_836 : i32
      %broadcast_in_dim3A_838 = vector.broadcast %and3A_837 : i32 to vector<16xi32>
      %mul3A_839 = arith.constant 32 : i32
      %mul3A_840 = arith.muli %scan3A_23, %mul3A_839 : i32
      %add3A_841 = arith.constant 13 : i32
      %add3A_842 = arith.addi %mul3A_840, %add3A_841 : i32
      %broadcast_in_dim3A_843 = vector.broadcast %add3A_842 : i32 to vector<16xi32>
      %add3A_844 = arith.constant 0 : i32
      %add3A_845 = vector.broadcast %add3A_844 : i32 to vector<16xi32>
      %add3A_846 = arith.addi %add3A_845, %iota3A : vector<16xi32>
      %gather3A_847 = tpu.vector_load_idx %arg17[%add3A_846, %broadcast_in_dim3A_838] : memref<64x128xf32, #tpu.memory_space<vmem>>[vector<16xi32>, vector<16xi32>], vector<16xf32>,
      %add3A_848 = arith.constant 0 : i32
      %add3A_849 = vector.broadcast %add3A_848 : i32 to vector<16xi32>
      %add3A_850 = arith.addi %add3A_849, %iota3A : vector<16xi32>
      tpu.vector_store_idx %arg10[%broadcast_in_dim3A_843, %add3A_850], %gather3A_847 : memref<64x64xf32, #tpu.memory_space<vmem>>[vector<16xi32>, vector<16xi32>], vector<16xf32>,
      %add3A_851 = arith.constant 16 : i32
      %add3A_852 = vector.broadcast %add3A_851 : i32 to vector<16xi32>
      %add3A_853 = arith.addi %add3A_852, %iota3A : vector<16xi32>
      %gather3A_854 = tpu.vector_load_idx %arg17[%add3A_853, %broadcast_in_dim3A_838] : memref<64x128xf32, #tpu.memory_space<vmem>>[vector<16xi32>, vector<16xi32>], vector<16xf32>,
      %add3A_855 = arith.constant 16 : i32
      %add3A_856 = vector.broadcast %add3A_855 : i32 to vector<16xi32>
      %add3A_857 = arith.addi %add3A_856, %iota3A : vector<16xi32>
      tpu.vector_store_idx %arg10[%broadcast_in_dim3A_843, %add3A_857], %gather3A_854 : memref<64x64xf32, #tpu.memory_space<vmem>>[vector<16xi32>, vector<16xi32>], vector<16xf32>,
      %add3A_858 = arith.constant 32 : i32
      %add3A_859 = vector.broadcast %add3A_858 : i32 to vector<16xi32>
      %add3A_860 = arith.addi %add3A_859, %iota3A : vector<16xi32>
      %gather3A_861 = tpu.vector_load_idx %arg17[%add3A_860, %broadcast_in_dim3A_838] : memref<64x128xf32, #tpu.memory_space<vmem>>[vector<16xi32>, vector<16xi32>], vector<16xf32>,
      %add3A_862 = arith.constant 32 : i32
      %add3A_863 = vector.broadcast %add3A_862 : i32 to vector<16xi32>
      %add3A_864 = arith.addi %add3A_863, %iota3A : vector<16xi32>
      tpu.vector_store_idx %arg10[%broadcast_in_dim3A_843, %add3A_864], %gather3A_861 : memref<64x64xf32, #tpu.memory_space<vmem>>[vector<16xi32>, vector<16xi32>], vector<16xf32>,
      %add3A_865 = arith.constant 48 : i32
      %add3A_866 = vector.broadcast %add3A_865 : i32 to vector<16xi32>
      %add3A_867 = arith.addi %add3A_866, %iota3A : vector<16xi32>
      %gather3A_868 = tpu.vector_load_idx %arg17[%add3A_867, %broadcast_in_dim3A_838] : memref<64x128xf32, #tpu.memory_space<vmem>>[vector<16xi32>, vector<16xi32>], vector<16xf32>,
      %add3A_869 = arith.constant 48 : i32
      %add3A_870 = vector.broadcast %add3A_869 : i32 to vector<16xi32>
      %add3A_871 = arith.addi %add3A_870, %iota3A : vector<16xi32>
      tpu.vector_store_idx %arg10[%broadcast_in_dim3A_843, %add3A_871], %gather3A_868 : memref<64x64xf32, #tpu.memory_space<vmem>>[vector<16xi32>, vector<16xi32>], vector<16xf32>,
      %slice3A_872 = vector.extract_strided_slice %get3A_33 {offsets = [5], sizes = [1], strides = [1]} : vector<16xi32> to vector<1xi32>
      %squeeze3A_873 = vector.extract %slice3A_872[0] : i32 from vector<1xi32>
      %shift_right_arithmetic3A_874 = arith.constant 7 : i32
      %shift_right_arithmetic3A_875 = arith.shrsi %squeeze3A_873, %shift_right_arithmetic3A_874 : i32
      %mul3A_876 = arith.constant 128 : i32
      %mul3A_877 = arith.muli %shift_right_arithmetic3A_875, %mul3A_876 : i32
      %multiple_of3A_878 = tpu.assume_multiple %mul3A_877, 128 : i32
      %dma_start3A_879 = arith.constant 0 : i32
      %dma_start3A_880 = tpu.memref_slice %arg4[%dma_start3A_879, %multiple_of3A_878] : memref<64x1000000xf32, #tpu.memory_space<hbm>> -> memref<64x128xf32, #tpu.memory_space<hbm>>
      %dma_start3A_881 = arith.constant 0 : i32
      %dma_start3A_882 = tpu.memref_slice %arg4[%dma_start3A_881, %multiple_of3A_878] : memref<64x1000000xf32, #tpu.memory_space<hbm>> -> memref<64x128xf32, #tpu.memory_space<hbm>>
      tpu.enqueue_dma source(%dma_start3A_882 : memref<64x128xf32, #tpu.memory_space<hbm>>) target(%arg17 : memref<64x128xf32, #tpu.memory_space<vmem>>) target_semaphore(%arg25 : memref<!tpu.dma_semaphore, #tpu.memory_space<semaphore_mem>>)
      %dma_wait3A_883 = arith.constant 0 : i32
      %dma_wait3A_884 = arith.constant 0 : i32
      %dma_wait3A_885 = tpu.memref_slice %arg4[%dma_wait3A_883, %dma_wait3A_884] : memref<64x1000000xf32, #tpu.memory_space<hbm>> -> memref<64x128xf32, #tpu.memory_space<hbm>>
      %dma_wait3A_886 = arith.constant 0 : i32
      %dma_wait3A_887 = arith.constant 0 : i32
      %dma_wait3A_888 = tpu.memref_slice %arg4[%dma_wait3A_886, %dma_wait3A_887] : memref<64x1000000xf32, #tpu.memory_space<hbm>> -> memref<64x128xf32, #tpu.memory_space<hbm>>
      tpu.wait_dma2 semaphore(%arg26 : memref<!tpu.dma_semaphore, #tpu.memory_space<semaphore_mem>>) src(%dma_wait3A_888 : memref<64x128xf32, #tpu.memory_space<hbm>>) dst(%arg18 : memref<64x128xf32, #tpu.memory_space<vmem>>)
      %slice3A_889 = vector.extract_strided_slice %get3A_27 {offsets = [14], sizes = [1], strides = [1]} : vector<16xi32> to vector<1xi32>
      %squeeze3A_890 = vector.extract %slice3A_889[0] : i32 from vector<1xi32>
      %and3A_891 = arith.constant 127 : i32
      %and3A_892 = arith.andi %squeeze3A_890, %and3A_891 : i32
      %broadcast_in_dim3A_893 = vector.broadcast %and3A_892 : i32 to vector<16xi32>
      %mul3A_894 = arith.constant 32 : i32
      %mul3A_895 = arith.muli %scan3A_23, %mul3A_894 : i32
      %add3A_896 = arith.constant 14 : i32
      %add3A_897 = arith.addi %mul3A_895, %add3A_896 : i32
      %broadcast_in_dim3A_898 = vector.broadcast %add3A_897 : i32 to vector<16xi32>
      %add3A_899 = arith.constant 0 : i32
      %add3A_900 = vector.broadcast %add3A_899 : i32 to vector<16xi32>
      %add3A_901 = arith.addi %add3A_900, %iota3A : vector<16xi32>
      %gather3A_902 = tpu.vector_load_idx %arg18[%add3A_901, %broadcast_in_dim3A_893] : memref<64x128xf32, #tpu.memory_space<vmem>>[vector<16xi32>, vector<16xi32>], vector<16xf32>,
      %add3A_903 = arith.constant 0 : i32
      %add3A_904 = vector.broadcast %add3A_903 : i32 to vector<16xi32>
      %add3A_905 = arith.addi %add3A_904, %iota3A : vector<16xi32>
      tpu.vector_store_idx %arg10[%broadcast_in_dim3A_898, %add3A_905], %gather3A_902 : memref<64x64xf32, #tpu.memory_space<vmem>>[vector<16xi32>, vector<16xi32>], vector<16xf32>,
      %add3A_906 = arith.constant 16 : i32
      %add3A_907 = vector.broadcast %add3A_906 : i32 to vector<16xi32>
      %add3A_908 = arith.addi %add3A_907, %iota3A : vector<16xi32>
      %gather3A_909 = tpu.vector_load_idx %arg18[%add3A_908, %broadcast_in_dim3A_893] : memref<64x128xf32, #tpu.memory_space<vmem>>[vector<16xi32>, vector<16xi32>], vector<16xf32>,
      %add3A_910 = arith.constant 16 : i32
      %add3A_911 = vector.broadcast %add3A_910 : i32 to vector<16xi32>
      %add3A_912 = arith.addi %add3A_911, %iota3A : vector<16xi32>
      tpu.vector_store_idx %arg10[%broadcast_in_dim3A_898, %add3A_912], %gather3A_909 : memref<64x64xf32, #tpu.memory_space<vmem>>[vector<16xi32>, vector<16xi32>], vector<16xf32>,
      %add3A_913 = arith.constant 32 : i32
      %add3A_914 = vector.broadcast %add3A_913 : i32 to vector<16xi32>
      %add3A_915 = arith.addi %add3A_914, %iota3A : vector<16xi32>
      %gather3A_916 = tpu.vector_load_idx %arg18[%add3A_915, %broadcast_in_dim3A_893] : memref<64x128xf32, #tpu.memory_space<vmem>>[vector<16xi32>, vector<16xi32>], vector<16xf32>,
      %add3A_917 = arith.constant 32 : i32
      %add3A_918 = vector.broadcast %add3A_917 : i32 to vector<16xi32>
      %add3A_919 = arith.addi %add3A_918, %iota3A : vector<16xi32>
      tpu.vector_store_idx %arg10[%broadcast_in_dim3A_898, %add3A_919], %gather3A_916 : memref<64x64xf32, #tpu.memory_space<vmem>>[vector<16xi32>, vector<16xi32>], vector<16xf32>,
      %add3A_920 = arith.constant 48 : i32
      %add3A_921 = vector.broadcast %add3A_920 : i32 to vector<16xi32>
      %add3A_922 = arith.addi %add3A_921, %iota3A : vector<16xi32>
      %gather3A_923 = tpu.vector_load_idx %arg18[%add3A_922, %broadcast_in_dim3A_893] : memref<64x128xf32, #tpu.memory_space<vmem>>[vector<16xi32>, vector<16xi32>], vector<16xf32>,
      %add3A_924 = arith.constant 48 : i32
      %add3A_925 = vector.broadcast %add3A_924 : i32 to vector<16xi32>
      %add3A_926 = arith.addi %add3A_925, %iota3A : vector<16xi32>
      tpu.vector_store_idx %arg10[%broadcast_in_dim3A_898, %add3A_926], %gather3A_923 : memref<64x64xf32, #tpu.memory_space<vmem>>[vector<16xi32>, vector<16xi32>], vector<16xf32>,
      %slice3A_927 = vector.extract_strided_slice %get3A_33 {offsets = [6], sizes = [1], strides = [1]} : vector<16xi32> to vector<1xi32>
      %squeeze3A_928 = vector.extract %slice3A_927[0] : i32 from vector<1xi32>
      %shift_right_arithmetic3A_929 = arith.constant 7 : i32
      %shift_right_arithmetic3A_930 = arith.shrsi %squeeze3A_928, %shift_right_arithmetic3A_929 : i32
      %mul3A_931 = arith.constant 128 : i32
      %mul3A_932 = arith.muli %shift_right_arithmetic3A_930, %mul3A_931 : i32
      %multiple_of3A_933 = tpu.assume_multiple %mul3A_932, 128 : i32
      %dma_start3A_934 = arith.constant 0 : i32
      %dma_start3A_935 = tpu.memref_slice %arg4[%dma_start3A_934, %multiple_of3A_933] : memref<64x1000000xf32, #tpu.memory_space<hbm>> -> memref<64x128xf32, #tpu.memory_space<hbm>>
      %dma_start3A_936 = arith.constant 0 : i32
      %dma_start3A_937 = tpu.memref_slice %arg4[%dma_start3A_936, %multiple_of3A_933] : memref<64x1000000xf32, #tpu.memory_space<hbm>> -> memref<64x128xf32, #tpu.memory_space<hbm>>
      tpu.enqueue_dma source(%dma_start3A_937 : memref<64x128xf32, #tpu.memory_space<hbm>>) target(%arg18 : memref<64x128xf32, #tpu.memory_space<vmem>>) target_semaphore(%arg26 : memref<!tpu.dma_semaphore, #tpu.memory_space<semaphore_mem>>)
      %dma_wait3A_938 = arith.constant 0 : i32
      %dma_wait3A_939 = arith.constant 0 : i32
      %dma_wait3A_940 = tpu.memref_slice %arg4[%dma_wait3A_938, %dma_wait3A_939] : memref<64x1000000xf32, #tpu.memory_space<hbm>> -> memref<64x128xf32, #tpu.memory_space<hbm>>
      %dma_wait3A_941 = arith.constant 0 : i32
      %dma_wait3A_942 = arith.constant 0 : i32
      %dma_wait3A_943 = tpu.memref_slice %arg4[%dma_wait3A_941, %dma_wait3A_942] : memref<64x1000000xf32, #tpu.memory_space<hbm>> -> memref<64x128xf32, #tpu.memory_space<hbm>>
      tpu.wait_dma2 semaphore(%arg27 : memref<!tpu.dma_semaphore, #tpu.memory_space<semaphore_mem>>) src(%dma_wait3A_943 : memref<64x128xf32, #tpu.memory_space<hbm>>) dst(%arg19 : memref<64x128xf32, #tpu.memory_space<vmem>>)
      %slice3A_944 = vector.extract_strided_slice %get3A_27 {offsets = [15], sizes = [1], strides = [1]} : vector<16xi32> to vector<1xi32>
      %squeeze3A_945 = vector.extract %slice3A_944[0] : i32 from vector<1xi32>
      %and3A_946 = arith.constant 127 : i32
      %and3A_947 = arith.andi %squeeze3A_945, %and3A_946 : i32
      %broadcast_in_dim3A_948 = vector.broadcast %and3A_947 : i32 to vector<16xi32>
      %mul3A_949 = arith.constant 32 : i32
      %mul3A_950 = arith.muli %scan3A_23, %mul3A_949 : i32
      %add3A_951 = arith.constant 15 : i32
      %add3A_952 = arith.addi %mul3A_950, %add3A_951 : i32
      %broadcast_in_dim3A_953 = vector.broadcast %add3A_952 : i32 to vector<16xi32>
      %add3A_954 = arith.constant 0 : i32
      %add3A_955 = vector.broadcast %add3A_954 : i32 to vector<16xi32>
      %add3A_956 = arith.addi %add3A_955, %iota3A : vector<16xi32>
      %gather3A_957 = tpu.vector_load_idx %arg19[%add3A_956, %broadcast_in_dim3A_948] : memref<64x128xf32, #tpu.memory_space<vmem>>[vector<16xi32>, vector<16xi32>], vector<16xf32>,
      %add3A_958 = arith.constant 0 : i32
      %add3A_959 = vector.broadcast %add3A_958 : i32 to vector<16xi32>
      %add3A_960 = arith.addi %add3A_959, %iota3A : vector<16xi32>
      tpu.vector_store_idx %arg10[%broadcast_in_dim3A_953, %add3A_960], %gather3A_957 : memref<64x64xf32, #tpu.memory_space<vmem>>[vector<16xi32>, vector<16xi32>], vector<16xf32>,
      %add3A_961 = arith.constant 16 : i32
      %add3A_962 = vector.broadcast %add3A_961 : i32 to vector<16xi32>
      %add3A_963 = arith.addi %add3A_962, %iota3A : vector<16xi32>
      %gather3A_964 = tpu.vector_load_idx %arg19[%add3A_963, %broadcast_in_dim3A_948] : memref<64x128xf32, #tpu.memory_space<vmem>>[vector<16xi32>, vector<16xi32>], vector<16xf32>,
      %add3A_965 = arith.constant 16 : i32
      %add3A_966 = vector.broadcast %add3A_965 : i32 to vector<16xi32>
      %add3A_967 = arith.addi %add3A_966, %iota3A : vector<16xi32>
      tpu.vector_store_idx %arg10[%broadcast_in_dim3A_953, %add3A_967], %gather3A_964 : memref<64x64xf32, #tpu.memory_space<vmem>>[vector<16xi32>, vector<16xi32>], vector<16xf32>,
      %add3A_968 = arith.constant 32 : i32
      %add3A_969 = vector.broadcast %add3A_968 : i32 to vector<16xi32>
      %add3A_970 = arith.addi %add3A_969, %iota3A : vector<16xi32>
      %gather3A_971 = tpu.vector_load_idx %arg19[%add3A_970, %broadcast_in_dim3A_948] : memref<64x128xf32, #tpu.memory_space<vmem>>[vector<16xi32>, vector<16xi32>], vector<16xf32>,
      %add3A_972 = arith.constant 32 : i32
      %add3A_973 = vector.broadcast %add3A_972 : i32 to vector<16xi32>
      %add3A_974 = arith.addi %add3A_973, %iota3A : vector<16xi32>
      tpu.vector_store_idx %arg10[%broadcast_in_dim3A_953, %add3A_974], %gather3A_971 : memref<64x64xf32, #tpu.memory_space<vmem>>[vector<16xi32>, vector<16xi32>], vector<16xf32>,
      %add3A_975 = arith.constant 48 : i32
      %add3A_976 = vector.broadcast %add3A_975 : i32 to vector<16xi32>
      %add3A_977 = arith.addi %add3A_976, %iota3A : vector<16xi32>
      %gather3A_978 = tpu.vector_load_idx %arg19[%add3A_977, %broadcast_in_dim3A_948] : memref<64x128xf32, #tpu.memory_space<vmem>>[vector<16xi32>, vector<16xi32>], vector<16xf32>,
      %add3A_979 = arith.constant 48 : i32
      %add3A_980 = vector.broadcast %add3A_979 : i32 to vector<16xi32>
      %add3A_981 = arith.addi %add3A_980, %iota3A : vector<16xi32>
      tpu.vector_store_idx %arg10[%broadcast_in_dim3A_953, %add3A_981], %gather3A_978 : memref<64x64xf32, #tpu.memory_space<vmem>>[vector<16xi32>, vector<16xi32>], vector<16xf32>,
      %slice3A_982 = vector.extract_strided_slice %get3A_33 {offsets = [7], sizes = [1], strides = [1]} : vector<16xi32> to vector<1xi32>
      %squeeze3A_983 = vector.extract %slice3A_982[0] : i32 from vector<1xi32>
      %shift_right_arithmetic3A_984 = arith.constant 7 : i32
      %shift_right_arithmetic3A_985 = arith.shrsi %squeeze3A_983, %shift_right_arithmetic3A_984 : i32
      %mul3A_986 = arith.constant 128 : i32
      %mul3A_987 = arith.muli %shift_right_arithmetic3A_985, %mul3A_986 : i32
      %multiple_of3A_988 = tpu.assume_multiple %mul3A_987, 128 : i32
      %dma_start3A_989 = arith.constant 0 : i32
      %dma_start3A_990 = tpu.memref_slice %arg4[%dma_start3A_989, %multiple_of3A_988] : memref<64x1000000xf32, #tpu.memory_space<hbm>> -> memref<64x128xf32, #tpu.memory_space<hbm>>
      %dma_start3A_991 = arith.constant 0 : i32
      %dma_start3A_992 = tpu.memref_slice %arg4[%dma_start3A_991, %multiple_of3A_988] : memref<64x1000000xf32, #tpu.memory_space<hbm>> -> memref<64x128xf32, #tpu.memory_space<hbm>>
      tpu.enqueue_dma source(%dma_start3A_992 : memref<64x128xf32, #tpu.memory_space<hbm>>) target(%arg19 : memref<64x128xf32, #tpu.memory_space<vmem>>) target_semaphore(%arg27 : memref<!tpu.dma_semaphore, #tpu.memory_space<semaphore_mem>>)
      %dma_wait3A_993 = arith.constant 0 : i32
      %dma_wait3A_994 = arith.constant 0 : i32
      %dma_wait3A_995 = tpu.memref_slice %arg4[%dma_wait3A_993, %dma_wait3A_994] : memref<64x1000000xf32, #tpu.memory_space<hbm>> -> memref<64x128xf32, #tpu.memory_space<hbm>>
      %dma_wait3A_996 = arith.constant 0 : i32
      %dma_wait3A_997 = arith.constant 0 : i32
      %dma_wait3A_998 = tpu.memref_slice %arg4[%dma_wait3A_996, %dma_wait3A_997] : memref<64x1000000xf32, #tpu.memory_space<hbm>> -> memref<64x128xf32, #tpu.memory_space<hbm>>
      tpu.wait_dma2 semaphore(%arg20 : memref<!tpu.dma_semaphore, #tpu.memory_space<semaphore_mem>>) src(%dma_wait3A_998 : memref<64x128xf32, #tpu.memory_space<hbm>>) dst(%arg12 : memref<64x128xf32, #tpu.memory_space<vmem>>)
      %slice3A_999 = vector.extract_strided_slice %get3A_33 {offsets = [0], sizes = [1], strides = [1]} : vector<16xi32> to vector<1xi32>
      %squeeze3A_1000 = vector.extract %slice3A_999[0] : i32 from vector<1xi32>
      %and3A_1001 = arith.constant 127 : i32
      %and3A_1002 = arith.andi %squeeze3A_1000, %and3A_1001 : i32
      %broadcast_in_dim3A_1003 = vector.broadcast %and3A_1002 : i32 to vector<16xi32>
      %mul3A_1004 = arith.constant 32 : i32
      %mul3A_1005 = arith.muli %scan3A_23, %mul3A_1004 : i32
      %add3A_1006 = arith.constant 16 : i32
      %add3A_1007 = arith.addi %mul3A_1005, %add3A_1006 : i32
      %broadcast_in_dim3A_1008 = vector.broadcast %add3A_1007 : i32 to vector<16xi32>
      %add3A_1009 = arith.constant 0 : i32
      %add3A_1010 = vector.broadcast %add3A_1009 : i32 to vector<16xi32>
      %add3A_1011 = arith.addi %add3A_1010, %iota3A : vector<16xi32>
      %gather3A_1012 = tpu.vector_load_idx %arg12[%add3A_1011, %broadcast_in_dim3A_1003] : memref<64x128xf32, #tpu.memory_space<vmem>>[vector<16xi32>, vector<16xi32>], vector<16xf32>,
      %add3A_1013 = arith.constant 0 : i32
      %add3A_1014 = vector.broadcast %add3A_1013 : i32 to vector<16xi32>
      %add3A_1015 = arith.addi %add3A_1014, %iota3A : vector<16xi32>
      tpu.vector_store_idx %arg10[%broadcast_in_dim3A_1008, %add3A_1015], %gather3A_1012 : memref<64x64xf32, #tpu.memory_space<vmem>>[vector<16xi32>, vector<16xi32>], vector<16xf32>,
      %add3A_1016 = arith.constant 16 : i32
      %add3A_1017 = vector.broadcast %add3A_1016 : i32 to vector<16xi32>
      %add3A_1018 = arith.addi %add3A_1017, %iota3A : vector<16xi32>
      %gather3A_1019 = tpu.vector_load_idx %arg12[%add3A_1018, %broadcast_in_dim3A_1003] : memref<64x128xf32, #tpu.memory_space<vmem>>[vector<16xi32>, vector<16xi32>], vector<16xf32>,
      %add3A_1020 = arith.constant 16 : i32
      %add3A_1021 = vector.broadcast %add3A_1020 : i32 to vector<16xi32>
      %add3A_1022 = arith.addi %add3A_1021, %iota3A : vector<16xi32>
      tpu.vector_store_idx %arg10[%broadcast_in_dim3A_1008, %add3A_1022], %gather3A_1019 : memref<64x64xf32, #tpu.memory_space<vmem>>[vector<16xi32>, vector<16xi32>], vector<16xf32>,
      %add3A_1023 = arith.constant 32 : i32
      %add3A_1024 = vector.broadcast %add3A_1023 : i32 to vector<16xi32>
      %add3A_1025 = arith.addi %add3A_1024, %iota3A : vector<16xi32>
      %gather3A_1026 = tpu.vector_load_idx %arg12[%add3A_1025, %broadcast_in_dim3A_1003] : memref<64x128xf32, #tpu.memory_space<vmem>>[vector<16xi32>, vector<16xi32>], vector<16xf32>,
      %add3A_1027 = arith.constant 32 : i32
      %add3A_1028 = vector.broadcast %add3A_1027 : i32 to vector<16xi32>
      %add3A_1029 = arith.addi %add3A_1028, %iota3A : vector<16xi32>
      tpu.vector_store_idx %arg10[%broadcast_in_dim3A_1008, %add3A_1029], %gather3A_1026 : memref<64x64xf32, #tpu.memory_space<vmem>>[vector<16xi32>, vector<16xi32>], vector<16xf32>,
      %add3A_1030 = arith.constant 48 : i32
      %add3A_1031 = vector.broadcast %add3A_1030 : i32 to vector<16xi32>
      %add3A_1032 = arith.addi %add3A_1031, %iota3A : vector<16xi32>
      %gather3A_1033 = tpu.vector_load_idx %arg12[%add3A_1032, %broadcast_in_dim3A_1003] : memref<64x128xf32, #tpu.memory_space<vmem>>[vector<16xi32>, vector<16xi32>], vector<16xf32>,
      %add3A_1034 = arith.constant 48 : i32
      %add3A_1035 = vector.broadcast %add3A_1034 : i32 to vector<16xi32>
      %add3A_1036 = arith.addi %add3A_1035, %iota3A : vector<16xi32>
      tpu.vector_store_idx %arg10[%broadcast_in_dim3A_1008, %add3A_1036], %gather3A_1033 : memref<64x64xf32, #tpu.memory_space<vmem>>[vector<16xi32>, vector<16xi32>], vector<16xf32>,
      %slice3A_1037 = vector.extract_strided_slice %get3A_33 {offsets = [8], sizes = [1], strides = [1]} : vector<16xi32> to vector<1xi32>
      %squeeze3A_1038 = vector.extract %slice3A_1037[0] : i32 from vector<1xi32>
      %shift_right_arithmetic3A_1039 = arith.constant 7 : i32
      %shift_right_arithmetic3A_1040 = arith.shrsi %squeeze3A_1038, %shift_right_arithmetic3A_1039 : i32
      %mul3A_1041 = arith.constant 128 : i32
      %mul3A_1042 = arith.muli %shift_right_arithmetic3A_1040, %mul3A_1041 : i32
      %multiple_of3A_1043 = tpu.assume_multiple %mul3A_1042, 128 : i32
      %dma_start3A_1044 = arith.constant 0 : i32
      %dma_start3A_1045 = tpu.memref_slice %arg4[%dma_start3A_1044, %multiple_of3A_1043] : memref<64x1000000xf32, #tpu.memory_space<hbm>> -> memref<64x128xf32, #tpu.memory_space<hbm>>
      %dma_start3A_1046 = arith.constant 0 : i32
      %dma_start3A_1047 = tpu.memref_slice %arg4[%dma_start3A_1046, %multiple_of3A_1043] : memref<64x1000000xf32, #tpu.memory_space<hbm>> -> memref<64x128xf32, #tpu.memory_space<hbm>>
      tpu.enqueue_dma source(%dma_start3A_1047 : memref<64x128xf32, #tpu.memory_space<hbm>>) target(%arg12 : memref<64x128xf32, #tpu.memory_space<vmem>>) target_semaphore(%arg20 : memref<!tpu.dma_semaphore, #tpu.memory_space<semaphore_mem>>)
      %dma_wait3A_1048 = arith.constant 0 : i32
      %dma_wait3A_1049 = arith.constant 0 : i32
      %dma_wait3A_1050 = tpu.memref_slice %arg4[%dma_wait3A_1048, %dma_wait3A_1049] : memref<64x1000000xf32, #tpu.memory_space<hbm>> -> memref<64x128xf32, #tpu.memory_space<hbm>>
      %dma_wait3A_1051 = arith.constant 0 : i32
      %dma_wait3A_1052 = arith.constant 0 : i32
      %dma_wait3A_1053 = tpu.memref_slice %arg4[%dma_wait3A_1051, %dma_wait3A_1052] : memref<64x1000000xf32, #tpu.memory_space<hbm>> -> memref<64x128xf32, #tpu.memory_space<hbm>>
      tpu.wait_dma2 semaphore(%arg21 : memref<!tpu.dma_semaphore, #tpu.memory_space<semaphore_mem>>) src(%dma_wait3A_1053 : memref<64x128xf32, #tpu.memory_space<hbm>>) dst(%arg13 : memref<64x128xf32, #tpu.memory_space<vmem>>)
      %slice3A_1054 = vector.extract_strided_slice %get3A_33 {offsets = [1], sizes = [1], strides = [1]} : vector<16xi32> to vector<1xi32>
      %squeeze3A_1055 = vector.extract %slice3A_1054[0] : i32 from vector<1xi32>
      %and3A_1056 = arith.constant 127 : i32
      %and3A_1057 = arith.andi %squeeze3A_1055, %and3A_1056 : i32
      %broadcast_in_dim3A_1058 = vector.broadcast %and3A_1057 : i32 to vector<16xi32>
      %mul3A_1059 = arith.constant 32 : i32
      %mul3A_1060 = arith.muli %scan3A_23, %mul3A_1059 : i32
      %add3A_1061 = arith.constant 17 : i32
      %add3A_1062 = arith.addi %mul3A_1060, %add3A_1061 : i32
      %broadcast_in_dim3A_1063 = vector.broadcast %add3A_1062 : i32 to vector<16xi32>
      %add3A_1064 = arith.constant 0 : i32
      %add3A_1065 = vector.broadcast %add3A_1064 : i32 to vector<16xi32>
      %add3A_1066 = arith.addi %add3A_1065, %iota3A : vector<16xi32>
      %gather3A_1067 = tpu.vector_load_idx %arg13[%add3A_1066, %broadcast_in_dim3A_1058] : memref<64x128xf32, #tpu.memory_space<vmem>>[vector<16xi32>, vector<16xi32>], vector<16xf32>,
      %add3A_1068 = arith.constant 0 : i32
      %add3A_1069 = vector.broadcast %add3A_1068 : i32 to vector<16xi32>
      %add3A_1070 = arith.addi %add3A_1069, %iota3A : vector<16xi32>
      tpu.vector_store_idx %arg10[%broadcast_in_dim3A_1063, %add3A_1070], %gather3A_1067 : memref<64x64xf32, #tpu.memory_space<vmem>>[vector<16xi32>, vector<16xi32>], vector<16xf32>,
      %add3A_1071 = arith.constant 16 : i32
      %add3A_1072 = vector.broadcast %add3A_1071 : i32 to vector<16xi32>
      %add3A_1073 = arith.addi %add3A_1072, %iota3A : vector<16xi32>
      %gather3A_1074 = tpu.vector_load_idx %arg13[%add3A_1073, %broadcast_in_dim3A_1058] : memref<64x128xf32, #tpu.memory_space<vmem>>[vector<16xi32>, vector<16xi32>], vector<16xf32>,
      %add3A_1075 = arith.constant 16 : i32
      %add3A_1076 = vector.broadcast %add3A_1075 : i32 to vector<16xi32>
      %add3A_1077 = arith.addi %add3A_1076, %iota3A : vector<16xi32>
      tpu.vector_store_idx %arg10[%broadcast_in_dim3A_1063, %add3A_1077], %gather3A_1074 : memref<64x64xf32, #tpu.memory_space<vmem>>[vector<16xi32>, vector<16xi32>], vector<16xf32>,
      %add3A_1078 = arith.constant 32 : i32
      %add3A_1079 = vector.broadcast %add3A_1078 : i32 to vector<16xi32>
      %add3A_1080 = arith.addi %add3A_1079, %iota3A : vector<16xi32>
      %gather3A_1081 = tpu.vector_load_idx %arg13[%add3A_1080, %broadcast_in_dim3A_1058] : memref<64x128xf32, #tpu.memory_space<vmem>>[vector<16xi32>, vector<16xi32>], vector<16xf32>,
      %add3A_1082 = arith.constant 32 : i32
      %add3A_1083 = vector.broadcast %add3A_1082 : i32 to vector<16xi32>
      %add3A_1084 = arith.addi %add3A_1083, %iota3A : vector<16xi32>
      tpu.vector_store_idx %arg10[%broadcast_in_dim3A_1063, %add3A_1084], %gather3A_1081 : memref<64x64xf32, #tpu.memory_space<vmem>>[vector<16xi32>, vector<16xi32>], vector<16xf32>,
      %add3A_1085 = arith.constant 48 : i32
      %add3A_1086 = vector.broadcast %add3A_1085 : i32 to vector<16xi32>
      %add3A_1087 = arith.addi %add3A_1086, %iota3A : vector<16xi32>
      %gather3A_1088 = tpu.vector_load_idx %arg13[%add3A_1087, %broadcast_in_dim3A_1058] : memref<64x128xf32, #tpu.memory_space<vmem>>[vector<16xi32>, vector<16xi32>], vector<16xf32>,
      %add3A_1089 = arith.constant 48 : i32
      %add3A_1090 = vector.broadcast %add3A_1089 : i32 to vector<16xi32>
      %add3A_1091 = arith.addi %add3A_1090, %iota3A : vector<16xi32>
      tpu.vector_store_idx %arg10[%broadcast_in_dim3A_1063, %add3A_1091], %gather3A_1088 : memref<64x64xf32, #tpu.memory_space<vmem>>[vector<16xi32>, vector<16xi32>], vector<16xf32>,
      %slice3A_1092 = vector.extract_strided_slice %get3A_33 {offsets = [9], sizes = [1], strides = [1]} : vector<16xi32> to vector<1xi32>
      %squeeze3A_1093 = vector.extract %slice3A_1092[0] : i32 from vector<1xi32>
      %shift_right_arithmetic3A_1094 = arith.constant 7 : i32
      %shift_right_arithmetic3A_1095 = arith.shrsi %squeeze3A_1093, %shift_right_arithmetic3A_1094 : i32
      %mul3A_1096 = arith.constant 128 : i32
      %mul3A_1097 = arith.muli %shift_right_arithmetic3A_1095, %mul3A_1096 : i32
      %multiple_of3A_1098 = tpu.assume_multiple %mul3A_1097, 128 : i32
      %dma_start3A_1099 = arith.constant 0 : i32
      %dma_start3A_1100 = tpu.memref_slice %arg4[%dma_start3A_1099, %multiple_of3A_1098] : memref<64x1000000xf32, #tpu.memory_space<hbm>> -> memref<64x128xf32, #tpu.memory_space<hbm>>
      %dma_start3A_1101 = arith.constant 0 : i32
      %dma_start3A_1102 = tpu.memref_slice %arg4[%dma_start3A_1101, %multiple_of3A_1098] : memref<64x1000000xf32, #tpu.memory_space<hbm>> -> memref<64x128xf32, #tpu.memory_space<hbm>>
      tpu.enqueue_dma source(%dma_start3A_1102 : memref<64x128xf32, #tpu.memory_space<hbm>>) target(%arg13 : memref<64x128xf32, #tpu.memory_space<vmem>>) target_semaphore(%arg21 : memref<!tpu.dma_semaphore, #tpu.memory_space<semaphore_mem>>)
      %dma_wait3A_1103 = arith.constant 0 : i32
      %dma_wait3A_1104 = arith.constant 0 : i32
      %dma_wait3A_1105 = tpu.memref_slice %arg4[%dma_wait3A_1103, %dma_wait3A_1104] : memref<64x1000000xf32, #tpu.memory_space<hbm>> -> memref<64x128xf32, #tpu.memory_space<hbm>>
      %dma_wait3A_1106 = arith.constant 0 : i32
      %dma_wait3A_1107 = arith.constant 0 : i32
      %dma_wait3A_1108 = tpu.memref_slice %arg4[%dma_wait3A_1106, %dma_wait3A_1107] : memref<64x1000000xf32, #tpu.memory_space<hbm>> -> memref<64x128xf32, #tpu.memory_space<hbm>>
      tpu.wait_dma2 semaphore(%arg22 : memref<!tpu.dma_semaphore, #tpu.memory_space<semaphore_mem>>) src(%dma_wait3A_1108 : memref<64x128xf32, #tpu.memory_space<hbm>>) dst(%arg14 : memref<64x128xf32, #tpu.memory_space<vmem>>)
      %slice3A_1109 = vector.extract_strided_slice %get3A_33 {offsets = [2], sizes = [1], strides = [1]} : vector<16xi32> to vector<1xi32>
      %squeeze3A_1110 = vector.extract %slice3A_1109[0] : i32 from vector<1xi32>
      %and3A_1111 = arith.constant 127 : i32
      %and3A_1112 = arith.andi %squeeze3A_1110, %and3A_1111 : i32
      %broadcast_in_dim3A_1113 = vector.broadcast %and3A_1112 : i32 to vector<16xi32>
      %mul3A_1114 = arith.constant 32 : i32
      %mul3A_1115 = arith.muli %scan3A_23, %mul3A_1114 : i32
      %add3A_1116 = arith.constant 18 : i32
      %add3A_1117 = arith.addi %mul3A_1115, %add3A_1116 : i32
      %broadcast_in_dim3A_1118 = vector.broadcast %add3A_1117 : i32 to vector<16xi32>
      %add3A_1119 = arith.constant 0 : i32
      %add3A_1120 = vector.broadcast %add3A_1119 : i32 to vector<16xi32>
      %add3A_1121 = arith.addi %add3A_1120, %iota3A : vector<16xi32>
      %gather3A_1122 = tpu.vector_load_idx %arg14[%add3A_1121, %broadcast_in_dim3A_1113] : memref<64x128xf32, #tpu.memory_space<vmem>>[vector<16xi32>, vector<16xi32>], vector<16xf32>,
      %add3A_1123 = arith.constant 0 : i32
      %add3A_1124 = vector.broadcast %add3A_1123 : i32 to vector<16xi32>
      %add3A_1125 = arith.addi %add3A_1124, %iota3A : vector<16xi32>
      tpu.vector_store_idx %arg10[%broadcast_in_dim3A_1118, %add3A_1125], %gather3A_1122 : memref<64x64xf32, #tpu.memory_space<vmem>>[vector<16xi32>, vector<16xi32>], vector<16xf32>,
      %add3A_1126 = arith.constant 16 : i32
      %add3A_1127 = vector.broadcast %add3A_1126 : i32 to vector<16xi32>
      %add3A_1128 = arith.addi %add3A_1127, %iota3A : vector<16xi32>
      %gather3A_1129 = tpu.vector_load_idx %arg14[%add3A_1128, %broadcast_in_dim3A_1113] : memref<64x128xf32, #tpu.memory_space<vmem>>[vector<16xi32>, vector<16xi32>], vector<16xf32>,
      %add3A_1130 = arith.constant 16 : i32
      %add3A_1131 = vector.broadcast %add3A_1130 : i32 to vector<16xi32>
      %add3A_1132 = arith.addi %add3A_1131, %iota3A : vector<16xi32>
      tpu.vector_store_idx %arg10[%broadcast_in_dim3A_1118, %add3A_1132], %gather3A_1129 : memref<64x64xf32, #tpu.memory_space<vmem>>[vector<16xi32>, vector<16xi32>], vector<16xf32>,
      %add3A_1133 = arith.constant 32 : i32
      %add3A_1134 = vector.broadcast %add3A_1133 : i32 to vector<16xi32>
      %add3A_1135 = arith.addi %add3A_1134, %iota3A : vector<16xi32>
      %gather3A_1136 = tpu.vector_load_idx %arg14[%add3A_1135, %broadcast_in_dim3A_1113] : memref<64x128xf32, #tpu.memory_space<vmem>>[vector<16xi32>, vector<16xi32>], vector<16xf32>,
      %add3A_1137 = arith.constant 32 : i32
      %add3A_1138 = vector.broadcast %add3A_1137 : i32 to vector<16xi32>
      %add3A_1139 = arith.addi %add3A_1138, %iota3A : vector<16xi32>
      tpu.vector_store_idx %arg10[%broadcast_in_dim3A_1118, %add3A_1139], %gather3A_1136 : memref<64x64xf32, #tpu.memory_space<vmem>>[vector<16xi32>, vector<16xi32>], vector<16xf32>,
      %add3A_1140 = arith.constant 48 : i32
      %add3A_1141 = vector.broadcast %add3A_1140 : i32 to vector<16xi32>
      %add3A_1142 = arith.addi %add3A_1141, %iota3A : vector<16xi32>
      %gather3A_1143 = tpu.vector_load_idx %arg14[%add3A_1142, %broadcast_in_dim3A_1113] : memref<64x128xf32, #tpu.memory_space<vmem>>[vector<16xi32>, vector<16xi32>], vector<16xf32>,
      %add3A_1144 = arith.constant 48 : i32
      %add3A_1145 = vector.broadcast %add3A_1144 : i32 to vector<16xi32>
      %add3A_1146 = arith.addi %add3A_1145, %iota3A : vector<16xi32>
      tpu.vector_store_idx %arg10[%broadcast_in_dim3A_1118, %add3A_1146], %gather3A_1143 : memref<64x64xf32, #tpu.memory_space<vmem>>[vector<16xi32>, vector<16xi32>], vector<16xf32>,
      %slice3A_1147 = vector.extract_strided_slice %get3A_33 {offsets = [10], sizes = [1], strides = [1]} : vector<16xi32> to vector<1xi32>
      %squeeze3A_1148 = vector.extract %slice3A_1147[0] : i32 from vector<1xi32>
      %shift_right_arithmetic3A_1149 = arith.constant 7 : i32
      %shift_right_arithmetic3A_1150 = arith.shrsi %squeeze3A_1148, %shift_right_arithmetic3A_1149 : i32
      %mul3A_1151 = arith.constant 128 : i32
      %mul3A_1152 = arith.muli %shift_right_arithmetic3A_1150, %mul3A_1151 : i32
      %multiple_of3A_1153 = tpu.assume_multiple %mul3A_1152, 128 : i32
      %dma_start3A_1154 = arith.constant 0 : i32
      %dma_start3A_1155 = tpu.memref_slice %arg4[%dma_start3A_1154, %multiple_of3A_1153] : memref<64x1000000xf32, #tpu.memory_space<hbm>> -> memref<64x128xf32, #tpu.memory_space<hbm>>
      %dma_start3A_1156 = arith.constant 0 : i32
      %dma_start3A_1157 = tpu.memref_slice %arg4[%dma_start3A_1156, %multiple_of3A_1153] : memref<64x1000000xf32, #tpu.memory_space<hbm>> -> memref<64x128xf32, #tpu.memory_space<hbm>>
      tpu.enqueue_dma source(%dma_start3A_1157 : memref<64x128xf32, #tpu.memory_space<hbm>>) target(%arg14 : memref<64x128xf32, #tpu.memory_space<vmem>>) target_semaphore(%arg22 : memref<!tpu.dma_semaphore, #tpu.memory_space<semaphore_mem>>)
      %dma_wait3A_1158 = arith.constant 0 : i32
      %dma_wait3A_1159 = arith.constant 0 : i32
      %dma_wait3A_1160 = tpu.memref_slice %arg4[%dma_wait3A_1158, %dma_wait3A_1159] : memref<64x1000000xf32, #tpu.memory_space<hbm>> -> memref<64x128xf32, #tpu.memory_space<hbm>>
      %dma_wait3A_1161 = arith.constant 0 : i32
      %dma_wait3A_1162 = arith.constant 0 : i32
      %dma_wait3A_1163 = tpu.memref_slice %arg4[%dma_wait3A_1161, %dma_wait3A_1162] : memref<64x1000000xf32, #tpu.memory_space<hbm>> -> memref<64x128xf32, #tpu.memory_space<hbm>>
      tpu.wait_dma2 semaphore(%arg23 : memref<!tpu.dma_semaphore, #tpu.memory_space<semaphore_mem>>) src(%dma_wait3A_1163 : memref<64x128xf32, #tpu.memory_space<hbm>>) dst(%arg15 : memref<64x128xf32, #tpu.memory_space<vmem>>)
      %slice3A_1164 = vector.extract_strided_slice %get3A_33 {offsets = [3], sizes = [1], strides = [1]} : vector<16xi32> to vector<1xi32>
      %squeeze3A_1165 = vector.extract %slice3A_1164[0] : i32 from vector<1xi32>
      %and3A_1166 = arith.constant 127 : i32
      %and3A_1167 = arith.andi %squeeze3A_1165, %and3A_1166 : i32
      %broadcast_in_dim3A_1168 = vector.broadcast %and3A_1167 : i32 to vector<16xi32>
      %mul3A_1169 = arith.constant 32 : i32
      %mul3A_1170 = arith.muli %scan3A_23, %mul3A_1169 : i32
      %add3A_1171 = arith.constant 19 : i32
      %add3A_1172 = arith.addi %mul3A_1170, %add3A_1171 : i32
      %broadcast_in_dim3A_1173 = vector.broadcast %add3A_1172 : i32 to vector<16xi32>
      %add3A_1174 = arith.constant 0 : i32
      %add3A_1175 = vector.broadcast %add3A_1174 : i32 to vector<16xi32>
      %add3A_1176 = arith.addi %add3A_1175, %iota3A : vector<16xi32>
      %gather3A_1177 = tpu.vector_load_idx %arg15[%add3A_1176, %broadcast_in_dim3A_1168] : memref<64x128xf32, #tpu.memory_space<vmem>>[vector<16xi32>, vector<16xi32>], vector<16xf32>,
      %add3A_1178 = arith.constant 0 : i32
      %add3A_1179 = vector.broadcast %add3A_1178 : i32 to vector<16xi32>
      %add3A_1180 = arith.addi %add3A_1179, %iota3A : vector<16xi32>
      tpu.vector_store_idx %arg10[%broadcast_in_dim3A_1173, %add3A_1180], %gather3A_1177 : memref<64x64xf32, #tpu.memory_space<vmem>>[vector<16xi32>, vector<16xi32>], vector<16xf32>,
      %add3A_1181 = arith.constant 16 : i32
      %add3A_1182 = vector.broadcast %add3A_1181 : i32 to vector<16xi32>
      %add3A_1183 = arith.addi %add3A_1182, %iota3A : vector<16xi32>
      %gather3A_1184 = tpu.vector_load_idx %arg15[%add3A_1183, %broadcast_in_dim3A_1168] : memref<64x128xf32, #tpu.memory_space<vmem>>[vector<16xi32>, vector<16xi32>], vector<16xf32>,
      %add3A_1185 = arith.constant 16 : i32
      %add3A_1186 = vector.broadcast %add3A_1185 : i32 to vector<16xi32>
      %add3A_1187 = arith.addi %add3A_1186, %iota3A : vector<16xi32>
      tpu.vector_store_idx %arg10[%broadcast_in_dim3A_1173, %add3A_1187], %gather3A_1184 : memref<64x64xf32, #tpu.memory_space<vmem>>[vector<16xi32>, vector<16xi32>], vector<16xf32>,
      %add3A_1188 = arith.constant 32 : i32
      %add3A_1189 = vector.broadcast %add3A_1188 : i32 to vector<16xi32>
      %add3A_1190 = arith.addi %add3A_1189, %iota3A : vector<16xi32>
      %gather3A_1191 = tpu.vector_load_idx %arg15[%add3A_1190, %broadcast_in_dim3A_1168] : memref<64x128xf32, #tpu.memory_space<vmem>>[vector<16xi32>, vector<16xi32>], vector<16xf32>,
      %add3A_1192 = arith.constant 32 : i32
      %add3A_1193 = vector.broadcast %add3A_1192 : i32 to vector<16xi32>
      %add3A_1194 = arith.addi %add3A_1193, %iota3A : vector<16xi32>
      tpu.vector_store_idx %arg10[%broadcast_in_dim3A_1173, %add3A_1194], %gather3A_1191 : memref<64x64xf32, #tpu.memory_space<vmem>>[vector<16xi32>, vector<16xi32>], vector<16xf32>,
      %add3A_1195 = arith.constant 48 : i32
      %add3A_1196 = vector.broadcast %add3A_1195 : i32 to vector<16xi32>
      %add3A_1197 = arith.addi %add3A_1196, %iota3A : vector<16xi32>
      %gather3A_1198 = tpu.vector_load_idx %arg15[%add3A_1197, %broadcast_in_dim3A_1168] : memref<64x128xf32, #tpu.memory_space<vmem>>[vector<16xi32>, vector<16xi32>], vector<16xf32>,
      %add3A_1199 = arith.constant 48 : i32
      %add3A_1200 = vector.broadcast %add3A_1199 : i32 to vector<16xi32>
      %add3A_1201 = arith.addi %add3A_1200, %iota3A : vector<16xi32>
      tpu.vector_store_idx %arg10[%broadcast_in_dim3A_1173, %add3A_1201], %gather3A_1198 : memref<64x64xf32, #tpu.memory_space<vmem>>[vector<16xi32>, vector<16xi32>], vector<16xf32>,
      %slice3A_1202 = vector.extract_strided_slice %get3A_33 {offsets = [11], sizes = [1], strides = [1]} : vector<16xi32> to vector<1xi32>
      %squeeze3A_1203 = vector.extract %slice3A_1202[0] : i32 from vector<1xi32>
      %shift_right_arithmetic3A_1204 = arith.constant 7 : i32
      %shift_right_arithmetic3A_1205 = arith.shrsi %squeeze3A_1203, %shift_right_arithmetic3A_1204 : i32
      %mul3A_1206 = arith.constant 128 : i32
      %mul3A_1207 = arith.muli %shift_right_arithmetic3A_1205, %mul3A_1206 : i32
      %multiple_of3A_1208 = tpu.assume_multiple %mul3A_1207, 128 : i32
      %dma_start3A_1209 = arith.constant 0 : i32
      %dma_start3A_1210 = tpu.memref_slice %arg4[%dma_start3A_1209, %multiple_of3A_1208] : memref<64x1000000xf32, #tpu.memory_space<hbm>> -> memref<64x128xf32, #tpu.memory_space<hbm>>
      %dma_start3A_1211 = arith.constant 0 : i32
      %dma_start3A_1212 = tpu.memref_slice %arg4[%dma_start3A_1211, %multiple_of3A_1208] : memref<64x1000000xf32, #tpu.memory_space<hbm>> -> memref<64x128xf32, #tpu.memory_space<hbm>>
      tpu.enqueue_dma source(%dma_start3A_1212 : memref<64x128xf32, #tpu.memory_space<hbm>>) target(%arg15 : memref<64x128xf32, #tpu.memory_space<vmem>>) target_semaphore(%arg23 : memref<!tpu.dma_semaphore, #tpu.memory_space<semaphore_mem>>)
      %dma_wait3A_1213 = arith.constant 0 : i32
      %dma_wait3A_1214 = arith.constant 0 : i32
      %dma_wait3A_1215 = tpu.memref_slice %arg4[%dma_wait3A_1213, %dma_wait3A_1214] : memref<64x1000000xf32, #tpu.memory_space<hbm>> -> memref<64x128xf32, #tpu.memory_space<hbm>>
      %dma_wait3A_1216 = arith.constant 0 : i32
      %dma_wait3A_1217 = arith.constant 0 : i32
      %dma_wait3A_1218 = tpu.memref_slice %arg4[%dma_wait3A_1216, %dma_wait3A_1217] : memref<64x1000000xf32, #tpu.memory_space<hbm>> -> memref<64x128xf32, #tpu.memory_space<hbm>>
      tpu.wait_dma2 semaphore(%arg24 : memref<!tpu.dma_semaphore, #tpu.memory_space<semaphore_mem>>) src(%dma_wait3A_1218 : memref<64x128xf32, #tpu.memory_space<hbm>>) dst(%arg16 : memref<64x128xf32, #tpu.memory_space<vmem>>)
      %slice3A_1219 = vector.extract_strided_slice %get3A_33 {offsets = [4], sizes = [1], strides = [1]} : vector<16xi32> to vector<1xi32>
      %squeeze3A_1220 = vector.extract %slice3A_1219[0] : i32 from vector<1xi32>
      %and3A_1221 = arith.constant 127 : i32
      %and3A_1222 = arith.andi %squeeze3A_1220, %and3A_1221 : i32
      %broadcast_in_dim3A_1223 = vector.broadcast %and3A_1222 : i32 to vector<16xi32>
      %mul3A_1224 = arith.constant 32 : i32
      %mul3A_1225 = arith.muli %scan3A_23, %mul3A_1224 : i32
      %add3A_1226 = arith.constant 20 : i32
      %add3A_1227 = arith.addi %mul3A_1225, %add3A_1226 : i32
      %broadcast_in_dim3A_1228 = vector.broadcast %add3A_1227 : i32 to vector<16xi32>
      %add3A_1229 = arith.constant 0 : i32
      %add3A_1230 = vector.broadcast %add3A_1229 : i32 to vector<16xi32>
      %add3A_1231 = arith.addi %add3A_1230, %iota3A : vector<16xi32>
      %gather3A_1232 = tpu.vector_load_idx %arg16[%add3A_1231, %broadcast_in_dim3A_1223] : memref<64x128xf32, #tpu.memory_space<vmem>>[vector<16xi32>, vector<16xi32>], vector<16xf32>,
      %add3A_1233 = arith.constant 0 : i32
      %add3A_1234 = vector.broadcast %add3A_1233 : i32 to vector<16xi32>
      %add3A_1235 = arith.addi %add3A_1234, %iota3A : vector<16xi32>
      tpu.vector_store_idx %arg10[%broadcast_in_dim3A_1228, %add3A_1235], %gather3A_1232 : memref<64x64xf32, #tpu.memory_space<vmem>>[vector<16xi32>, vector<16xi32>], vector<16xf32>,
      %add3A_1236 = arith.constant 16 : i32
      %add3A_1237 = vector.broadcast %add3A_1236 : i32 to vector<16xi32>
      %add3A_1238 = arith.addi %add3A_1237, %iota3A : vector<16xi32>
      %gather3A_1239 = tpu.vector_load_idx %arg16[%add3A_1238, %broadcast_in_dim3A_1223] : memref<64x128xf32, #tpu.memory_space<vmem>>[vector<16xi32>, vector<16xi32>], vector<16xf32>,
      %add3A_1240 = arith.constant 16 : i32
      %add3A_1241 = vector.broadcast %add3A_1240 : i32 to vector<16xi32>
      %add3A_1242 = arith.addi %add3A_1241, %iota3A : vector<16xi32>
      tpu.vector_store_idx %arg10[%broadcast_in_dim3A_1228, %add3A_1242], %gather3A_1239 : memref<64x64xf32, #tpu.memory_space<vmem>>[vector<16xi32>, vector<16xi32>], vector<16xf32>,
      %add3A_1243 = arith.constant 32 : i32
      %add3A_1244 = vector.broadcast %add3A_1243 : i32 to vector<16xi32>
      %add3A_1245 = arith.addi %add3A_1244, %iota3A : vector<16xi32>
      %gather3A_1246 = tpu.vector_load_idx %arg16[%add3A_1245, %broadcast_in_dim3A_1223] : memref<64x128xf32, #tpu.memory_space<vmem>>[vector<16xi32>, vector<16xi32>], vector<16xf32>,
      %add3A_1247 = arith.constant 32 : i32
      %add3A_1248 = vector.broadcast %add3A_1247 : i32 to vector<16xi32>
      %add3A_1249 = arith.addi %add3A_1248, %iota3A : vector<16xi32>
      tpu.vector_store_idx %arg10[%broadcast_in_dim3A_1228, %add3A_1249], %gather3A_1246 : memref<64x64xf32, #tpu.memory_space<vmem>>[vector<16xi32>, vector<16xi32>], vector<16xf32>,
      %add3A_1250 = arith.constant 48 : i32
      %add3A_1251 = vector.broadcast %add3A_1250 : i32 to vector<16xi32>
      %add3A_1252 = arith.addi %add3A_1251, %iota3A : vector<16xi32>
      %gather3A_1253 = tpu.vector_load_idx %arg16[%add3A_1252, %broadcast_in_dim3A_1223] : memref<64x128xf32, #tpu.memory_space<vmem>>[vector<16xi32>, vector<16xi32>], vector<16xf32>,
      %add3A_1254 = arith.constant 48 : i32
      %add3A_1255 = vector.broadcast %add3A_1254 : i32 to vector<16xi32>
      %add3A_1256 = arith.addi %add3A_1255, %iota3A : vector<16xi32>
      tpu.vector_store_idx %arg10[%broadcast_in_dim3A_1228, %add3A_1256], %gather3A_1253 : memref<64x64xf32, #tpu.memory_space<vmem>>[vector<16xi32>, vector<16xi32>], vector<16xf32>,
      %slice3A_1257 = vector.extract_strided_slice %get3A_33 {offsets = [12], sizes = [1], strides = [1]} : vector<16xi32> to vector<1xi32>
      %squeeze3A_1258 = vector.extract %slice3A_1257[0] : i32 from vector<1xi32>
      %shift_right_arithmetic3A_1259 = arith.constant 7 : i32
      %shift_right_arithmetic3A_1260 = arith.shrsi %squeeze3A_1258, %shift_right_arithmetic3A_1259 : i32
      %mul3A_1261 = arith.constant 128 : i32
      %mul3A_1262 = arith.muli %shift_right_arithmetic3A_1260, %mul3A_1261 : i32
      %multiple_of3A_1263 = tpu.assume_multiple %mul3A_1262, 128 : i32
      %dma_start3A_1264 = arith.constant 0 : i32
      %dma_start3A_1265 = tpu.memref_slice %arg4[%dma_start3A_1264, %multiple_of3A_1263] : memref<64x1000000xf32, #tpu.memory_space<hbm>> -> memref<64x128xf32, #tpu.memory_space<hbm>>
      %dma_start3A_1266 = arith.constant 0 : i32
      %dma_start3A_1267 = tpu.memref_slice %arg4[%dma_start3A_1266, %multiple_of3A_1263] : memref<64x1000000xf32, #tpu.memory_space<hbm>> -> memref<64x128xf32, #tpu.memory_space<hbm>>
      tpu.enqueue_dma source(%dma_start3A_1267 : memref<64x128xf32, #tpu.memory_space<hbm>>) target(%arg16 : memref<64x128xf32, #tpu.memory_space<vmem>>) target_semaphore(%arg24 : memref<!tpu.dma_semaphore, #tpu.memory_space<semaphore_mem>>)
      %dma_wait3A_1268 = arith.constant 0 : i32
      %dma_wait3A_1269 = arith.constant 0 : i32
      %dma_wait3A_1270 = tpu.memref_slice %arg4[%dma_wait3A_1268, %dma_wait3A_1269] : memref<64x1000000xf32, #tpu.memory_space<hbm>> -> memref<64x128xf32, #tpu.memory_space<hbm>>
      %dma_wait3A_1271 = arith.constant 0 : i32
      %dma_wait3A_1272 = arith.constant 0 : i32
      %dma_wait3A_1273 = tpu.memref_slice %arg4[%dma_wait3A_1271, %dma_wait3A_1272] : memref<64x1000000xf32, #tpu.memory_space<hbm>> -> memref<64x128xf32, #tpu.memory_space<hbm>>
      tpu.wait_dma2 semaphore(%arg25 : memref<!tpu.dma_semaphore, #tpu.memory_space<semaphore_mem>>) src(%dma_wait3A_1273 : memref<64x128xf32, #tpu.memory_space<hbm>>) dst(%arg17 : memref<64x128xf32, #tpu.memory_space<vmem>>)
      %slice3A_1274 = vector.extract_strided_slice %get3A_33 {offsets = [5], sizes = [1], strides = [1]} : vector<16xi32> to vector<1xi32>
      %squeeze3A_1275 = vector.extract %slice3A_1274[0] : i32 from vector<1xi32>
      %and3A_1276 = arith.constant 127 : i32
      %and3A_1277 = arith.andi %squeeze3A_1275, %and3A_1276 : i32
      %broadcast_in_dim3A_1278 = vector.broadcast %and3A_1277 : i32 to vector<16xi32>
      %mul3A_1279 = arith.constant 32 : i32
      %mul3A_1280 = arith.muli %scan3A_23, %mul3A_1279 : i32
      %add3A_1281 = arith.constant 21 : i32
      %add3A_1282 = arith.addi %mul3A_1280, %add3A_1281 : i32
      %broadcast_in_dim3A_1283 = vector.broadcast %add3A_1282 : i32 to vector<16xi32>
      %add3A_1284 = arith.constant 0 : i32
      %add3A_1285 = vector.broadcast %add3A_1284 : i32 to vector<16xi32>
      %add3A_1286 = arith.addi %add3A_1285, %iota3A : vector<16xi32>
      %gather3A_1287 = tpu.vector_load_idx %arg17[%add3A_1286, %broadcast_in_dim3A_1278] : memref<64x128xf32, #tpu.memory_space<vmem>>[vector<16xi32>, vector<16xi32>], vector<16xf32>,
      %add3A_1288 = arith.constant 0 : i32
      %add3A_1289 = vector.broadcast %add3A_1288 : i32 to vector<16xi32>
      %add3A_1290 = arith.addi %add3A_1289, %iota3A : vector<16xi32>
      tpu.vector_store_idx %arg10[%broadcast_in_dim3A_1283, %add3A_1290], %gather3A_1287 : memref<64x64xf32, #tpu.memory_space<vmem>>[vector<16xi32>, vector<16xi32>], vector<16xf32>,
      %add3A_1291 = arith.constant 16 : i32
      %add3A_1292 = vector.broadcast %add3A_1291 : i32 to vector<16xi32>
      %add3A_1293 = arith.addi %add3A_1292, %iota3A : vector<16xi32>
      %gather3A_1294 = tpu.vector_load_idx %arg17[%add3A_1293, %broadcast_in_dim3A_1278] : memref<64x128xf32, #tpu.memory_space<vmem>>[vector<16xi32>, vector<16xi32>], vector<16xf32>,
      %add3A_1295 = arith.constant 16 : i32
      %add3A_1296 = vector.broadcast %add3A_1295 : i32 to vector<16xi32>
      %add3A_1297 = arith.addi %add3A_1296, %iota3A : vector<16xi32>
      tpu.vector_store_idx %arg10[%broadcast_in_dim3A_1283, %add3A_1297], %gather3A_1294 : memref<64x64xf32, #tpu.memory_space<vmem>>[vector<16xi32>, vector<16xi32>], vector<16xf32>,
      %add3A_1298 = arith.constant 32 : i32
      %add3A_1299 = vector.broadcast %add3A_1298 : i32 to vector<16xi32>
      %add3A_1300 = arith.addi %add3A_1299, %iota3A : vector<16xi32>
      %gather3A_1301 = tpu.vector_load_idx %arg17[%add3A_1300, %broadcast_in_dim3A_1278] : memref<64x128xf32, #tpu.memory_space<vmem>>[vector<16xi32>, vector<16xi32>], vector<16xf32>,
      %add3A_1302 = arith.constant 32 : i32
      %add3A_1303 = vector.broadcast %add3A_1302 : i32 to vector<16xi32>
      %add3A_1304 = arith.addi %add3A_1303, %iota3A : vector<16xi32>
      tpu.vector_store_idx %arg10[%broadcast_in_dim3A_1283, %add3A_1304], %gather3A_1301 : memref<64x64xf32, #tpu.memory_space<vmem>>[vector<16xi32>, vector<16xi32>], vector<16xf32>,
      %add3A_1305 = arith.constant 48 : i32
      %add3A_1306 = vector.broadcast %add3A_1305 : i32 to vector<16xi32>
      %add3A_1307 = arith.addi %add3A_1306, %iota3A : vector<16xi32>
      %gather3A_1308 = tpu.vector_load_idx %arg17[%add3A_1307, %broadcast_in_dim3A_1278] : memref<64x128xf32, #tpu.memory_space<vmem>>[vector<16xi32>, vector<16xi32>], vector<16xf32>,
      %add3A_1309 = arith.constant 48 : i32
      %add3A_1310 = vector.broadcast %add3A_1309 : i32 to vector<16xi32>
      %add3A_1311 = arith.addi %add3A_1310, %iota3A : vector<16xi32>
      tpu.vector_store_idx %arg10[%broadcast_in_dim3A_1283, %add3A_1311], %gather3A_1308 : memref<64x64xf32, #tpu.memory_space<vmem>>[vector<16xi32>, vector<16xi32>], vector<16xf32>,
      %slice3A_1312 = vector.extract_strided_slice %get3A_33 {offsets = [13], sizes = [1], strides = [1]} : vector<16xi32> to vector<1xi32>
      %squeeze3A_1313 = vector.extract %slice3A_1312[0] : i32 from vector<1xi32>
      %shift_right_arithmetic3A_1314 = arith.constant 7 : i32
      %shift_right_arithmetic3A_1315 = arith.shrsi %squeeze3A_1313, %shift_right_arithmetic3A_1314 : i32
      %mul3A_1316 = arith.constant 128 : i32
      %mul3A_1317 = arith.muli %shift_right_arithmetic3A_1315, %mul3A_1316 : i32
      %multiple_of3A_1318 = tpu.assume_multiple %mul3A_1317, 128 : i32
      %dma_start3A_1319 = arith.constant 0 : i32
      %dma_start3A_1320 = tpu.memref_slice %arg4[%dma_start3A_1319, %multiple_of3A_1318] : memref<64x1000000xf32, #tpu.memory_space<hbm>> -> memref<64x128xf32, #tpu.memory_space<hbm>>
      %dma_start3A_1321 = arith.constant 0 : i32
      %dma_start3A_1322 = tpu.memref_slice %arg4[%dma_start3A_1321, %multiple_of3A_1318] : memref<64x1000000xf32, #tpu.memory_space<hbm>> -> memref<64x128xf32, #tpu.memory_space<hbm>>
      tpu.enqueue_dma source(%dma_start3A_1322 : memref<64x128xf32, #tpu.memory_space<hbm>>) target(%arg17 : memref<64x128xf32, #tpu.memory_space<vmem>>) target_semaphore(%arg25 : memref<!tpu.dma_semaphore, #tpu.memory_space<semaphore_mem>>)
      %dma_wait3A_1323 = arith.constant 0 : i32
      %dma_wait3A_1324 = arith.constant 0 : i32
      %dma_wait3A_1325 = tpu.memref_slice %arg4[%dma_wait3A_1323, %dma_wait3A_1324] : memref<64x1000000xf32, #tpu.memory_space<hbm>> -> memref<64x128xf32, #tpu.memory_space<hbm>>
      %dma_wait3A_1326 = arith.constant 0 : i32
      %dma_wait3A_1327 = arith.constant 0 : i32
      %dma_wait3A_1328 = tpu.memref_slice %arg4[%dma_wait3A_1326, %dma_wait3A_1327] : memref<64x1000000xf32, #tpu.memory_space<hbm>> -> memref<64x128xf32, #tpu.memory_space<hbm>>
      tpu.wait_dma2 semaphore(%arg26 : memref<!tpu.dma_semaphore, #tpu.memory_space<semaphore_mem>>) src(%dma_wait3A_1328 : memref<64x128xf32, #tpu.memory_space<hbm>>) dst(%arg18 : memref<64x128xf32, #tpu.memory_space<vmem>>)
      %slice3A_1329 = vector.extract_strided_slice %get3A_33 {offsets = [6], sizes = [1], strides = [1]} : vector<16xi32> to vector<1xi32>
      %squeeze3A_1330 = vector.extract %slice3A_1329[0] : i32 from vector<1xi32>
      %and3A_1331 = arith.constant 127 : i32
      %and3A_1332 = arith.andi %squeeze3A_1330, %and3A_1331 : i32
      %broadcast_in_dim3A_1333 = vector.broadcast %and3A_1332 : i32 to vector<16xi32>
      %mul3A_1334 = arith.constant 32 : i32
      %mul3A_1335 = arith.muli %scan3A_23, %mul3A_1334 : i32
      %add3A_1336 = arith.constant 22 : i32
      %add3A_1337 = arith.addi %mul3A_1335, %add3A_1336 : i32
      %broadcast_in_dim3A_1338 = vector.broadcast %add3A_1337 : i32 to vector<16xi32>
      %add3A_1339 = arith.constant 0 : i32
      %add3A_1340 = vector.broadcast %add3A_1339 : i32 to vector<16xi32>
      %add3A_1341 = arith.addi %add3A_1340, %iota3A : vector<16xi32>
      %gather3A_1342 = tpu.vector_load_idx %arg18[%add3A_1341, %broadcast_in_dim3A_1333] : memref<64x128xf32, #tpu.memory_space<vmem>>[vector<16xi32>, vector<16xi32>], vector<16xf32>,
      %add3A_1343 = arith.constant 0 : i32
      %add3A_1344 = vector.broadcast %add3A_1343 : i32 to vector<16xi32>
      %add3A_1345 = arith.addi %add3A_1344, %iota3A : vector<16xi32>
      tpu.vector_store_idx %arg10[%broadcast_in_dim3A_1338, %add3A_1345], %gather3A_1342 : memref<64x64xf32, #tpu.memory_space<vmem>>[vector<16xi32>, vector<16xi32>], vector<16xf32>,
      %add3A_1346 = arith.constant 16 : i32
      %add3A_1347 = vector.broadcast %add3A_1346 : i32 to vector<16xi32>
      %add3A_1348 = arith.addi %add3A_1347, %iota3A : vector<16xi32>
      %gather3A_1349 = tpu.vector_load_idx %arg18[%add3A_1348, %broadcast_in_dim3A_1333] : memref<64x128xf32, #tpu.memory_space<vmem>>[vector<16xi32>, vector<16xi32>], vector<16xf32>,
      %add3A_1350 = arith.constant 16 : i32
      %add3A_1351 = vector.broadcast %add3A_1350 : i32 to vector<16xi32>
      %add3A_1352 = arith.addi %add3A_1351, %iota3A : vector<16xi32>
      tpu.vector_store_idx %arg10[%broadcast_in_dim3A_1338, %add3A_1352], %gather3A_1349 : memref<64x64xf32, #tpu.memory_space<vmem>>[vector<16xi32>, vector<16xi32>], vector<16xf32>,
      %add3A_1353 = arith.constant 32 : i32
      %add3A_1354 = vector.broadcast %add3A_1353 : i32 to vector<16xi32>
      %add3A_1355 = arith.addi %add3A_1354, %iota3A : vector<16xi32>
      %gather3A_1356 = tpu.vector_load_idx %arg18[%add3A_1355, %broadcast_in_dim3A_1333] : memref<64x128xf32, #tpu.memory_space<vmem>>[vector<16xi32>, vector<16xi32>], vector<16xf32>,
      %add3A_1357 = arith.constant 32 : i32
      %add3A_1358 = vector.broadcast %add3A_1357 : i32 to vector<16xi32>
      %add3A_1359 = arith.addi %add3A_1358, %iota3A : vector<16xi32>
      tpu.vector_store_idx %arg10[%broadcast_in_dim3A_1338, %add3A_1359], %gather3A_1356 : memref<64x64xf32, #tpu.memory_space<vmem>>[vector<16xi32>, vector<16xi32>], vector<16xf32>,
      %add3A_1360 = arith.constant 48 : i32
      %add3A_1361 = vector.broadcast %add3A_1360 : i32 to vector<16xi32>
      %add3A_1362 = arith.addi %add3A_1361, %iota3A : vector<16xi32>
      %gather3A_1363 = tpu.vector_load_idx %arg18[%add3A_1362, %broadcast_in_dim3A_1333] : memref<64x128xf32, #tpu.memory_space<vmem>>[vector<16xi32>, vector<16xi32>], vector<16xf32>,
      %add3A_1364 = arith.constant 48 : i32
      %add3A_1365 = vector.broadcast %add3A_1364 : i32 to vector<16xi32>
      %add3A_1366 = arith.addi %add3A_1365, %iota3A : vector<16xi32>
      tpu.vector_store_idx %arg10[%broadcast_in_dim3A_1338, %add3A_1366], %gather3A_1363 : memref<64x64xf32, #tpu.memory_space<vmem>>[vector<16xi32>, vector<16xi32>], vector<16xf32>,
      %slice3A_1367 = vector.extract_strided_slice %get3A_33 {offsets = [14], sizes = [1], strides = [1]} : vector<16xi32> to vector<1xi32>
      %squeeze3A_1368 = vector.extract %slice3A_1367[0] : i32 from vector<1xi32>
      %shift_right_arithmetic3A_1369 = arith.constant 7 : i32
      %shift_right_arithmetic3A_1370 = arith.shrsi %squeeze3A_1368, %shift_right_arithmetic3A_1369 : i32
      %mul3A_1371 = arith.constant 128 : i32
      %mul3A_1372 = arith.muli %shift_right_arithmetic3A_1370, %mul3A_1371 : i32
      %multiple_of3A_1373 = tpu.assume_multiple %mul3A_1372, 128 : i32
      %dma_start3A_1374 = arith.constant 0 : i32
      %dma_start3A_1375 = tpu.memref_slice %arg4[%dma_start3A_1374, %multiple_of3A_1373] : memref<64x1000000xf32, #tpu.memory_space<hbm>> -> memref<64x128xf32, #tpu.memory_space<hbm>>
      %dma_start3A_1376 = arith.constant 0 : i32
      %dma_start3A_1377 = tpu.memref_slice %arg4[%dma_start3A_1376, %multiple_of3A_1373] : memref<64x1000000xf32, #tpu.memory_space<hbm>> -> memref<64x128xf32, #tpu.memory_space<hbm>>
      tpu.enqueue_dma source(%dma_start3A_1377 : memref<64x128xf32, #tpu.memory_space<hbm>>) target(%arg18 : memref<64x128xf32, #tpu.memory_space<vmem>>) target_semaphore(%arg26 : memref<!tpu.dma_semaphore, #tpu.memory_space<semaphore_mem>>)
      %dma_wait3A_1378 = arith.constant 0 : i32
      %dma_wait3A_1379 = arith.constant 0 : i32
      %dma_wait3A_1380 = tpu.memref_slice %arg4[%dma_wait3A_1378, %dma_wait3A_1379] : memref<64x1000000xf32, #tpu.memory_space<hbm>> -> memref<64x128xf32, #tpu.memory_space<hbm>>
      %dma_wait3A_1381 = arith.constant 0 : i32
      %dma_wait3A_1382 = arith.constant 0 : i32
      %dma_wait3A_1383 = tpu.memref_slice %arg4[%dma_wait3A_1381, %dma_wait3A_1382] : memref<64x1000000xf32, #tpu.memory_space<hbm>> -> memref<64x128xf32, #tpu.memory_space<hbm>>
      tpu.wait_dma2 semaphore(%arg27 : memref<!tpu.dma_semaphore, #tpu.memory_space<semaphore_mem>>) src(%dma_wait3A_1383 : memref<64x128xf32, #tpu.memory_space<hbm>>) dst(%arg19 : memref<64x128xf32, #tpu.memory_space<vmem>>)
      %slice3A_1384 = vector.extract_strided_slice %get3A_33 {offsets = [7], sizes = [1], strides = [1]} : vector<16xi32> to vector<1xi32>
      %squeeze3A_1385 = vector.extract %slice3A_1384[0] : i32 from vector<1xi32>
      %and3A_1386 = arith.constant 127 : i32
      %and3A_1387 = arith.andi %squeeze3A_1385, %and3A_1386 : i32
      %broadcast_in_dim3A_1388 = vector.broadcast %and3A_1387 : i32 to vector<16xi32>
      %mul3A_1389 = arith.constant 32 : i32
      %mul3A_1390 = arith.muli %scan3A_23, %mul3A_1389 : i32
      %add3A_1391 = arith.constant 23 : i32
      %add3A_1392 = arith.addi %mul3A_1390, %add3A_1391 : i32
      %broadcast_in_dim3A_1393 = vector.broadcast %add3A_1392 : i32 to vector<16xi32>
      %add3A_1394 = arith.constant 0 : i32
      %add3A_1395 = vector.broadcast %add3A_1394 : i32 to vector<16xi32>
      %add3A_1396 = arith.addi %add3A_1395, %iota3A : vector<16xi32>
      %gather3A_1397 = tpu.vector_load_idx %arg19[%add3A_1396, %broadcast_in_dim3A_1388] : memref<64x128xf32, #tpu.memory_space<vmem>>[vector<16xi32>, vector<16xi32>], vector<16xf32>,
      %add3A_1398 = arith.constant 0 : i32
      %add3A_1399 = vector.broadcast %add3A_1398 : i32 to vector<16xi32>
      %add3A_1400 = arith.addi %add3A_1399, %iota3A : vector<16xi32>
      tpu.vector_store_idx %arg10[%broadcast_in_dim3A_1393, %add3A_1400], %gather3A_1397 : memref<64x64xf32, #tpu.memory_space<vmem>>[vector<16xi32>, vector<16xi32>], vector<16xf32>,
      %add3A_1401 = arith.constant 16 : i32
      %add3A_1402 = vector.broadcast %add3A_1401 : i32 to vector<16xi32>
      %add3A_1403 = arith.addi %add3A_1402, %iota3A : vector<16xi32>
      %gather3A_1404 = tpu.vector_load_idx %arg19[%add3A_1403, %broadcast_in_dim3A_1388] : memref<64x128xf32, #tpu.memory_space<vmem>>[vector<16xi32>, vector<16xi32>], vector<16xf32>,
      %add3A_1405 = arith.constant 16 : i32
      %add3A_1406 = vector.broadcast %add3A_1405 : i32 to vector<16xi32>
      %add3A_1407 = arith.addi %add3A_1406, %iota3A : vector<16xi32>
      tpu.vector_store_idx %arg10[%broadcast_in_dim3A_1393, %add3A_1407], %gather3A_1404 : memref<64x64xf32, #tpu.memory_space<vmem>>[vector<16xi32>, vector<16xi32>], vector<16xf32>,
      %add3A_1408 = arith.constant 32 : i32
      %add3A_1409 = vector.broadcast %add3A_1408 : i32 to vector<16xi32>
      %add3A_1410 = arith.addi %add3A_1409, %iota3A : vector<16xi32>
      %gather3A_1411 = tpu.vector_load_idx %arg19[%add3A_1410, %broadcast_in_dim3A_1388] : memref<64x128xf32, #tpu.memory_space<vmem>>[vector<16xi32>, vector<16xi32>], vector<16xf32>,
      %add3A_1412 = arith.constant 32 : i32
      %add3A_1413 = vector.broadcast %add3A_1412 : i32 to vector<16xi32>
      %add3A_1414 = arith.addi %add3A_1413, %iota3A : vector<16xi32>
      tpu.vector_store_idx %arg10[%broadcast_in_dim3A_1393, %add3A_1414], %gather3A_1411 : memref<64x64xf32, #tpu.memory_space<vmem>>[vector<16xi32>, vector<16xi32>], vector<16xf32>,
      %add3A_1415 = arith.constant 48 : i32
      %add3A_1416 = vector.broadcast %add3A_1415 : i32 to vector<16xi32>
      %add3A_1417 = arith.addi %add3A_1416, %iota3A : vector<16xi32>
      %gather3A_1418 = tpu.vector_load_idx %arg19[%add3A_1417, %broadcast_in_dim3A_1388] : memref<64x128xf32, #tpu.memory_space<vmem>>[vector<16xi32>, vector<16xi32>], vector<16xf32>,
      %add3A_1419 = arith.constant 48 : i32
      %add3A_1420 = vector.broadcast %add3A_1419 : i32 to vector<16xi32>
      %add3A_1421 = arith.addi %add3A_1420, %iota3A : vector<16xi32>
      tpu.vector_store_idx %arg10[%broadcast_in_dim3A_1393, %add3A_1421], %gather3A_1418 : memref<64x64xf32, #tpu.memory_space<vmem>>[vector<16xi32>, vector<16xi32>], vector<16xf32>,
      %slice3A_1422 = vector.extract_strided_slice %get3A_33 {offsets = [15], sizes = [1], strides = [1]} : vector<16xi32> to vector<1xi32>
      %squeeze3A_1423 = vector.extract %slice3A_1422[0] : i32 from vector<1xi32>
      %shift_right_arithmetic3A_1424 = arith.constant 7 : i32
      %shift_right_arithmetic3A_1425 = arith.shrsi %squeeze3A_1423, %shift_right_arithmetic3A_1424 : i32
      %mul3A_1426 = arith.constant 128 : i32
      %mul3A_1427 = arith.muli %shift_right_arithmetic3A_1425, %mul3A_1426 : i32
      %multiple_of3A_1428 = tpu.assume_multiple %mul3A_1427, 128 : i32
      %dma_start3A_1429 = arith.constant 0 : i32
      %dma_start3A_1430 = tpu.memref_slice %arg4[%dma_start3A_1429, %multiple_of3A_1428] : memref<64x1000000xf32, #tpu.memory_space<hbm>> -> memref<64x128xf32, #tpu.memory_space<hbm>>
      %dma_start3A_1431 = arith.constant 0 : i32
      %dma_start3A_1432 = tpu.memref_slice %arg4[%dma_start3A_1431, %multiple_of3A_1428] : memref<64x1000000xf32, #tpu.memory_space<hbm>> -> memref<64x128xf32, #tpu.memory_space<hbm>>
      tpu.enqueue_dma source(%dma_start3A_1432 : memref<64x128xf32, #tpu.memory_space<hbm>>) target(%arg19 : memref<64x128xf32, #tpu.memory_space<vmem>>) target_semaphore(%arg27 : memref<!tpu.dma_semaphore, #tpu.memory_space<semaphore_mem>>)
      %dma_wait3A_1433 = arith.constant 0 : i32
      %dma_wait3A_1434 = arith.constant 0 : i32
      %dma_wait3A_1435 = tpu.memref_slice %arg4[%dma_wait3A_1433, %dma_wait3A_1434] : memref<64x1000000xf32, #tpu.memory_space<hbm>> -> memref<64x128xf32, #tpu.memory_space<hbm>>
      %dma_wait3A_1436 = arith.constant 0 : i32
      %dma_wait3A_1437 = arith.constant 0 : i32
      %dma_wait3A_1438 = tpu.memref_slice %arg4[%dma_wait3A_1436, %dma_wait3A_1437] : memref<64x1000000xf32, #tpu.memory_space<hbm>> -> memref<64x128xf32, #tpu.memory_space<hbm>>
      tpu.wait_dma2 semaphore(%arg20 : memref<!tpu.dma_semaphore, #tpu.memory_space<semaphore_mem>>) src(%dma_wait3A_1438 : memref<64x128xf32, #tpu.memory_space<hbm>>) dst(%arg12 : memref<64x128xf32, #tpu.memory_space<vmem>>)
      %slice3A_1439 = vector.extract_strided_slice %get3A_33 {offsets = [8], sizes = [1], strides = [1]} : vector<16xi32> to vector<1xi32>
      %squeeze3A_1440 = vector.extract %slice3A_1439[0] : i32 from vector<1xi32>
      %and3A_1441 = arith.constant 127 : i32
      %and3A_1442 = arith.andi %squeeze3A_1440, %and3A_1441 : i32
      %broadcast_in_dim3A_1443 = vector.broadcast %and3A_1442 : i32 to vector<16xi32>
      %mul3A_1444 = arith.constant 32 : i32
      %mul3A_1445 = arith.muli %scan3A_23, %mul3A_1444 : i32
      %add3A_1446 = arith.constant 24 : i32
      %add3A_1447 = arith.addi %mul3A_1445, %add3A_1446 : i32
      %broadcast_in_dim3A_1448 = vector.broadcast %add3A_1447 : i32 to vector<16xi32>
      %add3A_1449 = arith.constant 0 : i32
      %add3A_1450 = vector.broadcast %add3A_1449 : i32 to vector<16xi32>
      %add3A_1451 = arith.addi %add3A_1450, %iota3A : vector<16xi32>
      %gather3A_1452 = tpu.vector_load_idx %arg12[%add3A_1451, %broadcast_in_dim3A_1443] : memref<64x128xf32, #tpu.memory_space<vmem>>[vector<16xi32>, vector<16xi32>], vector<16xf32>,
      %add3A_1453 = arith.constant 0 : i32
      %add3A_1454 = vector.broadcast %add3A_1453 : i32 to vector<16xi32>
      %add3A_1455 = arith.addi %add3A_1454, %iota3A : vector<16xi32>
      tpu.vector_store_idx %arg10[%broadcast_in_dim3A_1448, %add3A_1455], %gather3A_1452 : memref<64x64xf32, #tpu.memory_space<vmem>>[vector<16xi32>, vector<16xi32>], vector<16xf32>,
      %add3A_1456 = arith.constant 16 : i32
      %add3A_1457 = vector.broadcast %add3A_1456 : i32 to vector<16xi32>
      %add3A_1458 = arith.addi %add3A_1457, %iota3A : vector<16xi32>
      %gather3A_1459 = tpu.vector_load_idx %arg12[%add3A_1458, %broadcast_in_dim3A_1443] : memref<64x128xf32, #tpu.memory_space<vmem>>[vector<16xi32>, vector<16xi32>], vector<16xf32>,
      %add3A_1460 = arith.constant 16 : i32
      %add3A_1461 = vector.broadcast %add3A_1460 : i32 to vector<16xi32>
      %add3A_1462 = arith.addi %add3A_1461, %iota3A : vector<16xi32>
      tpu.vector_store_idx %arg10[%broadcast_in_dim3A_1448, %add3A_1462], %gather3A_1459 : memref<64x64xf32, #tpu.memory_space<vmem>>[vector<16xi32>, vector<16xi32>], vector<16xf32>,
      %add3A_1463 = arith.constant 32 : i32
      %add3A_1464 = vector.broadcast %add3A_1463 : i32 to vector<16xi32>
      %add3A_1465 = arith.addi %add3A_1464, %iota3A : vector<16xi32>
      %gather3A_1466 = tpu.vector_load_idx %arg12[%add3A_1465, %broadcast_in_dim3A_1443] : memref<64x128xf32, #tpu.memory_space<vmem>>[vector<16xi32>, vector<16xi32>], vector<16xf32>,
      %add3A_1467 = arith.constant 32 : i32
      %add3A_1468 = vector.broadcast %add3A_1467 : i32 to vector<16xi32>
      %add3A_1469 = arith.addi %add3A_1468, %iota3A : vector<16xi32>
      tpu.vector_store_idx %arg10[%broadcast_in_dim3A_1448, %add3A_1469], %gather3A_1466 : memref<64x64xf32, #tpu.memory_space<vmem>>[vector<16xi32>, vector<16xi32>], vector<16xf32>,
      %add3A_1470 = arith.constant 48 : i32
      %add3A_1471 = vector.broadcast %add3A_1470 : i32 to vector<16xi32>
      %add3A_1472 = arith.addi %add3A_1471, %iota3A : vector<16xi32>
      %gather3A_1473 = tpu.vector_load_idx %arg12[%add3A_1472, %broadcast_in_dim3A_1443] : memref<64x128xf32, #tpu.memory_space<vmem>>[vector<16xi32>, vector<16xi32>], vector<16xf32>,
      %add3A_1474 = arith.constant 48 : i32
      %add3A_1475 = vector.broadcast %add3A_1474 : i32 to vector<16xi32>
      %add3A_1476 = arith.addi %add3A_1475, %iota3A : vector<16xi32>
      tpu.vector_store_idx %arg10[%broadcast_in_dim3A_1448, %add3A_1476], %gather3A_1473 : memref<64x64xf32, #tpu.memory_space<vmem>>[vector<16xi32>, vector<16xi32>], vector<16xf32>,
      %dma_wait3A_1477 = arith.constant 0 : i32
      %dma_wait3A_1478 = arith.constant 0 : i32
      %dma_wait3A_1479 = tpu.memref_slice %arg4[%dma_wait3A_1477, %dma_wait3A_1478] : memref<64x1000000xf32, #tpu.memory_space<hbm>> -> memref<64x128xf32, #tpu.memory_space<hbm>>
      %dma_wait3A_1480 = arith.constant 0 : i32
      %dma_wait3A_1481 = arith.constant 0 : i32
      %dma_wait3A_1482 = tpu.memref_slice %arg4[%dma_wait3A_1480, %dma_wait3A_1481] : memref<64x1000000xf32, #tpu.memory_space<hbm>> -> memref<64x128xf32, #tpu.memory_space<hbm>>
      tpu.wait_dma2 semaphore(%arg21 : memref<!tpu.dma_semaphore, #tpu.memory_space<semaphore_mem>>) src(%dma_wait3A_1482 : memref<64x128xf32, #tpu.memory_space<hbm>>) dst(%arg13 : memref<64x128xf32, #tpu.memory_space<vmem>>)
      %slice3A_1483 = vector.extract_strided_slice %get3A_33 {offsets = [9], sizes = [1], strides = [1]} : vector<16xi32> to vector<1xi32>
      %squeeze3A_1484 = vector.extract %slice3A_1483[0] : i32 from vector<1xi32>
      %and3A_1485 = arith.constant 127 : i32
      %and3A_1486 = arith.andi %squeeze3A_1484, %and3A_1485 : i32
      %broadcast_in_dim3A_1487 = vector.broadcast %and3A_1486 : i32 to vector<16xi32>
      %mul3A_1488 = arith.constant 32 : i32
      %mul3A_1489 = arith.muli %scan3A_23, %mul3A_1488 : i32
      %add3A_1490 = arith.constant 25 : i32
      %add3A_1491 = arith.addi %mul3A_1489, %add3A_1490 : i32
      %broadcast_in_dim3A_1492 = vector.broadcast %add3A_1491 : i32 to vector<16xi32>
      %add3A_1493 = arith.constant 0 : i32
      %add3A_1494 = vector.broadcast %add3A_1493 : i32 to vector<16xi32>
      %add3A_1495 = arith.addi %add3A_1494, %iota3A : vector<16xi32>
      %gather3A_1496 = tpu.vector_load_idx %arg13[%add3A_1495, %broadcast_in_dim3A_1487] : memref<64x128xf32, #tpu.memory_space<vmem>>[vector<16xi32>, vector<16xi32>], vector<16xf32>,
      %add3A_1497 = arith.constant 0 : i32
      %add3A_1498 = vector.broadcast %add3A_1497 : i32 to vector<16xi32>
      %add3A_1499 = arith.addi %add3A_1498, %iota3A : vector<16xi32>
      tpu.vector_store_idx %arg10[%broadcast_in_dim3A_1492, %add3A_1499], %gather3A_1496 : memref<64x64xf32, #tpu.memory_space<vmem>>[vector<16xi32>, vector<16xi32>], vector<16xf32>,
      %add3A_1500 = arith.constant 16 : i32
      %add3A_1501 = vector.broadcast %add3A_1500 : i32 to vector<16xi32>
      %add3A_1502 = arith.addi %add3A_1501, %iota3A : vector<16xi32>
      %gather3A_1503 = tpu.vector_load_idx %arg13[%add3A_1502, %broadcast_in_dim3A_1487] : memref<64x128xf32, #tpu.memory_space<vmem>>[vector<16xi32>, vector<16xi32>], vector<16xf32>,
      %add3A_1504 = arith.constant 16 : i32
      %add3A_1505 = vector.broadcast %add3A_1504 : i32 to vector<16xi32>
      %add3A_1506 = arith.addi %add3A_1505, %iota3A : vector<16xi32>
      tpu.vector_store_idx %arg10[%broadcast_in_dim3A_1492, %add3A_1506], %gather3A_1503 : memref<64x64xf32, #tpu.memory_space<vmem>>[vector<16xi32>, vector<16xi32>], vector<16xf32>,
      %add3A_1507 = arith.constant 32 : i32
      %add3A_1508 = vector.broadcast %add3A_1507 : i32 to vector<16xi32>
      %add3A_1509 = arith.addi %add3A_1508, %iota3A : vector<16xi32>
      %gather3A_1510 = tpu.vector_load_idx %arg13[%add3A_1509, %broadcast_in_dim3A_1487] : memref<64x128xf32, #tpu.memory_space<vmem>>[vector<16xi32>, vector<16xi32>], vector<16xf32>,
      %add3A_1511 = arith.constant 32 : i32
      %add3A_1512 = vector.broadcast %add3A_1511 : i32 to vector<16xi32>
      %add3A_1513 = arith.addi %add3A_1512, %iota3A : vector<16xi32>
      tpu.vector_store_idx %arg10[%broadcast_in_dim3A_1492, %add3A_1513], %gather3A_1510 : memref<64x64xf32, #tpu.memory_space<vmem>>[vector<16xi32>, vector<16xi32>], vector<16xf32>,
      %add3A_1514 = arith.constant 48 : i32
      %add3A_1515 = vector.broadcast %add3A_1514 : i32 to vector<16xi32>
      %add3A_1516 = arith.addi %add3A_1515, %iota3A : vector<16xi32>
      %gather3A_1517 = tpu.vector_load_idx %arg13[%add3A_1516, %broadcast_in_dim3A_1487] : memref<64x128xf32, #tpu.memory_space<vmem>>[vector<16xi32>, vector<16xi32>], vector<16xf32>,
      %add3A_1518 = arith.constant 48 : i32
      %add3A_1519 = vector.broadcast %add3A_1518 : i32 to vector<16xi32>
      %add3A_1520 = arith.addi %add3A_1519, %iota3A : vector<16xi32>
      tpu.vector_store_idx %arg10[%broadcast_in_dim3A_1492, %add3A_1520], %gather3A_1517 : memref<64x64xf32, #tpu.memory_space<vmem>>[vector<16xi32>, vector<16xi32>], vector<16xf32>,
      %dma_wait3A_1521 = arith.constant 0 : i32
      %dma_wait3A_1522 = arith.constant 0 : i32
      %dma_wait3A_1523 = tpu.memref_slice %arg4[%dma_wait3A_1521, %dma_wait3A_1522] : memref<64x1000000xf32, #tpu.memory_space<hbm>> -> memref<64x128xf32, #tpu.memory_space<hbm>>
      %dma_wait3A_1524 = arith.constant 0 : i32
      %dma_wait3A_1525 = arith.constant 0 : i32
      %dma_wait3A_1526 = tpu.memref_slice %arg4[%dma_wait3A_1524, %dma_wait3A_1525] : memref<64x1000000xf32, #tpu.memory_space<hbm>> -> memref<64x128xf32, #tpu.memory_space<hbm>>
      tpu.wait_dma2 semaphore(%arg22 : memref<!tpu.dma_semaphore, #tpu.memory_space<semaphore_mem>>) src(%dma_wait3A_1526 : memref<64x128xf32, #tpu.memory_space<hbm>>) dst(%arg14 : memref<64x128xf32, #tpu.memory_space<vmem>>)
      %slice3A_1527 = vector.extract_strided_slice %get3A_33 {offsets = [10], sizes = [1], strides = [1]} : vector<16xi32> to vector<1xi32>
      %squeeze3A_1528 = vector.extract %slice3A_1527[0] : i32 from vector<1xi32>
      %and3A_1529 = arith.constant 127 : i32
      %and3A_1530 = arith.andi %squeeze3A_1528, %and3A_1529 : i32
      %broadcast_in_dim3A_1531 = vector.broadcast %and3A_1530 : i32 to vector<16xi32>
      %mul3A_1532 = arith.constant 32 : i32
      %mul3A_1533 = arith.muli %scan3A_23, %mul3A_1532 : i32
      %add3A_1534 = arith.constant 26 : i32
      %add3A_1535 = arith.addi %mul3A_1533, %add3A_1534 : i32
      %broadcast_in_dim3A_1536 = vector.broadcast %add3A_1535 : i32 to vector<16xi32>
      %add3A_1537 = arith.constant 0 : i32
      %add3A_1538 = vector.broadcast %add3A_1537 : i32 to vector<16xi32>
      %add3A_1539 = arith.addi %add3A_1538, %iota3A : vector<16xi32>
      %gather3A_1540 = tpu.vector_load_idx %arg14[%add3A_1539, %broadcast_in_dim3A_1531] : memref<64x128xf32, #tpu.memory_space<vmem>>[vector<16xi32>, vector<16xi32>], vector<16xf32>,
      %add3A_1541 = arith.constant 0 : i32
      %add3A_1542 = vector.broadcast %add3A_1541 : i32 to vector<16xi32>
      %add3A_1543 = arith.addi %add3A_1542, %iota3A : vector<16xi32>
      tpu.vector_store_idx %arg10[%broadcast_in_dim3A_1536, %add3A_1543], %gather3A_1540 : memref<64x64xf32, #tpu.memory_space<vmem>>[vector<16xi32>, vector<16xi32>], vector<16xf32>,
      %add3A_1544 = arith.constant 16 : i32
      %add3A_1545 = vector.broadcast %add3A_1544 : i32 to vector<16xi32>
      %add3A_1546 = arith.addi %add3A_1545, %iota3A : vector<16xi32>
      %gather3A_1547 = tpu.vector_load_idx %arg14[%add3A_1546, %broadcast_in_dim3A_1531] : memref<64x128xf32, #tpu.memory_space<vmem>>[vector<16xi32>, vector<16xi32>], vector<16xf32>,
      %add3A_1548 = arith.constant 16 : i32
      %add3A_1549 = vector.broadcast %add3A_1548 : i32 to vector<16xi32>
      %add3A_1550 = arith.addi %add3A_1549, %iota3A : vector<16xi32>
      tpu.vector_store_idx %arg10[%broadcast_in_dim3A_1536, %add3A_1550], %gather3A_1547 : memref<64x64xf32, #tpu.memory_space<vmem>>[vector<16xi32>, vector<16xi32>], vector<16xf32>,
      %add3A_1551 = arith.constant 32 : i32
      %add3A_1552 = vector.broadcast %add3A_1551 : i32 to vector<16xi32>
      %add3A_1553 = arith.addi %add3A_1552, %iota3A : vector<16xi32>
      %gather3A_1554 = tpu.vector_load_idx %arg14[%add3A_1553, %broadcast_in_dim3A_1531] : memref<64x128xf32, #tpu.memory_space<vmem>>[vector<16xi32>, vector<16xi32>], vector<16xf32>,
      %add3A_1555 = arith.constant 32 : i32
      %add3A_1556 = vector.broadcast %add3A_1555 : i32 to vector<16xi32>
      %add3A_1557 = arith.addi %add3A_1556, %iota3A : vector<16xi32>
      tpu.vector_store_idx %arg10[%broadcast_in_dim3A_1536, %add3A_1557], %gather3A_1554 : memref<64x64xf32, #tpu.memory_space<vmem>>[vector<16xi32>, vector<16xi32>], vector<16xf32>,
      %add3A_1558 = arith.constant 48 : i32
      %add3A_1559 = vector.broadcast %add3A_1558 : i32 to vector<16xi32>
      %add3A_1560 = arith.addi %add3A_1559, %iota3A : vector<16xi32>
      %gather3A_1561 = tpu.vector_load_idx %arg14[%add3A_1560, %broadcast_in_dim3A_1531] : memref<64x128xf32, #tpu.memory_space<vmem>>[vector<16xi32>, vector<16xi32>], vector<16xf32>,
      %add3A_1562 = arith.constant 48 : i32
      %add3A_1563 = vector.broadcast %add3A_1562 : i32 to vector<16xi32>
      %add3A_1564 = arith.addi %add3A_1563, %iota3A : vector<16xi32>
      tpu.vector_store_idx %arg10[%broadcast_in_dim3A_1536, %add3A_1564], %gather3A_1561 : memref<64x64xf32, #tpu.memory_space<vmem>>[vector<16xi32>, vector<16xi32>], vector<16xf32>,
      %dma_wait3A_1565 = arith.constant 0 : i32
      %dma_wait3A_1566 = arith.constant 0 : i32
      %dma_wait3A_1567 = tpu.memref_slice %arg4[%dma_wait3A_1565, %dma_wait3A_1566] : memref<64x1000000xf32, #tpu.memory_space<hbm>> -> memref<64x128xf32, #tpu.memory_space<hbm>>
      %dma_wait3A_1568 = arith.constant 0 : i32
      %dma_wait3A_1569 = arith.constant 0 : i32
      %dma_wait3A_1570 = tpu.memref_slice %arg4[%dma_wait3A_1568, %dma_wait3A_1569] : memref<64x1000000xf32, #tpu.memory_space<hbm>> -> memref<64x128xf32, #tpu.memory_space<hbm>>
      tpu.wait_dma2 semaphore(%arg23 : memref<!tpu.dma_semaphore, #tpu.memory_space<semaphore_mem>>) src(%dma_wait3A_1570 : memref<64x128xf32, #tpu.memory_space<hbm>>) dst(%arg15 : memref<64x128xf32, #tpu.memory_space<vmem>>)
      %slice3A_1571 = vector.extract_strided_slice %get3A_33 {offsets = [11], sizes = [1], strides = [1]} : vector<16xi32> to vector<1xi32>
      %squeeze3A_1572 = vector.extract %slice3A_1571[0] : i32 from vector<1xi32>
      %and3A_1573 = arith.constant 127 : i32
      %and3A_1574 = arith.andi %squeeze3A_1572, %and3A_1573 : i32
      %broadcast_in_dim3A_1575 = vector.broadcast %and3A_1574 : i32 to vector<16xi32>
      %mul3A_1576 = arith.constant 32 : i32
      %mul3A_1577 = arith.muli %scan3A_23, %mul3A_1576 : i32
      %add3A_1578 = arith.constant 27 : i32
      %add3A_1579 = arith.addi %mul3A_1577, %add3A_1578 : i32
      %broadcast_in_dim3A_1580 = vector.broadcast %add3A_1579 : i32 to vector<16xi32>
      %add3A_1581 = arith.constant 0 : i32
      %add3A_1582 = vector.broadcast %add3A_1581 : i32 to vector<16xi32>
      %add3A_1583 = arith.addi %add3A_1582, %iota3A : vector<16xi32>
      %gather3A_1584 = tpu.vector_load_idx %arg15[%add3A_1583, %broadcast_in_dim3A_1575] : memref<64x128xf32, #tpu.memory_space<vmem>>[vector<16xi32>, vector<16xi32>], vector<16xf32>,
      %add3A_1585 = arith.constant 0 : i32
      %add3A_1586 = vector.broadcast %add3A_1585 : i32 to vector<16xi32>
      %add3A_1587 = arith.addi %add3A_1586, %iota3A : vector<16xi32>
      tpu.vector_store_idx %arg10[%broadcast_in_dim3A_1580, %add3A_1587], %gather3A_1584 : memref<64x64xf32, #tpu.memory_space<vmem>>[vector<16xi32>, vector<16xi32>], vector<16xf32>,
      %add3A_1588 = arith.constant 16 : i32
      %add3A_1589 = vector.broadcast %add3A_1588 : i32 to vector<16xi32>
      %add3A_1590 = arith.addi %add3A_1589, %iota3A : vector<16xi32>
      %gather3A_1591 = tpu.vector_load_idx %arg15[%add3A_1590, %broadcast_in_dim3A_1575] : memref<64x128xf32, #tpu.memory_space<vmem>>[vector<16xi32>, vector<16xi32>], vector<16xf32>,
      %add3A_1592 = arith.constant 16 : i32
      %add3A_1593 = vector.broadcast %add3A_1592 : i32 to vector<16xi32>
      %add3A_1594 = arith.addi %add3A_1593, %iota3A : vector<16xi32>
      tpu.vector_store_idx %arg10[%broadcast_in_dim3A_1580, %add3A_1594], %gather3A_1591 : memref<64x64xf32, #tpu.memory_space<vmem>>[vector<16xi32>, vector<16xi32>], vector<16xf32>,
      %add3A_1595 = arith.constant 32 : i32
      %add3A_1596 = vector.broadcast %add3A_1595 : i32 to vector<16xi32>
      %add3A_1597 = arith.addi %add3A_1596, %iota3A : vector<16xi32>
      %gather3A_1598 = tpu.vector_load_idx %arg15[%add3A_1597, %broadcast_in_dim3A_1575] : memref<64x128xf32, #tpu.memory_space<vmem>>[vector<16xi32>, vector<16xi32>], vector<16xf32>,
      %add3A_1599 = arith.constant 32 : i32
      %add3A_1600 = vector.broadcast %add3A_1599 : i32 to vector<16xi32>
      %add3A_1601 = arith.addi %add3A_1600, %iota3A : vector<16xi32>
      tpu.vector_store_idx %arg10[%broadcast_in_dim3A_1580, %add3A_1601], %gather3A_1598 : memref<64x64xf32, #tpu.memory_space<vmem>>[vector<16xi32>, vector<16xi32>], vector<16xf32>,
      %add3A_1602 = arith.constant 48 : i32
      %add3A_1603 = vector.broadcast %add3A_1602 : i32 to vector<16xi32>
      %add3A_1604 = arith.addi %add3A_1603, %iota3A : vector<16xi32>
      %gather3A_1605 = tpu.vector_load_idx %arg15[%add3A_1604, %broadcast_in_dim3A_1575] : memref<64x128xf32, #tpu.memory_space<vmem>>[vector<16xi32>, vector<16xi32>], vector<16xf32>,
      %add3A_1606 = arith.constant 48 : i32
      %add3A_1607 = vector.broadcast %add3A_1606 : i32 to vector<16xi32>
      %add3A_1608 = arith.addi %add3A_1607, %iota3A : vector<16xi32>
      tpu.vector_store_idx %arg10[%broadcast_in_dim3A_1580, %add3A_1608], %gather3A_1605 : memref<64x64xf32, #tpu.memory_space<vmem>>[vector<16xi32>, vector<16xi32>], vector<16xf32>,
      %dma_wait3A_1609 = arith.constant 0 : i32
      %dma_wait3A_1610 = arith.constant 0 : i32
      %dma_wait3A_1611 = tpu.memref_slice %arg4[%dma_wait3A_1609, %dma_wait3A_1610] : memref<64x1000000xf32, #tpu.memory_space<hbm>> -> memref<64x128xf32, #tpu.memory_space<hbm>>
      %dma_wait3A_1612 = arith.constant 0 : i32
      %dma_wait3A_1613 = arith.constant 0 : i32
      %dma_wait3A_1614 = tpu.memref_slice %arg4[%dma_wait3A_1612, %dma_wait3A_1613] : memref<64x1000000xf32, #tpu.memory_space<hbm>> -> memref<64x128xf32, #tpu.memory_space<hbm>>
      tpu.wait_dma2 semaphore(%arg24 : memref<!tpu.dma_semaphore, #tpu.memory_space<semaphore_mem>>) src(%dma_wait3A_1614 : memref<64x128xf32, #tpu.memory_space<hbm>>) dst(%arg16 : memref<64x128xf32, #tpu.memory_space<vmem>>)
      %slice3A_1615 = vector.extract_strided_slice %get3A_33 {offsets = [12], sizes = [1], strides = [1]} : vector<16xi32> to vector<1xi32>
      %squeeze3A_1616 = vector.extract %slice3A_1615[0] : i32 from vector<1xi32>
      %and3A_1617 = arith.constant 127 : i32
      %and3A_1618 = arith.andi %squeeze3A_1616, %and3A_1617 : i32
      %broadcast_in_dim3A_1619 = vector.broadcast %and3A_1618 : i32 to vector<16xi32>
      %mul3A_1620 = arith.constant 32 : i32
      %mul3A_1621 = arith.muli %scan3A_23, %mul3A_1620 : i32
      %add3A_1622 = arith.constant 28 : i32
      %add3A_1623 = arith.addi %mul3A_1621, %add3A_1622 : i32
      %broadcast_in_dim3A_1624 = vector.broadcast %add3A_1623 : i32 to vector<16xi32>
      %add3A_1625 = arith.constant 0 : i32
      %add3A_1626 = vector.broadcast %add3A_1625 : i32 to vector<16xi32>
      %add3A_1627 = arith.addi %add3A_1626, %iota3A : vector<16xi32>
      %gather3A_1628 = tpu.vector_load_idx %arg16[%add3A_1627, %broadcast_in_dim3A_1619] : memref<64x128xf32, #tpu.memory_space<vmem>>[vector<16xi32>, vector<16xi32>], vector<16xf32>,
      %add3A_1629 = arith.constant 0 : i32
      %add3A_1630 = vector.broadcast %add3A_1629 : i32 to vector<16xi32>
      %add3A_1631 = arith.addi %add3A_1630, %iota3A : vector<16xi32>
      tpu.vector_store_idx %arg10[%broadcast_in_dim3A_1624, %add3A_1631], %gather3A_1628 : memref<64x64xf32, #tpu.memory_space<vmem>>[vector<16xi32>, vector<16xi32>], vector<16xf32>,
      %add3A_1632 = arith.constant 16 : i32
      %add3A_1633 = vector.broadcast %add3A_1632 : i32 to vector<16xi32>
      %add3A_1634 = arith.addi %add3A_1633, %iota3A : vector<16xi32>
      %gather3A_1635 = tpu.vector_load_idx %arg16[%add3A_1634, %broadcast_in_dim3A_1619] : memref<64x128xf32, #tpu.memory_space<vmem>>[vector<16xi32>, vector<16xi32>], vector<16xf32>,
      %add3A_1636 = arith.constant 16 : i32
      %add3A_1637 = vector.broadcast %add3A_1636 : i32 to vector<16xi32>
      %add3A_1638 = arith.addi %add3A_1637, %iota3A : vector<16xi32>
      tpu.vector_store_idx %arg10[%broadcast_in_dim3A_1624, %add3A_1638], %gather3A_1635 : memref<64x64xf32, #tpu.memory_space<vmem>>[vector<16xi32>, vector<16xi32>], vector<16xf32>,
      %add3A_1639 = arith.constant 32 : i32
      %add3A_1640 = vector.broadcast %add3A_1639 : i32 to vector<16xi32>
      %add3A_1641 = arith.addi %add3A_1640, %iota3A : vector<16xi32>
      %gather3A_1642 = tpu.vector_load_idx %arg16[%add3A_1641, %broadcast_in_dim3A_1619] : memref<64x128xf32, #tpu.memory_space<vmem>>[vector<16xi32>, vector<16xi32>], vector<16xf32>,
      %add3A_1643 = arith.constant 32 : i32
      %add3A_1644 = vector.broadcast %add3A_1643 : i32 to vector<16xi32>
      %add3A_1645 = arith.addi %add3A_1644, %iota3A : vector<16xi32>
      tpu.vector_store_idx %arg10[%broadcast_in_dim3A_1624, %add3A_1645], %gather3A_1642 : memref<64x64xf32, #tpu.memory_space<vmem>>[vector<16xi32>, vector<16xi32>], vector<16xf32>,
      %add3A_1646 = arith.constant 48 : i32
      %add3A_1647 = vector.broadcast %add3A_1646 : i32 to vector<16xi32>
      %add3A_1648 = arith.addi %add3A_1647, %iota3A : vector<16xi32>
      %gather3A_1649 = tpu.vector_load_idx %arg16[%add3A_1648, %broadcast_in_dim3A_1619] : memref<64x128xf32, #tpu.memory_space<vmem>>[vector<16xi32>, vector<16xi32>], vector<16xf32>,
      %add3A_1650 = arith.constant 48 : i32
      %add3A_1651 = vector.broadcast %add3A_1650 : i32 to vector<16xi32>
      %add3A_1652 = arith.addi %add3A_1651, %iota3A : vector<16xi32>
      tpu.vector_store_idx %arg10[%broadcast_in_dim3A_1624, %add3A_1652], %gather3A_1649 : memref<64x64xf32, #tpu.memory_space<vmem>>[vector<16xi32>, vector<16xi32>], vector<16xf32>,
      %dma_wait3A_1653 = arith.constant 0 : i32
      %dma_wait3A_1654 = arith.constant 0 : i32
      %dma_wait3A_1655 = tpu.memref_slice %arg4[%dma_wait3A_1653, %dma_wait3A_1654] : memref<64x1000000xf32, #tpu.memory_space<hbm>> -> memref<64x128xf32, #tpu.memory_space<hbm>>
      %dma_wait3A_1656 = arith.constant 0 : i32
      %dma_wait3A_1657 = arith.constant 0 : i32
      %dma_wait3A_1658 = tpu.memref_slice %arg4[%dma_wait3A_1656, %dma_wait3A_1657] : memref<64x1000000xf32, #tpu.memory_space<hbm>> -> memref<64x128xf32, #tpu.memory_space<hbm>>
      tpu.wait_dma2 semaphore(%arg25 : memref<!tpu.dma_semaphore, #tpu.memory_space<semaphore_mem>>) src(%dma_wait3A_1658 : memref<64x128xf32, #tpu.memory_space<hbm>>) dst(%arg17 : memref<64x128xf32, #tpu.memory_space<vmem>>)
      %slice3A_1659 = vector.extract_strided_slice %get3A_33 {offsets = [13], sizes = [1], strides = [1]} : vector<16xi32> to vector<1xi32>
      %squeeze3A_1660 = vector.extract %slice3A_1659[0] : i32 from vector<1xi32>
      %and3A_1661 = arith.constant 127 : i32
      %and3A_1662 = arith.andi %squeeze3A_1660, %and3A_1661 : i32
      %broadcast_in_dim3A_1663 = vector.broadcast %and3A_1662 : i32 to vector<16xi32>
      %mul3A_1664 = arith.constant 32 : i32
      %mul3A_1665 = arith.muli %scan3A_23, %mul3A_1664 : i32
      %add3A_1666 = arith.constant 29 : i32
      %add3A_1667 = arith.addi %mul3A_1665, %add3A_1666 : i32
      %broadcast_in_dim3A_1668 = vector.broadcast %add3A_1667 : i32 to vector<16xi32>
      %add3A_1669 = arith.constant 0 : i32
      %add3A_1670 = vector.broadcast %add3A_1669 : i32 to vector<16xi32>
      %add3A_1671 = arith.addi %add3A_1670, %iota3A : vector<16xi32>
      %gather3A_1672 = tpu.vector_load_idx %arg17[%add3A_1671, %broadcast_in_dim3A_1663] : memref<64x128xf32, #tpu.memory_space<vmem>>[vector<16xi32>, vector<16xi32>], vector<16xf32>,
      %add3A_1673 = arith.constant 0 : i32
      %add3A_1674 = vector.broadcast %add3A_1673 : i32 to vector<16xi32>
      %add3A_1675 = arith.addi %add3A_1674, %iota3A : vector<16xi32>
      tpu.vector_store_idx %arg10[%broadcast_in_dim3A_1668, %add3A_1675], %gather3A_1672 : memref<64x64xf32, #tpu.memory_space<vmem>>[vector<16xi32>, vector<16xi32>], vector<16xf32>,
      %add3A_1676 = arith.constant 16 : i32
      %add3A_1677 = vector.broadcast %add3A_1676 : i32 to vector<16xi32>
      %add3A_1678 = arith.addi %add3A_1677, %iota3A : vector<16xi32>
      %gather3A_1679 = tpu.vector_load_idx %arg17[%add3A_1678, %broadcast_in_dim3A_1663] : memref<64x128xf32, #tpu.memory_space<vmem>>[vector<16xi32>, vector<16xi32>], vector<16xf32>,
      %add3A_1680 = arith.constant 16 : i32
      %add3A_1681 = vector.broadcast %add3A_1680 : i32 to vector<16xi32>
      %add3A_1682 = arith.addi %add3A_1681, %iota3A : vector<16xi32>
      tpu.vector_store_idx %arg10[%broadcast_in_dim3A_1668, %add3A_1682], %gather3A_1679 : memref<64x64xf32, #tpu.memory_space<vmem>>[vector<16xi32>, vector<16xi32>], vector<16xf32>,
      %add3A_1683 = arith.constant 32 : i32
      %add3A_1684 = vector.broadcast %add3A_1683 : i32 to vector<16xi32>
      %add3A_1685 = arith.addi %add3A_1684, %iota3A : vector<16xi32>
      %gather3A_1686 = tpu.vector_load_idx %arg17[%add3A_1685, %broadcast_in_dim3A_1663] : memref<64x128xf32, #tpu.memory_space<vmem>>[vector<16xi32>, vector<16xi32>], vector<16xf32>,
      %add3A_1687 = arith.constant 32 : i32
      %add3A_1688 = vector.broadcast %add3A_1687 : i32 to vector<16xi32>
      %add3A_1689 = arith.addi %add3A_1688, %iota3A : vector<16xi32>
      tpu.vector_store_idx %arg10[%broadcast_in_dim3A_1668, %add3A_1689], %gather3A_1686 : memref<64x64xf32, #tpu.memory_space<vmem>>[vector<16xi32>, vector<16xi32>], vector<16xf32>,
      %add3A_1690 = arith.constant 48 : i32
      %add3A_1691 = vector.broadcast %add3A_1690 : i32 to vector<16xi32>
      %add3A_1692 = arith.addi %add3A_1691, %iota3A : vector<16xi32>
      %gather3A_1693 = tpu.vector_load_idx %arg17[%add3A_1692, %broadcast_in_dim3A_1663] : memref<64x128xf32, #tpu.memory_space<vmem>>[vector<16xi32>, vector<16xi32>], vector<16xf32>,
      %add3A_1694 = arith.constant 48 : i32
      %add3A_1695 = vector.broadcast %add3A_1694 : i32 to vector<16xi32>
      %add3A_1696 = arith.addi %add3A_1695, %iota3A : vector<16xi32>
      tpu.vector_store_idx %arg10[%broadcast_in_dim3A_1668, %add3A_1696], %gather3A_1693 : memref<64x64xf32, #tpu.memory_space<vmem>>[vector<16xi32>, vector<16xi32>], vector<16xf32>,
      %dma_wait3A_1697 = arith.constant 0 : i32
      %dma_wait3A_1698 = arith.constant 0 : i32
      %dma_wait3A_1699 = tpu.memref_slice %arg4[%dma_wait3A_1697, %dma_wait3A_1698] : memref<64x1000000xf32, #tpu.memory_space<hbm>> -> memref<64x128xf32, #tpu.memory_space<hbm>>
      %dma_wait3A_1700 = arith.constant 0 : i32
      %dma_wait3A_1701 = arith.constant 0 : i32
      %dma_wait3A_1702 = tpu.memref_slice %arg4[%dma_wait3A_1700, %dma_wait3A_1701] : memref<64x1000000xf32, #tpu.memory_space<hbm>> -> memref<64x128xf32, #tpu.memory_space<hbm>>
      tpu.wait_dma2 semaphore(%arg26 : memref<!tpu.dma_semaphore, #tpu.memory_space<semaphore_mem>>) src(%dma_wait3A_1702 : memref<64x128xf32, #tpu.memory_space<hbm>>) dst(%arg18 : memref<64x128xf32, #tpu.memory_space<vmem>>)
      %slice3A_1703 = vector.extract_strided_slice %get3A_33 {offsets = [14], sizes = [1], strides = [1]} : vector<16xi32> to vector<1xi32>
      %squeeze3A_1704 = vector.extract %slice3A_1703[0] : i32 from vector<1xi32>
      %and3A_1705 = arith.constant 127 : i32
      %and3A_1706 = arith.andi %squeeze3A_1704, %and3A_1705 : i32
      %broadcast_in_dim3A_1707 = vector.broadcast %and3A_1706 : i32 to vector<16xi32>
      %mul3A_1708 = arith.constant 32 : i32
      %mul3A_1709 = arith.muli %scan3A_23, %mul3A_1708 : i32
      %add3A_1710 = arith.constant 30 : i32
      %add3A_1711 = arith.addi %mul3A_1709, %add3A_1710 : i32
      %broadcast_in_dim3A_1712 = vector.broadcast %add3A_1711 : i32 to vector<16xi32>
      %add3A_1713 = arith.constant 0 : i32
      %add3A_1714 = vector.broadcast %add3A_1713 : i32 to vector<16xi32>
      %add3A_1715 = arith.addi %add3A_1714, %iota3A : vector<16xi32>
      %gather3A_1716 = tpu.vector_load_idx %arg18[%add3A_1715, %broadcast_in_dim3A_1707] : memref<64x128xf32, #tpu.memory_space<vmem>>[vector<16xi32>, vector<16xi32>], vector<16xf32>,
      %add3A_1717 = arith.constant 0 : i32
      %add3A_1718 = vector.broadcast %add3A_1717 : i32 to vector<16xi32>
      %add3A_1719 = arith.addi %add3A_1718, %iota3A : vector<16xi32>
      tpu.vector_store_idx %arg10[%broadcast_in_dim3A_1712, %add3A_1719], %gather3A_1716 : memref<64x64xf32, #tpu.memory_space<vmem>>[vector<16xi32>, vector<16xi32>], vector<16xf32>,
      %add3A_1720 = arith.constant 16 : i32
      %add3A_1721 = vector.broadcast %add3A_1720 : i32 to vector<16xi32>
      %add3A_1722 = arith.addi %add3A_1721, %iota3A : vector<16xi32>
      %gather3A_1723 = tpu.vector_load_idx %arg18[%add3A_1722, %broadcast_in_dim3A_1707] : memref<64x128xf32, #tpu.memory_space<vmem>>[vector<16xi32>, vector<16xi32>], vector<16xf32>,
      %add3A_1724 = arith.constant 16 : i32
      %add3A_1725 = vector.broadcast %add3A_1724 : i32 to vector<16xi32>
      %add3A_1726 = arith.addi %add3A_1725, %iota3A : vector<16xi32>
      tpu.vector_store_idx %arg10[%broadcast_in_dim3A_1712, %add3A_1726], %gather3A_1723 : memref<64x64xf32, #tpu.memory_space<vmem>>[vector<16xi32>, vector<16xi32>], vector<16xf32>,
      %add3A_1727 = arith.constant 32 : i32
      %add3A_1728 = vector.broadcast %add3A_1727 : i32 to vector<16xi32>
      %add3A_1729 = arith.addi %add3A_1728, %iota3A : vector<16xi32>
      %gather3A_1730 = tpu.vector_load_idx %arg18[%add3A_1729, %broadcast_in_dim3A_1707] : memref<64x128xf32, #tpu.memory_space<vmem>>[vector<16xi32>, vector<16xi32>], vector<16xf32>,
      %add3A_1731 = arith.constant 32 : i32
      %add3A_1732 = vector.broadcast %add3A_1731 : i32 to vector<16xi32>
      %add3A_1733 = arith.addi %add3A_1732, %iota3A : vector<16xi32>
      tpu.vector_store_idx %arg10[%broadcast_in_dim3A_1712, %add3A_1733], %gather3A_1730 : memref<64x64xf32, #tpu.memory_space<vmem>>[vector<16xi32>, vector<16xi32>], vector<16xf32>,
      %add3A_1734 = arith.constant 48 : i32
      %add3A_1735 = vector.broadcast %add3A_1734 : i32 to vector<16xi32>
      %add3A_1736 = arith.addi %add3A_1735, %iota3A : vector<16xi32>
      %gather3A_1737 = tpu.vector_load_idx %arg18[%add3A_1736, %broadcast_in_dim3A_1707] : memref<64x128xf32, #tpu.memory_space<vmem>>[vector<16xi32>, vector<16xi32>], vector<16xf32>,
      %add3A_1738 = arith.constant 48 : i32
      %add3A_1739 = vector.broadcast %add3A_1738 : i32 to vector<16xi32>
      %add3A_1740 = arith.addi %add3A_1739, %iota3A : vector<16xi32>
      tpu.vector_store_idx %arg10[%broadcast_in_dim3A_1712, %add3A_1740], %gather3A_1737 : memref<64x64xf32, #tpu.memory_space<vmem>>[vector<16xi32>, vector<16xi32>], vector<16xf32>,
      %dma_wait3A_1741 = arith.constant 0 : i32
      %dma_wait3A_1742 = arith.constant 0 : i32
      %dma_wait3A_1743 = tpu.memref_slice %arg4[%dma_wait3A_1741, %dma_wait3A_1742] : memref<64x1000000xf32, #tpu.memory_space<hbm>> -> memref<64x128xf32, #tpu.memory_space<hbm>>
      %dma_wait3A_1744 = arith.constant 0 : i32
      %dma_wait3A_1745 = arith.constant 0 : i32
      %dma_wait3A_1746 = tpu.memref_slice %arg4[%dma_wait3A_1744, %dma_wait3A_1745] : memref<64x1000000xf32, #tpu.memory_space<hbm>> -> memref<64x128xf32, #tpu.memory_space<hbm>>
      tpu.wait_dma2 semaphore(%arg27 : memref<!tpu.dma_semaphore, #tpu.memory_space<semaphore_mem>>) src(%dma_wait3A_1746 : memref<64x128xf32, #tpu.memory_space<hbm>>) dst(%arg19 : memref<64x128xf32, #tpu.memory_space<vmem>>)
      %slice3A_1747 = vector.extract_strided_slice %get3A_33 {offsets = [15], sizes = [1], strides = [1]} : vector<16xi32> to vector<1xi32>
      %squeeze3A_1748 = vector.extract %slice3A_1747[0] : i32 from vector<1xi32>
      %and3A_1749 = arith.constant 127 : i32
      %and3A_1750 = arith.andi %squeeze3A_1748, %and3A_1749 : i32
      %broadcast_in_dim3A_1751 = vector.broadcast %and3A_1750 : i32 to vector<16xi32>
      %mul3A_1752 = arith.constant 32 : i32
      %mul3A_1753 = arith.muli %scan3A_23, %mul3A_1752 : i32
      %add3A_1754 = arith.constant 31 : i32
      %add3A_1755 = arith.addi %mul3A_1753, %add3A_1754 : i32
      %broadcast_in_dim3A_1756 = vector.broadcast %add3A_1755 : i32 to vector<16xi32>
      %add3A_1757 = arith.constant 0 : i32
      %add3A_1758 = vector.broadcast %add3A_1757 : i32 to vector<16xi32>
      %add3A_1759 = arith.addi %add3A_1758, %iota3A : vector<16xi32>
      %gather3A_1760 = tpu.vector_load_idx %arg19[%add3A_1759, %broadcast_in_dim3A_1751] : memref<64x128xf32, #tpu.memory_space<vmem>>[vector<16xi32>, vector<16xi32>], vector<16xf32>,
      %add3A_1761 = arith.constant 0 : i32
      %add3A_1762 = vector.broadcast %add3A_1761 : i32 to vector<16xi32>
      %add3A_1763 = arith.addi %add3A_1762, %iota3A : vector<16xi32>
      tpu.vector_store_idx %arg10[%broadcast_in_dim3A_1756, %add3A_1763], %gather3A_1760 : memref<64x64xf32, #tpu.memory_space<vmem>>[vector<16xi32>, vector<16xi32>], vector<16xf32>,
      %add3A_1764 = arith.constant 16 : i32
      %add3A_1765 = vector.broadcast %add3A_1764 : i32 to vector<16xi32>
      %add3A_1766 = arith.addi %add3A_1765, %iota3A : vector<16xi32>
      %gather3A_1767 = tpu.vector_load_idx %arg19[%add3A_1766, %broadcast_in_dim3A_1751] : memref<64x128xf32, #tpu.memory_space<vmem>>[vector<16xi32>, vector<16xi32>], vector<16xf32>,
      %add3A_1768 = arith.constant 16 : i32
      %add3A_1769 = vector.broadcast %add3A_1768 : i32 to vector<16xi32>
      %add3A_1770 = arith.addi %add3A_1769, %iota3A : vector<16xi32>
      tpu.vector_store_idx %arg10[%broadcast_in_dim3A_1756, %add3A_1770], %gather3A_1767 : memref<64x64xf32, #tpu.memory_space<vmem>>[vector<16xi32>, vector<16xi32>], vector<16xf32>,
      %add3A_1771 = arith.constant 32 : i32
      %add3A_1772 = vector.broadcast %add3A_1771 : i32 to vector<16xi32>
      %add3A_1773 = arith.addi %add3A_1772, %iota3A : vector<16xi32>
      %gather3A_1774 = tpu.vector_load_idx %arg19[%add3A_1773, %broadcast_in_dim3A_1751] : memref<64x128xf32, #tpu.memory_space<vmem>>[vector<16xi32>, vector<16xi32>], vector<16xf32>,
      %add3A_1775 = arith.constant 32 : i32
      %add3A_1776 = vector.broadcast %add3A_1775 : i32 to vector<16xi32>
      %add3A_1777 = arith.addi %add3A_1776, %iota3A : vector<16xi32>
      tpu.vector_store_idx %arg10[%broadcast_in_dim3A_1756, %add3A_1777], %gather3A_1774 : memref<64x64xf32, #tpu.memory_space<vmem>>[vector<16xi32>, vector<16xi32>], vector<16xf32>,
      %add3A_1778 = arith.constant 48 : i32
      %add3A_1779 = vector.broadcast %add3A_1778 : i32 to vector<16xi32>
      %add3A_1780 = arith.addi %add3A_1779, %iota3A : vector<16xi32>
      %gather3A_1781 = tpu.vector_load_idx %arg19[%add3A_1780, %broadcast_in_dim3A_1751] : memref<64x128xf32, #tpu.memory_space<vmem>>[vector<16xi32>, vector<16xi32>], vector<16xf32>,
      %add3A_1782 = arith.constant 48 : i32
      %add3A_1783 = vector.broadcast %add3A_1782 : i32 to vector<16xi32>
      %add3A_1784 = arith.addi %add3A_1783, %iota3A : vector<16xi32>
      tpu.vector_store_idx %arg10[%broadcast_in_dim3A_1756, %add3A_1784], %gather3A_1781 : memref<64x64xf32, #tpu.memory_space<vmem>>[vector<16xi32>, vector<16xi32>], vector<16xf32>,
      %scan3A_1785 = arith.constant 0 : i32
      scf.yield %scan3A_1785 : i32
    }
    %scan3A_14 = arith.constant 2 : i32
    "tpu.region"() ({
      %run_scoped3A = tpu.sem_alloc : memref<!tpu.dma_semaphore, #tpu.memory_space<semaphore_mem>>
      %dma_start3A = arith.constant 0 : i32
      %dma_start3A_23 = tpu.memref_slice %arg6[%mul3A_2, %dma_start3A] : memref<2048x64xf32, #tpu.memory_space<hbm>> -> memref<64x64xf32, #tpu.memory_space<hbm>>
      %dma_start3A_24 = arith.constant 0 : i32
      %dma_start3A_25 = tpu.memref_slice %arg6[%mul3A_2, %dma_start3A_24] : memref<2048x64xf32, #tpu.memory_space<hbm>> -> memref<64x64xf32, #tpu.memory_space<hbm>>
      tpu.enqueue_dma source(%arg10 : memref<64x64xf32, #tpu.memory_space<vmem>>) target(%dma_start3A_25 : memref<64x64xf32, #tpu.memory_space<hbm>>) target_semaphore(%run_scoped3A : memref<!tpu.dma_semaphore, #tpu.memory_space<semaphore_mem>>)
      %dma_wait3A = arith.constant 0 : i32
      %dma_wait3A_26 = tpu.memref_slice %arg6[%mul3A_2, %dma_wait3A] : memref<2048x64xf32, #tpu.memory_space<hbm>> -> memref<64x64xf32, #tpu.memory_space<hbm>>
      %dma_wait3A_27 = arith.constant 0 : i32
      %dma_wait3A_28 = tpu.memref_slice %arg6[%mul3A_2, %dma_wait3A_27] : memref<2048x64xf32, #tpu.memory_space<hbm>> -> memref<64x64xf32, #tpu.memory_space<hbm>>
      tpu.wait_dma2 semaphore(%run_scoped3A : memref<!tpu.dma_semaphore, #tpu.memory_space<semaphore_mem>>) src(%arg10 : memref<64x64xf32, #tpu.memory_space<vmem>>) dst(%dma_wait3A_28 : memref<64x64xf32, #tpu.memory_space<hbm>>)
      tpu.yield
    }) : () -> ()
    %iota3A_15 = tpu.iota {dimensions = array<i32: 0>} : vector<16xi32>
    %scan3A_16 = arith.constant 0 : i32
    %scan3A_17 = arith.constant 0 : i32
    %scan3A_18 = arith.constant 2 : i32
    %scan3A_19 = arith.addi %scan3A_17, %scan3A_18 : i32
    %scan3A_20 = arith.constant 1 : i32
    %scan3A_21 = scf.for %scan3A_23 = %scan3A_17 to %scan3A_19 step %scan3A_20 iter_args(%scan3A_24 = %scan3A_16) -> (i32)  : i32 {
      %mul3A_25 = arith.constant 32 : i32
      %mul3A_26 = arith.muli %scan3A_23, %mul3A_25 : i32
      %get3A = arith.index_cast %mul3A_26 : i32 to index
      %get3A_27 = tpu.vector_load %arg9[%get3A] {strides = array<i32>} : memref<64xi32, #tpu.memory_space<vmem>>, vector<16xi32>,
      %mul3A_28 = arith.constant 32 : i32
      %mul3A_29 = arith.muli %scan3A_23, %mul3A_28 : i32
      %add3A_30 = arith.constant 16 : i32
      %add3A_31 = arith.addi %mul3A_29, %add3A_30 : i32
      %get3A_32 = arith.index_cast %add3A_31 : i32 to index
      %get3A_33 = tpu.vector_load %arg9[%get3A_32] {strides = array<i32>} : memref<64xi32, #tpu.memory_space<vmem>>, vector<16xi32>,
      %slice3A = vector.extract_strided_slice %get3A_27 {offsets = [0], sizes = [1], strides = [1]} : vector<16xi32> to vector<1xi32>
      %squeeze3A = vector.extract %slice3A[0] : i32 from vector<1xi32>
      %shift_right_arithmetic3A = arith.constant 7 : i32
      %shift_right_arithmetic3A_34 = arith.shrsi %squeeze3A, %shift_right_arithmetic3A : i32
      %mul3A_35 = arith.constant 128 : i32
      %mul3A_36 = arith.muli %shift_right_arithmetic3A_34, %mul3A_35 : i32
      %multiple_of3A = tpu.assume_multiple %mul3A_36, 128 : i32
      %dma_start3A = arith.constant 0 : i32
      %dma_start3A_37 = tpu.memref_slice %arg5[%dma_start3A, %multiple_of3A] : memref<64x1000000xf32, #tpu.memory_space<hbm>> -> memref<64x128xf32, #tpu.memory_space<hbm>>
      %dma_start3A_38 = arith.constant 0 : i32
      %dma_start3A_39 = tpu.memref_slice %arg5[%dma_start3A_38, %multiple_of3A] : memref<64x1000000xf32, #tpu.memory_space<hbm>> -> memref<64x128xf32, #tpu.memory_space<hbm>>
      tpu.enqueue_dma source(%dma_start3A_39 : memref<64x128xf32, #tpu.memory_space<hbm>>) target(%arg12 : memref<64x128xf32, #tpu.memory_space<vmem>>) target_semaphore(%arg20 : memref<!tpu.dma_semaphore, #tpu.memory_space<semaphore_mem>>)
      %slice3A_40 = vector.extract_strided_slice %get3A_27 {offsets = [1], sizes = [1], strides = [1]} : vector<16xi32> to vector<1xi32>
      %squeeze3A_41 = vector.extract %slice3A_40[0] : i32 from vector<1xi32>
      %shift_right_arithmetic3A_42 = arith.constant 7 : i32
      %shift_right_arithmetic3A_43 = arith.shrsi %squeeze3A_41, %shift_right_arithmetic3A_42 : i32
      %mul3A_44 = arith.constant 128 : i32
      %mul3A_45 = arith.muli %shift_right_arithmetic3A_43, %mul3A_44 : i32
      %multiple_of3A_46 = tpu.assume_multiple %mul3A_45, 128 : i32
      %dma_start3A_47 = arith.constant 0 : i32
      %dma_start3A_48 = tpu.memref_slice %arg5[%dma_start3A_47, %multiple_of3A_46] : memref<64x1000000xf32, #tpu.memory_space<hbm>> -> memref<64x128xf32, #tpu.memory_space<hbm>>
      %dma_start3A_49 = arith.constant 0 : i32
      %dma_start3A_50 = tpu.memref_slice %arg5[%dma_start3A_49, %multiple_of3A_46] : memref<64x1000000xf32, #tpu.memory_space<hbm>> -> memref<64x128xf32, #tpu.memory_space<hbm>>
      tpu.enqueue_dma source(%dma_start3A_50 : memref<64x128xf32, #tpu.memory_space<hbm>>) target(%arg13 : memref<64x128xf32, #tpu.memory_space<vmem>>) target_semaphore(%arg21 : memref<!tpu.dma_semaphore, #tpu.memory_space<semaphore_mem>>)
      %slice3A_51 = vector.extract_strided_slice %get3A_27 {offsets = [2], sizes = [1], strides = [1]} : vector<16xi32> to vector<1xi32>
      %squeeze3A_52 = vector.extract %slice3A_51[0] : i32 from vector<1xi32>
      %shift_right_arithmetic3A_53 = arith.constant 7 : i32
      %shift_right_arithmetic3A_54 = arith.shrsi %squeeze3A_52, %shift_right_arithmetic3A_53 : i32
      %mul3A_55 = arith.constant 128 : i32
      %mul3A_56 = arith.muli %shift_right_arithmetic3A_54, %mul3A_55 : i32
      %multiple_of3A_57 = tpu.assume_multiple %mul3A_56, 128 : i32
      %dma_start3A_58 = arith.constant 0 : i32
      %dma_start3A_59 = tpu.memref_slice %arg5[%dma_start3A_58, %multiple_of3A_57] : memref<64x1000000xf32, #tpu.memory_space<hbm>> -> memref<64x128xf32, #tpu.memory_space<hbm>>
      %dma_start3A_60 = arith.constant 0 : i32
      %dma_start3A_61 = tpu.memref_slice %arg5[%dma_start3A_60, %multiple_of3A_57] : memref<64x1000000xf32, #tpu.memory_space<hbm>> -> memref<64x128xf32, #tpu.memory_space<hbm>>
      tpu.enqueue_dma source(%dma_start3A_61 : memref<64x128xf32, #tpu.memory_space<hbm>>) target(%arg14 : memref<64x128xf32, #tpu.memory_space<vmem>>) target_semaphore(%arg22 : memref<!tpu.dma_semaphore, #tpu.memory_space<semaphore_mem>>)
      %slice3A_62 = vector.extract_strided_slice %get3A_27 {offsets = [3], sizes = [1], strides = [1]} : vector<16xi32> to vector<1xi32>
      %squeeze3A_63 = vector.extract %slice3A_62[0] : i32 from vector<1xi32>
      %shift_right_arithmetic3A_64 = arith.constant 7 : i32
      %shift_right_arithmetic3A_65 = arith.shrsi %squeeze3A_63, %shift_right_arithmetic3A_64 : i32
      %mul3A_66 = arith.constant 128 : i32
      %mul3A_67 = arith.muli %shift_right_arithmetic3A_65, %mul3A_66 : i32
      %multiple_of3A_68 = tpu.assume_multiple %mul3A_67, 128 : i32
      %dma_start3A_69 = arith.constant 0 : i32
      %dma_start3A_70 = tpu.memref_slice %arg5[%dma_start3A_69, %multiple_of3A_68] : memref<64x1000000xf32, #tpu.memory_space<hbm>> -> memref<64x128xf32, #tpu.memory_space<hbm>>
      %dma_start3A_71 = arith.constant 0 : i32
      %dma_start3A_72 = tpu.memref_slice %arg5[%dma_start3A_71, %multiple_of3A_68] : memref<64x1000000xf32, #tpu.memory_space<hbm>> -> memref<64x128xf32, #tpu.memory_space<hbm>>
      tpu.enqueue_dma source(%dma_start3A_72 : memref<64x128xf32, #tpu.memory_space<hbm>>) target(%arg15 : memref<64x128xf32, #tpu.memory_space<vmem>>) target_semaphore(%arg23 : memref<!tpu.dma_semaphore, #tpu.memory_space<semaphore_mem>>)
      %slice3A_73 = vector.extract_strided_slice %get3A_27 {offsets = [4], sizes = [1], strides = [1]} : vector<16xi32> to vector<1xi32>
      %squeeze3A_74 = vector.extract %slice3A_73[0] : i32 from vector<1xi32>
      %shift_right_arithmetic3A_75 = arith.constant 7 : i32
      %shift_right_arithmetic3A_76 = arith.shrsi %squeeze3A_74, %shift_right_arithmetic3A_75 : i32
      %mul3A_77 = arith.constant 128 : i32
      %mul3A_78 = arith.muli %shift_right_arithmetic3A_76, %mul3A_77 : i32
      %multiple_of3A_79 = tpu.assume_multiple %mul3A_78, 128 : i32
      %dma_start3A_80 = arith.constant 0 : i32
      %dma_start3A_81 = tpu.memref_slice %arg5[%dma_start3A_80, %multiple_of3A_79] : memref<64x1000000xf32, #tpu.memory_space<hbm>> -> memref<64x128xf32, #tpu.memory_space<hbm>>
      %dma_start3A_82 = arith.constant 0 : i32
      %dma_start3A_83 = tpu.memref_slice %arg5[%dma_start3A_82, %multiple_of3A_79] : memref<64x1000000xf32, #tpu.memory_space<hbm>> -> memref<64x128xf32, #tpu.memory_space<hbm>>
      tpu.enqueue_dma source(%dma_start3A_83 : memref<64x128xf32, #tpu.memory_space<hbm>>) target(%arg16 : memref<64x128xf32, #tpu.memory_space<vmem>>) target_semaphore(%arg24 : memref<!tpu.dma_semaphore, #tpu.memory_space<semaphore_mem>>)
      %slice3A_84 = vector.extract_strided_slice %get3A_27 {offsets = [5], sizes = [1], strides = [1]} : vector<16xi32> to vector<1xi32>
      %squeeze3A_85 = vector.extract %slice3A_84[0] : i32 from vector<1xi32>
      %shift_right_arithmetic3A_86 = arith.constant 7 : i32
      %shift_right_arithmetic3A_87 = arith.shrsi %squeeze3A_85, %shift_right_arithmetic3A_86 : i32
      %mul3A_88 = arith.constant 128 : i32
      %mul3A_89 = arith.muli %shift_right_arithmetic3A_87, %mul3A_88 : i32
      %multiple_of3A_90 = tpu.assume_multiple %mul3A_89, 128 : i32
      %dma_start3A_91 = arith.constant 0 : i32
      %dma_start3A_92 = tpu.memref_slice %arg5[%dma_start3A_91, %multiple_of3A_90] : memref<64x1000000xf32, #tpu.memory_space<hbm>> -> memref<64x128xf32, #tpu.memory_space<hbm>>
      %dma_start3A_93 = arith.constant 0 : i32
      %dma_start3A_94 = tpu.memref_slice %arg5[%dma_start3A_93, %multiple_of3A_90] : memref<64x1000000xf32, #tpu.memory_space<hbm>> -> memref<64x128xf32, #tpu.memory_space<hbm>>
      tpu.enqueue_dma source(%dma_start3A_94 : memref<64x128xf32, #tpu.memory_space<hbm>>) target(%arg17 : memref<64x128xf32, #tpu.memory_space<vmem>>) target_semaphore(%arg25 : memref<!tpu.dma_semaphore, #tpu.memory_space<semaphore_mem>>)
      %slice3A_95 = vector.extract_strided_slice %get3A_27 {offsets = [6], sizes = [1], strides = [1]} : vector<16xi32> to vector<1xi32>
      %squeeze3A_96 = vector.extract %slice3A_95[0] : i32 from vector<1xi32>
      %shift_right_arithmetic3A_97 = arith.constant 7 : i32
      %shift_right_arithmetic3A_98 = arith.shrsi %squeeze3A_96, %shift_right_arithmetic3A_97 : i32
      %mul3A_99 = arith.constant 128 : i32
      %mul3A_100 = arith.muli %shift_right_arithmetic3A_98, %mul3A_99 : i32
      %multiple_of3A_101 = tpu.assume_multiple %mul3A_100, 128 : i32
      %dma_start3A_102 = arith.constant 0 : i32
      %dma_start3A_103 = tpu.memref_slice %arg5[%dma_start3A_102, %multiple_of3A_101] : memref<64x1000000xf32, #tpu.memory_space<hbm>> -> memref<64x128xf32, #tpu.memory_space<hbm>>
      %dma_start3A_104 = arith.constant 0 : i32
      %dma_start3A_105 = tpu.memref_slice %arg5[%dma_start3A_104, %multiple_of3A_101] : memref<64x1000000xf32, #tpu.memory_space<hbm>> -> memref<64x128xf32, #tpu.memory_space<hbm>>
      tpu.enqueue_dma source(%dma_start3A_105 : memref<64x128xf32, #tpu.memory_space<hbm>>) target(%arg18 : memref<64x128xf32, #tpu.memory_space<vmem>>) target_semaphore(%arg26 : memref<!tpu.dma_semaphore, #tpu.memory_space<semaphore_mem>>)
      %slice3A_106 = vector.extract_strided_slice %get3A_27 {offsets = [7], sizes = [1], strides = [1]} : vector<16xi32> to vector<1xi32>
      %squeeze3A_107 = vector.extract %slice3A_106[0] : i32 from vector<1xi32>
      %shift_right_arithmetic3A_108 = arith.constant 7 : i32
      %shift_right_arithmetic3A_109 = arith.shrsi %squeeze3A_107, %shift_right_arithmetic3A_108 : i32
      %mul3A_110 = arith.constant 128 : i32
      %mul3A_111 = arith.muli %shift_right_arithmetic3A_109, %mul3A_110 : i32
      %multiple_of3A_112 = tpu.assume_multiple %mul3A_111, 128 : i32
      %dma_start3A_113 = arith.constant 0 : i32
      %dma_start3A_114 = tpu.memref_slice %arg5[%dma_start3A_113, %multiple_of3A_112] : memref<64x1000000xf32, #tpu.memory_space<hbm>> -> memref<64x128xf32, #tpu.memory_space<hbm>>
      %dma_start3A_115 = arith.constant 0 : i32
      %dma_start3A_116 = tpu.memref_slice %arg5[%dma_start3A_115, %multiple_of3A_112] : memref<64x1000000xf32, #tpu.memory_space<hbm>> -> memref<64x128xf32, #tpu.memory_space<hbm>>
      tpu.enqueue_dma source(%dma_start3A_116 : memref<64x128xf32, #tpu.memory_space<hbm>>) target(%arg19 : memref<64x128xf32, #tpu.memory_space<vmem>>) target_semaphore(%arg27 : memref<!tpu.dma_semaphore, #tpu.memory_space<semaphore_mem>>)
      %dma_wait3A = arith.constant 0 : i32
      %dma_wait3A_117 = arith.constant 0 : i32
      %dma_wait3A_118 = tpu.memref_slice %arg5[%dma_wait3A, %dma_wait3A_117] : memref<64x1000000xf32, #tpu.memory_space<hbm>> -> memref<64x128xf32, #tpu.memory_space<hbm>>
      %dma_wait3A_119 = arith.constant 0 : i32
      %dma_wait3A_120 = arith.constant 0 : i32
      %dma_wait3A_121 = tpu.memref_slice %arg5[%dma_wait3A_119, %dma_wait3A_120] : memref<64x1000000xf32, #tpu.memory_space<hbm>> -> memref<64x128xf32, #tpu.memory_space<hbm>>
      tpu.wait_dma2 semaphore(%arg20 : memref<!tpu.dma_semaphore, #tpu.memory_space<semaphore_mem>>) src(%dma_wait3A_121 : memref<64x128xf32, #tpu.memory_space<hbm>>) dst(%arg12 : memref<64x128xf32, #tpu.memory_space<vmem>>)
      %slice3A_122 = vector.extract_strided_slice %get3A_27 {offsets = [0], sizes = [1], strides = [1]} : vector<16xi32> to vector<1xi32>
      %squeeze3A_123 = vector.extract %slice3A_122[0] : i32 from vector<1xi32>
      %and3A = arith.constant 127 : i32
      %and3A_124 = arith.andi %squeeze3A_123, %and3A : i32
      %broadcast_in_dim3A = vector.broadcast %and3A_124 : i32 to vector<16xi32>
      %mul3A_125 = arith.constant 32 : i32
      %mul3A_126 = arith.muli %scan3A_23, %mul3A_125 : i32
      %add3A_127 = arith.constant 0 : i32
      %add3A_128 = arith.addi %mul3A_126, %add3A_127 : i32
      %broadcast_in_dim3A_129 = vector.broadcast %add3A_128 : i32 to vector<16xi32>
      %add3A_130 = arith.constant 0 : i32
      %add3A_131 = vector.broadcast %add3A_130 : i32 to vector<16xi32>
      %add3A_132 = arith.addi %add3A_131, %iota3A_15 : vector<16xi32>
      %gather3A = tpu.vector_load_idx %arg12[%add3A_132, %broadcast_in_dim3A] : memref<64x128xf32, #tpu.memory_space<vmem>>[vector<16xi32>, vector<16xi32>], vector<16xf32>,
      %add3A_133 = arith.constant 0 : i32
      %add3A_134 = vector.broadcast %add3A_133 : i32 to vector<16xi32>
      %add3A_135 = arith.addi %add3A_134, %iota3A_15 : vector<16xi32>
      tpu.vector_store_idx %arg11[%broadcast_in_dim3A_129, %add3A_135], %gather3A : memref<64x64xf32, #tpu.memory_space<vmem>>[vector<16xi32>, vector<16xi32>], vector<16xf32>,
      %add3A_136 = arith.constant 16 : i32
      %add3A_137 = vector.broadcast %add3A_136 : i32 to vector<16xi32>
      %add3A_138 = arith.addi %add3A_137, %iota3A_15 : vector<16xi32>
      %gather3A_139 = tpu.vector_load_idx %arg12[%add3A_138, %broadcast_in_dim3A] : memref<64x128xf32, #tpu.memory_space<vmem>>[vector<16xi32>, vector<16xi32>], vector<16xf32>,
      %add3A_140 = arith.constant 16 : i32
      %add3A_141 = vector.broadcast %add3A_140 : i32 to vector<16xi32>
      %add3A_142 = arith.addi %add3A_141, %iota3A_15 : vector<16xi32>
      tpu.vector_store_idx %arg11[%broadcast_in_dim3A_129, %add3A_142], %gather3A_139 : memref<64x64xf32, #tpu.memory_space<vmem>>[vector<16xi32>, vector<16xi32>], vector<16xf32>,
      %add3A_143 = arith.constant 32 : i32
      %add3A_144 = vector.broadcast %add3A_143 : i32 to vector<16xi32>
      %add3A_145 = arith.addi %add3A_144, %iota3A_15 : vector<16xi32>
      %gather3A_146 = tpu.vector_load_idx %arg12[%add3A_145, %broadcast_in_dim3A] : memref<64x128xf32, #tpu.memory_space<vmem>>[vector<16xi32>, vector<16xi32>], vector<16xf32>,
      %add3A_147 = arith.constant 32 : i32
      %add3A_148 = vector.broadcast %add3A_147 : i32 to vector<16xi32>
      %add3A_149 = arith.addi %add3A_148, %iota3A_15 : vector<16xi32>
      tpu.vector_store_idx %arg11[%broadcast_in_dim3A_129, %add3A_149], %gather3A_146 : memref<64x64xf32, #tpu.memory_space<vmem>>[vector<16xi32>, vector<16xi32>], vector<16xf32>,
      %add3A_150 = arith.constant 48 : i32
      %add3A_151 = vector.broadcast %add3A_150 : i32 to vector<16xi32>
      %add3A_152 = arith.addi %add3A_151, %iota3A_15 : vector<16xi32>
      %gather3A_153 = tpu.vector_load_idx %arg12[%add3A_152, %broadcast_in_dim3A] : memref<64x128xf32, #tpu.memory_space<vmem>>[vector<16xi32>, vector<16xi32>], vector<16xf32>,
      %add3A_154 = arith.constant 48 : i32
      %add3A_155 = vector.broadcast %add3A_154 : i32 to vector<16xi32>
      %add3A_156 = arith.addi %add3A_155, %iota3A_15 : vector<16xi32>
      tpu.vector_store_idx %arg11[%broadcast_in_dim3A_129, %add3A_156], %gather3A_153 : memref<64x64xf32, #tpu.memory_space<vmem>>[vector<16xi32>, vector<16xi32>], vector<16xf32>,
      %slice3A_157 = vector.extract_strided_slice %get3A_27 {offsets = [8], sizes = [1], strides = [1]} : vector<16xi32> to vector<1xi32>
      %squeeze3A_158 = vector.extract %slice3A_157[0] : i32 from vector<1xi32>
      %shift_right_arithmetic3A_159 = arith.constant 7 : i32
      %shift_right_arithmetic3A_160 = arith.shrsi %squeeze3A_158, %shift_right_arithmetic3A_159 : i32
      %mul3A_161 = arith.constant 128 : i32
      %mul3A_162 = arith.muli %shift_right_arithmetic3A_160, %mul3A_161 : i32
      %multiple_of3A_163 = tpu.assume_multiple %mul3A_162, 128 : i32
      %dma_start3A_164 = arith.constant 0 : i32
      %dma_start3A_165 = tpu.memref_slice %arg5[%dma_start3A_164, %multiple_of3A_163] : memref<64x1000000xf32, #tpu.memory_space<hbm>> -> memref<64x128xf32, #tpu.memory_space<hbm>>
      %dma_start3A_166 = arith.constant 0 : i32
      %dma_start3A_167 = tpu.memref_slice %arg5[%dma_start3A_166, %multiple_of3A_163] : memref<64x1000000xf32, #tpu.memory_space<hbm>> -> memref<64x128xf32, #tpu.memory_space<hbm>>
      tpu.enqueue_dma source(%dma_start3A_167 : memref<64x128xf32, #tpu.memory_space<hbm>>) target(%arg12 : memref<64x128xf32, #tpu.memory_space<vmem>>) target_semaphore(%arg20 : memref<!tpu.dma_semaphore, #tpu.memory_space<semaphore_mem>>)
      %dma_wait3A_168 = arith.constant 0 : i32
      %dma_wait3A_169 = arith.constant 0 : i32
      %dma_wait3A_170 = tpu.memref_slice %arg5[%dma_wait3A_168, %dma_wait3A_169] : memref<64x1000000xf32, #tpu.memory_space<hbm>> -> memref<64x128xf32, #tpu.memory_space<hbm>>
      %dma_wait3A_171 = arith.constant 0 : i32
      %dma_wait3A_172 = arith.constant 0 : i32
      %dma_wait3A_173 = tpu.memref_slice %arg5[%dma_wait3A_171, %dma_wait3A_172] : memref<64x1000000xf32, #tpu.memory_space<hbm>> -> memref<64x128xf32, #tpu.memory_space<hbm>>
      tpu.wait_dma2 semaphore(%arg21 : memref<!tpu.dma_semaphore, #tpu.memory_space<semaphore_mem>>) src(%dma_wait3A_173 : memref<64x128xf32, #tpu.memory_space<hbm>>) dst(%arg13 : memref<64x128xf32, #tpu.memory_space<vmem>>)
      %slice3A_174 = vector.extract_strided_slice %get3A_27 {offsets = [1], sizes = [1], strides = [1]} : vector<16xi32> to vector<1xi32>
      %squeeze3A_175 = vector.extract %slice3A_174[0] : i32 from vector<1xi32>
      %and3A_176 = arith.constant 127 : i32
      %and3A_177 = arith.andi %squeeze3A_175, %and3A_176 : i32
      %broadcast_in_dim3A_178 = vector.broadcast %and3A_177 : i32 to vector<16xi32>
      %mul3A_179 = arith.constant 32 : i32
      %mul3A_180 = arith.muli %scan3A_23, %mul3A_179 : i32
      %add3A_181 = arith.constant 1 : i32
      %add3A_182 = arith.addi %mul3A_180, %add3A_181 : i32
      %broadcast_in_dim3A_183 = vector.broadcast %add3A_182 : i32 to vector<16xi32>
      %add3A_184 = arith.constant 0 : i32
      %add3A_185 = vector.broadcast %add3A_184 : i32 to vector<16xi32>
      %add3A_186 = arith.addi %add3A_185, %iota3A_15 : vector<16xi32>
      %gather3A_187 = tpu.vector_load_idx %arg13[%add3A_186, %broadcast_in_dim3A_178] : memref<64x128xf32, #tpu.memory_space<vmem>>[vector<16xi32>, vector<16xi32>], vector<16xf32>,
      %add3A_188 = arith.constant 0 : i32
      %add3A_189 = vector.broadcast %add3A_188 : i32 to vector<16xi32>
      %add3A_190 = arith.addi %add3A_189, %iota3A_15 : vector<16xi32>
      tpu.vector_store_idx %arg11[%broadcast_in_dim3A_183, %add3A_190], %gather3A_187 : memref<64x64xf32, #tpu.memory_space<vmem>>[vector<16xi32>, vector<16xi32>], vector<16xf32>,
      %add3A_191 = arith.constant 16 : i32
      %add3A_192 = vector.broadcast %add3A_191 : i32 to vector<16xi32>
      %add3A_193 = arith.addi %add3A_192, %iota3A_15 : vector<16xi32>
      %gather3A_194 = tpu.vector_load_idx %arg13[%add3A_193, %broadcast_in_dim3A_178] : memref<64x128xf32, #tpu.memory_space<vmem>>[vector<16xi32>, vector<16xi32>], vector<16xf32>,
      %add3A_195 = arith.constant 16 : i32
      %add3A_196 = vector.broadcast %add3A_195 : i32 to vector<16xi32>
      %add3A_197 = arith.addi %add3A_196, %iota3A_15 : vector<16xi32>
      tpu.vector_store_idx %arg11[%broadcast_in_dim3A_183, %add3A_197], %gather3A_194 : memref<64x64xf32, #tpu.memory_space<vmem>>[vector<16xi32>, vector<16xi32>], vector<16xf32>,
      %add3A_198 = arith.constant 32 : i32
      %add3A_199 = vector.broadcast %add3A_198 : i32 to vector<16xi32>
      %add3A_200 = arith.addi %add3A_199, %iota3A_15 : vector<16xi32>
      %gather3A_201 = tpu.vector_load_idx %arg13[%add3A_200, %broadcast_in_dim3A_178] : memref<64x128xf32, #tpu.memory_space<vmem>>[vector<16xi32>, vector<16xi32>], vector<16xf32>,
      %add3A_202 = arith.constant 32 : i32
      %add3A_203 = vector.broadcast %add3A_202 : i32 to vector<16xi32>
      %add3A_204 = arith.addi %add3A_203, %iota3A_15 : vector<16xi32>
      tpu.vector_store_idx %arg11[%broadcast_in_dim3A_183, %add3A_204], %gather3A_201 : memref<64x64xf32, #tpu.memory_space<vmem>>[vector<16xi32>, vector<16xi32>], vector<16xf32>,
      %add3A_205 = arith.constant 48 : i32
      %add3A_206 = vector.broadcast %add3A_205 : i32 to vector<16xi32>
      %add3A_207 = arith.addi %add3A_206, %iota3A_15 : vector<16xi32>
      %gather3A_208 = tpu.vector_load_idx %arg13[%add3A_207, %broadcast_in_dim3A_178] : memref<64x128xf32, #tpu.memory_space<vmem>>[vector<16xi32>, vector<16xi32>], vector<16xf32>,
      %add3A_209 = arith.constant 48 : i32
      %add3A_210 = vector.broadcast %add3A_209 : i32 to vector<16xi32>
      %add3A_211 = arith.addi %add3A_210, %iota3A_15 : vector<16xi32>
      tpu.vector_store_idx %arg11[%broadcast_in_dim3A_183, %add3A_211], %gather3A_208 : memref<64x64xf32, #tpu.memory_space<vmem>>[vector<16xi32>, vector<16xi32>], vector<16xf32>,
      %slice3A_212 = vector.extract_strided_slice %get3A_27 {offsets = [9], sizes = [1], strides = [1]} : vector<16xi32> to vector<1xi32>
      %squeeze3A_213 = vector.extract %slice3A_212[0] : i32 from vector<1xi32>
      %shift_right_arithmetic3A_214 = arith.constant 7 : i32
      %shift_right_arithmetic3A_215 = arith.shrsi %squeeze3A_213, %shift_right_arithmetic3A_214 : i32
      %mul3A_216 = arith.constant 128 : i32
      %mul3A_217 = arith.muli %shift_right_arithmetic3A_215, %mul3A_216 : i32
      %multiple_of3A_218 = tpu.assume_multiple %mul3A_217, 128 : i32
      %dma_start3A_219 = arith.constant 0 : i32
      %dma_start3A_220 = tpu.memref_slice %arg5[%dma_start3A_219, %multiple_of3A_218] : memref<64x1000000xf32, #tpu.memory_space<hbm>> -> memref<64x128xf32, #tpu.memory_space<hbm>>
      %dma_start3A_221 = arith.constant 0 : i32
      %dma_start3A_222 = tpu.memref_slice %arg5[%dma_start3A_221, %multiple_of3A_218] : memref<64x1000000xf32, #tpu.memory_space<hbm>> -> memref<64x128xf32, #tpu.memory_space<hbm>>
      tpu.enqueue_dma source(%dma_start3A_222 : memref<64x128xf32, #tpu.memory_space<hbm>>) target(%arg13 : memref<64x128xf32, #tpu.memory_space<vmem>>) target_semaphore(%arg21 : memref<!tpu.dma_semaphore, #tpu.memory_space<semaphore_mem>>)
      %dma_wait3A_223 = arith.constant 0 : i32
      %dma_wait3A_224 = arith.constant 0 : i32
      %dma_wait3A_225 = tpu.memref_slice %arg5[%dma_wait3A_223, %dma_wait3A_224] : memref<64x1000000xf32, #tpu.memory_space<hbm>> -> memref<64x128xf32, #tpu.memory_space<hbm>>
      %dma_wait3A_226 = arith.constant 0 : i32
      %dma_wait3A_227 = arith.constant 0 : i32
      %dma_wait3A_228 = tpu.memref_slice %arg5[%dma_wait3A_226, %dma_wait3A_227] : memref<64x1000000xf32, #tpu.memory_space<hbm>> -> memref<64x128xf32, #tpu.memory_space<hbm>>
      tpu.wait_dma2 semaphore(%arg22 : memref<!tpu.dma_semaphore, #tpu.memory_space<semaphore_mem>>) src(%dma_wait3A_228 : memref<64x128xf32, #tpu.memory_space<hbm>>) dst(%arg14 : memref<64x128xf32, #tpu.memory_space<vmem>>)
      %slice3A_229 = vector.extract_strided_slice %get3A_27 {offsets = [2], sizes = [1], strides = [1]} : vector<16xi32> to vector<1xi32>
      %squeeze3A_230 = vector.extract %slice3A_229[0] : i32 from vector<1xi32>
      %and3A_231 = arith.constant 127 : i32
      %and3A_232 = arith.andi %squeeze3A_230, %and3A_231 : i32
      %broadcast_in_dim3A_233 = vector.broadcast %and3A_232 : i32 to vector<16xi32>
      %mul3A_234 = arith.constant 32 : i32
      %mul3A_235 = arith.muli %scan3A_23, %mul3A_234 : i32
      %add3A_236 = arith.constant 2 : i32
      %add3A_237 = arith.addi %mul3A_235, %add3A_236 : i32
      %broadcast_in_dim3A_238 = vector.broadcast %add3A_237 : i32 to vector<16xi32>
      %add3A_239 = arith.constant 0 : i32
      %add3A_240 = vector.broadcast %add3A_239 : i32 to vector<16xi32>
      %add3A_241 = arith.addi %add3A_240, %iota3A_15 : vector<16xi32>
      %gather3A_242 = tpu.vector_load_idx %arg14[%add3A_241, %broadcast_in_dim3A_233] : memref<64x128xf32, #tpu.memory_space<vmem>>[vector<16xi32>, vector<16xi32>], vector<16xf32>,
      %add3A_243 = arith.constant 0 : i32
      %add3A_244 = vector.broadcast %add3A_243 : i32 to vector<16xi32>
      %add3A_245 = arith.addi %add3A_244, %iota3A_15 : vector<16xi32>
      tpu.vector_store_idx %arg11[%broadcast_in_dim3A_238, %add3A_245], %gather3A_242 : memref<64x64xf32, #tpu.memory_space<vmem>>[vector<16xi32>, vector<16xi32>], vector<16xf32>,
      %add3A_246 = arith.constant 16 : i32
      %add3A_247 = vector.broadcast %add3A_246 : i32 to vector<16xi32>
      %add3A_248 = arith.addi %add3A_247, %iota3A_15 : vector<16xi32>
      %gather3A_249 = tpu.vector_load_idx %arg14[%add3A_248, %broadcast_in_dim3A_233] : memref<64x128xf32, #tpu.memory_space<vmem>>[vector<16xi32>, vector<16xi32>], vector<16xf32>,
      %add3A_250 = arith.constant 16 : i32
      %add3A_251 = vector.broadcast %add3A_250 : i32 to vector<16xi32>
      %add3A_252 = arith.addi %add3A_251, %iota3A_15 : vector<16xi32>
      tpu.vector_store_idx %arg11[%broadcast_in_dim3A_238, %add3A_252], %gather3A_249 : memref<64x64xf32, #tpu.memory_space<vmem>>[vector<16xi32>, vector<16xi32>], vector<16xf32>,
      %add3A_253 = arith.constant 32 : i32
      %add3A_254 = vector.broadcast %add3A_253 : i32 to vector<16xi32>
      %add3A_255 = arith.addi %add3A_254, %iota3A_15 : vector<16xi32>
      %gather3A_256 = tpu.vector_load_idx %arg14[%add3A_255, %broadcast_in_dim3A_233] : memref<64x128xf32, #tpu.memory_space<vmem>>[vector<16xi32>, vector<16xi32>], vector<16xf32>,
      %add3A_257 = arith.constant 32 : i32
      %add3A_258 = vector.broadcast %add3A_257 : i32 to vector<16xi32>
      %add3A_259 = arith.addi %add3A_258, %iota3A_15 : vector<16xi32>
      tpu.vector_store_idx %arg11[%broadcast_in_dim3A_238, %add3A_259], %gather3A_256 : memref<64x64xf32, #tpu.memory_space<vmem>>[vector<16xi32>, vector<16xi32>], vector<16xf32>,
      %add3A_260 = arith.constant 48 : i32
      %add3A_261 = vector.broadcast %add3A_260 : i32 to vector<16xi32>
      %add3A_262 = arith.addi %add3A_261, %iota3A_15 : vector<16xi32>
      %gather3A_263 = tpu.vector_load_idx %arg14[%add3A_262, %broadcast_in_dim3A_233] : memref<64x128xf32, #tpu.memory_space<vmem>>[vector<16xi32>, vector<16xi32>], vector<16xf32>,
      %add3A_264 = arith.constant 48 : i32
      %add3A_265 = vector.broadcast %add3A_264 : i32 to vector<16xi32>
      %add3A_266 = arith.addi %add3A_265, %iota3A_15 : vector<16xi32>
      tpu.vector_store_idx %arg11[%broadcast_in_dim3A_238, %add3A_266], %gather3A_263 : memref<64x64xf32, #tpu.memory_space<vmem>>[vector<16xi32>, vector<16xi32>], vector<16xf32>,
      %slice3A_267 = vector.extract_strided_slice %get3A_27 {offsets = [10], sizes = [1], strides = [1]} : vector<16xi32> to vector<1xi32>
      %squeeze3A_268 = vector.extract %slice3A_267[0] : i32 from vector<1xi32>
      %shift_right_arithmetic3A_269 = arith.constant 7 : i32
      %shift_right_arithmetic3A_270 = arith.shrsi %squeeze3A_268, %shift_right_arithmetic3A_269 : i32
      %mul3A_271 = arith.constant 128 : i32
      %mul3A_272 = arith.muli %shift_right_arithmetic3A_270, %mul3A_271 : i32
      %multiple_of3A_273 = tpu.assume_multiple %mul3A_272, 128 : i32
      %dma_start3A_274 = arith.constant 0 : i32
      %dma_start3A_275 = tpu.memref_slice %arg5[%dma_start3A_274, %multiple_of3A_273] : memref<64x1000000xf32, #tpu.memory_space<hbm>> -> memref<64x128xf32, #tpu.memory_space<hbm>>
      %dma_start3A_276 = arith.constant 0 : i32
      %dma_start3A_277 = tpu.memref_slice %arg5[%dma_start3A_276, %multiple_of3A_273] : memref<64x1000000xf32, #tpu.memory_space<hbm>> -> memref<64x128xf32, #tpu.memory_space<hbm>>
      tpu.enqueue_dma source(%dma_start3A_277 : memref<64x128xf32, #tpu.memory_space<hbm>>) target(%arg14 : memref<64x128xf32, #tpu.memory_space<vmem>>) target_semaphore(%arg22 : memref<!tpu.dma_semaphore, #tpu.memory_space<semaphore_mem>>)
      %dma_wait3A_278 = arith.constant 0 : i32
      %dma_wait3A_279 = arith.constant 0 : i32
      %dma_wait3A_280 = tpu.memref_slice %arg5[%dma_wait3A_278, %dma_wait3A_279] : memref<64x1000000xf32, #tpu.memory_space<hbm>> -> memref<64x128xf32, #tpu.memory_space<hbm>>
      %dma_wait3A_281 = arith.constant 0 : i32
      %dma_wait3A_282 = arith.constant 0 : i32
      %dma_wait3A_283 = tpu.memref_slice %arg5[%dma_wait3A_281, %dma_wait3A_282] : memref<64x1000000xf32, #tpu.memory_space<hbm>> -> memref<64x128xf32, #tpu.memory_space<hbm>>
      tpu.wait_dma2 semaphore(%arg23 : memref<!tpu.dma_semaphore, #tpu.memory_space<semaphore_mem>>) src(%dma_wait3A_283 : memref<64x128xf32, #tpu.memory_space<hbm>>) dst(%arg15 : memref<64x128xf32, #tpu.memory_space<vmem>>)
      %slice3A_284 = vector.extract_strided_slice %get3A_27 {offsets = [3], sizes = [1], strides = [1]} : vector<16xi32> to vector<1xi32>
      %squeeze3A_285 = vector.extract %slice3A_284[0] : i32 from vector<1xi32>
      %and3A_286 = arith.constant 127 : i32
      %and3A_287 = arith.andi %squeeze3A_285, %and3A_286 : i32
      %broadcast_in_dim3A_288 = vector.broadcast %and3A_287 : i32 to vector<16xi32>
      %mul3A_289 = arith.constant 32 : i32
      %mul3A_290 = arith.muli %scan3A_23, %mul3A_289 : i32
      %add3A_291 = arith.constant 3 : i32
      %add3A_292 = arith.addi %mul3A_290, %add3A_291 : i32
      %broadcast_in_dim3A_293 = vector.broadcast %add3A_292 : i32 to vector<16xi32>
      %add3A_294 = arith.constant 0 : i32
      %add3A_295 = vector.broadcast %add3A_294 : i32 to vector<16xi32>
      %add3A_296 = arith.addi %add3A_295, %iota3A_15 : vector<16xi32>
      %gather3A_297 = tpu.vector_load_idx %arg15[%add3A_296, %broadcast_in_dim3A_288] : memref<64x128xf32, #tpu.memory_space<vmem>>[vector<16xi32>, vector<16xi32>], vector<16xf32>,
      %add3A_298 = arith.constant 0 : i32
      %add3A_299 = vector.broadcast %add3A_298 : i32 to vector<16xi32>
      %add3A_300 = arith.addi %add3A_299, %iota3A_15 : vector<16xi32>
      tpu.vector_store_idx %arg11[%broadcast_in_dim3A_293, %add3A_300], %gather3A_297 : memref<64x64xf32, #tpu.memory_space<vmem>>[vector<16xi32>, vector<16xi32>], vector<16xf32>,
      %add3A_301 = arith.constant 16 : i32
      %add3A_302 = vector.broadcast %add3A_301 : i32 to vector<16xi32>
      %add3A_303 = arith.addi %add3A_302, %iota3A_15 : vector<16xi32>
      %gather3A_304 = tpu.vector_load_idx %arg15[%add3A_303, %broadcast_in_dim3A_288] : memref<64x128xf32, #tpu.memory_space<vmem>>[vector<16xi32>, vector<16xi32>], vector<16xf32>,
      %add3A_305 = arith.constant 16 : i32
      %add3A_306 = vector.broadcast %add3A_305 : i32 to vector<16xi32>
      %add3A_307 = arith.addi %add3A_306, %iota3A_15 : vector<16xi32>
      tpu.vector_store_idx %arg11[%broadcast_in_dim3A_293, %add3A_307], %gather3A_304 : memref<64x64xf32, #tpu.memory_space<vmem>>[vector<16xi32>, vector<16xi32>], vector<16xf32>,
      %add3A_308 = arith.constant 32 : i32
      %add3A_309 = vector.broadcast %add3A_308 : i32 to vector<16xi32>
      %add3A_310 = arith.addi %add3A_309, %iota3A_15 : vector<16xi32>
      %gather3A_311 = tpu.vector_load_idx %arg15[%add3A_310, %broadcast_in_dim3A_288] : memref<64x128xf32, #tpu.memory_space<vmem>>[vector<16xi32>, vector<16xi32>], vector<16xf32>,
      %add3A_312 = arith.constant 32 : i32
      %add3A_313 = vector.broadcast %add3A_312 : i32 to vector<16xi32>
      %add3A_314 = arith.addi %add3A_313, %iota3A_15 : vector<16xi32>
      tpu.vector_store_idx %arg11[%broadcast_in_dim3A_293, %add3A_314], %gather3A_311 : memref<64x64xf32, #tpu.memory_space<vmem>>[vector<16xi32>, vector<16xi32>], vector<16xf32>,
      %add3A_315 = arith.constant 48 : i32
      %add3A_316 = vector.broadcast %add3A_315 : i32 to vector<16xi32>
      %add3A_317 = arith.addi %add3A_316, %iota3A_15 : vector<16xi32>
      %gather3A_318 = tpu.vector_load_idx %arg15[%add3A_317, %broadcast_in_dim3A_288] : memref<64x128xf32, #tpu.memory_space<vmem>>[vector<16xi32>, vector<16xi32>], vector<16xf32>,
      %add3A_319 = arith.constant 48 : i32
      %add3A_320 = vector.broadcast %add3A_319 : i32 to vector<16xi32>
      %add3A_321 = arith.addi %add3A_320, %iota3A_15 : vector<16xi32>
      tpu.vector_store_idx %arg11[%broadcast_in_dim3A_293, %add3A_321], %gather3A_318 : memref<64x64xf32, #tpu.memory_space<vmem>>[vector<16xi32>, vector<16xi32>], vector<16xf32>,
      %slice3A_322 = vector.extract_strided_slice %get3A_27 {offsets = [11], sizes = [1], strides = [1]} : vector<16xi32> to vector<1xi32>
      %squeeze3A_323 = vector.extract %slice3A_322[0] : i32 from vector<1xi32>
      %shift_right_arithmetic3A_324 = arith.constant 7 : i32
      %shift_right_arithmetic3A_325 = arith.shrsi %squeeze3A_323, %shift_right_arithmetic3A_324 : i32
      %mul3A_326 = arith.constant 128 : i32
      %mul3A_327 = arith.muli %shift_right_arithmetic3A_325, %mul3A_326 : i32
      %multiple_of3A_328 = tpu.assume_multiple %mul3A_327, 128 : i32
      %dma_start3A_329 = arith.constant 0 : i32
      %dma_start3A_330 = tpu.memref_slice %arg5[%dma_start3A_329, %multiple_of3A_328] : memref<64x1000000xf32, #tpu.memory_space<hbm>> -> memref<64x128xf32, #tpu.memory_space<hbm>>
      %dma_start3A_331 = arith.constant 0 : i32
      %dma_start3A_332 = tpu.memref_slice %arg5[%dma_start3A_331, %multiple_of3A_328] : memref<64x1000000xf32, #tpu.memory_space<hbm>> -> memref<64x128xf32, #tpu.memory_space<hbm>>
      tpu.enqueue_dma source(%dma_start3A_332 : memref<64x128xf32, #tpu.memory_space<hbm>>) target(%arg15 : memref<64x128xf32, #tpu.memory_space<vmem>>) target_semaphore(%arg23 : memref<!tpu.dma_semaphore, #tpu.memory_space<semaphore_mem>>)
      %dma_wait3A_333 = arith.constant 0 : i32
      %dma_wait3A_334 = arith.constant 0 : i32
      %dma_wait3A_335 = tpu.memref_slice %arg5[%dma_wait3A_333, %dma_wait3A_334] : memref<64x1000000xf32, #tpu.memory_space<hbm>> -> memref<64x128xf32, #tpu.memory_space<hbm>>
      %dma_wait3A_336 = arith.constant 0 : i32
      %dma_wait3A_337 = arith.constant 0 : i32
      %dma_wait3A_338 = tpu.memref_slice %arg5[%dma_wait3A_336, %dma_wait3A_337] : memref<64x1000000xf32, #tpu.memory_space<hbm>> -> memref<64x128xf32, #tpu.memory_space<hbm>>
      tpu.wait_dma2 semaphore(%arg24 : memref<!tpu.dma_semaphore, #tpu.memory_space<semaphore_mem>>) src(%dma_wait3A_338 : memref<64x128xf32, #tpu.memory_space<hbm>>) dst(%arg16 : memref<64x128xf32, #tpu.memory_space<vmem>>)
      %slice3A_339 = vector.extract_strided_slice %get3A_27 {offsets = [4], sizes = [1], strides = [1]} : vector<16xi32> to vector<1xi32>
      %squeeze3A_340 = vector.extract %slice3A_339[0] : i32 from vector<1xi32>
      %and3A_341 = arith.constant 127 : i32
      %and3A_342 = arith.andi %squeeze3A_340, %and3A_341 : i32
      %broadcast_in_dim3A_343 = vector.broadcast %and3A_342 : i32 to vector<16xi32>
      %mul3A_344 = arith.constant 32 : i32
      %mul3A_345 = arith.muli %scan3A_23, %mul3A_344 : i32
      %add3A_346 = arith.constant 4 : i32
      %add3A_347 = arith.addi %mul3A_345, %add3A_346 : i32
      %broadcast_in_dim3A_348 = vector.broadcast %add3A_347 : i32 to vector<16xi32>
      %add3A_349 = arith.constant 0 : i32
      %add3A_350 = vector.broadcast %add3A_349 : i32 to vector<16xi32>
      %add3A_351 = arith.addi %add3A_350, %iota3A_15 : vector<16xi32>
      %gather3A_352 = tpu.vector_load_idx %arg16[%add3A_351, %broadcast_in_dim3A_343] : memref<64x128xf32, #tpu.memory_space<vmem>>[vector<16xi32>, vector<16xi32>], vector<16xf32>,
      %add3A_353 = arith.constant 0 : i32
      %add3A_354 = vector.broadcast %add3A_353 : i32 to vector<16xi32>
      %add3A_355 = arith.addi %add3A_354, %iota3A_15 : vector<16xi32>
      tpu.vector_store_idx %arg11[%broadcast_in_dim3A_348, %add3A_355], %gather3A_352 : memref<64x64xf32, #tpu.memory_space<vmem>>[vector<16xi32>, vector<16xi32>], vector<16xf32>,
      %add3A_356 = arith.constant 16 : i32
      %add3A_357 = vector.broadcast %add3A_356 : i32 to vector<16xi32>
      %add3A_358 = arith.addi %add3A_357, %iota3A_15 : vector<16xi32>
      %gather3A_359 = tpu.vector_load_idx %arg16[%add3A_358, %broadcast_in_dim3A_343] : memref<64x128xf32, #tpu.memory_space<vmem>>[vector<16xi32>, vector<16xi32>], vector<16xf32>,
      %add3A_360 = arith.constant 16 : i32
      %add3A_361 = vector.broadcast %add3A_360 : i32 to vector<16xi32>
      %add3A_362 = arith.addi %add3A_361, %iota3A_15 : vector<16xi32>
      tpu.vector_store_idx %arg11[%broadcast_in_dim3A_348, %add3A_362], %gather3A_359 : memref<64x64xf32, #tpu.memory_space<vmem>>[vector<16xi32>, vector<16xi32>], vector<16xf32>,
      %add3A_363 = arith.constant 32 : i32
      %add3A_364 = vector.broadcast %add3A_363 : i32 to vector<16xi32>
      %add3A_365 = arith.addi %add3A_364, %iota3A_15 : vector<16xi32>
      %gather3A_366 = tpu.vector_load_idx %arg16[%add3A_365, %broadcast_in_dim3A_343] : memref<64x128xf32, #tpu.memory_space<vmem>>[vector<16xi32>, vector<16xi32>], vector<16xf32>,
      %add3A_367 = arith.constant 32 : i32
      %add3A_368 = vector.broadcast %add3A_367 : i32 to vector<16xi32>
      %add3A_369 = arith.addi %add3A_368, %iota3A_15 : vector<16xi32>
      tpu.vector_store_idx %arg11[%broadcast_in_dim3A_348, %add3A_369], %gather3A_366 : memref<64x64xf32, #tpu.memory_space<vmem>>[vector<16xi32>, vector<16xi32>], vector<16xf32>,
      %add3A_370 = arith.constant 48 : i32
      %add3A_371 = vector.broadcast %add3A_370 : i32 to vector<16xi32>
      %add3A_372 = arith.addi %add3A_371, %iota3A_15 : vector<16xi32>
      %gather3A_373 = tpu.vector_load_idx %arg16[%add3A_372, %broadcast_in_dim3A_343] : memref<64x128xf32, #tpu.memory_space<vmem>>[vector<16xi32>, vector<16xi32>], vector<16xf32>,
      %add3A_374 = arith.constant 48 : i32
      %add3A_375 = vector.broadcast %add3A_374 : i32 to vector<16xi32>
      %add3A_376 = arith.addi %add3A_375, %iota3A_15 : vector<16xi32>
      tpu.vector_store_idx %arg11[%broadcast_in_dim3A_348, %add3A_376], %gather3A_373 : memref<64x64xf32, #tpu.memory_space<vmem>>[vector<16xi32>, vector<16xi32>], vector<16xf32>,
      %slice3A_377 = vector.extract_strided_slice %get3A_27 {offsets = [12], sizes = [1], strides = [1]} : vector<16xi32> to vector<1xi32>
      %squeeze3A_378 = vector.extract %slice3A_377[0] : i32 from vector<1xi32>
      %shift_right_arithmetic3A_379 = arith.constant 7 : i32
      %shift_right_arithmetic3A_380 = arith.shrsi %squeeze3A_378, %shift_right_arithmetic3A_379 : i32
      %mul3A_381 = arith.constant 128 : i32
      %mul3A_382 = arith.muli %shift_right_arithmetic3A_380, %mul3A_381 : i32
      %multiple_of3A_383 = tpu.assume_multiple %mul3A_382, 128 : i32
      %dma_start3A_384 = arith.constant 0 : i32
      %dma_start3A_385 = tpu.memref_slice %arg5[%dma_start3A_384, %multiple_of3A_383] : memref<64x1000000xf32, #tpu.memory_space<hbm>> -> memref<64x128xf32, #tpu.memory_space<hbm>>
      %dma_start3A_386 = arith.constant 0 : i32
      %dma_start3A_387 = tpu.memref_slice %arg5[%dma_start3A_386, %multiple_of3A_383] : memref<64x1000000xf32, #tpu.memory_space<hbm>> -> memref<64x128xf32, #tpu.memory_space<hbm>>
      tpu.enqueue_dma source(%dma_start3A_387 : memref<64x128xf32, #tpu.memory_space<hbm>>) target(%arg16 : memref<64x128xf32, #tpu.memory_space<vmem>>) target_semaphore(%arg24 : memref<!tpu.dma_semaphore, #tpu.memory_space<semaphore_mem>>)
      %dma_wait3A_388 = arith.constant 0 : i32
      %dma_wait3A_389 = arith.constant 0 : i32
      %dma_wait3A_390 = tpu.memref_slice %arg5[%dma_wait3A_388, %dma_wait3A_389] : memref<64x1000000xf32, #tpu.memory_space<hbm>> -> memref<64x128xf32, #tpu.memory_space<hbm>>
      %dma_wait3A_391 = arith.constant 0 : i32
      %dma_wait3A_392 = arith.constant 0 : i32
      %dma_wait3A_393 = tpu.memref_slice %arg5[%dma_wait3A_391, %dma_wait3A_392] : memref<64x1000000xf32, #tpu.memory_space<hbm>> -> memref<64x128xf32, #tpu.memory_space<hbm>>
      tpu.wait_dma2 semaphore(%arg25 : memref<!tpu.dma_semaphore, #tpu.memory_space<semaphore_mem>>) src(%dma_wait3A_393 : memref<64x128xf32, #tpu.memory_space<hbm>>) dst(%arg17 : memref<64x128xf32, #tpu.memory_space<vmem>>)
      %slice3A_394 = vector.extract_strided_slice %get3A_27 {offsets = [5], sizes = [1], strides = [1]} : vector<16xi32> to vector<1xi32>
      %squeeze3A_395 = vector.extract %slice3A_394[0] : i32 from vector<1xi32>
      %and3A_396 = arith.constant 127 : i32
      %and3A_397 = arith.andi %squeeze3A_395, %and3A_396 : i32
      %broadcast_in_dim3A_398 = vector.broadcast %and3A_397 : i32 to vector<16xi32>
      %mul3A_399 = arith.constant 32 : i32
      %mul3A_400 = arith.muli %scan3A_23, %mul3A_399 : i32
      %add3A_401 = arith.constant 5 : i32
      %add3A_402 = arith.addi %mul3A_400, %add3A_401 : i32
      %broadcast_in_dim3A_403 = vector.broadcast %add3A_402 : i32 to vector<16xi32>
      %add3A_404 = arith.constant 0 : i32
      %add3A_405 = vector.broadcast %add3A_404 : i32 to vector<16xi32>
      %add3A_406 = arith.addi %add3A_405, %iota3A_15 : vector<16xi32>
      %gather3A_407 = tpu.vector_load_idx %arg17[%add3A_406, %broadcast_in_dim3A_398] : memref<64x128xf32, #tpu.memory_space<vmem>>[vector<16xi32>, vector<16xi32>], vector<16xf32>,
      %add3A_408 = arith.constant 0 : i32
      %add3A_409 = vector.broadcast %add3A_408 : i32 to vector<16xi32>
      %add3A_410 = arith.addi %add3A_409, %iota3A_15 : vector<16xi32>
      tpu.vector_store_idx %arg11[%broadcast_in_dim3A_403, %add3A_410], %gather3A_407 : memref<64x64xf32, #tpu.memory_space<vmem>>[vector<16xi32>, vector<16xi32>], vector<16xf32>,
      %add3A_411 = arith.constant 16 : i32
      %add3A_412 = vector.broadcast %add3A_411 : i32 to vector<16xi32>
      %add3A_413 = arith.addi %add3A_412, %iota3A_15 : vector<16xi32>
      %gather3A_414 = tpu.vector_load_idx %arg17[%add3A_413, %broadcast_in_dim3A_398] : memref<64x128xf32, #tpu.memory_space<vmem>>[vector<16xi32>, vector<16xi32>], vector<16xf32>,
      %add3A_415 = arith.constant 16 : i32
      %add3A_416 = vector.broadcast %add3A_415 : i32 to vector<16xi32>
      %add3A_417 = arith.addi %add3A_416, %iota3A_15 : vector<16xi32>
      tpu.vector_store_idx %arg11[%broadcast_in_dim3A_403, %add3A_417], %gather3A_414 : memref<64x64xf32, #tpu.memory_space<vmem>>[vector<16xi32>, vector<16xi32>], vector<16xf32>,
      %add3A_418 = arith.constant 32 : i32
      %add3A_419 = vector.broadcast %add3A_418 : i32 to vector<16xi32>
      %add3A_420 = arith.addi %add3A_419, %iota3A_15 : vector<16xi32>
      %gather3A_421 = tpu.vector_load_idx %arg17[%add3A_420, %broadcast_in_dim3A_398] : memref<64x128xf32, #tpu.memory_space<vmem>>[vector<16xi32>, vector<16xi32>], vector<16xf32>,
      %add3A_422 = arith.constant 32 : i32
      %add3A_423 = vector.broadcast %add3A_422 : i32 to vector<16xi32>
      %add3A_424 = arith.addi %add3A_423, %iota3A_15 : vector<16xi32>
      tpu.vector_store_idx %arg11[%broadcast_in_dim3A_403, %add3A_424], %gather3A_421 : memref<64x64xf32, #tpu.memory_space<vmem>>[vector<16xi32>, vector<16xi32>], vector<16xf32>,
      %add3A_425 = arith.constant 48 : i32
      %add3A_426 = vector.broadcast %add3A_425 : i32 to vector<16xi32>
      %add3A_427 = arith.addi %add3A_426, %iota3A_15 : vector<16xi32>
      %gather3A_428 = tpu.vector_load_idx %arg17[%add3A_427, %broadcast_in_dim3A_398] : memref<64x128xf32, #tpu.memory_space<vmem>>[vector<16xi32>, vector<16xi32>], vector<16xf32>,
      %add3A_429 = arith.constant 48 : i32
      %add3A_430 = vector.broadcast %add3A_429 : i32 to vector<16xi32>
      %add3A_431 = arith.addi %add3A_430, %iota3A_15 : vector<16xi32>
      tpu.vector_store_idx %arg11[%broadcast_in_dim3A_403, %add3A_431], %gather3A_428 : memref<64x64xf32, #tpu.memory_space<vmem>>[vector<16xi32>, vector<16xi32>], vector<16xf32>,
      %slice3A_432 = vector.extract_strided_slice %get3A_27 {offsets = [13], sizes = [1], strides = [1]} : vector<16xi32> to vector<1xi32>
      %squeeze3A_433 = vector.extract %slice3A_432[0] : i32 from vector<1xi32>
      %shift_right_arithmetic3A_434 = arith.constant 7 : i32
      %shift_right_arithmetic3A_435 = arith.shrsi %squeeze3A_433, %shift_right_arithmetic3A_434 : i32
      %mul3A_436 = arith.constant 128 : i32
      %mul3A_437 = arith.muli %shift_right_arithmetic3A_435, %mul3A_436 : i32
      %multiple_of3A_438 = tpu.assume_multiple %mul3A_437, 128 : i32
      %dma_start3A_439 = arith.constant 0 : i32
      %dma_start3A_440 = tpu.memref_slice %arg5[%dma_start3A_439, %multiple_of3A_438] : memref<64x1000000xf32, #tpu.memory_space<hbm>> -> memref<64x128xf32, #tpu.memory_space<hbm>>
      %dma_start3A_441 = arith.constant 0 : i32
      %dma_start3A_442 = tpu.memref_slice %arg5[%dma_start3A_441, %multiple_of3A_438] : memref<64x1000000xf32, #tpu.memory_space<hbm>> -> memref<64x128xf32, #tpu.memory_space<hbm>>
      tpu.enqueue_dma source(%dma_start3A_442 : memref<64x128xf32, #tpu.memory_space<hbm>>) target(%arg17 : memref<64x128xf32, #tpu.memory_space<vmem>>) target_semaphore(%arg25 : memref<!tpu.dma_semaphore, #tpu.memory_space<semaphore_mem>>)
      %dma_wait3A_443 = arith.constant 0 : i32
      %dma_wait3A_444 = arith.constant 0 : i32
      %dma_wait3A_445 = tpu.memref_slice %arg5[%dma_wait3A_443, %dma_wait3A_444] : memref<64x1000000xf32, #tpu.memory_space<hbm>> -> memref<64x128xf32, #tpu.memory_space<hbm>>
      %dma_wait3A_446 = arith.constant 0 : i32
      %dma_wait3A_447 = arith.constant 0 : i32
      %dma_wait3A_448 = tpu.memref_slice %arg5[%dma_wait3A_446, %dma_wait3A_447] : memref<64x1000000xf32, #tpu.memory_space<hbm>> -> memref<64x128xf32, #tpu.memory_space<hbm>>
      tpu.wait_dma2 semaphore(%arg26 : memref<!tpu.dma_semaphore, #tpu.memory_space<semaphore_mem>>) src(%dma_wait3A_448 : memref<64x128xf32, #tpu.memory_space<hbm>>) dst(%arg18 : memref<64x128xf32, #tpu.memory_space<vmem>>)
      %slice3A_449 = vector.extract_strided_slice %get3A_27 {offsets = [6], sizes = [1], strides = [1]} : vector<16xi32> to vector<1xi32>
      %squeeze3A_450 = vector.extract %slice3A_449[0] : i32 from vector<1xi32>
      %and3A_451 = arith.constant 127 : i32
      %and3A_452 = arith.andi %squeeze3A_450, %and3A_451 : i32
      %broadcast_in_dim3A_453 = vector.broadcast %and3A_452 : i32 to vector<16xi32>
      %mul3A_454 = arith.constant 32 : i32
      %mul3A_455 = arith.muli %scan3A_23, %mul3A_454 : i32
      %add3A_456 = arith.constant 6 : i32
      %add3A_457 = arith.addi %mul3A_455, %add3A_456 : i32
      %broadcast_in_dim3A_458 = vector.broadcast %add3A_457 : i32 to vector<16xi32>
      %add3A_459 = arith.constant 0 : i32
      %add3A_460 = vector.broadcast %add3A_459 : i32 to vector<16xi32>
      %add3A_461 = arith.addi %add3A_460, %iota3A_15 : vector<16xi32>
      %gather3A_462 = tpu.vector_load_idx %arg18[%add3A_461, %broadcast_in_dim3A_453] : memref<64x128xf32, #tpu.memory_space<vmem>>[vector<16xi32>, vector<16xi32>], vector<16xf32>,
      %add3A_463 = arith.constant 0 : i32
      %add3A_464 = vector.broadcast %add3A_463 : i32 to vector<16xi32>
      %add3A_465 = arith.addi %add3A_464, %iota3A_15 : vector<16xi32>
      tpu.vector_store_idx %arg11[%broadcast_in_dim3A_458, %add3A_465], %gather3A_462 : memref<64x64xf32, #tpu.memory_space<vmem>>[vector<16xi32>, vector<16xi32>], vector<16xf32>,
      %add3A_466 = arith.constant 16 : i32
      %add3A_467 = vector.broadcast %add3A_466 : i32 to vector<16xi32>
      %add3A_468 = arith.addi %add3A_467, %iota3A_15 : vector<16xi32>
      %gather3A_469 = tpu.vector_load_idx %arg18[%add3A_468, %broadcast_in_dim3A_453] : memref<64x128xf32, #tpu.memory_space<vmem>>[vector<16xi32>, vector<16xi32>], vector<16xf32>,
      %add3A_470 = arith.constant 16 : i32
      %add3A_471 = vector.broadcast %add3A_470 : i32 to vector<16xi32>
      %add3A_472 = arith.addi %add3A_471, %iota3A_15 : vector<16xi32>
      tpu.vector_store_idx %arg11[%broadcast_in_dim3A_458, %add3A_472], %gather3A_469 : memref<64x64xf32, #tpu.memory_space<vmem>>[vector<16xi32>, vector<16xi32>], vector<16xf32>,
      %add3A_473 = arith.constant 32 : i32
      %add3A_474 = vector.broadcast %add3A_473 : i32 to vector<16xi32>
      %add3A_475 = arith.addi %add3A_474, %iota3A_15 : vector<16xi32>
      %gather3A_476 = tpu.vector_load_idx %arg18[%add3A_475, %broadcast_in_dim3A_453] : memref<64x128xf32, #tpu.memory_space<vmem>>[vector<16xi32>, vector<16xi32>], vector<16xf32>,
      %add3A_477 = arith.constant 32 : i32
      %add3A_478 = vector.broadcast %add3A_477 : i32 to vector<16xi32>
      %add3A_479 = arith.addi %add3A_478, %iota3A_15 : vector<16xi32>
      tpu.vector_store_idx %arg11[%broadcast_in_dim3A_458, %add3A_479], %gather3A_476 : memref<64x64xf32, #tpu.memory_space<vmem>>[vector<16xi32>, vector<16xi32>], vector<16xf32>,
      %add3A_480 = arith.constant 48 : i32
      %add3A_481 = vector.broadcast %add3A_480 : i32 to vector<16xi32>
      %add3A_482 = arith.addi %add3A_481, %iota3A_15 : vector<16xi32>
      %gather3A_483 = tpu.vector_load_idx %arg18[%add3A_482, %broadcast_in_dim3A_453] : memref<64x128xf32, #tpu.memory_space<vmem>>[vector<16xi32>, vector<16xi32>], vector<16xf32>,
      %add3A_484 = arith.constant 48 : i32
      %add3A_485 = vector.broadcast %add3A_484 : i32 to vector<16xi32>
      %add3A_486 = arith.addi %add3A_485, %iota3A_15 : vector<16xi32>
      tpu.vector_store_idx %arg11[%broadcast_in_dim3A_458, %add3A_486], %gather3A_483 : memref<64x64xf32, #tpu.memory_space<vmem>>[vector<16xi32>, vector<16xi32>], vector<16xf32>,
      %slice3A_487 = vector.extract_strided_slice %get3A_27 {offsets = [14], sizes = [1], strides = [1]} : vector<16xi32> to vector<1xi32>
      %squeeze3A_488 = vector.extract %slice3A_487[0] : i32 from vector<1xi32>
      %shift_right_arithmetic3A_489 = arith.constant 7 : i32
      %shift_right_arithmetic3A_490 = arith.shrsi %squeeze3A_488, %shift_right_arithmetic3A_489 : i32
      %mul3A_491 = arith.constant 128 : i32
      %mul3A_492 = arith.muli %shift_right_arithmetic3A_490, %mul3A_491 : i32
      %multiple_of3A_493 = tpu.assume_multiple %mul3A_492, 128 : i32
      %dma_start3A_494 = arith.constant 0 : i32
      %dma_start3A_495 = tpu.memref_slice %arg5[%dma_start3A_494, %multiple_of3A_493] : memref<64x1000000xf32, #tpu.memory_space<hbm>> -> memref<64x128xf32, #tpu.memory_space<hbm>>
      %dma_start3A_496 = arith.constant 0 : i32
      %dma_start3A_497 = tpu.memref_slice %arg5[%dma_start3A_496, %multiple_of3A_493] : memref<64x1000000xf32, #tpu.memory_space<hbm>> -> memref<64x128xf32, #tpu.memory_space<hbm>>
      tpu.enqueue_dma source(%dma_start3A_497 : memref<64x128xf32, #tpu.memory_space<hbm>>) target(%arg18 : memref<64x128xf32, #tpu.memory_space<vmem>>) target_semaphore(%arg26 : memref<!tpu.dma_semaphore, #tpu.memory_space<semaphore_mem>>)
      %dma_wait3A_498 = arith.constant 0 : i32
      %dma_wait3A_499 = arith.constant 0 : i32
      %dma_wait3A_500 = tpu.memref_slice %arg5[%dma_wait3A_498, %dma_wait3A_499] : memref<64x1000000xf32, #tpu.memory_space<hbm>> -> memref<64x128xf32, #tpu.memory_space<hbm>>
      %dma_wait3A_501 = arith.constant 0 : i32
      %dma_wait3A_502 = arith.constant 0 : i32
      %dma_wait3A_503 = tpu.memref_slice %arg5[%dma_wait3A_501, %dma_wait3A_502] : memref<64x1000000xf32, #tpu.memory_space<hbm>> -> memref<64x128xf32, #tpu.memory_space<hbm>>
      tpu.wait_dma2 semaphore(%arg27 : memref<!tpu.dma_semaphore, #tpu.memory_space<semaphore_mem>>) src(%dma_wait3A_503 : memref<64x128xf32, #tpu.memory_space<hbm>>) dst(%arg19 : memref<64x128xf32, #tpu.memory_space<vmem>>)
      %slice3A_504 = vector.extract_strided_slice %get3A_27 {offsets = [7], sizes = [1], strides = [1]} : vector<16xi32> to vector<1xi32>
      %squeeze3A_505 = vector.extract %slice3A_504[0] : i32 from vector<1xi32>
      %and3A_506 = arith.constant 127 : i32
      %and3A_507 = arith.andi %squeeze3A_505, %and3A_506 : i32
      %broadcast_in_dim3A_508 = vector.broadcast %and3A_507 : i32 to vector<16xi32>
      %mul3A_509 = arith.constant 32 : i32
      %mul3A_510 = arith.muli %scan3A_23, %mul3A_509 : i32
      %add3A_511 = arith.constant 7 : i32
      %add3A_512 = arith.addi %mul3A_510, %add3A_511 : i32
      %broadcast_in_dim3A_513 = vector.broadcast %add3A_512 : i32 to vector<16xi32>
      %add3A_514 = arith.constant 0 : i32
      %add3A_515 = vector.broadcast %add3A_514 : i32 to vector<16xi32>
      %add3A_516 = arith.addi %add3A_515, %iota3A_15 : vector<16xi32>
      %gather3A_517 = tpu.vector_load_idx %arg19[%add3A_516, %broadcast_in_dim3A_508] : memref<64x128xf32, #tpu.memory_space<vmem>>[vector<16xi32>, vector<16xi32>], vector<16xf32>,
      %add3A_518 = arith.constant 0 : i32
      %add3A_519 = vector.broadcast %add3A_518 : i32 to vector<16xi32>
      %add3A_520 = arith.addi %add3A_519, %iota3A_15 : vector<16xi32>
      tpu.vector_store_idx %arg11[%broadcast_in_dim3A_513, %add3A_520], %gather3A_517 : memref<64x64xf32, #tpu.memory_space<vmem>>[vector<16xi32>, vector<16xi32>], vector<16xf32>,
      %add3A_521 = arith.constant 16 : i32
      %add3A_522 = vector.broadcast %add3A_521 : i32 to vector<16xi32>
      %add3A_523 = arith.addi %add3A_522, %iota3A_15 : vector<16xi32>
      %gather3A_524 = tpu.vector_load_idx %arg19[%add3A_523, %broadcast_in_dim3A_508] : memref<64x128xf32, #tpu.memory_space<vmem>>[vector<16xi32>, vector<16xi32>], vector<16xf32>,
      %add3A_525 = arith.constant 16 : i32
      %add3A_526 = vector.broadcast %add3A_525 : i32 to vector<16xi32>
      %add3A_527 = arith.addi %add3A_526, %iota3A_15 : vector<16xi32>
      tpu.vector_store_idx %arg11[%broadcast_in_dim3A_513, %add3A_527], %gather3A_524 : memref<64x64xf32, #tpu.memory_space<vmem>>[vector<16xi32>, vector<16xi32>], vector<16xf32>,
      %add3A_528 = arith.constant 32 : i32
      %add3A_529 = vector.broadcast %add3A_528 : i32 to vector<16xi32>
      %add3A_530 = arith.addi %add3A_529, %iota3A_15 : vector<16xi32>
      %gather3A_531 = tpu.vector_load_idx %arg19[%add3A_530, %broadcast_in_dim3A_508] : memref<64x128xf32, #tpu.memory_space<vmem>>[vector<16xi32>, vector<16xi32>], vector<16xf32>,
      %add3A_532 = arith.constant 32 : i32
      %add3A_533 = vector.broadcast %add3A_532 : i32 to vector<16xi32>
      %add3A_534 = arith.addi %add3A_533, %iota3A_15 : vector<16xi32>
      tpu.vector_store_idx %arg11[%broadcast_in_dim3A_513, %add3A_534], %gather3A_531 : memref<64x64xf32, #tpu.memory_space<vmem>>[vector<16xi32>, vector<16xi32>], vector<16xf32>,
      %add3A_535 = arith.constant 48 : i32
      %add3A_536 = vector.broadcast %add3A_535 : i32 to vector<16xi32>
      %add3A_537 = arith.addi %add3A_536, %iota3A_15 : vector<16xi32>
      %gather3A_538 = tpu.vector_load_idx %arg19[%add3A_537, %broadcast_in_dim3A_508] : memref<64x128xf32, #tpu.memory_space<vmem>>[vector<16xi32>, vector<16xi32>], vector<16xf32>,
      %add3A_539 = arith.constant 48 : i32
      %add3A_540 = vector.broadcast %add3A_539 : i32 to vector<16xi32>
      %add3A_541 = arith.addi %add3A_540, %iota3A_15 : vector<16xi32>
      tpu.vector_store_idx %arg11[%broadcast_in_dim3A_513, %add3A_541], %gather3A_538 : memref<64x64xf32, #tpu.memory_space<vmem>>[vector<16xi32>, vector<16xi32>], vector<16xf32>,
      %slice3A_542 = vector.extract_strided_slice %get3A_27 {offsets = [15], sizes = [1], strides = [1]} : vector<16xi32> to vector<1xi32>
      %squeeze3A_543 = vector.extract %slice3A_542[0] : i32 from vector<1xi32>
      %shift_right_arithmetic3A_544 = arith.constant 7 : i32
      %shift_right_arithmetic3A_545 = arith.shrsi %squeeze3A_543, %shift_right_arithmetic3A_544 : i32
      %mul3A_546 = arith.constant 128 : i32
      %mul3A_547 = arith.muli %shift_right_arithmetic3A_545, %mul3A_546 : i32
      %multiple_of3A_548 = tpu.assume_multiple %mul3A_547, 128 : i32
      %dma_start3A_549 = arith.constant 0 : i32
      %dma_start3A_550 = tpu.memref_slice %arg5[%dma_start3A_549, %multiple_of3A_548] : memref<64x1000000xf32, #tpu.memory_space<hbm>> -> memref<64x128xf32, #tpu.memory_space<hbm>>
      %dma_start3A_551 = arith.constant 0 : i32
      %dma_start3A_552 = tpu.memref_slice %arg5[%dma_start3A_551, %multiple_of3A_548] : memref<64x1000000xf32, #tpu.memory_space<hbm>> -> memref<64x128xf32, #tpu.memory_space<hbm>>
      tpu.enqueue_dma source(%dma_start3A_552 : memref<64x128xf32, #tpu.memory_space<hbm>>) target(%arg19 : memref<64x128xf32, #tpu.memory_space<vmem>>) target_semaphore(%arg27 : memref<!tpu.dma_semaphore, #tpu.memory_space<semaphore_mem>>)
      %dma_wait3A_553 = arith.constant 0 : i32
      %dma_wait3A_554 = arith.constant 0 : i32
      %dma_wait3A_555 = tpu.memref_slice %arg5[%dma_wait3A_553, %dma_wait3A_554] : memref<64x1000000xf32, #tpu.memory_space<hbm>> -> memref<64x128xf32, #tpu.memory_space<hbm>>
      %dma_wait3A_556 = arith.constant 0 : i32
      %dma_wait3A_557 = arith.constant 0 : i32
      %dma_wait3A_558 = tpu.memref_slice %arg5[%dma_wait3A_556, %dma_wait3A_557] : memref<64x1000000xf32, #tpu.memory_space<hbm>> -> memref<64x128xf32, #tpu.memory_space<hbm>>
      tpu.wait_dma2 semaphore(%arg20 : memref<!tpu.dma_semaphore, #tpu.memory_space<semaphore_mem>>) src(%dma_wait3A_558 : memref<64x128xf32, #tpu.memory_space<hbm>>) dst(%arg12 : memref<64x128xf32, #tpu.memory_space<vmem>>)
      %slice3A_559 = vector.extract_strided_slice %get3A_27 {offsets = [8], sizes = [1], strides = [1]} : vector<16xi32> to vector<1xi32>
      %squeeze3A_560 = vector.extract %slice3A_559[0] : i32 from vector<1xi32>
      %and3A_561 = arith.constant 127 : i32
      %and3A_562 = arith.andi %squeeze3A_560, %and3A_561 : i32
      %broadcast_in_dim3A_563 = vector.broadcast %and3A_562 : i32 to vector<16xi32>
      %mul3A_564 = arith.constant 32 : i32
      %mul3A_565 = arith.muli %scan3A_23, %mul3A_564 : i32
      %add3A_566 = arith.constant 8 : i32
      %add3A_567 = arith.addi %mul3A_565, %add3A_566 : i32
      %broadcast_in_dim3A_568 = vector.broadcast %add3A_567 : i32 to vector<16xi32>
      %add3A_569 = arith.constant 0 : i32
      %add3A_570 = vector.broadcast %add3A_569 : i32 to vector<16xi32>
      %add3A_571 = arith.addi %add3A_570, %iota3A_15 : vector<16xi32>
      %gather3A_572 = tpu.vector_load_idx %arg12[%add3A_571, %broadcast_in_dim3A_563] : memref<64x128xf32, #tpu.memory_space<vmem>>[vector<16xi32>, vector<16xi32>], vector<16xf32>,
      %add3A_573 = arith.constant 0 : i32
      %add3A_574 = vector.broadcast %add3A_573 : i32 to vector<16xi32>
      %add3A_575 = arith.addi %add3A_574, %iota3A_15 : vector<16xi32>
      tpu.vector_store_idx %arg11[%broadcast_in_dim3A_568, %add3A_575], %gather3A_572 : memref<64x64xf32, #tpu.memory_space<vmem>>[vector<16xi32>, vector<16xi32>], vector<16xf32>,
      %add3A_576 = arith.constant 16 : i32
      %add3A_577 = vector.broadcast %add3A_576 : i32 to vector<16xi32>
      %add3A_578 = arith.addi %add3A_577, %iota3A_15 : vector<16xi32>
      %gather3A_579 = tpu.vector_load_idx %arg12[%add3A_578, %broadcast_in_dim3A_563] : memref<64x128xf32, #tpu.memory_space<vmem>>[vector<16xi32>, vector<16xi32>], vector<16xf32>,
      %add3A_580 = arith.constant 16 : i32
      %add3A_581 = vector.broadcast %add3A_580 : i32 to vector<16xi32>
      %add3A_582 = arith.addi %add3A_581, %iota3A_15 : vector<16xi32>
      tpu.vector_store_idx %arg11[%broadcast_in_dim3A_568, %add3A_582], %gather3A_579 : memref<64x64xf32, #tpu.memory_space<vmem>>[vector<16xi32>, vector<16xi32>], vector<16xf32>,
      %add3A_583 = arith.constant 32 : i32
      %add3A_584 = vector.broadcast %add3A_583 : i32 to vector<16xi32>
      %add3A_585 = arith.addi %add3A_584, %iota3A_15 : vector<16xi32>
      %gather3A_586 = tpu.vector_load_idx %arg12[%add3A_585, %broadcast_in_dim3A_563] : memref<64x128xf32, #tpu.memory_space<vmem>>[vector<16xi32>, vector<16xi32>], vector<16xf32>,
      %add3A_587 = arith.constant 32 : i32
      %add3A_588 = vector.broadcast %add3A_587 : i32 to vector<16xi32>
      %add3A_589 = arith.addi %add3A_588, %iota3A_15 : vector<16xi32>
      tpu.vector_store_idx %arg11[%broadcast_in_dim3A_568, %add3A_589], %gather3A_586 : memref<64x64xf32, #tpu.memory_space<vmem>>[vector<16xi32>, vector<16xi32>], vector<16xf32>,
      %add3A_590 = arith.constant 48 : i32
      %add3A_591 = vector.broadcast %add3A_590 : i32 to vector<16xi32>
      %add3A_592 = arith.addi %add3A_591, %iota3A_15 : vector<16xi32>
      %gather3A_593 = tpu.vector_load_idx %arg12[%add3A_592, %broadcast_in_dim3A_563] : memref<64x128xf32, #tpu.memory_space<vmem>>[vector<16xi32>, vector<16xi32>], vector<16xf32>,
      %add3A_594 = arith.constant 48 : i32
      %add3A_595 = vector.broadcast %add3A_594 : i32 to vector<16xi32>
      %add3A_596 = arith.addi %add3A_595, %iota3A_15 : vector<16xi32>
      tpu.vector_store_idx %arg11[%broadcast_in_dim3A_568, %add3A_596], %gather3A_593 : memref<64x64xf32, #tpu.memory_space<vmem>>[vector<16xi32>, vector<16xi32>], vector<16xf32>,
      %slice3A_597 = vector.extract_strided_slice %get3A_33 {offsets = [0], sizes = [1], strides = [1]} : vector<16xi32> to vector<1xi32>
      %squeeze3A_598 = vector.extract %slice3A_597[0] : i32 from vector<1xi32>
      %shift_right_arithmetic3A_599 = arith.constant 7 : i32
      %shift_right_arithmetic3A_600 = arith.shrsi %squeeze3A_598, %shift_right_arithmetic3A_599 : i32
      %mul3A_601 = arith.constant 128 : i32
      %mul3A_602 = arith.muli %shift_right_arithmetic3A_600, %mul3A_601 : i32
      %multiple_of3A_603 = tpu.assume_multiple %mul3A_602, 128 : i32
      %dma_start3A_604 = arith.constant 0 : i32
      %dma_start3A_605 = tpu.memref_slice %arg5[%dma_start3A_604, %multiple_of3A_603] : memref<64x1000000xf32, #tpu.memory_space<hbm>> -> memref<64x128xf32, #tpu.memory_space<hbm>>
      %dma_start3A_606 = arith.constant 0 : i32
      %dma_start3A_607 = tpu.memref_slice %arg5[%dma_start3A_606, %multiple_of3A_603] : memref<64x1000000xf32, #tpu.memory_space<hbm>> -> memref<64x128xf32, #tpu.memory_space<hbm>>
      tpu.enqueue_dma source(%dma_start3A_607 : memref<64x128xf32, #tpu.memory_space<hbm>>) target(%arg12 : memref<64x128xf32, #tpu.memory_space<vmem>>) target_semaphore(%arg20 : memref<!tpu.dma_semaphore, #tpu.memory_space<semaphore_mem>>)
      %dma_wait3A_608 = arith.constant 0 : i32
      %dma_wait3A_609 = arith.constant 0 : i32
      %dma_wait3A_610 = tpu.memref_slice %arg5[%dma_wait3A_608, %dma_wait3A_609] : memref<64x1000000xf32, #tpu.memory_space<hbm>> -> memref<64x128xf32, #tpu.memory_space<hbm>>
      %dma_wait3A_611 = arith.constant 0 : i32
      %dma_wait3A_612 = arith.constant 0 : i32
      %dma_wait3A_613 = tpu.memref_slice %arg5[%dma_wait3A_611, %dma_wait3A_612] : memref<64x1000000xf32, #tpu.memory_space<hbm>> -> memref<64x128xf32, #tpu.memory_space<hbm>>
      tpu.wait_dma2 semaphore(%arg21 : memref<!tpu.dma_semaphore, #tpu.memory_space<semaphore_mem>>) src(%dma_wait3A_613 : memref<64x128xf32, #tpu.memory_space<hbm>>) dst(%arg13 : memref<64x128xf32, #tpu.memory_space<vmem>>)
      %slice3A_614 = vector.extract_strided_slice %get3A_27 {offsets = [9], sizes = [1], strides = [1]} : vector<16xi32> to vector<1xi32>
      %squeeze3A_615 = vector.extract %slice3A_614[0] : i32 from vector<1xi32>
      %and3A_616 = arith.constant 127 : i32
      %and3A_617 = arith.andi %squeeze3A_615, %and3A_616 : i32
      %broadcast_in_dim3A_618 = vector.broadcast %and3A_617 : i32 to vector<16xi32>
      %mul3A_619 = arith.constant 32 : i32
      %mul3A_620 = arith.muli %scan3A_23, %mul3A_619 : i32
      %add3A_621 = arith.constant 9 : i32
      %add3A_622 = arith.addi %mul3A_620, %add3A_621 : i32
      %broadcast_in_dim3A_623 = vector.broadcast %add3A_622 : i32 to vector<16xi32>
      %add3A_624 = arith.constant 0 : i32
      %add3A_625 = vector.broadcast %add3A_624 : i32 to vector<16xi32>
      %add3A_626 = arith.addi %add3A_625, %iota3A_15 : vector<16xi32>
      %gather3A_627 = tpu.vector_load_idx %arg13[%add3A_626, %broadcast_in_dim3A_618] : memref<64x128xf32, #tpu.memory_space<vmem>>[vector<16xi32>, vector<16xi32>], vector<16xf32>,
      %add3A_628 = arith.constant 0 : i32
      %add3A_629 = vector.broadcast %add3A_628 : i32 to vector<16xi32>
      %add3A_630 = arith.addi %add3A_629, %iota3A_15 : vector<16xi32>
      tpu.vector_store_idx %arg11[%broadcast_in_dim3A_623, %add3A_630], %gather3A_627 : memref<64x64xf32, #tpu.memory_space<vmem>>[vector<16xi32>, vector<16xi32>], vector<16xf32>,
      %add3A_631 = arith.constant 16 : i32
      %add3A_632 = vector.broadcast %add3A_631 : i32 to vector<16xi32>
      %add3A_633 = arith.addi %add3A_632, %iota3A_15 : vector<16xi32>
      %gather3A_634 = tpu.vector_load_idx %arg13[%add3A_633, %broadcast_in_dim3A_618] : memref<64x128xf32, #tpu.memory_space<vmem>>[vector<16xi32>, vector<16xi32>], vector<16xf32>,
      %add3A_635 = arith.constant 16 : i32
      %add3A_636 = vector.broadcast %add3A_635 : i32 to vector<16xi32>
      %add3A_637 = arith.addi %add3A_636, %iota3A_15 : vector<16xi32>
      tpu.vector_store_idx %arg11[%broadcast_in_dim3A_623, %add3A_637], %gather3A_634 : memref<64x64xf32, #tpu.memory_space<vmem>>[vector<16xi32>, vector<16xi32>], vector<16xf32>,
      %add3A_638 = arith.constant 32 : i32
      %add3A_639 = vector.broadcast %add3A_638 : i32 to vector<16xi32>
      %add3A_640 = arith.addi %add3A_639, %iota3A_15 : vector<16xi32>
      %gather3A_641 = tpu.vector_load_idx %arg13[%add3A_640, %broadcast_in_dim3A_618] : memref<64x128xf32, #tpu.memory_space<vmem>>[vector<16xi32>, vector<16xi32>], vector<16xf32>,
      %add3A_642 = arith.constant 32 : i32
      %add3A_643 = vector.broadcast %add3A_642 : i32 to vector<16xi32>
      %add3A_644 = arith.addi %add3A_643, %iota3A_15 : vector<16xi32>
      tpu.vector_store_idx %arg11[%broadcast_in_dim3A_623, %add3A_644], %gather3A_641 : memref<64x64xf32, #tpu.memory_space<vmem>>[vector<16xi32>, vector<16xi32>], vector<16xf32>,
      %add3A_645 = arith.constant 48 : i32
      %add3A_646 = vector.broadcast %add3A_645 : i32 to vector<16xi32>
      %add3A_647 = arith.addi %add3A_646, %iota3A_15 : vector<16xi32>
      %gather3A_648 = tpu.vector_load_idx %arg13[%add3A_647, %broadcast_in_dim3A_618] : memref<64x128xf32, #tpu.memory_space<vmem>>[vector<16xi32>, vector<16xi32>], vector<16xf32>,
      %add3A_649 = arith.constant 48 : i32
      %add3A_650 = vector.broadcast %add3A_649 : i32 to vector<16xi32>
      %add3A_651 = arith.addi %add3A_650, %iota3A_15 : vector<16xi32>
      tpu.vector_store_idx %arg11[%broadcast_in_dim3A_623, %add3A_651], %gather3A_648 : memref<64x64xf32, #tpu.memory_space<vmem>>[vector<16xi32>, vector<16xi32>], vector<16xf32>,
      %slice3A_652 = vector.extract_strided_slice %get3A_33 {offsets = [1], sizes = [1], strides = [1]} : vector<16xi32> to vector<1xi32>
      %squeeze3A_653 = vector.extract %slice3A_652[0] : i32 from vector<1xi32>
      %shift_right_arithmetic3A_654 = arith.constant 7 : i32
      %shift_right_arithmetic3A_655 = arith.shrsi %squeeze3A_653, %shift_right_arithmetic3A_654 : i32
      %mul3A_656 = arith.constant 128 : i32
      %mul3A_657 = arith.muli %shift_right_arithmetic3A_655, %mul3A_656 : i32
      %multiple_of3A_658 = tpu.assume_multiple %mul3A_657, 128 : i32
      %dma_start3A_659 = arith.constant 0 : i32
      %dma_start3A_660 = tpu.memref_slice %arg5[%dma_start3A_659, %multiple_of3A_658] : memref<64x1000000xf32, #tpu.memory_space<hbm>> -> memref<64x128xf32, #tpu.memory_space<hbm>>
      %dma_start3A_661 = arith.constant 0 : i32
      %dma_start3A_662 = tpu.memref_slice %arg5[%dma_start3A_661, %multiple_of3A_658] : memref<64x1000000xf32, #tpu.memory_space<hbm>> -> memref<64x128xf32, #tpu.memory_space<hbm>>
      tpu.enqueue_dma source(%dma_start3A_662 : memref<64x128xf32, #tpu.memory_space<hbm>>) target(%arg13 : memref<64x128xf32, #tpu.memory_space<vmem>>) target_semaphore(%arg21 : memref<!tpu.dma_semaphore, #tpu.memory_space<semaphore_mem>>)
      %dma_wait3A_663 = arith.constant 0 : i32
      %dma_wait3A_664 = arith.constant 0 : i32
      %dma_wait3A_665 = tpu.memref_slice %arg5[%dma_wait3A_663, %dma_wait3A_664] : memref<64x1000000xf32, #tpu.memory_space<hbm>> -> memref<64x128xf32, #tpu.memory_space<hbm>>
      %dma_wait3A_666 = arith.constant 0 : i32
      %dma_wait3A_667 = arith.constant 0 : i32
      %dma_wait3A_668 = tpu.memref_slice %arg5[%dma_wait3A_666, %dma_wait3A_667] : memref<64x1000000xf32, #tpu.memory_space<hbm>> -> memref<64x128xf32, #tpu.memory_space<hbm>>
      tpu.wait_dma2 semaphore(%arg22 : memref<!tpu.dma_semaphore, #tpu.memory_space<semaphore_mem>>) src(%dma_wait3A_668 : memref<64x128xf32, #tpu.memory_space<hbm>>) dst(%arg14 : memref<64x128xf32, #tpu.memory_space<vmem>>)
      %slice3A_669 = vector.extract_strided_slice %get3A_27 {offsets = [10], sizes = [1], strides = [1]} : vector<16xi32> to vector<1xi32>
      %squeeze3A_670 = vector.extract %slice3A_669[0] : i32 from vector<1xi32>
      %and3A_671 = arith.constant 127 : i32
      %and3A_672 = arith.andi %squeeze3A_670, %and3A_671 : i32
      %broadcast_in_dim3A_673 = vector.broadcast %and3A_672 : i32 to vector<16xi32>
      %mul3A_674 = arith.constant 32 : i32
      %mul3A_675 = arith.muli %scan3A_23, %mul3A_674 : i32
      %add3A_676 = arith.constant 10 : i32
      %add3A_677 = arith.addi %mul3A_675, %add3A_676 : i32
      %broadcast_in_dim3A_678 = vector.broadcast %add3A_677 : i32 to vector<16xi32>
      %add3A_679 = arith.constant 0 : i32
      %add3A_680 = vector.broadcast %add3A_679 : i32 to vector<16xi32>
      %add3A_681 = arith.addi %add3A_680, %iota3A_15 : vector<16xi32>
      %gather3A_682 = tpu.vector_load_idx %arg14[%add3A_681, %broadcast_in_dim3A_673] : memref<64x128xf32, #tpu.memory_space<vmem>>[vector<16xi32>, vector<16xi32>], vector<16xf32>,
      %add3A_683 = arith.constant 0 : i32
      %add3A_684 = vector.broadcast %add3A_683 : i32 to vector<16xi32>
      %add3A_685 = arith.addi %add3A_684, %iota3A_15 : vector<16xi32>
      tpu.vector_store_idx %arg11[%broadcast_in_dim3A_678, %add3A_685], %gather3A_682 : memref<64x64xf32, #tpu.memory_space<vmem>>[vector<16xi32>, vector<16xi32>], vector<16xf32>,
      %add3A_686 = arith.constant 16 : i32
      %add3A_687 = vector.broadcast %add3A_686 : i32 to vector<16xi32>
      %add3A_688 = arith.addi %add3A_687, %iota3A_15 : vector<16xi32>
      %gather3A_689 = tpu.vector_load_idx %arg14[%add3A_688, %broadcast_in_dim3A_673] : memref<64x128xf32, #tpu.memory_space<vmem>>[vector<16xi32>, vector<16xi32>], vector<16xf32>,
      %add3A_690 = arith.constant 16 : i32
      %add3A_691 = vector.broadcast %add3A_690 : i32 to vector<16xi32>
      %add3A_692 = arith.addi %add3A_691, %iota3A_15 : vector<16xi32>
      tpu.vector_store_idx %arg11[%broadcast_in_dim3A_678, %add3A_692], %gather3A_689 : memref<64x64xf32, #tpu.memory_space<vmem>>[vector<16xi32>, vector<16xi32>], vector<16xf32>,
      %add3A_693 = arith.constant 32 : i32
      %add3A_694 = vector.broadcast %add3A_693 : i32 to vector<16xi32>
      %add3A_695 = arith.addi %add3A_694, %iota3A_15 : vector<16xi32>
      %gather3A_696 = tpu.vector_load_idx %arg14[%add3A_695, %broadcast_in_dim3A_673] : memref<64x128xf32, #tpu.memory_space<vmem>>[vector<16xi32>, vector<16xi32>], vector<16xf32>,
      %add3A_697 = arith.constant 32 : i32
      %add3A_698 = vector.broadcast %add3A_697 : i32 to vector<16xi32>
      %add3A_699 = arith.addi %add3A_698, %iota3A_15 : vector<16xi32>
      tpu.vector_store_idx %arg11[%broadcast_in_dim3A_678, %add3A_699], %gather3A_696 : memref<64x64xf32, #tpu.memory_space<vmem>>[vector<16xi32>, vector<16xi32>], vector<16xf32>,
      %add3A_700 = arith.constant 48 : i32
      %add3A_701 = vector.broadcast %add3A_700 : i32 to vector<16xi32>
      %add3A_702 = arith.addi %add3A_701, %iota3A_15 : vector<16xi32>
      %gather3A_703 = tpu.vector_load_idx %arg14[%add3A_702, %broadcast_in_dim3A_673] : memref<64x128xf32, #tpu.memory_space<vmem>>[vector<16xi32>, vector<16xi32>], vector<16xf32>,
      %add3A_704 = arith.constant 48 : i32
      %add3A_705 = vector.broadcast %add3A_704 : i32 to vector<16xi32>
      %add3A_706 = arith.addi %add3A_705, %iota3A_15 : vector<16xi32>
      tpu.vector_store_idx %arg11[%broadcast_in_dim3A_678, %add3A_706], %gather3A_703 : memref<64x64xf32, #tpu.memory_space<vmem>>[vector<16xi32>, vector<16xi32>], vector<16xf32>,
      %slice3A_707 = vector.extract_strided_slice %get3A_33 {offsets = [2], sizes = [1], strides = [1]} : vector<16xi32> to vector<1xi32>
      %squeeze3A_708 = vector.extract %slice3A_707[0] : i32 from vector<1xi32>
      %shift_right_arithmetic3A_709 = arith.constant 7 : i32
      %shift_right_arithmetic3A_710 = arith.shrsi %squeeze3A_708, %shift_right_arithmetic3A_709 : i32
      %mul3A_711 = arith.constant 128 : i32
      %mul3A_712 = arith.muli %shift_right_arithmetic3A_710, %mul3A_711 : i32
      %multiple_of3A_713 = tpu.assume_multiple %mul3A_712, 128 : i32
      %dma_start3A_714 = arith.constant 0 : i32
      %dma_start3A_715 = tpu.memref_slice %arg5[%dma_start3A_714, %multiple_of3A_713] : memref<64x1000000xf32, #tpu.memory_space<hbm>> -> memref<64x128xf32, #tpu.memory_space<hbm>>
      %dma_start3A_716 = arith.constant 0 : i32
      %dma_start3A_717 = tpu.memref_slice %arg5[%dma_start3A_716, %multiple_of3A_713] : memref<64x1000000xf32, #tpu.memory_space<hbm>> -> memref<64x128xf32, #tpu.memory_space<hbm>>
      tpu.enqueue_dma source(%dma_start3A_717 : memref<64x128xf32, #tpu.memory_space<hbm>>) target(%arg14 : memref<64x128xf32, #tpu.memory_space<vmem>>) target_semaphore(%arg22 : memref<!tpu.dma_semaphore, #tpu.memory_space<semaphore_mem>>)
      %dma_wait3A_718 = arith.constant 0 : i32
      %dma_wait3A_719 = arith.constant 0 : i32
      %dma_wait3A_720 = tpu.memref_slice %arg5[%dma_wait3A_718, %dma_wait3A_719] : memref<64x1000000xf32, #tpu.memory_space<hbm>> -> memref<64x128xf32, #tpu.memory_space<hbm>>
      %dma_wait3A_721 = arith.constant 0 : i32
      %dma_wait3A_722 = arith.constant 0 : i32
      %dma_wait3A_723 = tpu.memref_slice %arg5[%dma_wait3A_721, %dma_wait3A_722] : memref<64x1000000xf32, #tpu.memory_space<hbm>> -> memref<64x128xf32, #tpu.memory_space<hbm>>
      tpu.wait_dma2 semaphore(%arg23 : memref<!tpu.dma_semaphore, #tpu.memory_space<semaphore_mem>>) src(%dma_wait3A_723 : memref<64x128xf32, #tpu.memory_space<hbm>>) dst(%arg15 : memref<64x128xf32, #tpu.memory_space<vmem>>)
      %slice3A_724 = vector.extract_strided_slice %get3A_27 {offsets = [11], sizes = [1], strides = [1]} : vector<16xi32> to vector<1xi32>
      %squeeze3A_725 = vector.extract %slice3A_724[0] : i32 from vector<1xi32>
      %and3A_726 = arith.constant 127 : i32
      %and3A_727 = arith.andi %squeeze3A_725, %and3A_726 : i32
      %broadcast_in_dim3A_728 = vector.broadcast %and3A_727 : i32 to vector<16xi32>
      %mul3A_729 = arith.constant 32 : i32
      %mul3A_730 = arith.muli %scan3A_23, %mul3A_729 : i32
      %add3A_731 = arith.constant 11 : i32
      %add3A_732 = arith.addi %mul3A_730, %add3A_731 : i32
      %broadcast_in_dim3A_733 = vector.broadcast %add3A_732 : i32 to vector<16xi32>
      %add3A_734 = arith.constant 0 : i32
      %add3A_735 = vector.broadcast %add3A_734 : i32 to vector<16xi32>
      %add3A_736 = arith.addi %add3A_735, %iota3A_15 : vector<16xi32>
      %gather3A_737 = tpu.vector_load_idx %arg15[%add3A_736, %broadcast_in_dim3A_728] : memref<64x128xf32, #tpu.memory_space<vmem>>[vector<16xi32>, vector<16xi32>], vector<16xf32>,
      %add3A_738 = arith.constant 0 : i32
      %add3A_739 = vector.broadcast %add3A_738 : i32 to vector<16xi32>
      %add3A_740 = arith.addi %add3A_739, %iota3A_15 : vector<16xi32>
      tpu.vector_store_idx %arg11[%broadcast_in_dim3A_733, %add3A_740], %gather3A_737 : memref<64x64xf32, #tpu.memory_space<vmem>>[vector<16xi32>, vector<16xi32>], vector<16xf32>,
      %add3A_741 = arith.constant 16 : i32
      %add3A_742 = vector.broadcast %add3A_741 : i32 to vector<16xi32>
      %add3A_743 = arith.addi %add3A_742, %iota3A_15 : vector<16xi32>
      %gather3A_744 = tpu.vector_load_idx %arg15[%add3A_743, %broadcast_in_dim3A_728] : memref<64x128xf32, #tpu.memory_space<vmem>>[vector<16xi32>, vector<16xi32>], vector<16xf32>,
      %add3A_745 = arith.constant 16 : i32
      %add3A_746 = vector.broadcast %add3A_745 : i32 to vector<16xi32>
      %add3A_747 = arith.addi %add3A_746, %iota3A_15 : vector<16xi32>
      tpu.vector_store_idx %arg11[%broadcast_in_dim3A_733, %add3A_747], %gather3A_744 : memref<64x64xf32, #tpu.memory_space<vmem>>[vector<16xi32>, vector<16xi32>], vector<16xf32>,
      %add3A_748 = arith.constant 32 : i32
      %add3A_749 = vector.broadcast %add3A_748 : i32 to vector<16xi32>
      %add3A_750 = arith.addi %add3A_749, %iota3A_15 : vector<16xi32>
      %gather3A_751 = tpu.vector_load_idx %arg15[%add3A_750, %broadcast_in_dim3A_728] : memref<64x128xf32, #tpu.memory_space<vmem>>[vector<16xi32>, vector<16xi32>], vector<16xf32>,
      %add3A_752 = arith.constant 32 : i32
      %add3A_753 = vector.broadcast %add3A_752 : i32 to vector<16xi32>
      %add3A_754 = arith.addi %add3A_753, %iota3A_15 : vector<16xi32>
      tpu.vector_store_idx %arg11[%broadcast_in_dim3A_733, %add3A_754], %gather3A_751 : memref<64x64xf32, #tpu.memory_space<vmem>>[vector<16xi32>, vector<16xi32>], vector<16xf32>,
      %add3A_755 = arith.constant 48 : i32
      %add3A_756 = vector.broadcast %add3A_755 : i32 to vector<16xi32>
      %add3A_757 = arith.addi %add3A_756, %iota3A_15 : vector<16xi32>
      %gather3A_758 = tpu.vector_load_idx %arg15[%add3A_757, %broadcast_in_dim3A_728] : memref<64x128xf32, #tpu.memory_space<vmem>>[vector<16xi32>, vector<16xi32>], vector<16xf32>,
      %add3A_759 = arith.constant 48 : i32
      %add3A_760 = vector.broadcast %add3A_759 : i32 to vector<16xi32>
      %add3A_761 = arith.addi %add3A_760, %iota3A_15 : vector<16xi32>
      tpu.vector_store_idx %arg11[%broadcast_in_dim3A_733, %add3A_761], %gather3A_758 : memref<64x64xf32, #tpu.memory_space<vmem>>[vector<16xi32>, vector<16xi32>], vector<16xf32>,
      %slice3A_762 = vector.extract_strided_slice %get3A_33 {offsets = [3], sizes = [1], strides = [1]} : vector<16xi32> to vector<1xi32>
      %squeeze3A_763 = vector.extract %slice3A_762[0] : i32 from vector<1xi32>
      %shift_right_arithmetic3A_764 = arith.constant 7 : i32
      %shift_right_arithmetic3A_765 = arith.shrsi %squeeze3A_763, %shift_right_arithmetic3A_764 : i32
      %mul3A_766 = arith.constant 128 : i32
      %mul3A_767 = arith.muli %shift_right_arithmetic3A_765, %mul3A_766 : i32
      %multiple_of3A_768 = tpu.assume_multiple %mul3A_767, 128 : i32
      %dma_start3A_769 = arith.constant 0 : i32
      %dma_start3A_770 = tpu.memref_slice %arg5[%dma_start3A_769, %multiple_of3A_768] : memref<64x1000000xf32, #tpu.memory_space<hbm>> -> memref<64x128xf32, #tpu.memory_space<hbm>>
      %dma_start3A_771 = arith.constant 0 : i32
      %dma_start3A_772 = tpu.memref_slice %arg5[%dma_start3A_771, %multiple_of3A_768] : memref<64x1000000xf32, #tpu.memory_space<hbm>> -> memref<64x128xf32, #tpu.memory_space<hbm>>
      tpu.enqueue_dma source(%dma_start3A_772 : memref<64x128xf32, #tpu.memory_space<hbm>>) target(%arg15 : memref<64x128xf32, #tpu.memory_space<vmem>>) target_semaphore(%arg23 : memref<!tpu.dma_semaphore, #tpu.memory_space<semaphore_mem>>)
      %dma_wait3A_773 = arith.constant 0 : i32
      %dma_wait3A_774 = arith.constant 0 : i32
      %dma_wait3A_775 = tpu.memref_slice %arg5[%dma_wait3A_773, %dma_wait3A_774] : memref<64x1000000xf32, #tpu.memory_space<hbm>> -> memref<64x128xf32, #tpu.memory_space<hbm>>
      %dma_wait3A_776 = arith.constant 0 : i32
      %dma_wait3A_777 = arith.constant 0 : i32
      %dma_wait3A_778 = tpu.memref_slice %arg5[%dma_wait3A_776, %dma_wait3A_777] : memref<64x1000000xf32, #tpu.memory_space<hbm>> -> memref<64x128xf32, #tpu.memory_space<hbm>>
      tpu.wait_dma2 semaphore(%arg24 : memref<!tpu.dma_semaphore, #tpu.memory_space<semaphore_mem>>) src(%dma_wait3A_778 : memref<64x128xf32, #tpu.memory_space<hbm>>) dst(%arg16 : memref<64x128xf32, #tpu.memory_space<vmem>>)
      %slice3A_779 = vector.extract_strided_slice %get3A_27 {offsets = [12], sizes = [1], strides = [1]} : vector<16xi32> to vector<1xi32>
      %squeeze3A_780 = vector.extract %slice3A_779[0] : i32 from vector<1xi32>
      %and3A_781 = arith.constant 127 : i32
      %and3A_782 = arith.andi %squeeze3A_780, %and3A_781 : i32
      %broadcast_in_dim3A_783 = vector.broadcast %and3A_782 : i32 to vector<16xi32>
      %mul3A_784 = arith.constant 32 : i32
      %mul3A_785 = arith.muli %scan3A_23, %mul3A_784 : i32
      %add3A_786 = arith.constant 12 : i32
      %add3A_787 = arith.addi %mul3A_785, %add3A_786 : i32
      %broadcast_in_dim3A_788 = vector.broadcast %add3A_787 : i32 to vector<16xi32>
      %add3A_789 = arith.constant 0 : i32
      %add3A_790 = vector.broadcast %add3A_789 : i32 to vector<16xi32>
      %add3A_791 = arith.addi %add3A_790, %iota3A_15 : vector<16xi32>
      %gather3A_792 = tpu.vector_load_idx %arg16[%add3A_791, %broadcast_in_dim3A_783] : memref<64x128xf32, #tpu.memory_space<vmem>>[vector<16xi32>, vector<16xi32>], vector<16xf32>,
      %add3A_793 = arith.constant 0 : i32
      %add3A_794 = vector.broadcast %add3A_793 : i32 to vector<16xi32>
      %add3A_795 = arith.addi %add3A_794, %iota3A_15 : vector<16xi32>
      tpu.vector_store_idx %arg11[%broadcast_in_dim3A_788, %add3A_795], %gather3A_792 : memref<64x64xf32, #tpu.memory_space<vmem>>[vector<16xi32>, vector<16xi32>], vector<16xf32>,
      %add3A_796 = arith.constant 16 : i32
      %add3A_797 = vector.broadcast %add3A_796 : i32 to vector<16xi32>
      %add3A_798 = arith.addi %add3A_797, %iota3A_15 : vector<16xi32>
      %gather3A_799 = tpu.vector_load_idx %arg16[%add3A_798, %broadcast_in_dim3A_783] : memref<64x128xf32, #tpu.memory_space<vmem>>[vector<16xi32>, vector<16xi32>], vector<16xf32>,
      %add3A_800 = arith.constant 16 : i32
      %add3A_801 = vector.broadcast %add3A_800 : i32 to vector<16xi32>
      %add3A_802 = arith.addi %add3A_801, %iota3A_15 : vector<16xi32>
      tpu.vector_store_idx %arg11[%broadcast_in_dim3A_788, %add3A_802], %gather3A_799 : memref<64x64xf32, #tpu.memory_space<vmem>>[vector<16xi32>, vector<16xi32>], vector<16xf32>,
      %add3A_803 = arith.constant 32 : i32
      %add3A_804 = vector.broadcast %add3A_803 : i32 to vector<16xi32>
      %add3A_805 = arith.addi %add3A_804, %iota3A_15 : vector<16xi32>
      %gather3A_806 = tpu.vector_load_idx %arg16[%add3A_805, %broadcast_in_dim3A_783] : memref<64x128xf32, #tpu.memory_space<vmem>>[vector<16xi32>, vector<16xi32>], vector<16xf32>,
      %add3A_807 = arith.constant 32 : i32
      %add3A_808 = vector.broadcast %add3A_807 : i32 to vector<16xi32>
      %add3A_809 = arith.addi %add3A_808, %iota3A_15 : vector<16xi32>
      tpu.vector_store_idx %arg11[%broadcast_in_dim3A_788, %add3A_809], %gather3A_806 : memref<64x64xf32, #tpu.memory_space<vmem>>[vector<16xi32>, vector<16xi32>], vector<16xf32>,
      %add3A_810 = arith.constant 48 : i32
      %add3A_811 = vector.broadcast %add3A_810 : i32 to vector<16xi32>
      %add3A_812 = arith.addi %add3A_811, %iota3A_15 : vector<16xi32>
      %gather3A_813 = tpu.vector_load_idx %arg16[%add3A_812, %broadcast_in_dim3A_783] : memref<64x128xf32, #tpu.memory_space<vmem>>[vector<16xi32>, vector<16xi32>], vector<16xf32>,
      %add3A_814 = arith.constant 48 : i32
      %add3A_815 = vector.broadcast %add3A_814 : i32 to vector<16xi32>
      %add3A_816 = arith.addi %add3A_815, %iota3A_15 : vector<16xi32>
      tpu.vector_store_idx %arg11[%broadcast_in_dim3A_788, %add3A_816], %gather3A_813 : memref<64x64xf32, #tpu.memory_space<vmem>>[vector<16xi32>, vector<16xi32>], vector<16xf32>,
      %slice3A_817 = vector.extract_strided_slice %get3A_33 {offsets = [4], sizes = [1], strides = [1]} : vector<16xi32> to vector<1xi32>
      %squeeze3A_818 = vector.extract %slice3A_817[0] : i32 from vector<1xi32>
      %shift_right_arithmetic3A_819 = arith.constant 7 : i32
      %shift_right_arithmetic3A_820 = arith.shrsi %squeeze3A_818, %shift_right_arithmetic3A_819 : i32
      %mul3A_821 = arith.constant 128 : i32
      %mul3A_822 = arith.muli %shift_right_arithmetic3A_820, %mul3A_821 : i32
      %multiple_of3A_823 = tpu.assume_multiple %mul3A_822, 128 : i32
      %dma_start3A_824 = arith.constant 0 : i32
      %dma_start3A_825 = tpu.memref_slice %arg5[%dma_start3A_824, %multiple_of3A_823] : memref<64x1000000xf32, #tpu.memory_space<hbm>> -> memref<64x128xf32, #tpu.memory_space<hbm>>
      %dma_start3A_826 = arith.constant 0 : i32
      %dma_start3A_827 = tpu.memref_slice %arg5[%dma_start3A_826, %multiple_of3A_823] : memref<64x1000000xf32, #tpu.memory_space<hbm>> -> memref<64x128xf32, #tpu.memory_space<hbm>>
      tpu.enqueue_dma source(%dma_start3A_827 : memref<64x128xf32, #tpu.memory_space<hbm>>) target(%arg16 : memref<64x128xf32, #tpu.memory_space<vmem>>) target_semaphore(%arg24 : memref<!tpu.dma_semaphore, #tpu.memory_space<semaphore_mem>>)
      %dma_wait3A_828 = arith.constant 0 : i32
      %dma_wait3A_829 = arith.constant 0 : i32
      %dma_wait3A_830 = tpu.memref_slice %arg5[%dma_wait3A_828, %dma_wait3A_829] : memref<64x1000000xf32, #tpu.memory_space<hbm>> -> memref<64x128xf32, #tpu.memory_space<hbm>>
      %dma_wait3A_831 = arith.constant 0 : i32
      %dma_wait3A_832 = arith.constant 0 : i32
      %dma_wait3A_833 = tpu.memref_slice %arg5[%dma_wait3A_831, %dma_wait3A_832] : memref<64x1000000xf32, #tpu.memory_space<hbm>> -> memref<64x128xf32, #tpu.memory_space<hbm>>
      tpu.wait_dma2 semaphore(%arg25 : memref<!tpu.dma_semaphore, #tpu.memory_space<semaphore_mem>>) src(%dma_wait3A_833 : memref<64x128xf32, #tpu.memory_space<hbm>>) dst(%arg17 : memref<64x128xf32, #tpu.memory_space<vmem>>)
      %slice3A_834 = vector.extract_strided_slice %get3A_27 {offsets = [13], sizes = [1], strides = [1]} : vector<16xi32> to vector<1xi32>
      %squeeze3A_835 = vector.extract %slice3A_834[0] : i32 from vector<1xi32>
      %and3A_836 = arith.constant 127 : i32
      %and3A_837 = arith.andi %squeeze3A_835, %and3A_836 : i32
      %broadcast_in_dim3A_838 = vector.broadcast %and3A_837 : i32 to vector<16xi32>
      %mul3A_839 = arith.constant 32 : i32
      %mul3A_840 = arith.muli %scan3A_23, %mul3A_839 : i32
      %add3A_841 = arith.constant 13 : i32
      %add3A_842 = arith.addi %mul3A_840, %add3A_841 : i32
      %broadcast_in_dim3A_843 = vector.broadcast %add3A_842 : i32 to vector<16xi32>
      %add3A_844 = arith.constant 0 : i32
      %add3A_845 = vector.broadcast %add3A_844 : i32 to vector<16xi32>
      %add3A_846 = arith.addi %add3A_845, %iota3A_15 : vector<16xi32>
      %gather3A_847 = tpu.vector_load_idx %arg17[%add3A_846, %broadcast_in_dim3A_838] : memref<64x128xf32, #tpu.memory_space<vmem>>[vector<16xi32>, vector<16xi32>], vector<16xf32>,
      %add3A_848 = arith.constant 0 : i32
      %add3A_849 = vector.broadcast %add3A_848 : i32 to vector<16xi32>
      %add3A_850 = arith.addi %add3A_849, %iota3A_15 : vector<16xi32>
      tpu.vector_store_idx %arg11[%broadcast_in_dim3A_843, %add3A_850], %gather3A_847 : memref<64x64xf32, #tpu.memory_space<vmem>>[vector<16xi32>, vector<16xi32>], vector<16xf32>,
      %add3A_851 = arith.constant 16 : i32
      %add3A_852 = vector.broadcast %add3A_851 : i32 to vector<16xi32>
      %add3A_853 = arith.addi %add3A_852, %iota3A_15 : vector<16xi32>
      %gather3A_854 = tpu.vector_load_idx %arg17[%add3A_853, %broadcast_in_dim3A_838] : memref<64x128xf32, #tpu.memory_space<vmem>>[vector<16xi32>, vector<16xi32>], vector<16xf32>,
      %add3A_855 = arith.constant 16 : i32
      %add3A_856 = vector.broadcast %add3A_855 : i32 to vector<16xi32>
      %add3A_857 = arith.addi %add3A_856, %iota3A_15 : vector<16xi32>
      tpu.vector_store_idx %arg11[%broadcast_in_dim3A_843, %add3A_857], %gather3A_854 : memref<64x64xf32, #tpu.memory_space<vmem>>[vector<16xi32>, vector<16xi32>], vector<16xf32>,
      %add3A_858 = arith.constant 32 : i32
      %add3A_859 = vector.broadcast %add3A_858 : i32 to vector<16xi32>
      %add3A_860 = arith.addi %add3A_859, %iota3A_15 : vector<16xi32>
      %gather3A_861 = tpu.vector_load_idx %arg17[%add3A_860, %broadcast_in_dim3A_838] : memref<64x128xf32, #tpu.memory_space<vmem>>[vector<16xi32>, vector<16xi32>], vector<16xf32>,
      %add3A_862 = arith.constant 32 : i32
      %add3A_863 = vector.broadcast %add3A_862 : i32 to vector<16xi32>
      %add3A_864 = arith.addi %add3A_863, %iota3A_15 : vector<16xi32>
      tpu.vector_store_idx %arg11[%broadcast_in_dim3A_843, %add3A_864], %gather3A_861 : memref<64x64xf32, #tpu.memory_space<vmem>>[vector<16xi32>, vector<16xi32>], vector<16xf32>,
      %add3A_865 = arith.constant 48 : i32
      %add3A_866 = vector.broadcast %add3A_865 : i32 to vector<16xi32>
      %add3A_867 = arith.addi %add3A_866, %iota3A_15 : vector<16xi32>
      %gather3A_868 = tpu.vector_load_idx %arg17[%add3A_867, %broadcast_in_dim3A_838] : memref<64x128xf32, #tpu.memory_space<vmem>>[vector<16xi32>, vector<16xi32>], vector<16xf32>,
      %add3A_869 = arith.constant 48 : i32
      %add3A_870 = vector.broadcast %add3A_869 : i32 to vector<16xi32>
      %add3A_871 = arith.addi %add3A_870, %iota3A_15 : vector<16xi32>
      tpu.vector_store_idx %arg11[%broadcast_in_dim3A_843, %add3A_871], %gather3A_868 : memref<64x64xf32, #tpu.memory_space<vmem>>[vector<16xi32>, vector<16xi32>], vector<16xf32>,
      %slice3A_872 = vector.extract_strided_slice %get3A_33 {offsets = [5], sizes = [1], strides = [1]} : vector<16xi32> to vector<1xi32>
      %squeeze3A_873 = vector.extract %slice3A_872[0] : i32 from vector<1xi32>
      %shift_right_arithmetic3A_874 = arith.constant 7 : i32
      %shift_right_arithmetic3A_875 = arith.shrsi %squeeze3A_873, %shift_right_arithmetic3A_874 : i32
      %mul3A_876 = arith.constant 128 : i32
      %mul3A_877 = arith.muli %shift_right_arithmetic3A_875, %mul3A_876 : i32
      %multiple_of3A_878 = tpu.assume_multiple %mul3A_877, 128 : i32
      %dma_start3A_879 = arith.constant 0 : i32
      %dma_start3A_880 = tpu.memref_slice %arg5[%dma_start3A_879, %multiple_of3A_878] : memref<64x1000000xf32, #tpu.memory_space<hbm>> -> memref<64x128xf32, #tpu.memory_space<hbm>>
      %dma_start3A_881 = arith.constant 0 : i32
      %dma_start3A_882 = tpu.memref_slice %arg5[%dma_start3A_881, %multiple_of3A_878] : memref<64x1000000xf32, #tpu.memory_space<hbm>> -> memref<64x128xf32, #tpu.memory_space<hbm>>
      tpu.enqueue_dma source(%dma_start3A_882 : memref<64x128xf32, #tpu.memory_space<hbm>>) target(%arg17 : memref<64x128xf32, #tpu.memory_space<vmem>>) target_semaphore(%arg25 : memref<!tpu.dma_semaphore, #tpu.memory_space<semaphore_mem>>)
      %dma_wait3A_883 = arith.constant 0 : i32
      %dma_wait3A_884 = arith.constant 0 : i32
      %dma_wait3A_885 = tpu.memref_slice %arg5[%dma_wait3A_883, %dma_wait3A_884] : memref<64x1000000xf32, #tpu.memory_space<hbm>> -> memref<64x128xf32, #tpu.memory_space<hbm>>
      %dma_wait3A_886 = arith.constant 0 : i32
      %dma_wait3A_887 = arith.constant 0 : i32
      %dma_wait3A_888 = tpu.memref_slice %arg5[%dma_wait3A_886, %dma_wait3A_887] : memref<64x1000000xf32, #tpu.memory_space<hbm>> -> memref<64x128xf32, #tpu.memory_space<hbm>>
      tpu.wait_dma2 semaphore(%arg26 : memref<!tpu.dma_semaphore, #tpu.memory_space<semaphore_mem>>) src(%dma_wait3A_888 : memref<64x128xf32, #tpu.memory_space<hbm>>) dst(%arg18 : memref<64x128xf32, #tpu.memory_space<vmem>>)
      %slice3A_889 = vector.extract_strided_slice %get3A_27 {offsets = [14], sizes = [1], strides = [1]} : vector<16xi32> to vector<1xi32>
      %squeeze3A_890 = vector.extract %slice3A_889[0] : i32 from vector<1xi32>
      %and3A_891 = arith.constant 127 : i32
      %and3A_892 = arith.andi %squeeze3A_890, %and3A_891 : i32
      %broadcast_in_dim3A_893 = vector.broadcast %and3A_892 : i32 to vector<16xi32>
      %mul3A_894 = arith.constant 32 : i32
      %mul3A_895 = arith.muli %scan3A_23, %mul3A_894 : i32
      %add3A_896 = arith.constant 14 : i32
      %add3A_897 = arith.addi %mul3A_895, %add3A_896 : i32
      %broadcast_in_dim3A_898 = vector.broadcast %add3A_897 : i32 to vector<16xi32>
      %add3A_899 = arith.constant 0 : i32
      %add3A_900 = vector.broadcast %add3A_899 : i32 to vector<16xi32>
      %add3A_901 = arith.addi %add3A_900, %iota3A_15 : vector<16xi32>
      %gather3A_902 = tpu.vector_load_idx %arg18[%add3A_901, %broadcast_in_dim3A_893] : memref<64x128xf32, #tpu.memory_space<vmem>>[vector<16xi32>, vector<16xi32>], vector<16xf32>,
      %add3A_903 = arith.constant 0 : i32
      %add3A_904 = vector.broadcast %add3A_903 : i32 to vector<16xi32>
      %add3A_905 = arith.addi %add3A_904, %iota3A_15 : vector<16xi32>
      tpu.vector_store_idx %arg11[%broadcast_in_dim3A_898, %add3A_905], %gather3A_902 : memref<64x64xf32, #tpu.memory_space<vmem>>[vector<16xi32>, vector<16xi32>], vector<16xf32>,
      %add3A_906 = arith.constant 16 : i32
      %add3A_907 = vector.broadcast %add3A_906 : i32 to vector<16xi32>
      %add3A_908 = arith.addi %add3A_907, %iota3A_15 : vector<16xi32>
      %gather3A_909 = tpu.vector_load_idx %arg18[%add3A_908, %broadcast_in_dim3A_893] : memref<64x128xf32, #tpu.memory_space<vmem>>[vector<16xi32>, vector<16xi32>], vector<16xf32>,
      %add3A_910 = arith.constant 16 : i32
      %add3A_911 = vector.broadcast %add3A_910 : i32 to vector<16xi32>
      %add3A_912 = arith.addi %add3A_911, %iota3A_15 : vector<16xi32>
      tpu.vector_store_idx %arg11[%broadcast_in_dim3A_898, %add3A_912], %gather3A_909 : memref<64x64xf32, #tpu.memory_space<vmem>>[vector<16xi32>, vector<16xi32>], vector<16xf32>,
      %add3A_913 = arith.constant 32 : i32
      %add3A_914 = vector.broadcast %add3A_913 : i32 to vector<16xi32>
      %add3A_915 = arith.addi %add3A_914, %iota3A_15 : vector<16xi32>
      %gather3A_916 = tpu.vector_load_idx %arg18[%add3A_915, %broadcast_in_dim3A_893] : memref<64x128xf32, #tpu.memory_space<vmem>>[vector<16xi32>, vector<16xi32>], vector<16xf32>,
      %add3A_917 = arith.constant 32 : i32
      %add3A_918 = vector.broadcast %add3A_917 : i32 to vector<16xi32>
      %add3A_919 = arith.addi %add3A_918, %iota3A_15 : vector<16xi32>
      tpu.vector_store_idx %arg11[%broadcast_in_dim3A_898, %add3A_919], %gather3A_916 : memref<64x64xf32, #tpu.memory_space<vmem>>[vector<16xi32>, vector<16xi32>], vector<16xf32>,
      %add3A_920 = arith.constant 48 : i32
      %add3A_921 = vector.broadcast %add3A_920 : i32 to vector<16xi32>
      %add3A_922 = arith.addi %add3A_921, %iota3A_15 : vector<16xi32>
      %gather3A_923 = tpu.vector_load_idx %arg18[%add3A_922, %broadcast_in_dim3A_893] : memref<64x128xf32, #tpu.memory_space<vmem>>[vector<16xi32>, vector<16xi32>], vector<16xf32>,
      %add3A_924 = arith.constant 48 : i32
      %add3A_925 = vector.broadcast %add3A_924 : i32 to vector<16xi32>
      %add3A_926 = arith.addi %add3A_925, %iota3A_15 : vector<16xi32>
      tpu.vector_store_idx %arg11[%broadcast_in_dim3A_898, %add3A_926], %gather3A_923 : memref<64x64xf32, #tpu.memory_space<vmem>>[vector<16xi32>, vector<16xi32>], vector<16xf32>,
      %slice3A_927 = vector.extract_strided_slice %get3A_33 {offsets = [6], sizes = [1], strides = [1]} : vector<16xi32> to vector<1xi32>
      %squeeze3A_928 = vector.extract %slice3A_927[0] : i32 from vector<1xi32>
      %shift_right_arithmetic3A_929 = arith.constant 7 : i32
      %shift_right_arithmetic3A_930 = arith.shrsi %squeeze3A_928, %shift_right_arithmetic3A_929 : i32
      %mul3A_931 = arith.constant 128 : i32
      %mul3A_932 = arith.muli %shift_right_arithmetic3A_930, %mul3A_931 : i32
      %multiple_of3A_933 = tpu.assume_multiple %mul3A_932, 128 : i32
      %dma_start3A_934 = arith.constant 0 : i32
      %dma_start3A_935 = tpu.memref_slice %arg5[%dma_start3A_934, %multiple_of3A_933] : memref<64x1000000xf32, #tpu.memory_space<hbm>> -> memref<64x128xf32, #tpu.memory_space<hbm>>
      %dma_start3A_936 = arith.constant 0 : i32
      %dma_start3A_937 = tpu.memref_slice %arg5[%dma_start3A_936, %multiple_of3A_933] : memref<64x1000000xf32, #tpu.memory_space<hbm>> -> memref<64x128xf32, #tpu.memory_space<hbm>>
      tpu.enqueue_dma source(%dma_start3A_937 : memref<64x128xf32, #tpu.memory_space<hbm>>) target(%arg18 : memref<64x128xf32, #tpu.memory_space<vmem>>) target_semaphore(%arg26 : memref<!tpu.dma_semaphore, #tpu.memory_space<semaphore_mem>>)
      %dma_wait3A_938 = arith.constant 0 : i32
      %dma_wait3A_939 = arith.constant 0 : i32
      %dma_wait3A_940 = tpu.memref_slice %arg5[%dma_wait3A_938, %dma_wait3A_939] : memref<64x1000000xf32, #tpu.memory_space<hbm>> -> memref<64x128xf32, #tpu.memory_space<hbm>>
      %dma_wait3A_941 = arith.constant 0 : i32
      %dma_wait3A_942 = arith.constant 0 : i32
      %dma_wait3A_943 = tpu.memref_slice %arg5[%dma_wait3A_941, %dma_wait3A_942] : memref<64x1000000xf32, #tpu.memory_space<hbm>> -> memref<64x128xf32, #tpu.memory_space<hbm>>
      tpu.wait_dma2 semaphore(%arg27 : memref<!tpu.dma_semaphore, #tpu.memory_space<semaphore_mem>>) src(%dma_wait3A_943 : memref<64x128xf32, #tpu.memory_space<hbm>>) dst(%arg19 : memref<64x128xf32, #tpu.memory_space<vmem>>)
      %slice3A_944 = vector.extract_strided_slice %get3A_27 {offsets = [15], sizes = [1], strides = [1]} : vector<16xi32> to vector<1xi32>
      %squeeze3A_945 = vector.extract %slice3A_944[0] : i32 from vector<1xi32>
      %and3A_946 = arith.constant 127 : i32
      %and3A_947 = arith.andi %squeeze3A_945, %and3A_946 : i32
      %broadcast_in_dim3A_948 = vector.broadcast %and3A_947 : i32 to vector<16xi32>
      %mul3A_949 = arith.constant 32 : i32
      %mul3A_950 = arith.muli %scan3A_23, %mul3A_949 : i32
      %add3A_951 = arith.constant 15 : i32
      %add3A_952 = arith.addi %mul3A_950, %add3A_951 : i32
      %broadcast_in_dim3A_953 = vector.broadcast %add3A_952 : i32 to vector<16xi32>
      %add3A_954 = arith.constant 0 : i32
      %add3A_955 = vector.broadcast %add3A_954 : i32 to vector<16xi32>
      %add3A_956 = arith.addi %add3A_955, %iota3A_15 : vector<16xi32>
      %gather3A_957 = tpu.vector_load_idx %arg19[%add3A_956, %broadcast_in_dim3A_948] : memref<64x128xf32, #tpu.memory_space<vmem>>[vector<16xi32>, vector<16xi32>], vector<16xf32>,
      %add3A_958 = arith.constant 0 : i32
      %add3A_959 = vector.broadcast %add3A_958 : i32 to vector<16xi32>
      %add3A_960 = arith.addi %add3A_959, %iota3A_15 : vector<16xi32>
      tpu.vector_store_idx %arg11[%broadcast_in_dim3A_953, %add3A_960], %gather3A_957 : memref<64x64xf32, #tpu.memory_space<vmem>>[vector<16xi32>, vector<16xi32>], vector<16xf32>,
      %add3A_961 = arith.constant 16 : i32
      %add3A_962 = vector.broadcast %add3A_961 : i32 to vector<16xi32>
      %add3A_963 = arith.addi %add3A_962, %iota3A_15 : vector<16xi32>
      %gather3A_964 = tpu.vector_load_idx %arg19[%add3A_963, %broadcast_in_dim3A_948] : memref<64x128xf32, #tpu.memory_space<vmem>>[vector<16xi32>, vector<16xi32>], vector<16xf32>,
      %add3A_965 = arith.constant 16 : i32
      %add3A_966 = vector.broadcast %add3A_965 : i32 to vector<16xi32>
      %add3A_967 = arith.addi %add3A_966, %iota3A_15 : vector<16xi32>
      tpu.vector_store_idx %arg11[%broadcast_in_dim3A_953, %add3A_967], %gather3A_964 : memref<64x64xf32, #tpu.memory_space<vmem>>[vector<16xi32>, vector<16xi32>], vector<16xf32>,
      %add3A_968 = arith.constant 32 : i32
      %add3A_969 = vector.broadcast %add3A_968 : i32 to vector<16xi32>
      %add3A_970 = arith.addi %add3A_969, %iota3A_15 : vector<16xi32>
      %gather3A_971 = tpu.vector_load_idx %arg19[%add3A_970, %broadcast_in_dim3A_948] : memref<64x128xf32, #tpu.memory_space<vmem>>[vector<16xi32>, vector<16xi32>], vector<16xf32>,
      %add3A_972 = arith.constant 32 : i32
      %add3A_973 = vector.broadcast %add3A_972 : i32 to vector<16xi32>
      %add3A_974 = arith.addi %add3A_973, %iota3A_15 : vector<16xi32>
      tpu.vector_store_idx %arg11[%broadcast_in_dim3A_953, %add3A_974], %gather3A_971 : memref<64x64xf32, #tpu.memory_space<vmem>>[vector<16xi32>, vector<16xi32>], vector<16xf32>,
      %add3A_975 = arith.constant 48 : i32
      %add3A_976 = vector.broadcast %add3A_975 : i32 to vector<16xi32>
      %add3A_977 = arith.addi %add3A_976, %iota3A_15 : vector<16xi32>
      %gather3A_978 = tpu.vector_load_idx %arg19[%add3A_977, %broadcast_in_dim3A_948] : memref<64x128xf32, #tpu.memory_space<vmem>>[vector<16xi32>, vector<16xi32>], vector<16xf32>,
      %add3A_979 = arith.constant 48 : i32
      %add3A_980 = vector.broadcast %add3A_979 : i32 to vector<16xi32>
      %add3A_981 = arith.addi %add3A_980, %iota3A_15 : vector<16xi32>
      tpu.vector_store_idx %arg11[%broadcast_in_dim3A_953, %add3A_981], %gather3A_978 : memref<64x64xf32, #tpu.memory_space<vmem>>[vector<16xi32>, vector<16xi32>], vector<16xf32>,
      %slice3A_982 = vector.extract_strided_slice %get3A_33 {offsets = [7], sizes = [1], strides = [1]} : vector<16xi32> to vector<1xi32>
      %squeeze3A_983 = vector.extract %slice3A_982[0] : i32 from vector<1xi32>
      %shift_right_arithmetic3A_984 = arith.constant 7 : i32
      %shift_right_arithmetic3A_985 = arith.shrsi %squeeze3A_983, %shift_right_arithmetic3A_984 : i32
      %mul3A_986 = arith.constant 128 : i32
      %mul3A_987 = arith.muli %shift_right_arithmetic3A_985, %mul3A_986 : i32
      %multiple_of3A_988 = tpu.assume_multiple %mul3A_987, 128 : i32
      %dma_start3A_989 = arith.constant 0 : i32
      %dma_start3A_990 = tpu.memref_slice %arg5[%dma_start3A_989, %multiple_of3A_988] : memref<64x1000000xf32, #tpu.memory_space<hbm>> -> memref<64x128xf32, #tpu.memory_space<hbm>>
      %dma_start3A_991 = arith.constant 0 : i32
      %dma_start3A_992 = tpu.memref_slice %arg5[%dma_start3A_991, %multiple_of3A_988] : memref<64x1000000xf32, #tpu.memory_space<hbm>> -> memref<64x128xf32, #tpu.memory_space<hbm>>
      tpu.enqueue_dma source(%dma_start3A_992 : memref<64x128xf32, #tpu.memory_space<hbm>>) target(%arg19 : memref<64x128xf32, #tpu.memory_space<vmem>>) target_semaphore(%arg27 : memref<!tpu.dma_semaphore, #tpu.memory_space<semaphore_mem>>)
      %dma_wait3A_993 = arith.constant 0 : i32
      %dma_wait3A_994 = arith.constant 0 : i32
      %dma_wait3A_995 = tpu.memref_slice %arg5[%dma_wait3A_993, %dma_wait3A_994] : memref<64x1000000xf32, #tpu.memory_space<hbm>> -> memref<64x128xf32, #tpu.memory_space<hbm>>
      %dma_wait3A_996 = arith.constant 0 : i32
      %dma_wait3A_997 = arith.constant 0 : i32
      %dma_wait3A_998 = tpu.memref_slice %arg5[%dma_wait3A_996, %dma_wait3A_997] : memref<64x1000000xf32, #tpu.memory_space<hbm>> -> memref<64x128xf32, #tpu.memory_space<hbm>>
      tpu.wait_dma2 semaphore(%arg20 : memref<!tpu.dma_semaphore, #tpu.memory_space<semaphore_mem>>) src(%dma_wait3A_998 : memref<64x128xf32, #tpu.memory_space<hbm>>) dst(%arg12 : memref<64x128xf32, #tpu.memory_space<vmem>>)
      %slice3A_999 = vector.extract_strided_slice %get3A_33 {offsets = [0], sizes = [1], strides = [1]} : vector<16xi32> to vector<1xi32>
      %squeeze3A_1000 = vector.extract %slice3A_999[0] : i32 from vector<1xi32>
      %and3A_1001 = arith.constant 127 : i32
      %and3A_1002 = arith.andi %squeeze3A_1000, %and3A_1001 : i32
      %broadcast_in_dim3A_1003 = vector.broadcast %and3A_1002 : i32 to vector<16xi32>
      %mul3A_1004 = arith.constant 32 : i32
      %mul3A_1005 = arith.muli %scan3A_23, %mul3A_1004 : i32
      %add3A_1006 = arith.constant 16 : i32
      %add3A_1007 = arith.addi %mul3A_1005, %add3A_1006 : i32
      %broadcast_in_dim3A_1008 = vector.broadcast %add3A_1007 : i32 to vector<16xi32>
      %add3A_1009 = arith.constant 0 : i32
      %add3A_1010 = vector.broadcast %add3A_1009 : i32 to vector<16xi32>
      %add3A_1011 = arith.addi %add3A_1010, %iota3A_15 : vector<16xi32>
      %gather3A_1012 = tpu.vector_load_idx %arg12[%add3A_1011, %broadcast_in_dim3A_1003] : memref<64x128xf32, #tpu.memory_space<vmem>>[vector<16xi32>, vector<16xi32>], vector<16xf32>,
      %add3A_1013 = arith.constant 0 : i32
      %add3A_1014 = vector.broadcast %add3A_1013 : i32 to vector<16xi32>
      %add3A_1015 = arith.addi %add3A_1014, %iota3A_15 : vector<16xi32>
      tpu.vector_store_idx %arg11[%broadcast_in_dim3A_1008, %add3A_1015], %gather3A_1012 : memref<64x64xf32, #tpu.memory_space<vmem>>[vector<16xi32>, vector<16xi32>], vector<16xf32>,
      %add3A_1016 = arith.constant 16 : i32
      %add3A_1017 = vector.broadcast %add3A_1016 : i32 to vector<16xi32>
      %add3A_1018 = arith.addi %add3A_1017, %iota3A_15 : vector<16xi32>
      %gather3A_1019 = tpu.vector_load_idx %arg12[%add3A_1018, %broadcast_in_dim3A_1003] : memref<64x128xf32, #tpu.memory_space<vmem>>[vector<16xi32>, vector<16xi32>], vector<16xf32>,
      %add3A_1020 = arith.constant 16 : i32
      %add3A_1021 = vector.broadcast %add3A_1020 : i32 to vector<16xi32>
      %add3A_1022 = arith.addi %add3A_1021, %iota3A_15 : vector<16xi32>
      tpu.vector_store_idx %arg11[%broadcast_in_dim3A_1008, %add3A_1022], %gather3A_1019 : memref<64x64xf32, #tpu.memory_space<vmem>>[vector<16xi32>, vector<16xi32>], vector<16xf32>,
      %add3A_1023 = arith.constant 32 : i32
      %add3A_1024 = vector.broadcast %add3A_1023 : i32 to vector<16xi32>
      %add3A_1025 = arith.addi %add3A_1024, %iota3A_15 : vector<16xi32>
      %gather3A_1026 = tpu.vector_load_idx %arg12[%add3A_1025, %broadcast_in_dim3A_1003] : memref<64x128xf32, #tpu.memory_space<vmem>>[vector<16xi32>, vector<16xi32>], vector<16xf32>,
      %add3A_1027 = arith.constant 32 : i32
      %add3A_1028 = vector.broadcast %add3A_1027 : i32 to vector<16xi32>
      %add3A_1029 = arith.addi %add3A_1028, %iota3A_15 : vector<16xi32>
      tpu.vector_store_idx %arg11[%broadcast_in_dim3A_1008, %add3A_1029], %gather3A_1026 : memref<64x64xf32, #tpu.memory_space<vmem>>[vector<16xi32>, vector<16xi32>], vector<16xf32>,
      %add3A_1030 = arith.constant 48 : i32
      %add3A_1031 = vector.broadcast %add3A_1030 : i32 to vector<16xi32>
      %add3A_1032 = arith.addi %add3A_1031, %iota3A_15 : vector<16xi32>
      %gather3A_1033 = tpu.vector_load_idx %arg12[%add3A_1032, %broadcast_in_dim3A_1003] : memref<64x128xf32, #tpu.memory_space<vmem>>[vector<16xi32>, vector<16xi32>], vector<16xf32>,
      %add3A_1034 = arith.constant 48 : i32
      %add3A_1035 = vector.broadcast %add3A_1034 : i32 to vector<16xi32>
      %add3A_1036 = arith.addi %add3A_1035, %iota3A_15 : vector<16xi32>
      tpu.vector_store_idx %arg11[%broadcast_in_dim3A_1008, %add3A_1036], %gather3A_1033 : memref<64x64xf32, #tpu.memory_space<vmem>>[vector<16xi32>, vector<16xi32>], vector<16xf32>,
      %slice3A_1037 = vector.extract_strided_slice %get3A_33 {offsets = [8], sizes = [1], strides = [1]} : vector<16xi32> to vector<1xi32>
      %squeeze3A_1038 = vector.extract %slice3A_1037[0] : i32 from vector<1xi32>
      %shift_right_arithmetic3A_1039 = arith.constant 7 : i32
      %shift_right_arithmetic3A_1040 = arith.shrsi %squeeze3A_1038, %shift_right_arithmetic3A_1039 : i32
      %mul3A_1041 = arith.constant 128 : i32
      %mul3A_1042 = arith.muli %shift_right_arithmetic3A_1040, %mul3A_1041 : i32
      %multiple_of3A_1043 = tpu.assume_multiple %mul3A_1042, 128 : i32
      %dma_start3A_1044 = arith.constant 0 : i32
      %dma_start3A_1045 = tpu.memref_slice %arg5[%dma_start3A_1044, %multiple_of3A_1043] : memref<64x1000000xf32, #tpu.memory_space<hbm>> -> memref<64x128xf32, #tpu.memory_space<hbm>>
      %dma_start3A_1046 = arith.constant 0 : i32
      %dma_start3A_1047 = tpu.memref_slice %arg5[%dma_start3A_1046, %multiple_of3A_1043] : memref<64x1000000xf32, #tpu.memory_space<hbm>> -> memref<64x128xf32, #tpu.memory_space<hbm>>
      tpu.enqueue_dma source(%dma_start3A_1047 : memref<64x128xf32, #tpu.memory_space<hbm>>) target(%arg12 : memref<64x128xf32, #tpu.memory_space<vmem>>) target_semaphore(%arg20 : memref<!tpu.dma_semaphore, #tpu.memory_space<semaphore_mem>>)
      %dma_wait3A_1048 = arith.constant 0 : i32
      %dma_wait3A_1049 = arith.constant 0 : i32
      %dma_wait3A_1050 = tpu.memref_slice %arg5[%dma_wait3A_1048, %dma_wait3A_1049] : memref<64x1000000xf32, #tpu.memory_space<hbm>> -> memref<64x128xf32, #tpu.memory_space<hbm>>
      %dma_wait3A_1051 = arith.constant 0 : i32
      %dma_wait3A_1052 = arith.constant 0 : i32
      %dma_wait3A_1053 = tpu.memref_slice %arg5[%dma_wait3A_1051, %dma_wait3A_1052] : memref<64x1000000xf32, #tpu.memory_space<hbm>> -> memref<64x128xf32, #tpu.memory_space<hbm>>
      tpu.wait_dma2 semaphore(%arg21 : memref<!tpu.dma_semaphore, #tpu.memory_space<semaphore_mem>>) src(%dma_wait3A_1053 : memref<64x128xf32, #tpu.memory_space<hbm>>) dst(%arg13 : memref<64x128xf32, #tpu.memory_space<vmem>>)
      %slice3A_1054 = vector.extract_strided_slice %get3A_33 {offsets = [1], sizes = [1], strides = [1]} : vector<16xi32> to vector<1xi32>
      %squeeze3A_1055 = vector.extract %slice3A_1054[0] : i32 from vector<1xi32>
      %and3A_1056 = arith.constant 127 : i32
      %and3A_1057 = arith.andi %squeeze3A_1055, %and3A_1056 : i32
      %broadcast_in_dim3A_1058 = vector.broadcast %and3A_1057 : i32 to vector<16xi32>
      %mul3A_1059 = arith.constant 32 : i32
      %mul3A_1060 = arith.muli %scan3A_23, %mul3A_1059 : i32
      %add3A_1061 = arith.constant 17 : i32
      %add3A_1062 = arith.addi %mul3A_1060, %add3A_1061 : i32
      %broadcast_in_dim3A_1063 = vector.broadcast %add3A_1062 : i32 to vector<16xi32>
      %add3A_1064 = arith.constant 0 : i32
      %add3A_1065 = vector.broadcast %add3A_1064 : i32 to vector<16xi32>
      %add3A_1066 = arith.addi %add3A_1065, %iota3A_15 : vector<16xi32>
      %gather3A_1067 = tpu.vector_load_idx %arg13[%add3A_1066, %broadcast_in_dim3A_1058] : memref<64x128xf32, #tpu.memory_space<vmem>>[vector<16xi32>, vector<16xi32>], vector<16xf32>,
      %add3A_1068 = arith.constant 0 : i32
      %add3A_1069 = vector.broadcast %add3A_1068 : i32 to vector<16xi32>
      %add3A_1070 = arith.addi %add3A_1069, %iota3A_15 : vector<16xi32>
      tpu.vector_store_idx %arg11[%broadcast_in_dim3A_1063, %add3A_1070], %gather3A_1067 : memref<64x64xf32, #tpu.memory_space<vmem>>[vector<16xi32>, vector<16xi32>], vector<16xf32>,
      %add3A_1071 = arith.constant 16 : i32
      %add3A_1072 = vector.broadcast %add3A_1071 : i32 to vector<16xi32>
      %add3A_1073 = arith.addi %add3A_1072, %iota3A_15 : vector<16xi32>
      %gather3A_1074 = tpu.vector_load_idx %arg13[%add3A_1073, %broadcast_in_dim3A_1058] : memref<64x128xf32, #tpu.memory_space<vmem>>[vector<16xi32>, vector<16xi32>], vector<16xf32>,
      %add3A_1075 = arith.constant 16 : i32
      %add3A_1076 = vector.broadcast %add3A_1075 : i32 to vector<16xi32>
      %add3A_1077 = arith.addi %add3A_1076, %iota3A_15 : vector<16xi32>
      tpu.vector_store_idx %arg11[%broadcast_in_dim3A_1063, %add3A_1077], %gather3A_1074 : memref<64x64xf32, #tpu.memory_space<vmem>>[vector<16xi32>, vector<16xi32>], vector<16xf32>,
      %add3A_1078 = arith.constant 32 : i32
      %add3A_1079 = vector.broadcast %add3A_1078 : i32 to vector<16xi32>
      %add3A_1080 = arith.addi %add3A_1079, %iota3A_15 : vector<16xi32>
      %gather3A_1081 = tpu.vector_load_idx %arg13[%add3A_1080, %broadcast_in_dim3A_1058] : memref<64x128xf32, #tpu.memory_space<vmem>>[vector<16xi32>, vector<16xi32>], vector<16xf32>,
      %add3A_1082 = arith.constant 32 : i32
      %add3A_1083 = vector.broadcast %add3A_1082 : i32 to vector<16xi32>
      %add3A_1084 = arith.addi %add3A_1083, %iota3A_15 : vector<16xi32>
      tpu.vector_store_idx %arg11[%broadcast_in_dim3A_1063, %add3A_1084], %gather3A_1081 : memref<64x64xf32, #tpu.memory_space<vmem>>[vector<16xi32>, vector<16xi32>], vector<16xf32>,
      %add3A_1085 = arith.constant 48 : i32
      %add3A_1086 = vector.broadcast %add3A_1085 : i32 to vector<16xi32>
      %add3A_1087 = arith.addi %add3A_1086, %iota3A_15 : vector<16xi32>
      %gather3A_1088 = tpu.vector_load_idx %arg13[%add3A_1087, %broadcast_in_dim3A_1058] : memref<64x128xf32, #tpu.memory_space<vmem>>[vector<16xi32>, vector<16xi32>], vector<16xf32>,
      %add3A_1089 = arith.constant 48 : i32
      %add3A_1090 = vector.broadcast %add3A_1089 : i32 to vector<16xi32>
      %add3A_1091 = arith.addi %add3A_1090, %iota3A_15 : vector<16xi32>
      tpu.vector_store_idx %arg11[%broadcast_in_dim3A_1063, %add3A_1091], %gather3A_1088 : memref<64x64xf32, #tpu.memory_space<vmem>>[vector<16xi32>, vector<16xi32>], vector<16xf32>,
      %slice3A_1092 = vector.extract_strided_slice %get3A_33 {offsets = [9], sizes = [1], strides = [1]} : vector<16xi32> to vector<1xi32>
      %squeeze3A_1093 = vector.extract %slice3A_1092[0] : i32 from vector<1xi32>
      %shift_right_arithmetic3A_1094 = arith.constant 7 : i32
      %shift_right_arithmetic3A_1095 = arith.shrsi %squeeze3A_1093, %shift_right_arithmetic3A_1094 : i32
      %mul3A_1096 = arith.constant 128 : i32
      %mul3A_1097 = arith.muli %shift_right_arithmetic3A_1095, %mul3A_1096 : i32
      %multiple_of3A_1098 = tpu.assume_multiple %mul3A_1097, 128 : i32
      %dma_start3A_1099 = arith.constant 0 : i32
      %dma_start3A_1100 = tpu.memref_slice %arg5[%dma_start3A_1099, %multiple_of3A_1098] : memref<64x1000000xf32, #tpu.memory_space<hbm>> -> memref<64x128xf32, #tpu.memory_space<hbm>>
      %dma_start3A_1101 = arith.constant 0 : i32
      %dma_start3A_1102 = tpu.memref_slice %arg5[%dma_start3A_1101, %multiple_of3A_1098] : memref<64x1000000xf32, #tpu.memory_space<hbm>> -> memref<64x128xf32, #tpu.memory_space<hbm>>
      tpu.enqueue_dma source(%dma_start3A_1102 : memref<64x128xf32, #tpu.memory_space<hbm>>) target(%arg13 : memref<64x128xf32, #tpu.memory_space<vmem>>) target_semaphore(%arg21 : memref<!tpu.dma_semaphore, #tpu.memory_space<semaphore_mem>>)
      %dma_wait3A_1103 = arith.constant 0 : i32
      %dma_wait3A_1104 = arith.constant 0 : i32
      %dma_wait3A_1105 = tpu.memref_slice %arg5[%dma_wait3A_1103, %dma_wait3A_1104] : memref<64x1000000xf32, #tpu.memory_space<hbm>> -> memref<64x128xf32, #tpu.memory_space<hbm>>
      %dma_wait3A_1106 = arith.constant 0 : i32
      %dma_wait3A_1107 = arith.constant 0 : i32
      %dma_wait3A_1108 = tpu.memref_slice %arg5[%dma_wait3A_1106, %dma_wait3A_1107] : memref<64x1000000xf32, #tpu.memory_space<hbm>> -> memref<64x128xf32, #tpu.memory_space<hbm>>
      tpu.wait_dma2 semaphore(%arg22 : memref<!tpu.dma_semaphore, #tpu.memory_space<semaphore_mem>>) src(%dma_wait3A_1108 : memref<64x128xf32, #tpu.memory_space<hbm>>) dst(%arg14 : memref<64x128xf32, #tpu.memory_space<vmem>>)
      %slice3A_1109 = vector.extract_strided_slice %get3A_33 {offsets = [2], sizes = [1], strides = [1]} : vector<16xi32> to vector<1xi32>
      %squeeze3A_1110 = vector.extract %slice3A_1109[0] : i32 from vector<1xi32>
      %and3A_1111 = arith.constant 127 : i32
      %and3A_1112 = arith.andi %squeeze3A_1110, %and3A_1111 : i32
      %broadcast_in_dim3A_1113 = vector.broadcast %and3A_1112 : i32 to vector<16xi32>
      %mul3A_1114 = arith.constant 32 : i32
      %mul3A_1115 = arith.muli %scan3A_23, %mul3A_1114 : i32
      %add3A_1116 = arith.constant 18 : i32
      %add3A_1117 = arith.addi %mul3A_1115, %add3A_1116 : i32
      %broadcast_in_dim3A_1118 = vector.broadcast %add3A_1117 : i32 to vector<16xi32>
      %add3A_1119 = arith.constant 0 : i32
      %add3A_1120 = vector.broadcast %add3A_1119 : i32 to vector<16xi32>
      %add3A_1121 = arith.addi %add3A_1120, %iota3A_15 : vector<16xi32>
      %gather3A_1122 = tpu.vector_load_idx %arg14[%add3A_1121, %broadcast_in_dim3A_1113] : memref<64x128xf32, #tpu.memory_space<vmem>>[vector<16xi32>, vector<16xi32>], vector<16xf32>,
      %add3A_1123 = arith.constant 0 : i32
      %add3A_1124 = vector.broadcast %add3A_1123 : i32 to vector<16xi32>
      %add3A_1125 = arith.addi %add3A_1124, %iota3A_15 : vector<16xi32>
      tpu.vector_store_idx %arg11[%broadcast_in_dim3A_1118, %add3A_1125], %gather3A_1122 : memref<64x64xf32, #tpu.memory_space<vmem>>[vector<16xi32>, vector<16xi32>], vector<16xf32>,
      %add3A_1126 = arith.constant 16 : i32
      %add3A_1127 = vector.broadcast %add3A_1126 : i32 to vector<16xi32>
      %add3A_1128 = arith.addi %add3A_1127, %iota3A_15 : vector<16xi32>
      %gather3A_1129 = tpu.vector_load_idx %arg14[%add3A_1128, %broadcast_in_dim3A_1113] : memref<64x128xf32, #tpu.memory_space<vmem>>[vector<16xi32>, vector<16xi32>], vector<16xf32>,
      %add3A_1130 = arith.constant 16 : i32
      %add3A_1131 = vector.broadcast %add3A_1130 : i32 to vector<16xi32>
      %add3A_1132 = arith.addi %add3A_1131, %iota3A_15 : vector<16xi32>
      tpu.vector_store_idx %arg11[%broadcast_in_dim3A_1118, %add3A_1132], %gather3A_1129 : memref<64x64xf32, #tpu.memory_space<vmem>>[vector<16xi32>, vector<16xi32>], vector<16xf32>,
      %add3A_1133 = arith.constant 32 : i32
      %add3A_1134 = vector.broadcast %add3A_1133 : i32 to vector<16xi32>
      %add3A_1135 = arith.addi %add3A_1134, %iota3A_15 : vector<16xi32>
      %gather3A_1136 = tpu.vector_load_idx %arg14[%add3A_1135, %broadcast_in_dim3A_1113] : memref<64x128xf32, #tpu.memory_space<vmem>>[vector<16xi32>, vector<16xi32>], vector<16xf32>,
      %add3A_1137 = arith.constant 32 : i32
      %add3A_1138 = vector.broadcast %add3A_1137 : i32 to vector<16xi32>
      %add3A_1139 = arith.addi %add3A_1138, %iota3A_15 : vector<16xi32>
      tpu.vector_store_idx %arg11[%broadcast_in_dim3A_1118, %add3A_1139], %gather3A_1136 : memref<64x64xf32, #tpu.memory_space<vmem>>[vector<16xi32>, vector<16xi32>], vector<16xf32>,
      %add3A_1140 = arith.constant 48 : i32
      %add3A_1141 = vector.broadcast %add3A_1140 : i32 to vector<16xi32>
      %add3A_1142 = arith.addi %add3A_1141, %iota3A_15 : vector<16xi32>
      %gather3A_1143 = tpu.vector_load_idx %arg14[%add3A_1142, %broadcast_in_dim3A_1113] : memref<64x128xf32, #tpu.memory_space<vmem>>[vector<16xi32>, vector<16xi32>], vector<16xf32>,
      %add3A_1144 = arith.constant 48 : i32
      %add3A_1145 = vector.broadcast %add3A_1144 : i32 to vector<16xi32>
      %add3A_1146 = arith.addi %add3A_1145, %iota3A_15 : vector<16xi32>
      tpu.vector_store_idx %arg11[%broadcast_in_dim3A_1118, %add3A_1146], %gather3A_1143 : memref<64x64xf32, #tpu.memory_space<vmem>>[vector<16xi32>, vector<16xi32>], vector<16xf32>,
      %slice3A_1147 = vector.extract_strided_slice %get3A_33 {offsets = [10], sizes = [1], strides = [1]} : vector<16xi32> to vector<1xi32>
      %squeeze3A_1148 = vector.extract %slice3A_1147[0] : i32 from vector<1xi32>
      %shift_right_arithmetic3A_1149 = arith.constant 7 : i32
      %shift_right_arithmetic3A_1150 = arith.shrsi %squeeze3A_1148, %shift_right_arithmetic3A_1149 : i32
      %mul3A_1151 = arith.constant 128 : i32
      %mul3A_1152 = arith.muli %shift_right_arithmetic3A_1150, %mul3A_1151 : i32
      %multiple_of3A_1153 = tpu.assume_multiple %mul3A_1152, 128 : i32
      %dma_start3A_1154 = arith.constant 0 : i32
      %dma_start3A_1155 = tpu.memref_slice %arg5[%dma_start3A_1154, %multiple_of3A_1153] : memref<64x1000000xf32, #tpu.memory_space<hbm>> -> memref<64x128xf32, #tpu.memory_space<hbm>>
      %dma_start3A_1156 = arith.constant 0 : i32
      %dma_start3A_1157 = tpu.memref_slice %arg5[%dma_start3A_1156, %multiple_of3A_1153] : memref<64x1000000xf32, #tpu.memory_space<hbm>> -> memref<64x128xf32, #tpu.memory_space<hbm>>
      tpu.enqueue_dma source(%dma_start3A_1157 : memref<64x128xf32, #tpu.memory_space<hbm>>) target(%arg14 : memref<64x128xf32, #tpu.memory_space<vmem>>) target_semaphore(%arg22 : memref<!tpu.dma_semaphore, #tpu.memory_space<semaphore_mem>>)
      %dma_wait3A_1158 = arith.constant 0 : i32
      %dma_wait3A_1159 = arith.constant 0 : i32
      %dma_wait3A_1160 = tpu.memref_slice %arg5[%dma_wait3A_1158, %dma_wait3A_1159] : memref<64x1000000xf32, #tpu.memory_space<hbm>> -> memref<64x128xf32, #tpu.memory_space<hbm>>
      %dma_wait3A_1161 = arith.constant 0 : i32
      %dma_wait3A_1162 = arith.constant 0 : i32
      %dma_wait3A_1163 = tpu.memref_slice %arg5[%dma_wait3A_1161, %dma_wait3A_1162] : memref<64x1000000xf32, #tpu.memory_space<hbm>> -> memref<64x128xf32, #tpu.memory_space<hbm>>
      tpu.wait_dma2 semaphore(%arg23 : memref<!tpu.dma_semaphore, #tpu.memory_space<semaphore_mem>>) src(%dma_wait3A_1163 : memref<64x128xf32, #tpu.memory_space<hbm>>) dst(%arg15 : memref<64x128xf32, #tpu.memory_space<vmem>>)
      %slice3A_1164 = vector.extract_strided_slice %get3A_33 {offsets = [3], sizes = [1], strides = [1]} : vector<16xi32> to vector<1xi32>
      %squeeze3A_1165 = vector.extract %slice3A_1164[0] : i32 from vector<1xi32>
      %and3A_1166 = arith.constant 127 : i32
      %and3A_1167 = arith.andi %squeeze3A_1165, %and3A_1166 : i32
      %broadcast_in_dim3A_1168 = vector.broadcast %and3A_1167 : i32 to vector<16xi32>
      %mul3A_1169 = arith.constant 32 : i32
      %mul3A_1170 = arith.muli %scan3A_23, %mul3A_1169 : i32
      %add3A_1171 = arith.constant 19 : i32
      %add3A_1172 = arith.addi %mul3A_1170, %add3A_1171 : i32
      %broadcast_in_dim3A_1173 = vector.broadcast %add3A_1172 : i32 to vector<16xi32>
      %add3A_1174 = arith.constant 0 : i32
      %add3A_1175 = vector.broadcast %add3A_1174 : i32 to vector<16xi32>
      %add3A_1176 = arith.addi %add3A_1175, %iota3A_15 : vector<16xi32>
      %gather3A_1177 = tpu.vector_load_idx %arg15[%add3A_1176, %broadcast_in_dim3A_1168] : memref<64x128xf32, #tpu.memory_space<vmem>>[vector<16xi32>, vector<16xi32>], vector<16xf32>,
      %add3A_1178 = arith.constant 0 : i32
      %add3A_1179 = vector.broadcast %add3A_1178 : i32 to vector<16xi32>
      %add3A_1180 = arith.addi %add3A_1179, %iota3A_15 : vector<16xi32>
      tpu.vector_store_idx %arg11[%broadcast_in_dim3A_1173, %add3A_1180], %gather3A_1177 : memref<64x64xf32, #tpu.memory_space<vmem>>[vector<16xi32>, vector<16xi32>], vector<16xf32>,
      %add3A_1181 = arith.constant 16 : i32
      %add3A_1182 = vector.broadcast %add3A_1181 : i32 to vector<16xi32>
      %add3A_1183 = arith.addi %add3A_1182, %iota3A_15 : vector<16xi32>
      %gather3A_1184 = tpu.vector_load_idx %arg15[%add3A_1183, %broadcast_in_dim3A_1168] : memref<64x128xf32, #tpu.memory_space<vmem>>[vector<16xi32>, vector<16xi32>], vector<16xf32>,
      %add3A_1185 = arith.constant 16 : i32
      %add3A_1186 = vector.broadcast %add3A_1185 : i32 to vector<16xi32>
      %add3A_1187 = arith.addi %add3A_1186, %iota3A_15 : vector<16xi32>
      tpu.vector_store_idx %arg11[%broadcast_in_dim3A_1173, %add3A_1187], %gather3A_1184 : memref<64x64xf32, #tpu.memory_space<vmem>>[vector<16xi32>, vector<16xi32>], vector<16xf32>,
      %add3A_1188 = arith.constant 32 : i32
      %add3A_1189 = vector.broadcast %add3A_1188 : i32 to vector<16xi32>
      %add3A_1190 = arith.addi %add3A_1189, %iota3A_15 : vector<16xi32>
      %gather3A_1191 = tpu.vector_load_idx %arg15[%add3A_1190, %broadcast_in_dim3A_1168] : memref<64x128xf32, #tpu.memory_space<vmem>>[vector<16xi32>, vector<16xi32>], vector<16xf32>,
      %add3A_1192 = arith.constant 32 : i32
      %add3A_1193 = vector.broadcast %add3A_1192 : i32 to vector<16xi32>
      %add3A_1194 = arith.addi %add3A_1193, %iota3A_15 : vector<16xi32>
      tpu.vector_store_idx %arg11[%broadcast_in_dim3A_1173, %add3A_1194], %gather3A_1191 : memref<64x64xf32, #tpu.memory_space<vmem>>[vector<16xi32>, vector<16xi32>], vector<16xf32>,
      %add3A_1195 = arith.constant 48 : i32
      %add3A_1196 = vector.broadcast %add3A_1195 : i32 to vector<16xi32>
      %add3A_1197 = arith.addi %add3A_1196, %iota3A_15 : vector<16xi32>
      %gather3A_1198 = tpu.vector_load_idx %arg15[%add3A_1197, %broadcast_in_dim3A_1168] : memref<64x128xf32, #tpu.memory_space<vmem>>[vector<16xi32>, vector<16xi32>], vector<16xf32>,
      %add3A_1199 = arith.constant 48 : i32
      %add3A_1200 = vector.broadcast %add3A_1199 : i32 to vector<16xi32>
      %add3A_1201 = arith.addi %add3A_1200, %iota3A_15 : vector<16xi32>
      tpu.vector_store_idx %arg11[%broadcast_in_dim3A_1173, %add3A_1201], %gather3A_1198 : memref<64x64xf32, #tpu.memory_space<vmem>>[vector<16xi32>, vector<16xi32>], vector<16xf32>,
      %slice3A_1202 = vector.extract_strided_slice %get3A_33 {offsets = [11], sizes = [1], strides = [1]} : vector<16xi32> to vector<1xi32>
      %squeeze3A_1203 = vector.extract %slice3A_1202[0] : i32 from vector<1xi32>
      %shift_right_arithmetic3A_1204 = arith.constant 7 : i32
      %shift_right_arithmetic3A_1205 = arith.shrsi %squeeze3A_1203, %shift_right_arithmetic3A_1204 : i32
      %mul3A_1206 = arith.constant 128 : i32
      %mul3A_1207 = arith.muli %shift_right_arithmetic3A_1205, %mul3A_1206 : i32
      %multiple_of3A_1208 = tpu.assume_multiple %mul3A_1207, 128 : i32
      %dma_start3A_1209 = arith.constant 0 : i32
      %dma_start3A_1210 = tpu.memref_slice %arg5[%dma_start3A_1209, %multiple_of3A_1208] : memref<64x1000000xf32, #tpu.memory_space<hbm>> -> memref<64x128xf32, #tpu.memory_space<hbm>>
      %dma_start3A_1211 = arith.constant 0 : i32
      %dma_start3A_1212 = tpu.memref_slice %arg5[%dma_start3A_1211, %multiple_of3A_1208] : memref<64x1000000xf32, #tpu.memory_space<hbm>> -> memref<64x128xf32, #tpu.memory_space<hbm>>
      tpu.enqueue_dma source(%dma_start3A_1212 : memref<64x128xf32, #tpu.memory_space<hbm>>) target(%arg15 : memref<64x128xf32, #tpu.memory_space<vmem>>) target_semaphore(%arg23 : memref<!tpu.dma_semaphore, #tpu.memory_space<semaphore_mem>>)
      %dma_wait3A_1213 = arith.constant 0 : i32
      %dma_wait3A_1214 = arith.constant 0 : i32
      %dma_wait3A_1215 = tpu.memref_slice %arg5[%dma_wait3A_1213, %dma_wait3A_1214] : memref<64x1000000xf32, #tpu.memory_space<hbm>> -> memref<64x128xf32, #tpu.memory_space<hbm>>
      %dma_wait3A_1216 = arith.constant 0 : i32
      %dma_wait3A_1217 = arith.constant 0 : i32
      %dma_wait3A_1218 = tpu.memref_slice %arg5[%dma_wait3A_1216, %dma_wait3A_1217] : memref<64x1000000xf32, #tpu.memory_space<hbm>> -> memref<64x128xf32, #tpu.memory_space<hbm>>
      tpu.wait_dma2 semaphore(%arg24 : memref<!tpu.dma_semaphore, #tpu.memory_space<semaphore_mem>>) src(%dma_wait3A_1218 : memref<64x128xf32, #tpu.memory_space<hbm>>) dst(%arg16 : memref<64x128xf32, #tpu.memory_space<vmem>>)
      %slice3A_1219 = vector.extract_strided_slice %get3A_33 {offsets = [4], sizes = [1], strides = [1]} : vector<16xi32> to vector<1xi32>
      %squeeze3A_1220 = vector.extract %slice3A_1219[0] : i32 from vector<1xi32>
      %and3A_1221 = arith.constant 127 : i32
      %and3A_1222 = arith.andi %squeeze3A_1220, %and3A_1221 : i32
      %broadcast_in_dim3A_1223 = vector.broadcast %and3A_1222 : i32 to vector<16xi32>
      %mul3A_1224 = arith.constant 32 : i32
      %mul3A_1225 = arith.muli %scan3A_23, %mul3A_1224 : i32
      %add3A_1226 = arith.constant 20 : i32
      %add3A_1227 = arith.addi %mul3A_1225, %add3A_1226 : i32
      %broadcast_in_dim3A_1228 = vector.broadcast %add3A_1227 : i32 to vector<16xi32>
      %add3A_1229 = arith.constant 0 : i32
      %add3A_1230 = vector.broadcast %add3A_1229 : i32 to vector<16xi32>
      %add3A_1231 = arith.addi %add3A_1230, %iota3A_15 : vector<16xi32>
      %gather3A_1232 = tpu.vector_load_idx %arg16[%add3A_1231, %broadcast_in_dim3A_1223] : memref<64x128xf32, #tpu.memory_space<vmem>>[vector<16xi32>, vector<16xi32>], vector<16xf32>,
      %add3A_1233 = arith.constant 0 : i32
      %add3A_1234 = vector.broadcast %add3A_1233 : i32 to vector<16xi32>
      %add3A_1235 = arith.addi %add3A_1234, %iota3A_15 : vector<16xi32>
      tpu.vector_store_idx %arg11[%broadcast_in_dim3A_1228, %add3A_1235], %gather3A_1232 : memref<64x64xf32, #tpu.memory_space<vmem>>[vector<16xi32>, vector<16xi32>], vector<16xf32>,
      %add3A_1236 = arith.constant 16 : i32
      %add3A_1237 = vector.broadcast %add3A_1236 : i32 to vector<16xi32>
      %add3A_1238 = arith.addi %add3A_1237, %iota3A_15 : vector<16xi32>
      %gather3A_1239 = tpu.vector_load_idx %arg16[%add3A_1238, %broadcast_in_dim3A_1223] : memref<64x128xf32, #tpu.memory_space<vmem>>[vector<16xi32>, vector<16xi32>], vector<16xf32>,
      %add3A_1240 = arith.constant 16 : i32
      %add3A_1241 = vector.broadcast %add3A_1240 : i32 to vector<16xi32>
      %add3A_1242 = arith.addi %add3A_1241, %iota3A_15 : vector<16xi32>
      tpu.vector_store_idx %arg11[%broadcast_in_dim3A_1228, %add3A_1242], %gather3A_1239 : memref<64x64xf32, #tpu.memory_space<vmem>>[vector<16xi32>, vector<16xi32>], vector<16xf32>,
      %add3A_1243 = arith.constant 32 : i32
      %add3A_1244 = vector.broadcast %add3A_1243 : i32 to vector<16xi32>
      %add3A_1245 = arith.addi %add3A_1244, %iota3A_15 : vector<16xi32>
      %gather3A_1246 = tpu.vector_load_idx %arg16[%add3A_1245, %broadcast_in_dim3A_1223] : memref<64x128xf32, #tpu.memory_space<vmem>>[vector<16xi32>, vector<16xi32>], vector<16xf32>,
      %add3A_1247 = arith.constant 32 : i32
      %add3A_1248 = vector.broadcast %add3A_1247 : i32 to vector<16xi32>
      %add3A_1249 = arith.addi %add3A_1248, %iota3A_15 : vector<16xi32>
      tpu.vector_store_idx %arg11[%broadcast_in_dim3A_1228, %add3A_1249], %gather3A_1246 : memref<64x64xf32, #tpu.memory_space<vmem>>[vector<16xi32>, vector<16xi32>], vector<16xf32>,
      %add3A_1250 = arith.constant 48 : i32
      %add3A_1251 = vector.broadcast %add3A_1250 : i32 to vector<16xi32>
      %add3A_1252 = arith.addi %add3A_1251, %iota3A_15 : vector<16xi32>
      %gather3A_1253 = tpu.vector_load_idx %arg16[%add3A_1252, %broadcast_in_dim3A_1223] : memref<64x128xf32, #tpu.memory_space<vmem>>[vector<16xi32>, vector<16xi32>], vector<16xf32>,
      %add3A_1254 = arith.constant 48 : i32
      %add3A_1255 = vector.broadcast %add3A_1254 : i32 to vector<16xi32>
      %add3A_1256 = arith.addi %add3A_1255, %iota3A_15 : vector<16xi32>
      tpu.vector_store_idx %arg11[%broadcast_in_dim3A_1228, %add3A_1256], %gather3A_1253 : memref<64x64xf32, #tpu.memory_space<vmem>>[vector<16xi32>, vector<16xi32>], vector<16xf32>,
      %slice3A_1257 = vector.extract_strided_slice %get3A_33 {offsets = [12], sizes = [1], strides = [1]} : vector<16xi32> to vector<1xi32>
      %squeeze3A_1258 = vector.extract %slice3A_1257[0] : i32 from vector<1xi32>
      %shift_right_arithmetic3A_1259 = arith.constant 7 : i32
      %shift_right_arithmetic3A_1260 = arith.shrsi %squeeze3A_1258, %shift_right_arithmetic3A_1259 : i32
      %mul3A_1261 = arith.constant 128 : i32
      %mul3A_1262 = arith.muli %shift_right_arithmetic3A_1260, %mul3A_1261 : i32
      %multiple_of3A_1263 = tpu.assume_multiple %mul3A_1262, 128 : i32
      %dma_start3A_1264 = arith.constant 0 : i32
      %dma_start3A_1265 = tpu.memref_slice %arg5[%dma_start3A_1264, %multiple_of3A_1263] : memref<64x1000000xf32, #tpu.memory_space<hbm>> -> memref<64x128xf32, #tpu.memory_space<hbm>>
      %dma_start3A_1266 = arith.constant 0 : i32
      %dma_start3A_1267 = tpu.memref_slice %arg5[%dma_start3A_1266, %multiple_of3A_1263] : memref<64x1000000xf32, #tpu.memory_space<hbm>> -> memref<64x128xf32, #tpu.memory_space<hbm>>
      tpu.enqueue_dma source(%dma_start3A_1267 : memref<64x128xf32, #tpu.memory_space<hbm>>) target(%arg16 : memref<64x128xf32, #tpu.memory_space<vmem>>) target_semaphore(%arg24 : memref<!tpu.dma_semaphore, #tpu.memory_space<semaphore_mem>>)
      %dma_wait3A_1268 = arith.constant 0 : i32
      %dma_wait3A_1269 = arith.constant 0 : i32
      %dma_wait3A_1270 = tpu.memref_slice %arg5[%dma_wait3A_1268, %dma_wait3A_1269] : memref<64x1000000xf32, #tpu.memory_space<hbm>> -> memref<64x128xf32, #tpu.memory_space<hbm>>
      %dma_wait3A_1271 = arith.constant 0 : i32
      %dma_wait3A_1272 = arith.constant 0 : i32
      %dma_wait3A_1273 = tpu.memref_slice %arg5[%dma_wait3A_1271, %dma_wait3A_1272] : memref<64x1000000xf32, #tpu.memory_space<hbm>> -> memref<64x128xf32, #tpu.memory_space<hbm>>
      tpu.wait_dma2 semaphore(%arg25 : memref<!tpu.dma_semaphore, #tpu.memory_space<semaphore_mem>>) src(%dma_wait3A_1273 : memref<64x128xf32, #tpu.memory_space<hbm>>) dst(%arg17 : memref<64x128xf32, #tpu.memory_space<vmem>>)
      %slice3A_1274 = vector.extract_strided_slice %get3A_33 {offsets = [5], sizes = [1], strides = [1]} : vector<16xi32> to vector<1xi32>
      %squeeze3A_1275 = vector.extract %slice3A_1274[0] : i32 from vector<1xi32>
      %and3A_1276 = arith.constant 127 : i32
      %and3A_1277 = arith.andi %squeeze3A_1275, %and3A_1276 : i32
      %broadcast_in_dim3A_1278 = vector.broadcast %and3A_1277 : i32 to vector<16xi32>
      %mul3A_1279 = arith.constant 32 : i32
      %mul3A_1280 = arith.muli %scan3A_23, %mul3A_1279 : i32
      %add3A_1281 = arith.constant 21 : i32
      %add3A_1282 = arith.addi %mul3A_1280, %add3A_1281 : i32
      %broadcast_in_dim3A_1283 = vector.broadcast %add3A_1282 : i32 to vector<16xi32>
      %add3A_1284 = arith.constant 0 : i32
      %add3A_1285 = vector.broadcast %add3A_1284 : i32 to vector<16xi32>
      %add3A_1286 = arith.addi %add3A_1285, %iota3A_15 : vector<16xi32>
      %gather3A_1287 = tpu.vector_load_idx %arg17[%add3A_1286, %broadcast_in_dim3A_1278] : memref<64x128xf32, #tpu.memory_space<vmem>>[vector<16xi32>, vector<16xi32>], vector<16xf32>,
      %add3A_1288 = arith.constant 0 : i32
      %add3A_1289 = vector.broadcast %add3A_1288 : i32 to vector<16xi32>
      %add3A_1290 = arith.addi %add3A_1289, %iota3A_15 : vector<16xi32>
      tpu.vector_store_idx %arg11[%broadcast_in_dim3A_1283, %add3A_1290], %gather3A_1287 : memref<64x64xf32, #tpu.memory_space<vmem>>[vector<16xi32>, vector<16xi32>], vector<16xf32>,
      %add3A_1291 = arith.constant 16 : i32
      %add3A_1292 = vector.broadcast %add3A_1291 : i32 to vector<16xi32>
      %add3A_1293 = arith.addi %add3A_1292, %iota3A_15 : vector<16xi32>
      %gather3A_1294 = tpu.vector_load_idx %arg17[%add3A_1293, %broadcast_in_dim3A_1278] : memref<64x128xf32, #tpu.memory_space<vmem>>[vector<16xi32>, vector<16xi32>], vector<16xf32>,
      %add3A_1295 = arith.constant 16 : i32
      %add3A_1296 = vector.broadcast %add3A_1295 : i32 to vector<16xi32>
      %add3A_1297 = arith.addi %add3A_1296, %iota3A_15 : vector<16xi32>
      tpu.vector_store_idx %arg11[%broadcast_in_dim3A_1283, %add3A_1297], %gather3A_1294 : memref<64x64xf32, #tpu.memory_space<vmem>>[vector<16xi32>, vector<16xi32>], vector<16xf32>,
      %add3A_1298 = arith.constant 32 : i32
      %add3A_1299 = vector.broadcast %add3A_1298 : i32 to vector<16xi32>
      %add3A_1300 = arith.addi %add3A_1299, %iota3A_15 : vector<16xi32>
      %gather3A_1301 = tpu.vector_load_idx %arg17[%add3A_1300, %broadcast_in_dim3A_1278] : memref<64x128xf32, #tpu.memory_space<vmem>>[vector<16xi32>, vector<16xi32>], vector<16xf32>,
      %add3A_1302 = arith.constant 32 : i32
      %add3A_1303 = vector.broadcast %add3A_1302 : i32 to vector<16xi32>
      %add3A_1304 = arith.addi %add3A_1303, %iota3A_15 : vector<16xi32>
      tpu.vector_store_idx %arg11[%broadcast_in_dim3A_1283, %add3A_1304], %gather3A_1301 : memref<64x64xf32, #tpu.memory_space<vmem>>[vector<16xi32>, vector<16xi32>], vector<16xf32>,
      %add3A_1305 = arith.constant 48 : i32
      %add3A_1306 = vector.broadcast %add3A_1305 : i32 to vector<16xi32>
      %add3A_1307 = arith.addi %add3A_1306, %iota3A_15 : vector<16xi32>
      %gather3A_1308 = tpu.vector_load_idx %arg17[%add3A_1307, %broadcast_in_dim3A_1278] : memref<64x128xf32, #tpu.memory_space<vmem>>[vector<16xi32>, vector<16xi32>], vector<16xf32>,
      %add3A_1309 = arith.constant 48 : i32
      %add3A_1310 = vector.broadcast %add3A_1309 : i32 to vector<16xi32>
      %add3A_1311 = arith.addi %add3A_1310, %iota3A_15 : vector<16xi32>
      tpu.vector_store_idx %arg11[%broadcast_in_dim3A_1283, %add3A_1311], %gather3A_1308 : memref<64x64xf32, #tpu.memory_space<vmem>>[vector<16xi32>, vector<16xi32>], vector<16xf32>,
      %slice3A_1312 = vector.extract_strided_slice %get3A_33 {offsets = [13], sizes = [1], strides = [1]} : vector<16xi32> to vector<1xi32>
      %squeeze3A_1313 = vector.extract %slice3A_1312[0] : i32 from vector<1xi32>
      %shift_right_arithmetic3A_1314 = arith.constant 7 : i32
      %shift_right_arithmetic3A_1315 = arith.shrsi %squeeze3A_1313, %shift_right_arithmetic3A_1314 : i32
      %mul3A_1316 = arith.constant 128 : i32
      %mul3A_1317 = arith.muli %shift_right_arithmetic3A_1315, %mul3A_1316 : i32
      %multiple_of3A_1318 = tpu.assume_multiple %mul3A_1317, 128 : i32
      %dma_start3A_1319 = arith.constant 0 : i32
      %dma_start3A_1320 = tpu.memref_slice %arg5[%dma_start3A_1319, %multiple_of3A_1318] : memref<64x1000000xf32, #tpu.memory_space<hbm>> -> memref<64x128xf32, #tpu.memory_space<hbm>>
      %dma_start3A_1321 = arith.constant 0 : i32
      %dma_start3A_1322 = tpu.memref_slice %arg5[%dma_start3A_1321, %multiple_of3A_1318] : memref<64x1000000xf32, #tpu.memory_space<hbm>> -> memref<64x128xf32, #tpu.memory_space<hbm>>
      tpu.enqueue_dma source(%dma_start3A_1322 : memref<64x128xf32, #tpu.memory_space<hbm>>) target(%arg17 : memref<64x128xf32, #tpu.memory_space<vmem>>) target_semaphore(%arg25 : memref<!tpu.dma_semaphore, #tpu.memory_space<semaphore_mem>>)
      %dma_wait3A_1323 = arith.constant 0 : i32
      %dma_wait3A_1324 = arith.constant 0 : i32
      %dma_wait3A_1325 = tpu.memref_slice %arg5[%dma_wait3A_1323, %dma_wait3A_1324] : memref<64x1000000xf32, #tpu.memory_space<hbm>> -> memref<64x128xf32, #tpu.memory_space<hbm>>
      %dma_wait3A_1326 = arith.constant 0 : i32
      %dma_wait3A_1327 = arith.constant 0 : i32
      %dma_wait3A_1328 = tpu.memref_slice %arg5[%dma_wait3A_1326, %dma_wait3A_1327] : memref<64x1000000xf32, #tpu.memory_space<hbm>> -> memref<64x128xf32, #tpu.memory_space<hbm>>
      tpu.wait_dma2 semaphore(%arg26 : memref<!tpu.dma_semaphore, #tpu.memory_space<semaphore_mem>>) src(%dma_wait3A_1328 : memref<64x128xf32, #tpu.memory_space<hbm>>) dst(%arg18 : memref<64x128xf32, #tpu.memory_space<vmem>>)
      %slice3A_1329 = vector.extract_strided_slice %get3A_33 {offsets = [6], sizes = [1], strides = [1]} : vector<16xi32> to vector<1xi32>
      %squeeze3A_1330 = vector.extract %slice3A_1329[0] : i32 from vector<1xi32>
      %and3A_1331 = arith.constant 127 : i32
      %and3A_1332 = arith.andi %squeeze3A_1330, %and3A_1331 : i32
      %broadcast_in_dim3A_1333 = vector.broadcast %and3A_1332 : i32 to vector<16xi32>
      %mul3A_1334 = arith.constant 32 : i32
      %mul3A_1335 = arith.muli %scan3A_23, %mul3A_1334 : i32
      %add3A_1336 = arith.constant 22 : i32
      %add3A_1337 = arith.addi %mul3A_1335, %add3A_1336 : i32
      %broadcast_in_dim3A_1338 = vector.broadcast %add3A_1337 : i32 to vector<16xi32>
      %add3A_1339 = arith.constant 0 : i32
      %add3A_1340 = vector.broadcast %add3A_1339 : i32 to vector<16xi32>
      %add3A_1341 = arith.addi %add3A_1340, %iota3A_15 : vector<16xi32>
      %gather3A_1342 = tpu.vector_load_idx %arg18[%add3A_1341, %broadcast_in_dim3A_1333] : memref<64x128xf32, #tpu.memory_space<vmem>>[vector<16xi32>, vector<16xi32>], vector<16xf32>,
      %add3A_1343 = arith.constant 0 : i32
      %add3A_1344 = vector.broadcast %add3A_1343 : i32 to vector<16xi32>
      %add3A_1345 = arith.addi %add3A_1344, %iota3A_15 : vector<16xi32>
      tpu.vector_store_idx %arg11[%broadcast_in_dim3A_1338, %add3A_1345], %gather3A_1342 : memref<64x64xf32, #tpu.memory_space<vmem>>[vector<16xi32>, vector<16xi32>], vector<16xf32>,
      %add3A_1346 = arith.constant 16 : i32
      %add3A_1347 = vector.broadcast %add3A_1346 : i32 to vector<16xi32>
      %add3A_1348 = arith.addi %add3A_1347, %iota3A_15 : vector<16xi32>
      %gather3A_1349 = tpu.vector_load_idx %arg18[%add3A_1348, %broadcast_in_dim3A_1333] : memref<64x128xf32, #tpu.memory_space<vmem>>[vector<16xi32>, vector<16xi32>], vector<16xf32>,
      %add3A_1350 = arith.constant 16 : i32
      %add3A_1351 = vector.broadcast %add3A_1350 : i32 to vector<16xi32>
      %add3A_1352 = arith.addi %add3A_1351, %iota3A_15 : vector<16xi32>
      tpu.vector_store_idx %arg11[%broadcast_in_dim3A_1338, %add3A_1352], %gather3A_1349 : memref<64x64xf32, #tpu.memory_space<vmem>>[vector<16xi32>, vector<16xi32>], vector<16xf32>,
      %add3A_1353 = arith.constant 32 : i32
      %add3A_1354 = vector.broadcast %add3A_1353 : i32 to vector<16xi32>
      %add3A_1355 = arith.addi %add3A_1354, %iota3A_15 : vector<16xi32>
      %gather3A_1356 = tpu.vector_load_idx %arg18[%add3A_1355, %broadcast_in_dim3A_1333] : memref<64x128xf32, #tpu.memory_space<vmem>>[vector<16xi32>, vector<16xi32>], vector<16xf32>,
      %add3A_1357 = arith.constant 32 : i32
      %add3A_1358 = vector.broadcast %add3A_1357 : i32 to vector<16xi32>
      %add3A_1359 = arith.addi %add3A_1358, %iota3A_15 : vector<16xi32>
      tpu.vector_store_idx %arg11[%broadcast_in_dim3A_1338, %add3A_1359], %gather3A_1356 : memref<64x64xf32, #tpu.memory_space<vmem>>[vector<16xi32>, vector<16xi32>], vector<16xf32>,
      %add3A_1360 = arith.constant 48 : i32
      %add3A_1361 = vector.broadcast %add3A_1360 : i32 to vector<16xi32>
      %add3A_1362 = arith.addi %add3A_1361, %iota3A_15 : vector<16xi32>
      %gather3A_1363 = tpu.vector_load_idx %arg18[%add3A_1362, %broadcast_in_dim3A_1333] : memref<64x128xf32, #tpu.memory_space<vmem>>[vector<16xi32>, vector<16xi32>], vector<16xf32>,
      %add3A_1364 = arith.constant 48 : i32
      %add3A_1365 = vector.broadcast %add3A_1364 : i32 to vector<16xi32>
      %add3A_1366 = arith.addi %add3A_1365, %iota3A_15 : vector<16xi32>
      tpu.vector_store_idx %arg11[%broadcast_in_dim3A_1338, %add3A_1366], %gather3A_1363 : memref<64x64xf32, #tpu.memory_space<vmem>>[vector<16xi32>, vector<16xi32>], vector<16xf32>,
      %slice3A_1367 = vector.extract_strided_slice %get3A_33 {offsets = [14], sizes = [1], strides = [1]} : vector<16xi32> to vector<1xi32>
      %squeeze3A_1368 = vector.extract %slice3A_1367[0] : i32 from vector<1xi32>
      %shift_right_arithmetic3A_1369 = arith.constant 7 : i32
      %shift_right_arithmetic3A_1370 = arith.shrsi %squeeze3A_1368, %shift_right_arithmetic3A_1369 : i32
      %mul3A_1371 = arith.constant 128 : i32
      %mul3A_1372 = arith.muli %shift_right_arithmetic3A_1370, %mul3A_1371 : i32
      %multiple_of3A_1373 = tpu.assume_multiple %mul3A_1372, 128 : i32
      %dma_start3A_1374 = arith.constant 0 : i32
      %dma_start3A_1375 = tpu.memref_slice %arg5[%dma_start3A_1374, %multiple_of3A_1373] : memref<64x1000000xf32, #tpu.memory_space<hbm>> -> memref<64x128xf32, #tpu.memory_space<hbm>>
      %dma_start3A_1376 = arith.constant 0 : i32
      %dma_start3A_1377 = tpu.memref_slice %arg5[%dma_start3A_1376, %multiple_of3A_1373] : memref<64x1000000xf32, #tpu.memory_space<hbm>> -> memref<64x128xf32, #tpu.memory_space<hbm>>
      tpu.enqueue_dma source(%dma_start3A_1377 : memref<64x128xf32, #tpu.memory_space<hbm>>) target(%arg18 : memref<64x128xf32, #tpu.memory_space<vmem>>) target_semaphore(%arg26 : memref<!tpu.dma_semaphore, #tpu.memory_space<semaphore_mem>>)
      %dma_wait3A_1378 = arith.constant 0 : i32
      %dma_wait3A_1379 = arith.constant 0 : i32
      %dma_wait3A_1380 = tpu.memref_slice %arg5[%dma_wait3A_1378, %dma_wait3A_1379] : memref<64x1000000xf32, #tpu.memory_space<hbm>> -> memref<64x128xf32, #tpu.memory_space<hbm>>
      %dma_wait3A_1381 = arith.constant 0 : i32
      %dma_wait3A_1382 = arith.constant 0 : i32
      %dma_wait3A_1383 = tpu.memref_slice %arg5[%dma_wait3A_1381, %dma_wait3A_1382] : memref<64x1000000xf32, #tpu.memory_space<hbm>> -> memref<64x128xf32, #tpu.memory_space<hbm>>
      tpu.wait_dma2 semaphore(%arg27 : memref<!tpu.dma_semaphore, #tpu.memory_space<semaphore_mem>>) src(%dma_wait3A_1383 : memref<64x128xf32, #tpu.memory_space<hbm>>) dst(%arg19 : memref<64x128xf32, #tpu.memory_space<vmem>>)
      %slice3A_1384 = vector.extract_strided_slice %get3A_33 {offsets = [7], sizes = [1], strides = [1]} : vector<16xi32> to vector<1xi32>
      %squeeze3A_1385 = vector.extract %slice3A_1384[0] : i32 from vector<1xi32>
      %and3A_1386 = arith.constant 127 : i32
      %and3A_1387 = arith.andi %squeeze3A_1385, %and3A_1386 : i32
      %broadcast_in_dim3A_1388 = vector.broadcast %and3A_1387 : i32 to vector<16xi32>
      %mul3A_1389 = arith.constant 32 : i32
      %mul3A_1390 = arith.muli %scan3A_23, %mul3A_1389 : i32
      %add3A_1391 = arith.constant 23 : i32
      %add3A_1392 = arith.addi %mul3A_1390, %add3A_1391 : i32
      %broadcast_in_dim3A_1393 = vector.broadcast %add3A_1392 : i32 to vector<16xi32>
      %add3A_1394 = arith.constant 0 : i32
      %add3A_1395 = vector.broadcast %add3A_1394 : i32 to vector<16xi32>
      %add3A_1396 = arith.addi %add3A_1395, %iota3A_15 : vector<16xi32>
      %gather3A_1397 = tpu.vector_load_idx %arg19[%add3A_1396, %broadcast_in_dim3A_1388] : memref<64x128xf32, #tpu.memory_space<vmem>>[vector<16xi32>, vector<16xi32>], vector<16xf32>,
      %add3A_1398 = arith.constant 0 : i32
      %add3A_1399 = vector.broadcast %add3A_1398 : i32 to vector<16xi32>
      %add3A_1400 = arith.addi %add3A_1399, %iota3A_15 : vector<16xi32>
      tpu.vector_store_idx %arg11[%broadcast_in_dim3A_1393, %add3A_1400], %gather3A_1397 : memref<64x64xf32, #tpu.memory_space<vmem>>[vector<16xi32>, vector<16xi32>], vector<16xf32>,
      %add3A_1401 = arith.constant 16 : i32
      %add3A_1402 = vector.broadcast %add3A_1401 : i32 to vector<16xi32>
      %add3A_1403 = arith.addi %add3A_1402, %iota3A_15 : vector<16xi32>
      %gather3A_1404 = tpu.vector_load_idx %arg19[%add3A_1403, %broadcast_in_dim3A_1388] : memref<64x128xf32, #tpu.memory_space<vmem>>[vector<16xi32>, vector<16xi32>], vector<16xf32>,
      %add3A_1405 = arith.constant 16 : i32
      %add3A_1406 = vector.broadcast %add3A_1405 : i32 to vector<16xi32>
      %add3A_1407 = arith.addi %add3A_1406, %iota3A_15 : vector<16xi32>
      tpu.vector_store_idx %arg11[%broadcast_in_dim3A_1393, %add3A_1407], %gather3A_1404 : memref<64x64xf32, #tpu.memory_space<vmem>>[vector<16xi32>, vector<16xi32>], vector<16xf32>,
      %add3A_1408 = arith.constant 32 : i32
      %add3A_1409 = vector.broadcast %add3A_1408 : i32 to vector<16xi32>
      %add3A_1410 = arith.addi %add3A_1409, %iota3A_15 : vector<16xi32>
      %gather3A_1411 = tpu.vector_load_idx %arg19[%add3A_1410, %broadcast_in_dim3A_1388] : memref<64x128xf32, #tpu.memory_space<vmem>>[vector<16xi32>, vector<16xi32>], vector<16xf32>,
      %add3A_1412 = arith.constant 32 : i32
      %add3A_1413 = vector.broadcast %add3A_1412 : i32 to vector<16xi32>
      %add3A_1414 = arith.addi %add3A_1413, %iota3A_15 : vector<16xi32>
      tpu.vector_store_idx %arg11[%broadcast_in_dim3A_1393, %add3A_1414], %gather3A_1411 : memref<64x64xf32, #tpu.memory_space<vmem>>[vector<16xi32>, vector<16xi32>], vector<16xf32>,
      %add3A_1415 = arith.constant 48 : i32
      %add3A_1416 = vector.broadcast %add3A_1415 : i32 to vector<16xi32>
      %add3A_1417 = arith.addi %add3A_1416, %iota3A_15 : vector<16xi32>
      %gather3A_1418 = tpu.vector_load_idx %arg19[%add3A_1417, %broadcast_in_dim3A_1388] : memref<64x128xf32, #tpu.memory_space<vmem>>[vector<16xi32>, vector<16xi32>], vector<16xf32>,
      %add3A_1419 = arith.constant 48 : i32
      %add3A_1420 = vector.broadcast %add3A_1419 : i32 to vector<16xi32>
      %add3A_1421 = arith.addi %add3A_1420, %iota3A_15 : vector<16xi32>
      tpu.vector_store_idx %arg11[%broadcast_in_dim3A_1393, %add3A_1421], %gather3A_1418 : memref<64x64xf32, #tpu.memory_space<vmem>>[vector<16xi32>, vector<16xi32>], vector<16xf32>,
      %slice3A_1422 = vector.extract_strided_slice %get3A_33 {offsets = [15], sizes = [1], strides = [1]} : vector<16xi32> to vector<1xi32>
      %squeeze3A_1423 = vector.extract %slice3A_1422[0] : i32 from vector<1xi32>
      %shift_right_arithmetic3A_1424 = arith.constant 7 : i32
      %shift_right_arithmetic3A_1425 = arith.shrsi %squeeze3A_1423, %shift_right_arithmetic3A_1424 : i32
      %mul3A_1426 = arith.constant 128 : i32
      %mul3A_1427 = arith.muli %shift_right_arithmetic3A_1425, %mul3A_1426 : i32
      %multiple_of3A_1428 = tpu.assume_multiple %mul3A_1427, 128 : i32
      %dma_start3A_1429 = arith.constant 0 : i32
      %dma_start3A_1430 = tpu.memref_slice %arg5[%dma_start3A_1429, %multiple_of3A_1428] : memref<64x1000000xf32, #tpu.memory_space<hbm>> -> memref<64x128xf32, #tpu.memory_space<hbm>>
      %dma_start3A_1431 = arith.constant 0 : i32
      %dma_start3A_1432 = tpu.memref_slice %arg5[%dma_start3A_1431, %multiple_of3A_1428] : memref<64x1000000xf32, #tpu.memory_space<hbm>> -> memref<64x128xf32, #tpu.memory_space<hbm>>
      tpu.enqueue_dma source(%dma_start3A_1432 : memref<64x128xf32, #tpu.memory_space<hbm>>) target(%arg19 : memref<64x128xf32, #tpu.memory_space<vmem>>) target_semaphore(%arg27 : memref<!tpu.dma_semaphore, #tpu.memory_space<semaphore_mem>>)
      %dma_wait3A_1433 = arith.constant 0 : i32
      %dma_wait3A_1434 = arith.constant 0 : i32
      %dma_wait3A_1435 = tpu.memref_slice %arg5[%dma_wait3A_1433, %dma_wait3A_1434] : memref<64x1000000xf32, #tpu.memory_space<hbm>> -> memref<64x128xf32, #tpu.memory_space<hbm>>
      %dma_wait3A_1436 = arith.constant 0 : i32
      %dma_wait3A_1437 = arith.constant 0 : i32
      %dma_wait3A_1438 = tpu.memref_slice %arg5[%dma_wait3A_1436, %dma_wait3A_1437] : memref<64x1000000xf32, #tpu.memory_space<hbm>> -> memref<64x128xf32, #tpu.memory_space<hbm>>
      tpu.wait_dma2 semaphore(%arg20 : memref<!tpu.dma_semaphore, #tpu.memory_space<semaphore_mem>>) src(%dma_wait3A_1438 : memref<64x128xf32, #tpu.memory_space<hbm>>) dst(%arg12 : memref<64x128xf32, #tpu.memory_space<vmem>>)
      %slice3A_1439 = vector.extract_strided_slice %get3A_33 {offsets = [8], sizes = [1], strides = [1]} : vector<16xi32> to vector<1xi32>
      %squeeze3A_1440 = vector.extract %slice3A_1439[0] : i32 from vector<1xi32>
      %and3A_1441 = arith.constant 127 : i32
      %and3A_1442 = arith.andi %squeeze3A_1440, %and3A_1441 : i32
      %broadcast_in_dim3A_1443 = vector.broadcast %and3A_1442 : i32 to vector<16xi32>
      %mul3A_1444 = arith.constant 32 : i32
      %mul3A_1445 = arith.muli %scan3A_23, %mul3A_1444 : i32
      %add3A_1446 = arith.constant 24 : i32
      %add3A_1447 = arith.addi %mul3A_1445, %add3A_1446 : i32
      %broadcast_in_dim3A_1448 = vector.broadcast %add3A_1447 : i32 to vector<16xi32>
      %add3A_1449 = arith.constant 0 : i32
      %add3A_1450 = vector.broadcast %add3A_1449 : i32 to vector<16xi32>
      %add3A_1451 = arith.addi %add3A_1450, %iota3A_15 : vector<16xi32>
      %gather3A_1452 = tpu.vector_load_idx %arg12[%add3A_1451, %broadcast_in_dim3A_1443] : memref<64x128xf32, #tpu.memory_space<vmem>>[vector<16xi32>, vector<16xi32>], vector<16xf32>,
      %add3A_1453 = arith.constant 0 : i32
      %add3A_1454 = vector.broadcast %add3A_1453 : i32 to vector<16xi32>
      %add3A_1455 = arith.addi %add3A_1454, %iota3A_15 : vector<16xi32>
      tpu.vector_store_idx %arg11[%broadcast_in_dim3A_1448, %add3A_1455], %gather3A_1452 : memref<64x64xf32, #tpu.memory_space<vmem>>[vector<16xi32>, vector<16xi32>], vector<16xf32>,
      %add3A_1456 = arith.constant 16 : i32
      %add3A_1457 = vector.broadcast %add3A_1456 : i32 to vector<16xi32>
      %add3A_1458 = arith.addi %add3A_1457, %iota3A_15 : vector<16xi32>
      %gather3A_1459 = tpu.vector_load_idx %arg12[%add3A_1458, %broadcast_in_dim3A_1443] : memref<64x128xf32, #tpu.memory_space<vmem>>[vector<16xi32>, vector<16xi32>], vector<16xf32>,
      %add3A_1460 = arith.constant 16 : i32
      %add3A_1461 = vector.broadcast %add3A_1460 : i32 to vector<16xi32>
      %add3A_1462 = arith.addi %add3A_1461, %iota3A_15 : vector<16xi32>
      tpu.vector_store_idx %arg11[%broadcast_in_dim3A_1448, %add3A_1462], %gather3A_1459 : memref<64x64xf32, #tpu.memory_space<vmem>>[vector<16xi32>, vector<16xi32>], vector<16xf32>,
      %add3A_1463 = arith.constant 32 : i32
      %add3A_1464 = vector.broadcast %add3A_1463 : i32 to vector<16xi32>
      %add3A_1465 = arith.addi %add3A_1464, %iota3A_15 : vector<16xi32>
      %gather3A_1466 = tpu.vector_load_idx %arg12[%add3A_1465, %broadcast_in_dim3A_1443] : memref<64x128xf32, #tpu.memory_space<vmem>>[vector<16xi32>, vector<16xi32>], vector<16xf32>,
      %add3A_1467 = arith.constant 32 : i32
      %add3A_1468 = vector.broadcast %add3A_1467 : i32 to vector<16xi32>
      %add3A_1469 = arith.addi %add3A_1468, %iota3A_15 : vector<16xi32>
      tpu.vector_store_idx %arg11[%broadcast_in_dim3A_1448, %add3A_1469], %gather3A_1466 : memref<64x64xf32, #tpu.memory_space<vmem>>[vector<16xi32>, vector<16xi32>], vector<16xf32>,
      %add3A_1470 = arith.constant 48 : i32
      %add3A_1471 = vector.broadcast %add3A_1470 : i32 to vector<16xi32>
      %add3A_1472 = arith.addi %add3A_1471, %iota3A_15 : vector<16xi32>
      %gather3A_1473 = tpu.vector_load_idx %arg12[%add3A_1472, %broadcast_in_dim3A_1443] : memref<64x128xf32, #tpu.memory_space<vmem>>[vector<16xi32>, vector<16xi32>], vector<16xf32>,
      %add3A_1474 = arith.constant 48 : i32
      %add3A_1475 = vector.broadcast %add3A_1474 : i32 to vector<16xi32>
      %add3A_1476 = arith.addi %add3A_1475, %iota3A_15 : vector<16xi32>
      tpu.vector_store_idx %arg11[%broadcast_in_dim3A_1448, %add3A_1476], %gather3A_1473 : memref<64x64xf32, #tpu.memory_space<vmem>>[vector<16xi32>, vector<16xi32>], vector<16xf32>,
      %dma_wait3A_1477 = arith.constant 0 : i32
      %dma_wait3A_1478 = arith.constant 0 : i32
      %dma_wait3A_1479 = tpu.memref_slice %arg5[%dma_wait3A_1477, %dma_wait3A_1478] : memref<64x1000000xf32, #tpu.memory_space<hbm>> -> memref<64x128xf32, #tpu.memory_space<hbm>>
      %dma_wait3A_1480 = arith.constant 0 : i32
      %dma_wait3A_1481 = arith.constant 0 : i32
      %dma_wait3A_1482 = tpu.memref_slice %arg5[%dma_wait3A_1480, %dma_wait3A_1481] : memref<64x1000000xf32, #tpu.memory_space<hbm>> -> memref<64x128xf32, #tpu.memory_space<hbm>>
      tpu.wait_dma2 semaphore(%arg21 : memref<!tpu.dma_semaphore, #tpu.memory_space<semaphore_mem>>) src(%dma_wait3A_1482 : memref<64x128xf32, #tpu.memory_space<hbm>>) dst(%arg13 : memref<64x128xf32, #tpu.memory_space<vmem>>)
      %slice3A_1483 = vector.extract_strided_slice %get3A_33 {offsets = [9], sizes = [1], strides = [1]} : vector<16xi32> to vector<1xi32>
      %squeeze3A_1484 = vector.extract %slice3A_1483[0] : i32 from vector<1xi32>
      %and3A_1485 = arith.constant 127 : i32
      %and3A_1486 = arith.andi %squeeze3A_1484, %and3A_1485 : i32
      %broadcast_in_dim3A_1487 = vector.broadcast %and3A_1486 : i32 to vector<16xi32>
      %mul3A_1488 = arith.constant 32 : i32
      %mul3A_1489 = arith.muli %scan3A_23, %mul3A_1488 : i32
      %add3A_1490 = arith.constant 25 : i32
      %add3A_1491 = arith.addi %mul3A_1489, %add3A_1490 : i32
      %broadcast_in_dim3A_1492 = vector.broadcast %add3A_1491 : i32 to vector<16xi32>
      %add3A_1493 = arith.constant 0 : i32
      %add3A_1494 = vector.broadcast %add3A_1493 : i32 to vector<16xi32>
      %add3A_1495 = arith.addi %add3A_1494, %iota3A_15 : vector<16xi32>
      %gather3A_1496 = tpu.vector_load_idx %arg13[%add3A_1495, %broadcast_in_dim3A_1487] : memref<64x128xf32, #tpu.memory_space<vmem>>[vector<16xi32>, vector<16xi32>], vector<16xf32>,
      %add3A_1497 = arith.constant 0 : i32
      %add3A_1498 = vector.broadcast %add3A_1497 : i32 to vector<16xi32>
      %add3A_1499 = arith.addi %add3A_1498, %iota3A_15 : vector<16xi32>
      tpu.vector_store_idx %arg11[%broadcast_in_dim3A_1492, %add3A_1499], %gather3A_1496 : memref<64x64xf32, #tpu.memory_space<vmem>>[vector<16xi32>, vector<16xi32>], vector<16xf32>,
      %add3A_1500 = arith.constant 16 : i32
      %add3A_1501 = vector.broadcast %add3A_1500 : i32 to vector<16xi32>
      %add3A_1502 = arith.addi %add3A_1501, %iota3A_15 : vector<16xi32>
      %gather3A_1503 = tpu.vector_load_idx %arg13[%add3A_1502, %broadcast_in_dim3A_1487] : memref<64x128xf32, #tpu.memory_space<vmem>>[vector<16xi32>, vector<16xi32>], vector<16xf32>,
      %add3A_1504 = arith.constant 16 : i32
      %add3A_1505 = vector.broadcast %add3A_1504 : i32 to vector<16xi32>
      %add3A_1506 = arith.addi %add3A_1505, %iota3A_15 : vector<16xi32>
      tpu.vector_store_idx %arg11[%broadcast_in_dim3A_1492, %add3A_1506], %gather3A_1503 : memref<64x64xf32, #tpu.memory_space<vmem>>[vector<16xi32>, vector<16xi32>], vector<16xf32>,
      %add3A_1507 = arith.constant 32 : i32
      %add3A_1508 = vector.broadcast %add3A_1507 : i32 to vector<16xi32>
      %add3A_1509 = arith.addi %add3A_1508, %iota3A_15 : vector<16xi32>
      %gather3A_1510 = tpu.vector_load_idx %arg13[%add3A_1509, %broadcast_in_dim3A_1487] : memref<64x128xf32, #tpu.memory_space<vmem>>[vector<16xi32>, vector<16xi32>], vector<16xf32>,
      %add3A_1511 = arith.constant 32 : i32
      %add3A_1512 = vector.broadcast %add3A_1511 : i32 to vector<16xi32>
      %add3A_1513 = arith.addi %add3A_1512, %iota3A_15 : vector<16xi32>
      tpu.vector_store_idx %arg11[%broadcast_in_dim3A_1492, %add3A_1513], %gather3A_1510 : memref<64x64xf32, #tpu.memory_space<vmem>>[vector<16xi32>, vector<16xi32>], vector<16xf32>,
      %add3A_1514 = arith.constant 48 : i32
      %add3A_1515 = vector.broadcast %add3A_1514 : i32 to vector<16xi32>
      %add3A_1516 = arith.addi %add3A_1515, %iota3A_15 : vector<16xi32>
      %gather3A_1517 = tpu.vector_load_idx %arg13[%add3A_1516, %broadcast_in_dim3A_1487] : memref<64x128xf32, #tpu.memory_space<vmem>>[vector<16xi32>, vector<16xi32>], vector<16xf32>,
      %add3A_1518 = arith.constant 48 : i32
      %add3A_1519 = vector.broadcast %add3A_1518 : i32 to vector<16xi32>
      %add3A_1520 = arith.addi %add3A_1519, %iota3A_15 : vector<16xi32>
      tpu.vector_store_idx %arg11[%broadcast_in_dim3A_1492, %add3A_1520], %gather3A_1517 : memref<64x64xf32, #tpu.memory_space<vmem>>[vector<16xi32>, vector<16xi32>], vector<16xf32>,
      %dma_wait3A_1521 = arith.constant 0 : i32
      %dma_wait3A_1522 = arith.constant 0 : i32
      %dma_wait3A_1523 = tpu.memref_slice %arg5[%dma_wait3A_1521, %dma_wait3A_1522] : memref<64x1000000xf32, #tpu.memory_space<hbm>> -> memref<64x128xf32, #tpu.memory_space<hbm>>
      %dma_wait3A_1524 = arith.constant 0 : i32
      %dma_wait3A_1525 = arith.constant 0 : i32
      %dma_wait3A_1526 = tpu.memref_slice %arg5[%dma_wait3A_1524, %dma_wait3A_1525] : memref<64x1000000xf32, #tpu.memory_space<hbm>> -> memref<64x128xf32, #tpu.memory_space<hbm>>
      tpu.wait_dma2 semaphore(%arg22 : memref<!tpu.dma_semaphore, #tpu.memory_space<semaphore_mem>>) src(%dma_wait3A_1526 : memref<64x128xf32, #tpu.memory_space<hbm>>) dst(%arg14 : memref<64x128xf32, #tpu.memory_space<vmem>>)
      %slice3A_1527 = vector.extract_strided_slice %get3A_33 {offsets = [10], sizes = [1], strides = [1]} : vector<16xi32> to vector<1xi32>
      %squeeze3A_1528 = vector.extract %slice3A_1527[0] : i32 from vector<1xi32>
      %and3A_1529 = arith.constant 127 : i32
      %and3A_1530 = arith.andi %squeeze3A_1528, %and3A_1529 : i32
      %broadcast_in_dim3A_1531 = vector.broadcast %and3A_1530 : i32 to vector<16xi32>
      %mul3A_1532 = arith.constant 32 : i32
      %mul3A_1533 = arith.muli %scan3A_23, %mul3A_1532 : i32
      %add3A_1534 = arith.constant 26 : i32
      %add3A_1535 = arith.addi %mul3A_1533, %add3A_1534 : i32
      %broadcast_in_dim3A_1536 = vector.broadcast %add3A_1535 : i32 to vector<16xi32>
      %add3A_1537 = arith.constant 0 : i32
      %add3A_1538 = vector.broadcast %add3A_1537 : i32 to vector<16xi32>
      %add3A_1539 = arith.addi %add3A_1538, %iota3A_15 : vector<16xi32>
      %gather3A_1540 = tpu.vector_load_idx %arg14[%add3A_1539, %broadcast_in_dim3A_1531] : memref<64x128xf32, #tpu.memory_space<vmem>>[vector<16xi32>, vector<16xi32>], vector<16xf32>,
      %add3A_1541 = arith.constant 0 : i32
      %add3A_1542 = vector.broadcast %add3A_1541 : i32 to vector<16xi32>
      %add3A_1543 = arith.addi %add3A_1542, %iota3A_15 : vector<16xi32>
      tpu.vector_store_idx %arg11[%broadcast_in_dim3A_1536, %add3A_1543], %gather3A_1540 : memref<64x64xf32, #tpu.memory_space<vmem>>[vector<16xi32>, vector<16xi32>], vector<16xf32>,
      %add3A_1544 = arith.constant 16 : i32
      %add3A_1545 = vector.broadcast %add3A_1544 : i32 to vector<16xi32>
      %add3A_1546 = arith.addi %add3A_1545, %iota3A_15 : vector<16xi32>
      %gather3A_1547 = tpu.vector_load_idx %arg14[%add3A_1546, %broadcast_in_dim3A_1531] : memref<64x128xf32, #tpu.memory_space<vmem>>[vector<16xi32>, vector<16xi32>], vector<16xf32>,
      %add3A_1548 = arith.constant 16 : i32
      %add3A_1549 = vector.broadcast %add3A_1548 : i32 to vector<16xi32>
      %add3A_1550 = arith.addi %add3A_1549, %iota3A_15 : vector<16xi32>
      tpu.vector_store_idx %arg11[%broadcast_in_dim3A_1536, %add3A_1550], %gather3A_1547 : memref<64x64xf32, #tpu.memory_space<vmem>>[vector<16xi32>, vector<16xi32>], vector<16xf32>,
      %add3A_1551 = arith.constant 32 : i32
      %add3A_1552 = vector.broadcast %add3A_1551 : i32 to vector<16xi32>
      %add3A_1553 = arith.addi %add3A_1552, %iota3A_15 : vector<16xi32>
      %gather3A_1554 = tpu.vector_load_idx %arg14[%add3A_1553, %broadcast_in_dim3A_1531] : memref<64x128xf32, #tpu.memory_space<vmem>>[vector<16xi32>, vector<16xi32>], vector<16xf32>,
      %add3A_1555 = arith.constant 32 : i32
      %add3A_1556 = vector.broadcast %add3A_1555 : i32 to vector<16xi32>
      %add3A_1557 = arith.addi %add3A_1556, %iota3A_15 : vector<16xi32>
      tpu.vector_store_idx %arg11[%broadcast_in_dim3A_1536, %add3A_1557], %gather3A_1554 : memref<64x64xf32, #tpu.memory_space<vmem>>[vector<16xi32>, vector<16xi32>], vector<16xf32>,
      %add3A_1558 = arith.constant 48 : i32
      %add3A_1559 = vector.broadcast %add3A_1558 : i32 to vector<16xi32>
      %add3A_1560 = arith.addi %add3A_1559, %iota3A_15 : vector<16xi32>
      %gather3A_1561 = tpu.vector_load_idx %arg14[%add3A_1560, %broadcast_in_dim3A_1531] : memref<64x128xf32, #tpu.memory_space<vmem>>[vector<16xi32>, vector<16xi32>], vector<16xf32>,
      %add3A_1562 = arith.constant 48 : i32
      %add3A_1563 = vector.broadcast %add3A_1562 : i32 to vector<16xi32>
      %add3A_1564 = arith.addi %add3A_1563, %iota3A_15 : vector<16xi32>
      tpu.vector_store_idx %arg11[%broadcast_in_dim3A_1536, %add3A_1564], %gather3A_1561 : memref<64x64xf32, #tpu.memory_space<vmem>>[vector<16xi32>, vector<16xi32>], vector<16xf32>,
      %dma_wait3A_1565 = arith.constant 0 : i32
      %dma_wait3A_1566 = arith.constant 0 : i32
      %dma_wait3A_1567 = tpu.memref_slice %arg5[%dma_wait3A_1565, %dma_wait3A_1566] : memref<64x1000000xf32, #tpu.memory_space<hbm>> -> memref<64x128xf32, #tpu.memory_space<hbm>>
      %dma_wait3A_1568 = arith.constant 0 : i32
      %dma_wait3A_1569 = arith.constant 0 : i32
      %dma_wait3A_1570 = tpu.memref_slice %arg5[%dma_wait3A_1568, %dma_wait3A_1569] : memref<64x1000000xf32, #tpu.memory_space<hbm>> -> memref<64x128xf32, #tpu.memory_space<hbm>>
      tpu.wait_dma2 semaphore(%arg23 : memref<!tpu.dma_semaphore, #tpu.memory_space<semaphore_mem>>) src(%dma_wait3A_1570 : memref<64x128xf32, #tpu.memory_space<hbm>>) dst(%arg15 : memref<64x128xf32, #tpu.memory_space<vmem>>)
      %slice3A_1571 = vector.extract_strided_slice %get3A_33 {offsets = [11], sizes = [1], strides = [1]} : vector<16xi32> to vector<1xi32>
      %squeeze3A_1572 = vector.extract %slice3A_1571[0] : i32 from vector<1xi32>
      %and3A_1573 = arith.constant 127 : i32
      %and3A_1574 = arith.andi %squeeze3A_1572, %and3A_1573 : i32
      %broadcast_in_dim3A_1575 = vector.broadcast %and3A_1574 : i32 to vector<16xi32>
      %mul3A_1576 = arith.constant 32 : i32
      %mul3A_1577 = arith.muli %scan3A_23, %mul3A_1576 : i32
      %add3A_1578 = arith.constant 27 : i32
      %add3A_1579 = arith.addi %mul3A_1577, %add3A_1578 : i32
      %broadcast_in_dim3A_1580 = vector.broadcast %add3A_1579 : i32 to vector<16xi32>
      %add3A_1581 = arith.constant 0 : i32
      %add3A_1582 = vector.broadcast %add3A_1581 : i32 to vector<16xi32>
      %add3A_1583 = arith.addi %add3A_1582, %iota3A_15 : vector<16xi32>
      %gather3A_1584 = tpu.vector_load_idx %arg15[%add3A_1583, %broadcast_in_dim3A_1575] : memref<64x128xf32, #tpu.memory_space<vmem>>[vector<16xi32>, vector<16xi32>], vector<16xf32>,
      %add3A_1585 = arith.constant 0 : i32
      %add3A_1586 = vector.broadcast %add3A_1585 : i32 to vector<16xi32>
      %add3A_1587 = arith.addi %add3A_1586, %iota3A_15 : vector<16xi32>
      tpu.vector_store_idx %arg11[%broadcast_in_dim3A_1580, %add3A_1587], %gather3A_1584 : memref<64x64xf32, #tpu.memory_space<vmem>>[vector<16xi32>, vector<16xi32>], vector<16xf32>,
      %add3A_1588 = arith.constant 16 : i32
      %add3A_1589 = vector.broadcast %add3A_1588 : i32 to vector<16xi32>
      %add3A_1590 = arith.addi %add3A_1589, %iota3A_15 : vector<16xi32>
      %gather3A_1591 = tpu.vector_load_idx %arg15[%add3A_1590, %broadcast_in_dim3A_1575] : memref<64x128xf32, #tpu.memory_space<vmem>>[vector<16xi32>, vector<16xi32>], vector<16xf32>,
      %add3A_1592 = arith.constant 16 : i32
      %add3A_1593 = vector.broadcast %add3A_1592 : i32 to vector<16xi32>
      %add3A_1594 = arith.addi %add3A_1593, %iota3A_15 : vector<16xi32>
      tpu.vector_store_idx %arg11[%broadcast_in_dim3A_1580, %add3A_1594], %gather3A_1591 : memref<64x64xf32, #tpu.memory_space<vmem>>[vector<16xi32>, vector<16xi32>], vector<16xf32>,
      %add3A_1595 = arith.constant 32 : i32
      %add3A_1596 = vector.broadcast %add3A_1595 : i32 to vector<16xi32>
      %add3A_1597 = arith.addi %add3A_1596, %iota3A_15 : vector<16xi32>
      %gather3A_1598 = tpu.vector_load_idx %arg15[%add3A_1597, %broadcast_in_dim3A_1575] : memref<64x128xf32, #tpu.memory_space<vmem>>[vector<16xi32>, vector<16xi32>], vector<16xf32>,
      %add3A_1599 = arith.constant 32 : i32
      %add3A_1600 = vector.broadcast %add3A_1599 : i32 to vector<16xi32>
      %add3A_1601 = arith.addi %add3A_1600, %iota3A_15 : vector<16xi32>
      tpu.vector_store_idx %arg11[%broadcast_in_dim3A_1580, %add3A_1601], %gather3A_1598 : memref<64x64xf32, #tpu.memory_space<vmem>>[vector<16xi32>, vector<16xi32>], vector<16xf32>,
      %add3A_1602 = arith.constant 48 : i32
      %add3A_1603 = vector.broadcast %add3A_1602 : i32 to vector<16xi32>
      %add3A_1604 = arith.addi %add3A_1603, %iota3A_15 : vector<16xi32>
      %gather3A_1605 = tpu.vector_load_idx %arg15[%add3A_1604, %broadcast_in_dim3A_1575] : memref<64x128xf32, #tpu.memory_space<vmem>>[vector<16xi32>, vector<16xi32>], vector<16xf32>,
      %add3A_1606 = arith.constant 48 : i32
      %add3A_1607 = vector.broadcast %add3A_1606 : i32 to vector<16xi32>
      %add3A_1608 = arith.addi %add3A_1607, %iota3A_15 : vector<16xi32>
      tpu.vector_store_idx %arg11[%broadcast_in_dim3A_1580, %add3A_1608], %gather3A_1605 : memref<64x64xf32, #tpu.memory_space<vmem>>[vector<16xi32>, vector<16xi32>], vector<16xf32>,
      %dma_wait3A_1609 = arith.constant 0 : i32
      %dma_wait3A_1610 = arith.constant 0 : i32
      %dma_wait3A_1611 = tpu.memref_slice %arg5[%dma_wait3A_1609, %dma_wait3A_1610] : memref<64x1000000xf32, #tpu.memory_space<hbm>> -> memref<64x128xf32, #tpu.memory_space<hbm>>
      %dma_wait3A_1612 = arith.constant 0 : i32
      %dma_wait3A_1613 = arith.constant 0 : i32
      %dma_wait3A_1614 = tpu.memref_slice %arg5[%dma_wait3A_1612, %dma_wait3A_1613] : memref<64x1000000xf32, #tpu.memory_space<hbm>> -> memref<64x128xf32, #tpu.memory_space<hbm>>
      tpu.wait_dma2 semaphore(%arg24 : memref<!tpu.dma_semaphore, #tpu.memory_space<semaphore_mem>>) src(%dma_wait3A_1614 : memref<64x128xf32, #tpu.memory_space<hbm>>) dst(%arg16 : memref<64x128xf32, #tpu.memory_space<vmem>>)
      %slice3A_1615 = vector.extract_strided_slice %get3A_33 {offsets = [12], sizes = [1], strides = [1]} : vector<16xi32> to vector<1xi32>
      %squeeze3A_1616 = vector.extract %slice3A_1615[0] : i32 from vector<1xi32>
      %and3A_1617 = arith.constant 127 : i32
      %and3A_1618 = arith.andi %squeeze3A_1616, %and3A_1617 : i32
      %broadcast_in_dim3A_1619 = vector.broadcast %and3A_1618 : i32 to vector<16xi32>
      %mul3A_1620 = arith.constant 32 : i32
      %mul3A_1621 = arith.muli %scan3A_23, %mul3A_1620 : i32
      %add3A_1622 = arith.constant 28 : i32
      %add3A_1623 = arith.addi %mul3A_1621, %add3A_1622 : i32
      %broadcast_in_dim3A_1624 = vector.broadcast %add3A_1623 : i32 to vector<16xi32>
      %add3A_1625 = arith.constant 0 : i32
      %add3A_1626 = vector.broadcast %add3A_1625 : i32 to vector<16xi32>
      %add3A_1627 = arith.addi %add3A_1626, %iota3A_15 : vector<16xi32>
      %gather3A_1628 = tpu.vector_load_idx %arg16[%add3A_1627, %broadcast_in_dim3A_1619] : memref<64x128xf32, #tpu.memory_space<vmem>>[vector<16xi32>, vector<16xi32>], vector<16xf32>,
      %add3A_1629 = arith.constant 0 : i32
      %add3A_1630 = vector.broadcast %add3A_1629 : i32 to vector<16xi32>
      %add3A_1631 = arith.addi %add3A_1630, %iota3A_15 : vector<16xi32>
      tpu.vector_store_idx %arg11[%broadcast_in_dim3A_1624, %add3A_1631], %gather3A_1628 : memref<64x64xf32, #tpu.memory_space<vmem>>[vector<16xi32>, vector<16xi32>], vector<16xf32>,
      %add3A_1632 = arith.constant 16 : i32
      %add3A_1633 = vector.broadcast %add3A_1632 : i32 to vector<16xi32>
      %add3A_1634 = arith.addi %add3A_1633, %iota3A_15 : vector<16xi32>
      %gather3A_1635 = tpu.vector_load_idx %arg16[%add3A_1634, %broadcast_in_dim3A_1619] : memref<64x128xf32, #tpu.memory_space<vmem>>[vector<16xi32>, vector<16xi32>], vector<16xf32>,
      %add3A_1636 = arith.constant 16 : i32
      %add3A_1637 = vector.broadcast %add3A_1636 : i32 to vector<16xi32>
      %add3A_1638 = arith.addi %add3A_1637, %iota3A_15 : vector<16xi32>
      tpu.vector_store_idx %arg11[%broadcast_in_dim3A_1624, %add3A_1638], %gather3A_1635 : memref<64x64xf32, #tpu.memory_space<vmem>>[vector<16xi32>, vector<16xi32>], vector<16xf32>,
      %add3A_1639 = arith.constant 32 : i32
      %add3A_1640 = vector.broadcast %add3A_1639 : i32 to vector<16xi32>
      %add3A_1641 = arith.addi %add3A_1640, %iota3A_15 : vector<16xi32>
      %gather3A_1642 = tpu.vector_load_idx %arg16[%add3A_1641, %broadcast_in_dim3A_1619] : memref<64x128xf32, #tpu.memory_space<vmem>>[vector<16xi32>, vector<16xi32>], vector<16xf32>,
      %add3A_1643 = arith.constant 32 : i32
      %add3A_1644 = vector.broadcast %add3A_1643 : i32 to vector<16xi32>
      %add3A_1645 = arith.addi %add3A_1644, %iota3A_15 : vector<16xi32>
      tpu.vector_store_idx %arg11[%broadcast_in_dim3A_1624, %add3A_1645], %gather3A_1642 : memref<64x64xf32, #tpu.memory_space<vmem>>[vector<16xi32>, vector<16xi32>], vector<16xf32>,
      %add3A_1646 = arith.constant 48 : i32
      %add3A_1647 = vector.broadcast %add3A_1646 : i32 to vector<16xi32>
      %add3A_1648 = arith.addi %add3A_1647, %iota3A_15 : vector<16xi32>
      %gather3A_1649 = tpu.vector_load_idx %arg16[%add3A_1648, %broadcast_in_dim3A_1619] : memref<64x128xf32, #tpu.memory_space<vmem>>[vector<16xi32>, vector<16xi32>], vector<16xf32>,
      %add3A_1650 = arith.constant 48 : i32
      %add3A_1651 = vector.broadcast %add3A_1650 : i32 to vector<16xi32>
      %add3A_1652 = arith.addi %add3A_1651, %iota3A_15 : vector<16xi32>
      tpu.vector_store_idx %arg11[%broadcast_in_dim3A_1624, %add3A_1652], %gather3A_1649 : memref<64x64xf32, #tpu.memory_space<vmem>>[vector<16xi32>, vector<16xi32>], vector<16xf32>,
      %dma_wait3A_1653 = arith.constant 0 : i32
      %dma_wait3A_1654 = arith.constant 0 : i32
      %dma_wait3A_1655 = tpu.memref_slice %arg5[%dma_wait3A_1653, %dma_wait3A_1654] : memref<64x1000000xf32, #tpu.memory_space<hbm>> -> memref<64x128xf32, #tpu.memory_space<hbm>>
      %dma_wait3A_1656 = arith.constant 0 : i32
      %dma_wait3A_1657 = arith.constant 0 : i32
      %dma_wait3A_1658 = tpu.memref_slice %arg5[%dma_wait3A_1656, %dma_wait3A_1657] : memref<64x1000000xf32, #tpu.memory_space<hbm>> -> memref<64x128xf32, #tpu.memory_space<hbm>>
      tpu.wait_dma2 semaphore(%arg25 : memref<!tpu.dma_semaphore, #tpu.memory_space<semaphore_mem>>) src(%dma_wait3A_1658 : memref<64x128xf32, #tpu.memory_space<hbm>>) dst(%arg17 : memref<64x128xf32, #tpu.memory_space<vmem>>)
      %slice3A_1659 = vector.extract_strided_slice %get3A_33 {offsets = [13], sizes = [1], strides = [1]} : vector<16xi32> to vector<1xi32>
      %squeeze3A_1660 = vector.extract %slice3A_1659[0] : i32 from vector<1xi32>
      %and3A_1661 = arith.constant 127 : i32
      %and3A_1662 = arith.andi %squeeze3A_1660, %and3A_1661 : i32
      %broadcast_in_dim3A_1663 = vector.broadcast %and3A_1662 : i32 to vector<16xi32>
      %mul3A_1664 = arith.constant 32 : i32
      %mul3A_1665 = arith.muli %scan3A_23, %mul3A_1664 : i32
      %add3A_1666 = arith.constant 29 : i32
      %add3A_1667 = arith.addi %mul3A_1665, %add3A_1666 : i32
      %broadcast_in_dim3A_1668 = vector.broadcast %add3A_1667 : i32 to vector<16xi32>
      %add3A_1669 = arith.constant 0 : i32
      %add3A_1670 = vector.broadcast %add3A_1669 : i32 to vector<16xi32>
      %add3A_1671 = arith.addi %add3A_1670, %iota3A_15 : vector<16xi32>
      %gather3A_1672 = tpu.vector_load_idx %arg17[%add3A_1671, %broadcast_in_dim3A_1663] : memref<64x128xf32, #tpu.memory_space<vmem>>[vector<16xi32>, vector<16xi32>], vector<16xf32>,
      %add3A_1673 = arith.constant 0 : i32
      %add3A_1674 = vector.broadcast %add3A_1673 : i32 to vector<16xi32>
      %add3A_1675 = arith.addi %add3A_1674, %iota3A_15 : vector<16xi32>
      tpu.vector_store_idx %arg11[%broadcast_in_dim3A_1668, %add3A_1675], %gather3A_1672 : memref<64x64xf32, #tpu.memory_space<vmem>>[vector<16xi32>, vector<16xi32>], vector<16xf32>,
      %add3A_1676 = arith.constant 16 : i32
      %add3A_1677 = vector.broadcast %add3A_1676 : i32 to vector<16xi32>
      %add3A_1678 = arith.addi %add3A_1677, %iota3A_15 : vector<16xi32>
      %gather3A_1679 = tpu.vector_load_idx %arg17[%add3A_1678, %broadcast_in_dim3A_1663] : memref<64x128xf32, #tpu.memory_space<vmem>>[vector<16xi32>, vector<16xi32>], vector<16xf32>,
      %add3A_1680 = arith.constant 16 : i32
      %add3A_1681 = vector.broadcast %add3A_1680 : i32 to vector<16xi32>
      %add3A_1682 = arith.addi %add3A_1681, %iota3A_15 : vector<16xi32>
      tpu.vector_store_idx %arg11[%broadcast_in_dim3A_1668, %add3A_1682], %gather3A_1679 : memref<64x64xf32, #tpu.memory_space<vmem>>[vector<16xi32>, vector<16xi32>], vector<16xf32>,
      %add3A_1683 = arith.constant 32 : i32
      %add3A_1684 = vector.broadcast %add3A_1683 : i32 to vector<16xi32>
      %add3A_1685 = arith.addi %add3A_1684, %iota3A_15 : vector<16xi32>
      %gather3A_1686 = tpu.vector_load_idx %arg17[%add3A_1685, %broadcast_in_dim3A_1663] : memref<64x128xf32, #tpu.memory_space<vmem>>[vector<16xi32>, vector<16xi32>], vector<16xf32>,
      %add3A_1687 = arith.constant 32 : i32
      %add3A_1688 = vector.broadcast %add3A_1687 : i32 to vector<16xi32>
      %add3A_1689 = arith.addi %add3A_1688, %iota3A_15 : vector<16xi32>
      tpu.vector_store_idx %arg11[%broadcast_in_dim3A_1668, %add3A_1689], %gather3A_1686 : memref<64x64xf32, #tpu.memory_space<vmem>>[vector<16xi32>, vector<16xi32>], vector<16xf32>,
      %add3A_1690 = arith.constant 48 : i32
      %add3A_1691 = vector.broadcast %add3A_1690 : i32 to vector<16xi32>
      %add3A_1692 = arith.addi %add3A_1691, %iota3A_15 : vector<16xi32>
      %gather3A_1693 = tpu.vector_load_idx %arg17[%add3A_1692, %broadcast_in_dim3A_1663] : memref<64x128xf32, #tpu.memory_space<vmem>>[vector<16xi32>, vector<16xi32>], vector<16xf32>,
      %add3A_1694 = arith.constant 48 : i32
      %add3A_1695 = vector.broadcast %add3A_1694 : i32 to vector<16xi32>
      %add3A_1696 = arith.addi %add3A_1695, %iota3A_15 : vector<16xi32>
      tpu.vector_store_idx %arg11[%broadcast_in_dim3A_1668, %add3A_1696], %gather3A_1693 : memref<64x64xf32, #tpu.memory_space<vmem>>[vector<16xi32>, vector<16xi32>], vector<16xf32>,
      %dma_wait3A_1697 = arith.constant 0 : i32
      %dma_wait3A_1698 = arith.constant 0 : i32
      %dma_wait3A_1699 = tpu.memref_slice %arg5[%dma_wait3A_1697, %dma_wait3A_1698] : memref<64x1000000xf32, #tpu.memory_space<hbm>> -> memref<64x128xf32, #tpu.memory_space<hbm>>
      %dma_wait3A_1700 = arith.constant 0 : i32
      %dma_wait3A_1701 = arith.constant 0 : i32
      %dma_wait3A_1702 = tpu.memref_slice %arg5[%dma_wait3A_1700, %dma_wait3A_1701] : memref<64x1000000xf32, #tpu.memory_space<hbm>> -> memref<64x128xf32, #tpu.memory_space<hbm>>
      tpu.wait_dma2 semaphore(%arg26 : memref<!tpu.dma_semaphore, #tpu.memory_space<semaphore_mem>>) src(%dma_wait3A_1702 : memref<64x128xf32, #tpu.memory_space<hbm>>) dst(%arg18 : memref<64x128xf32, #tpu.memory_space<vmem>>)
      %slice3A_1703 = vector.extract_strided_slice %get3A_33 {offsets = [14], sizes = [1], strides = [1]} : vector<16xi32> to vector<1xi32>
      %squeeze3A_1704 = vector.extract %slice3A_1703[0] : i32 from vector<1xi32>
      %and3A_1705 = arith.constant 127 : i32
      %and3A_1706 = arith.andi %squeeze3A_1704, %and3A_1705 : i32
      %broadcast_in_dim3A_1707 = vector.broadcast %and3A_1706 : i32 to vector<16xi32>
      %mul3A_1708 = arith.constant 32 : i32
      %mul3A_1709 = arith.muli %scan3A_23, %mul3A_1708 : i32
      %add3A_1710 = arith.constant 30 : i32
      %add3A_1711 = arith.addi %mul3A_1709, %add3A_1710 : i32
      %broadcast_in_dim3A_1712 = vector.broadcast %add3A_1711 : i32 to vector<16xi32>
      %add3A_1713 = arith.constant 0 : i32
      %add3A_1714 = vector.broadcast %add3A_1713 : i32 to vector<16xi32>
      %add3A_1715 = arith.addi %add3A_1714, %iota3A_15 : vector<16xi32>
      %gather3A_1716 = tpu.vector_load_idx %arg18[%add3A_1715, %broadcast_in_dim3A_1707] : memref<64x128xf32, #tpu.memory_space<vmem>>[vector<16xi32>, vector<16xi32>], vector<16xf32>,
      %add3A_1717 = arith.constant 0 : i32
      %add3A_1718 = vector.broadcast %add3A_1717 : i32 to vector<16xi32>
      %add3A_1719 = arith.addi %add3A_1718, %iota3A_15 : vector<16xi32>
      tpu.vector_store_idx %arg11[%broadcast_in_dim3A_1712, %add3A_1719], %gather3A_1716 : memref<64x64xf32, #tpu.memory_space<vmem>>[vector<16xi32>, vector<16xi32>], vector<16xf32>,
      %add3A_1720 = arith.constant 16 : i32
      %add3A_1721 = vector.broadcast %add3A_1720 : i32 to vector<16xi32>
      %add3A_1722 = arith.addi %add3A_1721, %iota3A_15 : vector<16xi32>
      %gather3A_1723 = tpu.vector_load_idx %arg18[%add3A_1722, %broadcast_in_dim3A_1707] : memref<64x128xf32, #tpu.memory_space<vmem>>[vector<16xi32>, vector<16xi32>], vector<16xf32>,
      %add3A_1724 = arith.constant 16 : i32
      %add3A_1725 = vector.broadcast %add3A_1724 : i32 to vector<16xi32>
      %add3A_1726 = arith.addi %add3A_1725, %iota3A_15 : vector<16xi32>
      tpu.vector_store_idx %arg11[%broadcast_in_dim3A_1712, %add3A_1726], %gather3A_1723 : memref<64x64xf32, #tpu.memory_space<vmem>>[vector<16xi32>, vector<16xi32>], vector<16xf32>,
      %add3A_1727 = arith.constant 32 : i32
      %add3A_1728 = vector.broadcast %add3A_1727 : i32 to vector<16xi32>
      %add3A_1729 = arith.addi %add3A_1728, %iota3A_15 : vector<16xi32>
      %gather3A_1730 = tpu.vector_load_idx %arg18[%add3A_1729, %broadcast_in_dim3A_1707] : memref<64x128xf32, #tpu.memory_space<vmem>>[vector<16xi32>, vector<16xi32>], vector<16xf32>,
      %add3A_1731 = arith.constant 32 : i32
      %add3A_1732 = vector.broadcast %add3A_1731 : i32 to vector<16xi32>
      %add3A_1733 = arith.addi %add3A_1732, %iota3A_15 : vector<16xi32>
      tpu.vector_store_idx %arg11[%broadcast_in_dim3A_1712, %add3A_1733], %gather3A_1730 : memref<64x64xf32, #tpu.memory_space<vmem>>[vector<16xi32>, vector<16xi32>], vector<16xf32>,
      %add3A_1734 = arith.constant 48 : i32
      %add3A_1735 = vector.broadcast %add3A_1734 : i32 to vector<16xi32>
      %add3A_1736 = arith.addi %add3A_1735, %iota3A_15 : vector<16xi32>
      %gather3A_1737 = tpu.vector_load_idx %arg18[%add3A_1736, %broadcast_in_dim3A_1707] : memref<64x128xf32, #tpu.memory_space<vmem>>[vector<16xi32>, vector<16xi32>], vector<16xf32>,
      %add3A_1738 = arith.constant 48 : i32
      %add3A_1739 = vector.broadcast %add3A_1738 : i32 to vector<16xi32>
      %add3A_1740 = arith.addi %add3A_1739, %iota3A_15 : vector<16xi32>
      tpu.vector_store_idx %arg11[%broadcast_in_dim3A_1712, %add3A_1740], %gather3A_1737 : memref<64x64xf32, #tpu.memory_space<vmem>>[vector<16xi32>, vector<16xi32>], vector<16xf32>,
      %dma_wait3A_1741 = arith.constant 0 : i32
      %dma_wait3A_1742 = arith.constant 0 : i32
      %dma_wait3A_1743 = tpu.memref_slice %arg5[%dma_wait3A_1741, %dma_wait3A_1742] : memref<64x1000000xf32, #tpu.memory_space<hbm>> -> memref<64x128xf32, #tpu.memory_space<hbm>>
      %dma_wait3A_1744 = arith.constant 0 : i32
      %dma_wait3A_1745 = arith.constant 0 : i32
      %dma_wait3A_1746 = tpu.memref_slice %arg5[%dma_wait3A_1744, %dma_wait3A_1745] : memref<64x1000000xf32, #tpu.memory_space<hbm>> -> memref<64x128xf32, #tpu.memory_space<hbm>>
      tpu.wait_dma2 semaphore(%arg27 : memref<!tpu.dma_semaphore, #tpu.memory_space<semaphore_mem>>) src(%dma_wait3A_1746 : memref<64x128xf32, #tpu.memory_space<hbm>>) dst(%arg19 : memref<64x128xf32, #tpu.memory_space<vmem>>)
      %slice3A_1747 = vector.extract_strided_slice %get3A_33 {offsets = [15], sizes = [1], strides = [1]} : vector<16xi32> to vector<1xi32>
      %squeeze3A_1748 = vector.extract %slice3A_1747[0] : i32 from vector<1xi32>
      %and3A_1749 = arith.constant 127 : i32
      %and3A_1750 = arith.andi %squeeze3A_1748, %and3A_1749 : i32
      %broadcast_in_dim3A_1751 = vector.broadcast %and3A_1750 : i32 to vector<16xi32>
      %mul3A_1752 = arith.constant 32 : i32
      %mul3A_1753 = arith.muli %scan3A_23, %mul3A_1752 : i32
      %add3A_1754 = arith.constant 31 : i32
      %add3A_1755 = arith.addi %mul3A_1753, %add3A_1754 : i32
      %broadcast_in_dim3A_1756 = vector.broadcast %add3A_1755 : i32 to vector<16xi32>
      %add3A_1757 = arith.constant 0 : i32
      %add3A_1758 = vector.broadcast %add3A_1757 : i32 to vector<16xi32>
      %add3A_1759 = arith.addi %add3A_1758, %iota3A_15 : vector<16xi32>
      %gather3A_1760 = tpu.vector_load_idx %arg19[%add3A_1759, %broadcast_in_dim3A_1751] : memref<64x128xf32, #tpu.memory_space<vmem>>[vector<16xi32>, vector<16xi32>], vector<16xf32>,
      %add3A_1761 = arith.constant 0 : i32
      %add3A_1762 = vector.broadcast %add3A_1761 : i32 to vector<16xi32>
      %add3A_1763 = arith.addi %add3A_1762, %iota3A_15 : vector<16xi32>
      tpu.vector_store_idx %arg11[%broadcast_in_dim3A_1756, %add3A_1763], %gather3A_1760 : memref<64x64xf32, #tpu.memory_space<vmem>>[vector<16xi32>, vector<16xi32>], vector<16xf32>,
      %add3A_1764 = arith.constant 16 : i32
      %add3A_1765 = vector.broadcast %add3A_1764 : i32 to vector<16xi32>
      %add3A_1766 = arith.addi %add3A_1765, %iota3A_15 : vector<16xi32>
      %gather3A_1767 = tpu.vector_load_idx %arg19[%add3A_1766, %broadcast_in_dim3A_1751] : memref<64x128xf32, #tpu.memory_space<vmem>>[vector<16xi32>, vector<16xi32>], vector<16xf32>,
      %add3A_1768 = arith.constant 16 : i32
      %add3A_1769 = vector.broadcast %add3A_1768 : i32 to vector<16xi32>
      %add3A_1770 = arith.addi %add3A_1769, %iota3A_15 : vector<16xi32>
      tpu.vector_store_idx %arg11[%broadcast_in_dim3A_1756, %add3A_1770], %gather3A_1767 : memref<64x64xf32, #tpu.memory_space<vmem>>[vector<16xi32>, vector<16xi32>], vector<16xf32>,
      %add3A_1771 = arith.constant 32 : i32
      %add3A_1772 = vector.broadcast %add3A_1771 : i32 to vector<16xi32>
      %add3A_1773 = arith.addi %add3A_1772, %iota3A_15 : vector<16xi32>
      %gather3A_1774 = tpu.vector_load_idx %arg19[%add3A_1773, %broadcast_in_dim3A_1751] : memref<64x128xf32, #tpu.memory_space<vmem>>[vector<16xi32>, vector<16xi32>], vector<16xf32>,
      %add3A_1775 = arith.constant 32 : i32
      %add3A_1776 = vector.broadcast %add3A_1775 : i32 to vector<16xi32>
      %add3A_1777 = arith.addi %add3A_1776, %iota3A_15 : vector<16xi32>
      tpu.vector_store_idx %arg11[%broadcast_in_dim3A_1756, %add3A_1777], %gather3A_1774 : memref<64x64xf32, #tpu.memory_space<vmem>>[vector<16xi32>, vector<16xi32>], vector<16xf32>,
      %add3A_1778 = arith.constant 48 : i32
      %add3A_1779 = vector.broadcast %add3A_1778 : i32 to vector<16xi32>
      %add3A_1780 = arith.addi %add3A_1779, %iota3A_15 : vector<16xi32>
      %gather3A_1781 = tpu.vector_load_idx %arg19[%add3A_1780, %broadcast_in_dim3A_1751] : memref<64x128xf32, #tpu.memory_space<vmem>>[vector<16xi32>, vector<16xi32>], vector<16xf32>,
      %add3A_1782 = arith.constant 48 : i32
      %add3A_1783 = vector.broadcast %add3A_1782 : i32 to vector<16xi32>
      %add3A_1784 = arith.addi %add3A_1783, %iota3A_15 : vector<16xi32>
      tpu.vector_store_idx %arg11[%broadcast_in_dim3A_1756, %add3A_1784], %gather3A_1781 : memref<64x64xf32, #tpu.memory_space<vmem>>[vector<16xi32>, vector<16xi32>], vector<16xf32>,
      %scan3A_1785 = arith.constant 0 : i32
      scf.yield %scan3A_1785 : i32
    }
    %scan3A_22 = arith.constant 2 : i32
    "tpu.region"() ({
      %run_scoped3A = tpu.sem_alloc : memref<!tpu.dma_semaphore, #tpu.memory_space<semaphore_mem>>
      %dma_start3A = arith.constant 0 : i32
      %dma_start3A_23 = tpu.memref_slice %arg7[%mul3A_2, %dma_start3A] : memref<2048x64xf32, #tpu.memory_space<hbm>> -> memref<64x64xf32, #tpu.memory_space<hbm>>
      %dma_start3A_24 = arith.constant 0 : i32
      %dma_start3A_25 = tpu.memref_slice %arg7[%mul3A_2, %dma_start3A_24] : memref<2048x64xf32, #tpu.memory_space<hbm>> -> memref<64x64xf32, #tpu.memory_space<hbm>>
      tpu.enqueue_dma source(%arg11 : memref<64x64xf32, #tpu.memory_space<vmem>>) target(%dma_start3A_25 : memref<64x64xf32, #tpu.memory_space<hbm>>) target_semaphore(%run_scoped3A : memref<!tpu.dma_semaphore, #tpu.memory_space<semaphore_mem>>)
      %dma_wait3A = arith.constant 0 : i32
      %dma_wait3A_26 = tpu.memref_slice %arg7[%mul3A_2, %dma_wait3A] : memref<2048x64xf32, #tpu.memory_space<hbm>> -> memref<64x64xf32, #tpu.memory_space<hbm>>
      %dma_wait3A_27 = arith.constant 0 : i32
      %dma_wait3A_28 = tpu.memref_slice %arg7[%mul3A_2, %dma_wait3A_27] : memref<2048x64xf32, #tpu.memory_space<hbm>> -> memref<64x64xf32, #tpu.memory_space<hbm>>
      tpu.wait_dma2 semaphore(%run_scoped3A : memref<!tpu.dma_semaphore, #tpu.memory_space<semaphore_mem>>) src(%arg11 : memref<64x64xf32, #tpu.memory_space<vmem>>) dst(%dma_wait3A_28 : memref<64x64xf32, #tpu.memory_space<hbm>>)
      tpu.yield
    }) : () -> ()
    return
  }
}

module attributes {stable_mosaic.version = 14 : i64} {
  func.func @_tc_score_body(%arg0: memref<2048x64xf32, #tpu.memory_space<vmem>>, %arg1: memref<2048x64xf32, #tpu.memory_space<vmem>>, %arg2: memref<1024x1024xf32, #tpu.memory_space<vmem>>, %arg3: memref<1024x1024xf32, #tpu.memory_space<vmem>>) attributes {dimension_semantics = [], scalar_prefetch = 0 : i64, scratch_operands = 0 : i64, tpu.core_type = #tpu.core_type<tc>} {
    %get3A = arith.constant 0 : index
    %get3A_0 = arith.constant 0 : index
    %get3A_1 = vector.load %arg0[%get3A, %get3A_0] : memref<2048x64xf32, #tpu.memory_space<vmem>>, vector<1024x64xf32>
    %get3A_2 = arith.constant 1024 : index
    %get3A_3 = arith.constant 0 : index
    %get3A_4 = vector.load %arg0[%get3A_2, %get3A_3] : memref<2048x64xf32, #tpu.memory_space<vmem>>, vector<1024x64xf32>
    %get3A_5 = arith.constant 0 : index
    %get3A_6 = arith.constant 0 : index
    %get3A_7 = vector.load %arg1[%get3A_5, %get3A_6] : memref<2048x64xf32, #tpu.memory_space<vmem>>, vector<1024x64xf32>
    %get3A_8 = arith.constant 1024 : index
    %get3A_9 = arith.constant 0 : index
    %get3A_10 = vector.load %arg1[%get3A_8, %get3A_9] : memref<2048x64xf32, #tpu.memory_space<vmem>>, vector<1024x64xf32>
    %mul3A = arith.mulf %get3A_1, %get3A_7 : vector<1024x64xf32>
    %dot_general3A = arith.constant dense<0.000000e+00> : vector<1024x1024xf32>
    %dot_general3A_11 = tpu.matmul %mul3A, %get3A_4, %dot_general3A {dimension_numbers = #tpu.dot_dimension_numbers<[1], [1], [0], [0], [0, 0, 1, 0], [], []>, precision = #tpu.contract_precision<fp32>, transpose_lhs_hint = false} : vector<1024x64xf32>, vector<1024x64xf32>, vector<1024x1024xf32> -> vector<1024x1024xf32>
    %swap3A = arith.constant 0 : index
    %swap3A_12 = arith.constant 0 : index
    %swap3A_13 = vector.load %arg2[%swap3A, %swap3A_12] : memref<1024x1024xf32, #tpu.memory_space<vmem>>, vector<1024x1024xf32>
    tpu.vector_store %arg2[%swap3A, %swap3A_12], %dot_general3A_11 {strides = array<i32>} : memref<1024x1024xf32, #tpu.memory_space<vmem>>, vector<1024x1024xf32>,
    %mul3A_14 = arith.mulf %get3A_1, %get3A_10 : vector<1024x64xf32>
    %dot_general3A_15 = arith.constant dense<0.000000e+00> : vector<1024x1024xf32>
    %dot_general3A_16 = tpu.matmul %mul3A_14, %get3A_4, %dot_general3A_15 {dimension_numbers = #tpu.dot_dimension_numbers<[1], [1], [0], [0], [0, 0, 1, 0], [], []>, precision = #tpu.contract_precision<fp32>, transpose_lhs_hint = false} : vector<1024x64xf32>, vector<1024x64xf32>, vector<1024x1024xf32> -> vector<1024x1024xf32>
    %swap3A_17 = arith.constant 0 : index
    %swap3A_18 = arith.constant 0 : index
    %swap3A_19 = vector.load %arg3[%swap3A_17, %swap3A_18] : memref<1024x1024xf32, #tpu.memory_space<vmem>>, vector<1024x1024xf32>
    tpu.vector_store %arg3[%swap3A_17, %swap3A_18], %dot_general3A_16 {strides = array<i32>} : memref<1024x1024xf32, #tpu.memory_space<vmem>>, vector<1024x1024xf32>,
    return
  }
}

</mosaic_0001>

<sc_bundles>
// kernel: kernel.4.cloned.1.call-start
scs
__scs_entry_jumppad:
0x0: {  	(pc) =	sbr.rel $0x88, $3  }
0x1: {  	(tag) =	ssettag $0x0;
	lr =	simm.s32 $0x1  }
0x2: {  	[smem:$0x3F9D] =	sst lr;
	_ =	strace $0xD0000000  }
0x3: {  	_ = 	snop  }
0x4: {  	_ = 	snop  }
0x5: {  	_ = 	snop  }
0x6: {  	_ = 	snop  }
0x7: {  	_ = 	snop  }
__scs_overlays_trampoline_lowered:
0x8: {  	[smem:$0x3FAC] =	sst s0  }
0x9: {  	[smem:$0x3FAD] =	sst s1  }
0xa: {  	[smem:$0x3FAE] =	sst s2  }
0xb: {  	[smem:$0x3FAF] =	sst s3  }
0xc: {  	[smem:$0x3FB0] =	sst s4  }
0xd: {  	[smem:$0x3FB1] =	sst s5  }
0xe: {  	[smem:$0x3FB2] =	sst s6  }
0xf: {  	[smem:$0x3FB3] =	sst s7  }
0x10: {  	[smem:$0x3FB4] =	sst s8  }
0x11: {  	[smem:$0x3FB5] =	sst s9;
	s0 =	simm.s32 @!p0 $0x0  }
0x12: {  	s1 =	sld [smem:$0x3F9B];
	s0 =	simm.s32 @p0 $0x1  }
0x13: {  	[smem:$0x3FB6] =	sst s0;
	s0 =	simm.s32 @!p1 $0x0  }
0x14: {  	s2 =	sld [smem:$0x3F9A];
	s0 =	simm.s32 @p1 $0x1  }
0x15: {  	[smem:$0x3FB7] =	sst s0;
	s0 =	simm.s32 @!p2 $0x0  }
0x16: {  	s3 =	sld [smem:$0x3FDB];
	s0 =	simm.s32 @p2 $0x1  }
0x17: {  	s4 =	simm.s32 $0x1BF5;
	[smem:$0x3FB9] =	sst s0  }
0x18: {  	s0 =	sld [smem:$0x3F9C];
	_ =	swait.ge [sflag:s4], $0x0  }
0x19: {  	s7 =	sld [smem:$0x3F9D]  }
0x1a: {  	s8 =	sadd.s32 $0xFFFFE003, lr  }
0x1b: {  	s9 =	sadd.s32 $0xFFFFFEF7, lr;
	s5 =	simm.s32 $0xFFFFFFFF;
	p2 =	slt.u32 s8, $0xFFFFF086  }
0x1c: {  	p1 =	slt.u32 s9, $0xF7A;
	s5 =	simm.s32 @!p2 $0x0  }
0x1d: {  	s5 =	simm.s32 @p1 $0x1;
	p0 =	seq.s32 s7, s2  }
0x1e: {  	s7 =	smul.u32 @!p0 $0xF7A, s2;
	p2 =	seq.s32 @!p0 s5, $0x0  }
0x1f: {  	s9 =	smul.u32 $0xF7A, s1;
	s8 =	simm.s32 @!p0 $0x1BF5;
	p2 =	por !p2, p0  }
0x20: {  	[sflag:s8] =	ssyncset.s32 @!p0 $0xFFFFF086;
	s6 =	sadd.s32 @!p0 s3, s7;
	s7 =	simm.s32 @!p0 $0x108  }
0x21: {  	s3 =	sadd.s32 s3, s9;
	s6 =	sadd.s32 @!p0 $0x88, s6;
	s7 =	simm.s32 @p2 $0x1082  }
0x22: {  	[simem:s7], [sflag:s8] =	dma.local @!p0 [hbm:s6], $0xF7A  }
0x23: {  	s9 =	sor.u32 $0xD0000000, s2;
	s6 =	simm.s32 $0x108;
	_ =	swait.ge @!p0 [sflag:s8], $0x0  }
0x24: {  	s3 =	sadd.s32 $0x88, s3;
	s6 =	simm.s32 @!p1 $0x1082;
	[sflag:s4] =	ssyncset.s32 $0xFFFFF086  }
0x25: {  	[simem:s6], [sflag:s4] =	dma.local [hbm:s3], $0xF7A  }
0x26: {  	[smem:$0x3F9D] =	sst s1;
	(tag) =	ssettag s2;
	_ =	strace s9  }
0x27: {  	s1 =	sld [smem:$0x3FAD]  }
0x28: {  	s2 =	sld [smem:$0x3FAE]  }
0x29: {  	s4 =	sld [smem:$0x3FB0]  }
0x2a: {  	p0 =	seq.s32 s5, $0x0;
	s5 =	sld [smem:$0x3FB1]  }
0x2b: {  	s6 =	sld [smem:$0x3FB2]  }
0x2c: {  	s7 =	sld [smem:$0x3FB3]  }
0x2d: {  	s3 =	simm.s32 $0x108;
	s8 =	sld [smem:$0x3FB4]  }
0x2e: {  	s3 =	simm.s32 @!p0 $0x1082;
	s9 =	sld [smem:$0x3FB5]  }
0x2f: {  	lr =	sadd.s32 s0, s3;
	s0 =	sld [smem:$0x3FAC]  }
0x30: {  	s3 =	sld [smem:$0x3FAF]  }
0x31: {  	[smem:$0x3FB8] =	sst s10  }
0x32: {  	s10 =	sld [smem:$0x3FB6];
	_ =	sdelay $0x3  }
0x33: {  	p0 =	seq.s32 s10, $0x1;
	s10 =	sld [smem:$0x3FB8];
	_ =	sdelay $0x3  }
0x34: {  	[smem:$0x3FB8] =	sst s10  }
0x35: {  	s10 =	sld [smem:$0x3FB7];
	_ =	sdelay $0x3  }
0x36: {  	p1 =	seq.s32 s10, $0x1;
	s10 =	sld [smem:$0x3FB8];
	_ =	sdelay $0x3  }
0x37: {  	[smem:$0x3FB8] =	sst s10  }
0x38: {  	s10 =	sld [smem:$0x3FB9]  }
0x39: {  	_ = 	snop;
	(pc) =	sbr.ind lr, $3  }
0x3a: {  	_ = 	snop  }
0x3b: {  	_ = 	snop  }
0x3c: {  	p2 =	seq.s32 s10, $0x1;
	s10 =	sld [smem:$0x3FB8]  }
0x3d: {  	_ =	shalt  }
0x3e: {  	_ =	shalt  }
0x3f: {  	_ =	shalt  }
0x40: {  	_ =	shalt  }
0x41: {  	_ =	shalt  }
0x42: {  	_ =	shalt  }
0x43: {  	_ =	shalt  }
0x44: {  	_ =	shalt  }
0x45: {  	_ =	shalt  }
0x46: {  	_ =	shalt  }
0x47: {  	_ =	shalt  }
0x48: {  	_ =	shalt  }
0x49: {  	_ =	shalt  }
0x4a: {  	_ =	shalt  }
0x4b: {  	_ =	shalt  }
0x4c: {  	_ =	shalt  }
0x4d: {  	_ =	shalt  }
0x4e: {  	_ =	shalt  }
0x4f: {  	_ =	shalt  }
0x50: {  	_ =	shalt  }
0x51: {  	_ =	shalt  }
0x52: {  	_ =	shalt  }
0x53: {  	_ =	shalt  }
0x54: {  	_ =	shalt  }
0x55: {  	_ =	shalt  }
0x56: {  	_ =	shalt  }
0x57: {  	_ =	shalt  }
0x58: {  	_ =	shalt  }
0x59: {  	_ =	shalt  }
0x5a: {  	_ =	shalt  }
0x5b: {  	_ =	shalt  }
0x5c: {  	_ =	shalt  }
0x5d: {  	_ =	shalt  }
0x5e: {  	_ =	shalt  }
0x5f: {  	_ =	shalt  }
0x60: {  	_ =	shalt  }
0x61: {  	_ =	shalt  }
0x62: {  	_ =	shalt  }
0x63: {  	_ =	shalt  }
0x64: {  	_ =	shalt  }
0x65: {  	_ =	shalt  }
0x66: {  	_ =	shalt  }
0x67: {  	_ =	shalt  }
0x68: {  	_ =	shalt  }
0x69: {  	_ =	shalt  }
0x6a: {  	_ =	shalt  }
0x6b: {  	_ =	shalt  }
0x6c: {  	_ =	shalt  }
0x6d: {  	_ =	shalt  }
0x6e: {  	_ =	shalt  }
0x6f: {  	_ =	shalt  }
0x70: {  	_ =	shalt  }
0x71: {  	_ =	shalt  }
0x72: {  	_ =	shalt  }
0x73: {  	_ =	shalt  }
0x74: {  	_ =	shalt  }
0x75: {  	_ =	shalt  }
0x76: {  	_ =	shalt  }
0x77: {  	_ =	shalt  }
0x78: {  	_ =	shalt  }
0x79: {  	_ =	shalt  }
0x7a: {  	_ =	shalt  }
0x7b: {  	_ =	shalt  }
0x7c: {  	_ =	shalt  }
0x7d: {  	_ =	shalt  }
0x7e: {  	_ =	shalt  }
0x7f: {  	_ =	shalt  }
0x80: {  	_ =	shalt  }
0x81: {  	_ =	shalt  }
0x82: {  	_ =	shalt  }
0x83: {  	_ =	shalt  }
0x84: {  	_ =	shalt  }
0x85: {  	_ =	shalt  }
0x86: {  	_ =	shalt  }
0x87: {  	_ =	shalt  }
.Lfunc_end0:
.L_simem_size_0:
called_computation_lowered:
.L_overlay_start_0:
0x88: {  	s2 =	sld [smem:$0x3FD9]  }
0x89: {  	s3 =	sld [smem:$0x3FFE];
	_ =	sdelay $0x1  }
0x8a: {  	s1 =	srdreg.scid  }
0x8b: {  	s0 =	sand.u32 $0x1, s1  }
0x8c: {  	s15 =	sshll.u32 s0, $0xA;
	s2 =	sadd.s32 s3, s2  }
0x8d: {  	s2 =	sadd.s32 s2, s15  }
0x8e: {  	[smem:$0x3FC4] =	sst s2  }
0x8f: {  	_ = 	snop  }
0x90: {  	s2 =	sld [smem:$0x3FC9]  }
0x91: {  	s16 =	sld [smem:$0x3FD0]  }
0x92: {  	s4 =	sld [smem:$0x3FC8]  }
0x93: {  	s5 =	sld [smem:$0x3FC7]  }
0x94: {  	s7 =	simm.s32 $0xA;
	s8 =	simm.s32 $0x10;
	s6 =	sld [smem:$0x3FC6]  }
0x95: {  	[smem:s8], [sflag:s7] =	dma.local [hbm:s16], $0x1  }
0x96: {  	_ =	swait.eq [sflag:s7], $0x1  }
0x97: {  	[sflag:s7] =	ssyncset.done $0x0  }
0x98: {  	s17 =	sld [smem:$0x10];
	[sflag:s7] =	ssyncadd.s32 $0xFFFFFFFF  }
0x99: {  	s18 =	sld [smem:$0x11];
	(tm) =	ssettm $0x1  }
0x9a: {  	s19 =	sld [smem:$0x3FFB];
	_ =	sdelay $0x3  }
0x9b: {  	_ =	strace s19  }
0x9c: {  	s8 =	sld [smem:$0x3FFC];
	_ =	sdelay $0x3  }
0x9d: {  	_ =	strace s8  }
0x9e: {  	s8 =	sld [smem:$0x3FFD];
	_ =	sdelay $0x3  }
0x9f: {  	_ =	strace s8  }
0xa0: {  	_ =	strace $0x8FFFFFFF  }
0xa1: {  	s20 =	sld [smem:$0x3FDB];
	_ =	sdelay $0x1  }
0xa2: {  	s9 =	simm.s32 $_scs_section_size  }
0xa3: {  	s10 =	simm.s32 $_size__tile_overlayer_lowered;
	s11 =	simm.s32 $_tile_overlayer_lowered  }
0xa4: {  	s23 =	simm.s32 $0x1BFF;
	s22 =	sshll.u32 s11, $0x1;
	s8 =	sadd.s32 s9, s20  }
0xa5: {  	s12 =	simm.s32 $0x0;
	s21 =	sshll.u32 s10, $0x1;
	s10 =	sadd.s32 s22, s8  }
0xa6: {  	[timem:s12], [sflag:s23] =	dma.local [hbm:s10], s21  }
0xa7: {  	_ =	swait.ge [sflag:s23], s21  }
0xa8: {  	s9 =	ssub.s32 $0x0, s21;
	[sflag:s23] =	ssyncset.done $0x0  }
0xa9: {  	[sflag:s23] =	ssyncadd.s32 s9;
	_ =	sdelay $0x1  }
0xaa: {  	s24 =	simm.s32 $0x1B8B  }
0xab: {  	_ =	swait.ge [sflag:s24], $0x1  }
0xac: {  	[sflag:s24] =	ssyncset.done $0x0  }
0xad: {  	s25 =	simm.s32 $0x1B8E;
	[sflag:s24] =	ssyncadd.s32 $0xFFFFFFFF  }
0xae: {  	s26 =	simm.s32 $execute0_lowered;
	[smem:$0x3FD2] =	sst s25  }
0xaf: {  	s9 =	sshll.u32 s26, $0x1;
	_ =	strace $0x80000046;
	[dreg:$0x1] =	wrdreg $0xFFFFFFFF  }
0xb0: {  	s28 =	simm.s32 $_size_execute0_lowered;
	s8 =	sadd.s32 s8, s9;
	[dreg:$0x0] =	wrdreg $0x0  }
0xb1: {  	s9 =	sshll.u32 s28, $0x1;
	[dreg:$0x2] =	wrdreg s8  }
0xb2: {  	[dreg:$0x3] =	wrdreg s9  }
0xb3: {  	[dreg:$0x4] =	wrdreg $0xC0  }
0xb4: {  	_ =	task [dreg:s12], $0x5FFFF  }
0xb5: {  	[dreg:$0x1] =	wrdreg $0xFFFFFFFF  }
0xb6: {  	[dreg:$0x0] =	wrdreg $0x60  }
0xb7: {  	[dreg:$0x2] =	wrdreg s2  }
0xb8: {  	[dreg:$0x3] =	wrdreg s4  }
0xb9: {  	[dreg:$0x4] =	wrdreg s5  }
0xba: {  	[dreg:$0x5] =	wrdreg s6  }
0xbb: {  	[dreg:$0x6] =	wrdreg s18  }
0xbc: {  	[dreg:$0x7] =	wrdreg s17  }
0xbd: {  	[dreg:$0x8] =	wrdreg $0x9  }
0xbe: {  	_ =	task.clear_ibuf [dreg:s12], $0x9FFFF;
	_ =	strace $0x90000046  }
0xbf: {  	s29 =	simm.s32 $0x9;
	_ =	strace $0x80000048  }
0xc0: {  	_ =	swait.ge [sflag:s29], $0x1  }
0xc1: {  	[sflag:s29] =	ssyncadd.s32 $0xFFFFFFFF  }
0xc2: {  	_ =	strace $0x90000048  }
0xc3: {  	_ =	sfence  }
0xc4: {  	s30 =	sld [smem:$0x0];
	_ =	sdelay $0x2  }
0xc5: {  	s31 =	sshll.u32 s1, $0xD;
	s1 =	sshrl.u32 s1, $0x2  }
0xc6: {  	s3 =	sand.u32 $0x4000, s31;
	s1 =	sadd.s32 s1, s30  }
0xc7: {  	s0 =	sor.u32 s3, s0;
	s1 =	sshll.u32 s1, $0x11  }
0xc8: {  	s0 =	sor.u32 s1, s0  }
0xc9: {  	s0 =	sadd.s32 $0x8F2B, s0  }
0xca: {  	[sflag:s0] =	ssyncadd.remote.s32 $0x1  }
0xcb: {  	_ =	sfence.sel $0xFFFF  }
0xcc: {  	[dreg:$0x0] =	wrdreg $0xFFFFFFFF;
	(pc) =	sbr.abs _section_cstart, $3  }
0xcd: {  	[dreg:$0x1] =	wrdreg $0xFFFFFFFF  }
0xce: {  	_ =	task.clear_ibuf [dreg:s12], $0x2FFFF;
	_ =	strace $0x9FFFFFFF  }
0xcf: {  	(tm) =	ssettm $0x7FFFFFFF  }
tec
execute0_lowered:
.L_overlay_start_1:
0x0: {  	(tag) =	ssettag $0x1  }
0x1: {  	s0 =	rddreg [dreg:$0x0]  }
0x2: {  	s2 =	rddreg [dreg:$0x1]  }
0x3: {  	s1 =	srdreg.scid;
	s31 =	rddreg [dreg:$0x2]  }
0x4: {  	s12 =	stileid.u32;
	s7 =	rddreg [dreg:$0x4]  }
0x5: {  	s9 =	rddreg [dreg:$0x5];
	s22 =	simm.s32 $0x0;
	s13 =	simm.s32 $0x7A1400  }
0x6: {  	s14 =	simm.s32 $0x4100;
	s15 =	simm.s32 $0x6100;
	s16 =	simm.s32 $0x8100  }
0x7: {  	s17 =	simm.s32 $0xA100;
	s18 =	simm.s32 $0xC100;
	s19 =	simm.s32 $0xE100  }
0x8: {  	s20 =	simm.s32 $0x10100;
	s21 =	simm.s32 $0x12100;
	s23 =	simm.s32 $0x100  }
0x9: {  	s4 =	sand.u32 $0x1, s1;
	s3 =	sshll.u32 s12, $0x1;
	[smem:$0x7FF] =	sst s22  }
0xa: {  	p0 =	slt.u32 s12, $0x8;
	s5 =	sor.u32 s4, s3;
	s3 =	rddreg [dreg:$0x3]  }
0xb: {  	s4 =	ssub.s32 $0x2, s4;
	_ =	strace $0x80000047;
	s6 =	sshll.u32 s5, $0x6  }
0xc: {  	s11 =	sshrl.u32 s4, $0x1;
	s25 =	sshll.u32 s5, $0x8;
	s8 =	sadd.s32 $0xFFFFFC00, s6  }
0xd: {  	s5 =	sshll.u32 s5, $0xA;
	s6 =	sand.u32 $0x40, s6;
	s10 =	sshll.u32 s8, $0x2  }
0xe: {  	s4 =	ssub.s32 s4, s11;
	s26 =	sand.u32 $0xE00, s25;
	s10 =	sand.u32 $0xFFFFFE00, s10  }
0xf: {  	s30 =	sadd.s32 s7, s5;
	s5 =	sadd.s32 s9, s5;
	s10 =	sor.u32 s6, s10  }
0x10: {  	s8 =	sshrl.u32 s8, $0x3;
	[dreg:$0x9] =	wrdreg s30;
	s10 =	sshrl.u32 s10, $0x3  }
0x11: {  	s28 =	sor.u32 s6, s26;
	[dreg:$0xa] =	wrdreg s5;
	s10 =	sadd.s32 s10, s0  }
0x12: {  	s4 =	smax.u32 s4, $0x1;
	s12 =	sadd.s32 $0x10, s10;
	s10 =	sor.u32 s25, s6  }
0x13: {  	s8 =	sadd.s32 s2, s8;
	s2 =	sshrl.u32 s28, $0x3;
	s29 =	sshrl.u32 s10, $0x3  }
0x14: {  	v0 =	vlaneseq.u32;
	s5 =	simm.s32 $0x0;
	s2 =	sadd.s32 s0, s2;
	s6 =	sor.u32 $0x20, s29  }
0x15: {  	v1 =	vmul.u32 $0x80, v0;
	[dreg:$0xb] =	wrdreg s4;
	s12 =	smov.u32 @p0 s2;
	s0 =	sadd.s32 s0, s6  }
0x16: {  	v3 =	vor.u32 $0x10, v0;
	v5 =	vor.u32 $0x20, v0;
	v7 =	vor.u32 $0x30, v0;
	s4 =	simm.s32 $0x9;
	[dreg:$0x7] =	wrdreg s12;
	s8 =	smov.u32 @p0 s0  }
0x17: {  	v2 =	vor.u32 $0x800, v1;
	v4 =	vor.u32 $0x1000, v1;
	v6 =	vor.u32 $0x1800, v1;
	s2 =	simm.s32 $0x2100;
	s12 =	simm.s32 $0x400;
	[dreg:$0x8] =	wrdreg s8  }
.LBB2_1:
0x18: {  	[dreg:$0xc] =	wrdreg s5  }
0x19: {  	s0 =	rddreg [dreg:$0x7]  }
0x1a: {  	[tilespmem:s22], [sflag:$0x9] =	stream.linear.gather [hbm4b:s0+s22], $0x40, $0x38;
	[tilespmem:$0x14100] =	vst v63  }
0x1b: {  	_ =	swait.ge [sflag:s4], $0x40  }
0x1c: {  	[sflag:s4] =	ssyncset.done $0x0  }
0x1d: {  	s30 =	simm.s32 $0x80;
	s29 =	rddreg [dreg:$0x8];
	[sflag:s4] =	ssyncadd.s32 $0xFFFFFFC0  }
0x1e: {  	[tilespmem:s30], [sflag:$0x9] =	stream.linear.gather [hbm4b:s29+s22], $0x40, $0x38;
	[tilespmem:$0x14100] =	vst v63  }
0x1f: {  	_ =	swait.ge [sflag:s4], $0x40  }
0x20: {  	[sflag:s4] =	ssyncset.done $0x0  }
0x21: {  	p0 =	por $0x1, $0x1;
	s8 =	simm.s32 $0x0;
	[sflag:s4] =	ssyncadd.s32 $0xFFFFFFC0  }
.LBB2_2:
0x22: {  	v9 =	vld [tilespmem:s8+$0x0];
	_ =	sdelay $0x4  }
0x23: {  	(v2sf) =	vpush v9, $0x0  }
0x24: {  	(v2sf) =	vpush v9, $0x1;
	_ =	sdelay $0x2  }
0x25: {  	(v2sf) =	vpush v9, $0x2;
	_ =	sdelay $0x2  }
0x26: {  	(v2sf) =	vpush v9, $0x3;
	_ =	sdelay $0x1  }
0x27: {  	(v2sf) =	vpush v9, $0x4;
	_ =	sdelay $0x5  }
0x28: {  	s9 =	spop (v2sf);
	(v2sf) =	vpush v9, $0x5  }
0x29: {  	s7 =	spop (v2sf);
	(v2sf) =	vpush v9, $0x6;
	_ =	sdelay $0x2  }
0x2a: {  	s1 =	sor.u32 $0x10, s8;
	s0 =	sand.u32 $0xFFFFF80, s9;
	s5 =	spop (v2sf);
	(v2sf) =	vpush v9, $0x7  }
0x2b: {  	[dreg:$0xd] =	wrdreg s1;
	v8 =	vld [tilespmem:s1+$0x0];
	s0 =	sadd.s32 s31, s0;
	s1 =	sand.u32 $0xFFFFF80, s7  }
0x2c: {  	[tilespmem:s14], [sflag:$0x1] =	stream.strided.gather [hbm4b:s0+s12], $0x2000, s13, s12, $0x38;
	[tilespmem:$0x14100] =	vst v63  }
0x2d: {  	s0 =	sadd.s32 s31, s1;
	s4 =	sand.u32 $0xFFFFF80, s5;
	s6 =	spop (v2sf)  }
0x2e: {  	[tilespmem:s15], [sflag:$0x2] =	stream.strided.gather [hbm4b:s0+s12], $0x2000, s13, s12, $0x38;
	[tilespmem:$0x14100] =	vst v63  }
0x2f: {  	s10 =	sand.u32 $0xFFFFF80, s6;
	s0 =	sadd.s32 s31, s4;
	s4 =	spop (v2sf)  }
0x30: {  	[tilespmem:s16], [sflag:$0x3] =	stream.strided.gather [hbm4b:s0+s12], $0x2000, s13, s12, $0x38;
	[tilespmem:$0x14100] =	vst v63  }
0x31: {  	s11 =	sand.u32 $0xFFFFF80, s4;
	s0 =	sadd.s32 s31, s10  }
0x32: {  	[tilespmem:s17], [sflag:$0x4] =	stream.strided.gather [hbm4b:s0+s12], $0x2000, s13, s12, $0x38;
	[tilespmem:$0x14100] =	vst v63  }
0x33: {  	s0 =	sadd.s32 s31, s11  }
0x34: {  	[tilespmem:s18], [sflag:$0x5] =	stream.strided.gather [hbm4b:s0+s12], $0x2000, s13, s12, $0x38;
	[tilespmem:$0x14100] =	vst v63  }
0x35: {  	s10 =	spop (v2sf)  }
0x36: {  	s11 =	sand.u32 $0xFFFFF80, s10;
	s0 =	spop (v2sf)  }
0x37: {  	s11 =	sadd.s32 s31, s11;
	s22 =	sand.u32 $0xFFFFF80, s0  }
0x38: {  	[tilespmem:s19], [sflag:$0x6] =	stream.strided.gather [hbm4b:s11+s12], $0x2000, s13, s12, $0x38;
	[tilespmem:$0x14100] =	vst v63  }
0x39: {  	s11 =	sadd.s32 s31, s22;
	s22 =	spop (v2sf)  }
0x3a: {  	[tilespmem:s20], [sflag:$0x7] =	stream.strided.gather [hbm4b:s11+s12], $0x2000, s13, s12, $0x38;
	[tilespmem:$0x14100] =	vst v63  }
0x3b: {  	s9 =	sand.u32 $0x7F, s9;
	s11 =	sand.u32 $0xFFFFF80, s22  }
0x3c: {  	s25 =	simm.s32 $0x1;
	v10 =	vor.u32 s9, v1;
	s11 =	sadd.s32 s31, s11  }
0x3d: {  	[tilespmem:s21], [sflag:$0x8] =	stream.strided.gather [hbm4b:s11+s12], $0x2000, s13, s12, $0x38;
	[tilespmem:$0x14100] =	vst v63  }
0x3e: {  	_ =	swait.ge [sflag:s25], $0x2000  }
0x3f: {  	[sflag:s25] =	ssyncset.done $0x0  }
0x40: {  	s11 =	sshll.u32 s8, $0x7;
	[sflag:s25] =	ssyncadd.s32 $0xFFFFE000  }
0x41: {  	v11 =	vor.u32 s11, v0;
	v10 =	vld.idx.msk [tilespmem:v10+s14+$0x0], $0xffff  }
0x42: {  	v12 =	vor.u32 s9, v2;
	_ =	sdelay $0x3  }
0x43: {  	[tilespmem:v11+s23+$0x0] =	vst.idx.msk $0xffff, v10  }
0x44: {  	v20 =	vor.u32 s11, v3;
	(v2sf) =	vpush v9, $0x8;
	v10 =	vld.idx.msk [tilespmem:v12+s14+$0x0], $0xffff  }
0x45: {  	v21 =	vor.u32 s9, v4;
	_ =	sdelay $0x3  }
0x46: {  	[tilespmem:v20+s23+$0x0] =	vst.idx.msk $0xffff, v10  }
0x47: {  	v22 =	vor.u32 s11, v5;
	v10 =	vld.idx.msk [tilespmem:v21+s14+$0x0], $0xffff  }
0x48: {  	v23 =	vor.u32 s9, v6;
	_ =	sdelay $0x3  }
0x49: {  	[tilespmem:v22+s23+$0x0] =	vst.idx.msk $0xffff, v10  }
0x4a: {  	v24 =	vor.u32 s11, v7;
	v10 =	vld.idx.msk [tilespmem:v23+s14+$0x0], $0xffff;
	_ =	sdelay $0x2  }
0x4b: {  	s8 =	spop (v2sf)  }
0x4c: {  	s7 =	sand.u32 $0x7F, s7;
	s9 =	sand.u32 $0xFFFFF80, s8  }
0x4d: {  	s26 =	simm.s32 $0x2;
	v25 =	vor.u32 s7, v1;
	s9 =	sadd.s32 s31, s9;
	[tilespmem:v24+s23+$0x0] =	vst.idx.msk $0xffff, v10  }
0x4e: {  	[tilespmem:s14], [sflag:$0x1] =	stream.strided.gather [hbm4b:s9+s12], $0x2000, s13, s12, $0x38;
	[tilespmem:$0x14100] =	vst v63  }
0x4f: {  	_ =	swait.ge [sflag:s26], $0x2000  }
0x50: {  	[sflag:s26] =	ssyncset.done $0x0  }
0x51: {  	s9 =	sor.u32 $0x80, s11;
	[sflag:s26] =	ssyncadd.s32 $0xFFFFE000  }
0x52: {  	v26 =	vor.u32 s9, v0;
	v10 =	vld.idx.msk [tilespmem:v25+s15+$0x0], $0xffff  }
0x53: {  	v27 =	vor.u32 s7, v2;
	_ =	sdelay $0x3  }
0x54: {  	[tilespmem:v26+s23+$0x0] =	vst.idx.msk $0xffff, v10  }
0x55: {  	v28 =	vor.u32 s9, v3;
	(v2sf) =	vpush v9, $0x9;
	v10 =	vld.idx.msk [tilespmem:v27+s15+$0x0], $0xffff  }
0x56: {  	v29 =	vor.u32 s7, v4;
	_ =	sdelay $0x3  }
0x57: {  	[tilespmem:v28+s23+$0x0] =	vst.idx.msk $0xffff, v10  }
0x58: {  	v30 =	vor.u32 s9, v5;
	v10 =	vld.idx.msk [tilespmem:v29+s15+$0x0], $0xffff  }
0x59: {  	v31 =	vor.u32 s7, v6;
	_ =	sdelay $0x3  }
0x5a: {  	[tilespmem:v30+s23+$0x0] =	vst.idx.msk $0xffff, v10  }
0x5b: {  	v32 =	vor.u32 s9, v7;
	v10 =	vld.idx.msk [tilespmem:v31+s15+$0x0], $0xffff;
	_ =	sdelay $0x2  }
0x5c: {  	s9 =	spop (v2sf)  }
0x5d: {  	s5 =	sand.u32 $0x7F, s5;
	s7 =	sand.u32 $0xFFFFF80, s9  }
0x5e: {  	s1 =	simm.s32 $0x3;
	v33 =	vor.u32 s5, v1;
	s7 =	sadd.s32 s31, s7;
	[tilespmem:v32+s23+$0x0] =	vst.idx.msk $0xffff, v10  }
0x5f: {  	[tilespmem:s15], [sflag:$0x2] =	stream.strided.gather [hbm4b:s7+s12], $0x2000, s13, s12, $0x38;
	[tilespmem:$0x14100] =	vst v63  }
0x60: {  	_ =	swait.ge [sflag:s1], $0x2000  }
0x61: {  	[sflag:s1] =	ssyncset.done $0x0  }
0x62: {  	s7 =	sor.u32 $0x100, s11;
	[sflag:s1] =	ssyncadd.s32 $0xFFFFE000  }
0x63: {  	v34 =	vor.u32 s7, v0;
	v10 =	vld.idx.msk [tilespmem:v33+s16+$0x0], $0xffff  }
0x64: {  	v35 =	vor.u32 s5, v2;
	_ =	sdelay $0x3  }
0x65: {  	[tilespmem:v34+s23+$0x0] =	vst.idx.msk $0xffff, v10  }
0x66: {  	v36 =	vor.u32 s7, v3;
	(v2sf) =	vpush v9, $0xA;
	v10 =	vld.idx.msk [tilespmem:v35+s16+$0x0], $0xffff  }
0x67: {  	v37 =	vor.u32 s5, v4;
	_ =	sdelay $0x3  }
0x68: {  	[tilespmem:v36+s23+$0x0] =	vst.idx.msk $0xffff, v10  }
0x69: {  	v38 =	vor.u32 s7, v5;
	v10 =	vld.idx.msk [tilespmem:v37+s16+$0x0], $0xffff  }
0x6a: {  	v39 =	vor.u32 s5, v6;
	_ =	sdelay $0x3  }
0x6b: {  	[tilespmem:v38+s23+$0x0] =	vst.idx.msk $0xffff, v10  }
0x6c: {  	v40 =	vor.u32 s7, v7;
	v10 =	vld.idx.msk [tilespmem:v39+s16+$0x0], $0xffff;
	_ =	sdelay $0x2  }
0x6d: {  	s5 =	spop (v2sf)  }
0x6e: {  	s6 =	sand.u32 $0x7F, s6;
	s7 =	sand.u32 $0xFFFFF80, s5  }
0x6f: {  	s28 =	simm.s32 $0x4;
	v41 =	vor.u32 s6, v1;
	s7 =	sadd.s32 s31, s7;
	[tilespmem:v40+s23+$0x0] =	vst.idx.msk $0xffff, v10  }
0x70: {  	[tilespmem:s16], [sflag:$0x3] =	stream.strided.gather [hbm4b:s7+s12], $0x2000, s13, s12, $0x38;
	[tilespmem:$0x14100] =	vst v63  }
0x71: {  	_ =	swait.ge [sflag:s28], $0x2000  }
0x72: {  	[sflag:s28] =	ssyncset.done $0x0  }
0x73: {  	s7 =	sor.u32 $0x180, s11;
	[sflag:s28] =	ssyncadd.s32 $0xFFFFE000  }
0x74: {  	v42 =	vor.u32 s7, v0;
	v10 =	vld.idx.msk [tilespmem:v41+s17+$0x0], $0xffff  }
0x75: {  	v43 =	vor.u32 s6, v2;
	_ =	sdelay $0x3  }
0x76: {  	[tilespmem:v42+s23+$0x0] =	vst.idx.msk $0xffff, v10  }
0x77: {  	v44 =	vor.u32 s7, v3;
	(v2sf) =	vpush v9, $0xB;
	v10 =	vld.idx.msk [tilespmem:v43+s17+$0x0], $0xffff  }
0x78: {  	v45 =	vor.u32 s6, v4;
	_ =	sdelay $0x3  }
0x79: {  	[tilespmem:v44+s23+$0x0] =	vst.idx.msk $0xffff, v10  }
0x7a: {  	v46 =	vor.u32 s7, v5;
	v10 =	vld.idx.msk [tilespmem:v45+s17+$0x0], $0xffff  }
0x7b: {  	v47 =	vor.u32 s6, v6;
	_ =	sdelay $0x3  }
0x7c: {  	[tilespmem:v46+s23+$0x0] =	vst.idx.msk $0xffff, v10  }
0x7d: {  	v48 =	vor.u32 s7, v7;
	v10 =	vld.idx.msk [tilespmem:v47+s17+$0x0], $0xffff;
	_ =	sdelay $0x2  }
0x7e: {  	s6 =	spop (v2sf)  }
0x7f: {  	s4 =	sand.u32 $0x7F, s4;
	s7 =	sand.u32 $0xFFFFF80, s6  }
0x80: {  	s29 =	simm.s32 $0x5;
	v49 =	vor.u32 s4, v1;
	s7 =	sadd.s32 s31, s7;
	[tilespmem:v48+s23+$0x0] =	vst.idx.msk $0xffff, v10  }
0x81: {  	[tilespmem:s17], [sflag:$0x4] =	stream.strided.gather [hbm4b:s7+s12], $0x2000, s13, s12, $0x38;
	[tilespmem:$0x14100] =	vst v63  }
0x82: {  	_ =	swait.ge [sflag:s29], $0x2000  }
0x83: {  	[sflag:s29] =	ssyncset.done $0x0  }
0x84: {  	s7 =	sor.u32 $0x200, s11;
	[sflag:s29] =	ssyncadd.s32 $0xFFFFE000  }
0x85: {  	v50 =	vor.u32 s7, v0;
	v10 =	vld.idx.msk [tilespmem:v49+s18+$0x0], $0xffff  }
0x86: {  	v51 =	vor.u32 s4, v2;
	_ =	sdelay $0x3  }
0x87: {  	[tilespmem:v50+s23+$0x0] =	vst.idx.msk $0xffff, v10  }
0x88: {  	v52 =	vor.u32 s7, v3;
	(v2sf) =	vpush v9, $0xC;
	v10 =	vld.idx.msk [tilespmem:v51+s18+$0x0], $0xffff  }
0x89: {  	v53 =	vor.u32 s4, v4;
	_ =	sdelay $0x3  }
0x8a: {  	[tilespmem:v52+s23+$0x0] =	vst.idx.msk $0xffff, v10  }
0x8b: {  	v54 =	vor.u32 s7, v5;
	v10 =	vld.idx.msk [tilespmem:v53+s18+$0x0], $0xffff  }
0x8c: {  	v55 =	vor.u32 s4, v6;
	_ =	sdelay $0x3  }
0x8d: {  	[tilespmem:v54+s23+$0x0] =	vst.idx.msk $0xffff, v10  }
0x8e: {  	v56 =	vor.u32 s7, v7;
	v10 =	vld.idx.msk [tilespmem:v55+s18+$0x0], $0xffff;
	_ =	sdelay $0x2  }
0x8f: {  	s4 =	spop (v2sf)  }
0x90: {  	s10 =	sand.u32 $0x7F, s10;
	s7 =	sand.u32 $0xFFFFF80, s4  }
0x91: {  	s30 =	simm.s32 $0x6;
	v57 =	vor.u32 s10, v1;
	s7 =	sadd.s32 s31, s7;
	[tilespmem:v56+s23+$0x0] =	vst.idx.msk $0xffff, v10  }
0x92: {  	[tilespmem:s18], [sflag:$0x5] =	stream.strided.gather [hbm4b:s7+s12], $0x2000, s13, s12, $0x38;
	[tilespmem:$0x14100] =	vst v63  }
0x93: {  	_ =	swait.ge [sflag:s30], $0x2000  }
0x94: {  	[sflag:s30] =	ssyncset.done $0x0  }
0x95: {  	s7 =	sor.u32 $0x280, s11;
	[sflag:s30] =	ssyncadd.s32 $0xFFFFE000  }
0x96: {  	v58 =	vor.u32 s7, v0;
	v10 =	vld.idx.msk [tilespmem:v57+s19+$0x0], $0xffff  }
0x97: {  	v59 =	vor.u32 s10, v2;
	_ =	sdelay $0x3  }
0x98: {  	[tilespmem:v58+s23+$0x0] =	vst.idx.msk $0xffff, v10  }
0x99: {  	v60 =	vor.u32 s7, v3;
	(v2sf) =	vpush v9, $0xD;
	v10 =	vld.idx.msk [tilespmem:v59+s19+$0x0], $0xffff  }
0x9a: {  	v61 =	vor.u32 s10, v4;
	_ =	sdelay $0x3  }
0x9b: {  	[tilespmem:v60+s23+$0x0] =	vst.idx.msk $0xffff, v10  }
0x9c: {  	v62 =	vor.u32 s7, v5;
	v10 =	vld.idx.msk [tilespmem:v61+s19+$0x0], $0xffff  }
0x9d: {  	v63 =	vor.u32 s10, v6;
	_ =	sdelay $0x3  }
0x9e: {  	[tilespmem:v62+s23+$0x0] =	vst.idx.msk $0xffff, v10  }
0x9f: {  	v14 =	vor.u32 s7, v7;
	v10 =	vld.idx.msk [tilespmem:v63+s19+$0x0], $0xffff;
	_ =	sdelay $0x2  }
0xa0: {  	s10 =	spop (v2sf)  }
0xa1: {  	s0 =	sand.u32 $0x7F, s0;
	s7 =	sand.u32 $0xFFFFF80, s10  }
0xa2: {  	s24 =	simm.s32 $0x7;
	v15 =	vor.u32 s0, v1;
	s7 =	sadd.s32 s31, s7;
	[tilespmem:v14+s23+$0x0] =	vst.idx.msk $0xffff, v10  }
0xa3: {  	[tilespmem:s19], [sflag:$0x6] =	stream.strided.gather [hbm4b:s7+s12], $0x2000, s13, s12, $0x38;
	[tilespmem:$0x14100] =	vst v63  }
0xa4: {  	_ =	swait.ge [sflag:s24], $0x2000  }
0xa5: {  	[sflag:s24] =	ssyncset.done $0x0  }
0xa6: {  	s7 =	sor.u32 $0x300, s11;
	[sflag:s24] =	ssyncadd.s32 $0xFFFFE000  }
0xa7: {  	v16 =	vor.u32 s7, v0;
	v10 =	vld.idx.msk [tilespmem:v15+s20+$0x0], $0xffff  }
0xa8: {  	v17 =	vor.u32 s0, v2;
	_ =	sdelay $0x3  }
0xa9: {  	[tilespmem:v16+s23+$0x0] =	vst.idx.msk $0xffff, v10  }
0xaa: {  	v18 =	vor.u32 s7, v3;
	(v2sf) =	vpush v9, $0xE;
	v10 =	vld.idx.msk [tilespmem:v17+s20+$0x0], $0xffff  }
0xab: {  	v19 =	vor.u32 s0, v4;
	_ =	sdelay $0x3  }
0xac: {  	[tilespmem:v18+s23+$0x0] =	vst.idx.msk $0xffff, v10  }
0xad: {  	v20 =	vor.u32 s7, v5;
	v10 =	vld.idx.msk [tilespmem:v19+s20+$0x0], $0xffff  }
0xae: {  	v21 =	vor.u32 s0, v6;
	_ =	sdelay $0x3  }
0xaf: {  	[tilespmem:v20+s23+$0x0] =	vst.idx.msk $0xffff, v10  }
0xb0: {  	v22 =	vor.u32 s7, v7;
	v10 =	vld.idx.msk [tilespmem:v21+s20+$0x0], $0xffff;
	_ =	sdelay $0x2  }
0xb1: {  	s0 =	spop (v2sf)  }
0xb2: {  	s7 =	sand.u32 $0xFFFFF80, s0  }
0xb3: {  	s22 =	sand.u32 $0x7F, s22;
	s7 =	sadd.s32 s31, s7;
	[tilespmem:v22+s23+$0x0] =	vst.idx.msk $0xffff, v10  }
0xb4: {  	v23 =	vor.u32 s22, v1;
	[tilespmem:s20], [sflag:$0x7] =	stream.strided.gather [hbm4b:s7+s12], $0x2000, s13, s12, $0x38;
	[tilespmem:$0x14100] =	vst v63  }
0xb5: {  	s7 =	simm.s32 $0x8  }
0xb6: {  	_ =	swait.ge [sflag:s7], $0x2000;
	s7 =	simm.s32 $0x8  }
0xb7: {  	[sflag:s7] =	ssyncset.done $0x0;
	s7 =	simm.s32 $0x8  }
0xb8: {  	[sflag:s7] =	ssyncadd.s32 $0xFFFFE000;
	s7 =	sor.u32 $0x380, s11  }
0xb9: {  	v10 =	vld.idx.msk [tilespmem:v23+s21+$0x0], $0xffff;
	v24 =	vor.u32 s7, v0  }
0xba: {  	v25 =	vor.u32 s22, v2;
	_ =	sdelay $0x3  }
0xbb: {  	[tilespmem:v24+s23+$0x0] =	vst.idx.msk $0xffff, v10  }
0xbc: {  	(v2sf) =	vpush v9, $0xF;
	v26 =	vor.u32 s7, v3;
	v10 =	vld.idx.msk [tilespmem:v25+s21+$0x0], $0xffff  }
0xbd: {  	v27 =	vor.u32 s22, v4;
	_ =	sdelay $0x3  }
0xbe: {  	[tilespmem:v26+s23+$0x0] =	vst.idx.msk $0xffff, v10  }
0xbf: {  	v28 =	vor.u32 s7, v5;
	v9 =	vld.idx.msk [tilespmem:v27+s21+$0x0], $0xffff  }
0xc0: {  	v29 =	vor.u32 s22, v6;
	_ =	sdelay $0x3  }
0xc1: {  	[tilespmem:v28+s23+$0x0] =	vst.idx.msk $0xffff, v9  }
0xc2: {  	v30 =	vor.u32 s7, v7;
	v9 =	vld.idx.msk [tilespmem:v29+s21+$0x0], $0xffff;
	_ =	sdelay $0x2  }
0xc3: {  	s22 =	spop (v2sf)  }
0xc4: {  	s8 =	sand.u32 $0x7F, s8;
	s7 =	sand.u32 $0xFFFFF80, s22  }
0xc5: {  	v31 =	vor.u32 s8, v1;
	s7 =	sadd.s32 s31, s7;
	[tilespmem:v30+s23+$0x0] =	vst.idx.msk $0xffff, v9  }
0xc6: {  	[tilespmem:s21], [sflag:$0x8] =	stream.strided.gather [hbm4b:s7+s12], $0x2000, s13, s12, $0x38;
	[tilespmem:$0x14100] =	vst v63  }
0xc7: {  	_ =	swait.ge [sflag:s25], $0x2000  }
0xc8: {  	[sflag:s25] =	ssyncset.done $0x0  }
0xc9: {  	s7 =	sor.u32 $0x400, s11;
	[sflag:s25] =	ssyncadd.s32 $0xFFFFE000  }
0xca: {  	v32 =	vor.u32 s7, v0;
	v9 =	vld.idx.msk [tilespmem:v31+s14+$0x0], $0xffff  }
0xcb: {  	v33 =	vor.u32 s8, v2;
	_ =	sdelay $0x3  }
0xcc: {  	[tilespmem:v32+s23+$0x0] =	vst.idx.msk $0xffff, v9  }
0xcd: {  	v34 =	vor.u32 s7, v3;
	(v2sf) =	vpush v8, $0x0;
	v9 =	vld.idx.msk [tilespmem:v33+s14+$0x0], $0xffff  }
0xce: {  	v35 =	vor.u32 s8, v4;
	_ =	sdelay $0x3  }
0xcf: {  	[tilespmem:v34+s23+$0x0] =	vst.idx.msk $0xffff, v9  }
0xd0: {  	v36 =	vor.u32 s7, v5;
	v9 =	vld.idx.msk [tilespmem:v35+s14+$0x0], $0xffff  }
0xd1: {  	v37 =	vor.u32 s8, v6;
	_ =	sdelay $0x3  }
0xd2: {  	[tilespmem:v36+s23+$0x0] =	vst.idx.msk $0xffff, v9  }
0xd3: {  	v38 =	vor.u32 s7, v7;
	v9 =	vld.idx.msk [tilespmem:v37+s14+$0x0], $0xffff;
	_ =	sdelay $0x2  }
0xd4: {  	s8 =	spop (v2sf)  }
0xd5: {  	s9 =	sand.u32 $0x7F, s9;
	s7 =	sand.u32 $0xFFFFF80, s8  }
0xd6: {  	v39 =	vor.u32 s9, v1;
	s7 =	sadd.s32 s31, s7;
	[tilespmem:v38+s23+$0x0] =	vst.idx.msk $0xffff, v9  }
0xd7: {  	[tilespmem:s14], [sflag:$0x1] =	stream.strided.gather [hbm4b:s7+s12], $0x2000, s13, s12, $0x38;
	[tilespmem:$0x14100] =	vst v63  }
0xd8: {  	_ =	swait.ge [sflag:s26], $0x2000  }
0xd9: {  	[sflag:s26] =	ssyncset.done $0x0  }
0xda: {  	s7 =	sor.u32 $0x480, s11;
	[sflag:s26] =	ssyncadd.s32 $0xFFFFE000  }
0xdb: {  	v40 =	vor.u32 s7, v0;
	v9 =	vld.idx.msk [tilespmem:v39+s15+$0x0], $0xffff  }
0xdc: {  	v41 =	vor.u32 s9, v2;
	_ =	sdelay $0x3  }
0xdd: {  	[tilespmem:v40+s23+$0x0] =	vst.idx.msk $0xffff, v9  }
0xde: {  	v42 =	vor.u32 s7, v3;
	(v2sf) =	vpush v8, $0x1;
	v9 =	vld.idx.msk [tilespmem:v41+s15+$0x0], $0xffff  }
0xdf: {  	v43 =	vor.u32 s9, v4;
	_ =	sdelay $0x3  }
0xe0: {  	[tilespmem:v42+s23+$0x0] =	vst.idx.msk $0xffff, v9  }
0xe1: {  	v44 =	vor.u32 s7, v5;
	v9 =	vld.idx.msk [tilespmem:v43+s15+$0x0], $0xffff  }
0xe2: {  	v45 =	vor.u32 s9, v6;
	_ =	sdelay $0x3  }
0xe3: {  	[tilespmem:v44+s23+$0x0] =	vst.idx.msk $0xffff, v9  }
0xe4: {  	v46 =	vor.u32 s7, v7;
	v9 =	vld.idx.msk [tilespmem:v45+s15+$0x0], $0xffff;
	_ =	sdelay $0x2  }
0xe5: {  	s9 =	spop (v2sf)  }
0xe6: {  	s5 =	sand.u32 $0x7F, s5;
	s7 =	sand.u32 $0xFFFFF80, s9  }
0xe7: {  	v47 =	vor.u32 s5, v1;
	s7 =	sadd.s32 s31, s7;
	[tilespmem:v46+s23+$0x0] =	vst.idx.msk $0xffff, v9  }
0xe8: {  	[tilespmem:s15], [sflag:$0x2] =	stream.strided.gather [hbm4b:s7+s12], $0x2000, s13, s12, $0x38;
	[tilespmem:$0x14100] =	vst v63  }
0xe9: {  	_ =	swait.ge [sflag:s1], $0x2000  }
0xea: {  	[sflag:s1] =	ssyncset.done $0x0  }
0xeb: {  	s7 =	sor.u32 $0x500, s11;
	[sflag:s1] =	ssyncadd.s32 $0xFFFFE000  }
0xec: {  	v48 =	vor.u32 s7, v0;
	v9 =	vld.idx.msk [tilespmem:v47+s16+$0x0], $0xffff  }
0xed: {  	v49 =	vor.u32 s5, v2;
	_ =	sdelay $0x3  }
0xee: {  	[tilespmem:v48+s23+$0x0] =	vst.idx.msk $0xffff, v9  }
0xef: {  	v50 =	vor.u32 s7, v3;
	(v2sf) =	vpush v8, $0x2;
	v9 =	vld.idx.msk [tilespmem:v49+s16+$0x0], $0xffff  }
0xf0: {  	v51 =	vor.u32 s5, v4;
	_ =	sdelay $0x3  }
0xf1: {  	[tilespmem:v50+s23+$0x0] =	vst.idx.msk $0xffff, v9  }
0xf2: {  	v52 =	vor.u32 s7, v5;
	v9 =	vld.idx.msk [tilespmem:v51+s16+$0x0], $0xffff  }
0xf3: {  	v53 =	vor.u32 s5, v6;
	_ =	sdelay $0x3  }
0xf4: {  	[tilespmem:v52+s23+$0x0] =	vst.idx.msk $0xffff, v9  }
0xf5: {  	v54 =	vor.u32 s7, v7;
	v9 =	vld.idx.msk [tilespmem:v53+s16+$0x0], $0xffff;
	_ =	sdelay $0x2  }
0xf6: {  	s5 =	spop (v2sf)  }
0xf7: {  	s6 =	sand.u32 $0x7F, s6;
	s7 =	sand.u32 $0xFFFFF80, s5  }
0xf8: {  	v55 =	vor.u32 s6, v1;
	s7 =	sadd.s32 s31, s7;
	[tilespmem:v54+s23+$0x0] =	vst.idx.msk $0xffff, v9  }
0xf9: {  	[tilespmem:s16], [sflag:$0x3] =	stream.strided.gather [hbm4b:s7+s12], $0x2000, s13, s12, $0x38;
	[tilespmem:$0x14100] =	vst v63  }
0xfa: {  	_ =	swait.ge [sflag:s28], $0x2000  }
0xfb: {  	[sflag:s28] =	ssyncset.done $0x0  }
0xfc: {  	s7 =	sor.u32 $0x580, s11;
	[sflag:s28] =	ssyncadd.s32 $0xFFFFE000  }
0xfd: {  	v56 =	vor.u32 s7, v0;
	v9 =	vld.idx.msk [tilespmem:v55+s17+$0x0], $0xffff  }
0xfe: {  	v57 =	vor.u32 s6, v2;
	_ =	sdelay $0x3  }
0xff: {  	[tilespmem:v56+s23+$0x0] =	vst.idx.msk $0xffff, v9  }
0x100: {  	v58 =	vor.u32 s7, v3;
	(v2sf) =	vpush v8, $0x3;
	v9 =	vld.idx.msk [tilespmem:v57+s17+$0x0], $0xffff  }
0x101: {  	v59 =	vor.u32 s6, v4;
	_ =	sdelay $0x3  }
0x102: {  	[tilespmem:v58+s23+$0x0] =	vst.idx.msk $0xffff, v9  }
0x103: {  	v60 =	vor.u32 s7, v5;
	v9 =	vld.idx.msk [tilespmem:v59+s17+$0x0], $0xffff  }
0x104: {  	v61 =	vor.u32 s6, v6;
	_ =	sdelay $0x3  }
0x105: {  	[tilespmem:v60+s23+$0x0] =	vst.idx.msk $0xffff, v9  }
0x106: {  	v62 =	vor.u32 s7, v7;
	v9 =	vld.idx.msk [tilespmem:v61+s17+$0x0], $0xffff;
	_ =	sdelay $0x2  }
0x107: {  	s6 =	spop (v2sf)  }
0x108: {  	s4 =	sand.u32 $0x7F, s4;
	s7 =	sand.u32 $0xFFFFF80, s6  }
0x109: {  	v63 =	vor.u32 s4, v1;
	s7 =	sadd.s32 s31, s7;
	[tilespmem:v62+s23+$0x0] =	vst.idx.msk $0xffff, v9  }
0x10a: {  	[tilespmem:s17], [sflag:$0x4] =	stream.strided.gather [hbm4b:s7+s12], $0x2000, s13, s12, $0x38;
	[tilespmem:$0x14100] =	vst v63  }
0x10b: {  	_ =	swait.ge [sflag:s29], $0x2000  }
0x10c: {  	[sflag:s29] =	ssyncset.done $0x0  }
0x10d: {  	s7 =	sor.u32 $0x600, s11;
	[sflag:s29] =	ssyncadd.s32 $0xFFFFE000  }
0x10e: {  	v12 =	vor.u32 s7, v0;
	v9 =	vld.idx.msk [tilespmem:v63+s18+$0x0], $0xffff  }
0x10f: {  	v13 =	vor.u32 s4, v2;
	_ =	sdelay $0x3  }
0x110: {  	[tilespmem:v12+s23+$0x0] =	vst.idx.msk $0xffff, v9  }
0x111: {  	v14 =	vor.u32 s7, v3;
	(v2sf) =	vpush v8, $0x4;
	v9 =	vld.idx.msk [tilespmem:v13+s18+$0x0], $0xffff  }
0x112: {  	v15 =	vor.u32 s4, v4;
	_ =	sdelay $0x3  }
0x113: {  	[tilespmem:v14+s23+$0x0] =	vst.idx.msk $0xffff, v9  }
0x114: {  	v16 =	vor.u32 s7, v5;
	v9 =	vld.idx.msk [tilespmem:v15+s18+$0x0], $0xffff  }
0x115: {  	v17 =	vor.u32 s4, v6;
	_ =	sdelay $0x3  }
0x116: {  	[tilespmem:v16+s23+$0x0] =	vst.idx.msk $0xffff, v9  }
0x117: {  	v18 =	vor.u32 s7, v7;
	v9 =	vld.idx.msk [tilespmem:v17+s18+$0x0], $0xffff;
	_ =	sdelay $0x2  }
0x118: {  	s4 =	spop (v2sf)  }
0x119: {  	s10 =	sand.u32 $0x7F, s10;
	s7 =	sand.u32 $0xFFFFF80, s4  }
0x11a: {  	v19 =	vor.u32 s10, v1;
	s7 =	sadd.s32 s31, s7;
	[tilespmem:v18+s23+$0x0] =	vst.idx.msk $0xffff, v9  }
0x11b: {  	[tilespmem:s18], [sflag:$0x5] =	stream.strided.gather [hbm4b:s7+s12], $0x2000, s13, s12, $0x38;
	[tilespmem:$0x14100] =	vst v63  }
0x11c: {  	_ =	swait.ge [sflag:s30], $0x2000  }
0x11d: {  	[sflag:s30] =	ssyncset.done $0x0  }
0x11e: {  	s7 =	sor.u32 $0x680, s11;
	[sflag:s30] =	ssyncadd.s32 $0xFFFFE000  }
0x11f: {  	v20 =	vor.u32 s7, v0;
	v9 =	vld.idx.msk [tilespmem:v19+s19+$0x0], $0xffff  }
0x120: {  	v21 =	vor.u32 s10, v2;
	_ =	sdelay $0x3  }
0x121: {  	[tilespmem:v20+s23+$0x0] =	vst.idx.msk $0xffff, v9  }
0x122: {  	v22 =	vor.u32 s7, v3;
	(v2sf) =	vpush v8, $0x5;
	v9 =	vld.idx.msk [tilespmem:v21+s19+$0x0], $0xffff  }
0x123: {  	v23 =	vor.u32 s10, v4;
	_ =	sdelay $0x3  }
0x124: {  	[tilespmem:v22+s23+$0x0] =	vst.idx.msk $0xffff, v9  }
0x125: {  	v24 =	vor.u32 s7, v5;
	v9 =	vld.idx.msk [tilespmem:v23+s19+$0x0], $0xffff  }
0x126: {  	v25 =	vor.u32 s10, v6;
	_ =	sdelay $0x3  }
0x127: {  	[tilespmem:v24+s23+$0x0] =	vst.idx.msk $0xffff, v9  }
0x128: {  	v26 =	vor.u32 s7, v7;
	v9 =	vld.idx.msk [tilespmem:v25+s19+$0x0], $0xffff;
	_ =	sdelay $0x2  }
0x129: {  	s10 =	spop (v2sf)  }
0x12a: {  	s0 =	sand.u32 $0x7F, s0;
	s7 =	sand.u32 $0xFFFFF80, s10  }
0x12b: {  	v27 =	vor.u32 s0, v1;
	s7 =	sadd.s32 s31, s7;
	[tilespmem:v26+s23+$0x0] =	vst.idx.msk $0xffff, v9  }
0x12c: {  	[tilespmem:s19], [sflag:$0x6] =	stream.strided.gather [hbm4b:s7+s12], $0x2000, s13, s12, $0x38;
	[tilespmem:$0x14100] =	vst v63  }
0x12d: {  	_ =	swait.ge [sflag:s24], $0x2000  }
0x12e: {  	[sflag:s24] =	ssyncset.done $0x0  }
0x12f: {  	s7 =	sor.u32 $0x700, s11;
	[sflag:s24] =	ssyncadd.s32 $0xFFFFE000  }
0x130: {  	v28 =	vor.u32 s7, v0;
	v9 =	vld.idx.msk [tilespmem:v27+s20+$0x0], $0xffff  }
0x131: {  	v29 =	vor.u32 s0, v2;
	_ =	sdelay $0x3  }
0x132: {  	[tilespmem:v28+s23+$0x0] =	vst.idx.msk $0xffff, v9  }
0x133: {  	v30 =	vor.u32 s7, v3;
	(v2sf) =	vpush v8, $0x6;
	v9 =	vld.idx.msk [tilespmem:v29+s20+$0x0], $0xffff  }
0x134: {  	v31 =	vor.u32 s0, v4;
	_ =	sdelay $0x3  }
0x135: {  	[tilespmem:v30+s23+$0x0] =	vst.idx.msk $0xffff, v9  }
0x136: {  	v32 =	vor.u32 s7, v5;
	v9 =	vld.idx.msk [tilespmem:v31+s20+$0x0], $0xffff  }
0x137: {  	v33 =	vor.u32 s0, v6;
	_ =	sdelay $0x3  }
0x138: {  	[tilespmem:v32+s23+$0x0] =	vst.idx.msk $0xffff, v9  }
0x139: {  	v34 =	vor.u32 s7, v7;
	v9 =	vld.idx.msk [tilespmem:v33+s20+$0x0], $0xffff;
	_ =	sdelay $0x2  }
0x13a: {  	s0 =	spop (v2sf)  }
0x13b: {  	s7 =	sand.u32 $0xFFFFF80, s0  }
0x13c: {  	s22 =	sand.u32 $0x7F, s22;
	s7 =	sadd.s32 s31, s7;
	[tilespmem:v34+s23+$0x0] =	vst.idx.msk $0xffff, v9  }
0x13d: {  	v35 =	vor.u32 s22, v1;
	[tilespmem:s20], [sflag:$0x7] =	stream.strided.gather [hbm4b:s7+s12], $0x2000, s13, s12, $0x38;
	[tilespmem:$0x14100] =	vst v63  }
0x13e: {  	s7 =	simm.s32 $0x8  }
0x13f: {  	_ =	swait.ge [sflag:s7], $0x2000;
	s7 =	simm.s32 $0x8  }
0x140: {  	[sflag:s7] =	ssyncset.done $0x0;
	s7 =	simm.s32 $0x8  }
0x141: {  	[sflag:s7] =	ssyncadd.s32 $0xFFFFE000;
	s7 =	sor.u32 $0x780, s11  }
0x142: {  	v9 =	vld.idx.msk [tilespmem:v35+s21+$0x0], $0xffff;
	v36 =	vor.u32 s7, v0  }
0x143: {  	v37 =	vor.u32 s22, v2;
	_ =	sdelay $0x3  }
0x144: {  	[tilespmem:v36+s23+$0x0] =	vst.idx.msk $0xffff, v9  }
0x145: {  	(v2sf) =	vpush v8, $0x7;
	v38 =	vor.u32 s7, v3;
	v9 =	vld.idx.msk [tilespmem:v37+s21+$0x0], $0xffff  }
0x146: {  	v39 =	vor.u32 s22, v4;
	_ =	sdelay $0x3  }
0x147: {  	[tilespmem:v38+s23+$0x0] =	vst.idx.msk $0xffff, v9  }
0x148: {  	v40 =	vor.u32 s7, v5;
	v9 =	vld.idx.msk [tilespmem:v39+s21+$0x0], $0xffff  }
0x149: {  	v41 =	vor.u32 s22, v6;
	_ =	sdelay $0x3  }
0x14a: {  	[tilespmem:v40+s23+$0x0] =	vst.idx.msk $0xffff, v9  }
0x14b: {  	v42 =	vor.u32 s7, v7;
	v9 =	vld.idx.msk [tilespmem:v41+s21+$0x0], $0xffff;
	_ =	sdelay $0x2  }
0x14c: {  	s22 =	spop (v2sf)  }
0x14d: {  	s7 =	sand.u32 $0xFFFFF80, s22  }
0x14e: {  	s8 =	sand.u32 $0x7F, s8;
	s7 =	sadd.s32 s31, s7;
	[tilespmem:v42+s23+$0x0] =	vst.idx.msk $0xffff, v9  }
0x14f: {  	v43 =	vor.u32 s8, v1;
	[tilespmem:s21], [sflag:$0x8] =	stream.strided.gather [hbm4b:s7+s12], $0x2000, s13, s12, $0x38;
	[tilespmem:$0x14100] =	vst v63  }
0x150: {  	_ =	swait.ge [sflag:s25], $0x2000  }
0x151: {  	[sflag:s25] =	ssyncset.done $0x0  }
0x152: {  	[sflag:s25] =	ssyncadd.s32 $0xFFFFE000;
	s25 =	rddreg [dreg:$0xd]  }
0x153: {  	s7 =	sshll.u32 s25, $0x7  }
0x154: {  	v9 =	vld.idx.msk [tilespmem:v43+s14+$0x0], $0xffff;
	v44 =	vor.u32 s7, v0  }
0x155: {  	v45 =	vor.u32 s8, v2;
	_ =	sdelay $0x3  }
0x156: {  	[tilespmem:v44+s23+$0x0] =	vst.idx.msk $0xffff, v9  }
0x157: {  	(v2sf) =	vpush v8, $0x8;
	v46 =	vor.u32 s7, v3;
	v9 =	vld.idx.msk [tilespmem:v45+s14+$0x0], $0xffff  }
0x158: {  	v47 =	vor.u32 s8, v4;
	_ =	sdelay $0x3  }
0x159: {  	[tilespmem:v46+s23+$0x0] =	vst.idx.msk $0xffff, v9  }
0x15a: {  	v48 =	vor.u32 s7, v5;
	v9 =	vld.idx.msk [tilespmem:v47+s14+$0x0], $0xffff  }
0x15b: {  	v49 =	vor.u32 s8, v6;
	_ =	sdelay $0x3  }
0x15c: {  	[tilespmem:v48+s23+$0x0] =	vst.idx.msk $0xffff, v9  }
0x15d: {  	v50 =	vor.u32 s7, v7;
	v9 =	vld.idx.msk [tilespmem:v49+s14+$0x0], $0xffff;
	_ =	sdelay $0x2  }
0x15e: {  	s8 =	spop (v2sf)  }
0x15f: {  	s9 =	sand.u32 $0x7F, s9;
	s25 =	sand.u32 $0xFFFFF80, s8  }
0x160: {  	v51 =	vor.u32 s9, v1;
	s7 =	sadd.s32 s31, s25;
	[tilespmem:v50+s23+$0x0] =	vst.idx.msk $0xffff, v9  }
0x161: {  	[tilespmem:s14], [sflag:$0x1] =	stream.strided.gather [hbm4b:s7+s12], $0x2000, s13, s12, $0x38;
	[tilespmem:$0x14100] =	vst v63  }
0x162: {  	_ =	swait.ge [sflag:s26], $0x2000  }
0x163: {  	[sflag:s26] =	ssyncset.done $0x0  }
0x164: {  	s25 =	sor.u32 $0x880, s11;
	[sflag:s26] =	ssyncadd.s32 $0xFFFFE000  }
0x165: {  	v52 =	vor.u32 s25, v0;
	v9 =	vld.idx.msk [tilespmem:v51+s15+$0x0], $0xffff  }
0x166: {  	v53 =	vor.u32 s9, v2;
	_ =	sdelay $0x3  }
0x167: {  	[tilespmem:v52+s23+$0x0] =	vst.idx.msk $0xffff, v9  }
0x168: {  	v54 =	vor.u32 s25, v3;
	(v2sf) =	vpush v8, $0x9;
	v9 =	vld.idx.msk [tilespmem:v53+s15+$0x0], $0xffff  }
0x169: {  	v55 =	vor.u32 s9, v4;
	_ =	sdelay $0x3  }
0x16a: {  	[tilespmem:v54+s23+$0x0] =	vst.idx.msk $0xffff, v9  }
0x16b: {  	v56 =	vor.u32 s25, v5;
	v9 =	vld.idx.msk [tilespmem:v55+s15+$0x0], $0xffff  }
0x16c: {  	v57 =	vor.u32 s9, v6;
	_ =	sdelay $0x3  }
0x16d: {  	[tilespmem:v56+s23+$0x0] =	vst.idx.msk $0xffff, v9  }
0x16e: {  	v58 =	vor.u32 s25, v7;
	v9 =	vld.idx.msk [tilespmem:v57+s15+$0x0], $0xffff;
	_ =	sdelay $0x2  }
0x16f: {  	s9 =	spop (v2sf)  }
0x170: {  	s5 =	sand.u32 $0x7F, s5;
	s26 =	sand.u32 $0xFFFFF80, s9  }
0x171: {  	v59 =	vor.u32 s5, v1;
	s7 =	sadd.s32 s31, s26;
	[tilespmem:v58+s23+$0x0] =	vst.idx.msk $0xffff, v9  }
0x172: {  	[tilespmem:s15], [sflag:$0x2] =	stream.strided.gather [hbm4b:s7+s12], $0x2000, s13, s12, $0x38;
	[tilespmem:$0x14100] =	vst v63  }
0x173: {  	_ =	swait.ge [sflag:s1], $0x2000  }
0x174: {  	[sflag:s1] =	ssyncset.done $0x0  }
0x175: {  	s25 =	sor.u32 $0x900, s11;
	[sflag:s1] =	ssyncadd.s32 $0xFFFFE000  }
0x176: {  	v60 =	vor.u32 s25, v0;
	v9 =	vld.idx.msk [tilespmem:v59+s16+$0x0], $0xffff  }
0x177: {  	v61 =	vor.u32 s5, v2;
	_ =	sdelay $0x3  }
0x178: {  	[tilespmem:v60+s23+$0x0] =	vst.idx.msk $0xffff, v9  }
0x179: {  	v62 =	vor.u32 s25, v3;
	(v2sf) =	vpush v8, $0xA;
	v9 =	vld.idx.msk [tilespmem:v61+s16+$0x0], $0xffff  }
0x17a: {  	v63 =	vor.u32 s5, v4;
	_ =	sdelay $0x3  }
0x17b: {  	[tilespmem:v62+s23+$0x0] =	vst.idx.msk $0xffff, v9  }
0x17c: {  	v12 =	vor.u32 s25, v5;
	v9 =	vld.idx.msk [tilespmem:v63+s16+$0x0], $0xffff  }
0x17d: {  	v13 =	vor.u32 s5, v6;
	_ =	sdelay $0x3  }
0x17e: {  	[tilespmem:v12+s23+$0x0] =	vst.idx.msk $0xffff, v9  }
0x17f: {  	v14 =	vor.u32 s25, v7;
	v9 =	vld.idx.msk [tilespmem:v13+s16+$0x0], $0xffff;
	_ =	sdelay $0x2  }
0x180: {  	s5 =	spop (v2sf)  }
0x181: {  	s6 =	sand.u32 $0x7F, s6;
	s26 =	sand.u32 $0xFFFFF80, s5  }
0x182: {  	v15 =	vor.u32 s6, v1;
	s7 =	sadd.s32 s31, s26;
	[tilespmem:v14+s23+$0x0] =	vst.idx.msk $0xffff, v9  }
0x183: {  	[tilespmem:s16], [sflag:$0x3] =	stream.strided.gather [hbm4b:s7+s12], $0x2000, s13, s12, $0x38;
	[tilespmem:$0x14100] =	vst v63  }
0x184: {  	_ =	swait.ge [sflag:s28], $0x2000  }
0x185: {  	[sflag:s28] =	ssyncset.done $0x0  }
0x186: {  	[sflag:s28] =	ssyncadd.s32 $0xFFFFE000;
	s28 =	sor.u32 $0x980, s11  }
0x187: {  	v9 =	vld.idx.msk [tilespmem:v15+s17+$0x0], $0xffff;
	v16 =	vor.u32 s28, v0  }
0x188: {  	v17 =	vor.u32 s6, v2;
	_ =	sdelay $0x3  }
0x189: {  	[tilespmem:v16+s23+$0x0] =	vst.idx.msk $0xffff, v9  }
0x18a: {  	(v2sf) =	vpush v8, $0xB;
	v18 =	vor.u32 s28, v3;
	v9 =	vld.idx.msk [tilespmem:v17+s17+$0x0], $0xffff  }
0x18b: {  	v19 =	vor.u32 s6, v4;
	_ =	sdelay $0x3  }
0x18c: {  	[tilespmem:v18+s23+$0x0] =	vst.idx.msk $0xffff, v9  }
0x18d: {  	v20 =	vor.u32 s28, v5;
	v9 =	vld.idx.msk [tilespmem:v19+s17+$0x0], $0xffff  }
0x18e: {  	v21 =	vor.u32 s6, v6;
	_ =	sdelay $0x3  }
0x18f: {  	[tilespmem:v20+s23+$0x0] =	vst.idx.msk $0xffff, v9  }
0x190: {  	v22 =	vor.u32 s28, v7;
	v9 =	vld.idx.msk [tilespmem:v21+s17+$0x0], $0xffff;
	_ =	sdelay $0x2  }
0x191: {  	s6 =	spop (v2sf)  }
0x192: {  	s4 =	sand.u32 $0x7F, s4;
	s1 =	sand.u32 $0xFFFFF80, s6  }
0x193: {  	v23 =	vor.u32 s4, v1;
	s7 =	sadd.s32 s31, s1;
	[tilespmem:v22+s23+$0x0] =	vst.idx.msk $0xffff, v9  }
0x194: {  	[tilespmem:s17], [sflag:$0x4] =	stream.strided.gather [hbm4b:s7+s12], $0x2000, s13, s12, $0x38;
	[tilespmem:$0x14100] =	vst v63  }
0x195: {  	_ =	swait.ge [sflag:s29], $0x2000  }
0x196: {  	[sflag:s29] =	ssyncset.done $0x0  }
0x197: {  	s25 =	sor.u32 $0xA00, s11;
	[sflag:s29] =	ssyncadd.s32 $0xFFFFE000  }
0x198: {  	v24 =	vor.u32 s25, v0;
	v9 =	vld.idx.msk [tilespmem:v23+s18+$0x0], $0xffff  }
0x199: {  	v25 =	vor.u32 s4, v2;
	_ =	sdelay $0x3  }
0x19a: {  	[tilespmem:v24+s23+$0x0] =	vst.idx.msk $0xffff, v9  }
0x19b: {  	v26 =	vor.u32 s25, v3;
	(v2sf) =	vpush v8, $0xC;
	v9 =	vld.idx.msk [tilespmem:v25+s18+$0x0], $0xffff  }
0x19c: {  	v27 =	vor.u32 s4, v4;
	_ =	sdelay $0x3  }
0x19d: {  	[tilespmem:v26+s23+$0x0] =	vst.idx.msk $0xffff, v9  }
0x19e: {  	v28 =	vor.u32 s25, v5;
	v9 =	vld.idx.msk [tilespmem:v27+s18+$0x0], $0xffff  }
0x19f: {  	v29 =	vor.u32 s4, v6;
	_ =	sdelay $0x3  }
0x1a0: {  	[tilespmem:v28+s23+$0x0] =	vst.idx.msk $0xffff, v9  }
0x1a1: {  	v30 =	vor.u32 s25, v7;
	v9 =	vld.idx.msk [tilespmem:v29+s18+$0x0], $0xffff;
	_ =	sdelay $0x2  }
0x1a2: {  	s4 =	spop (v2sf)  }
0x1a3: {  	s10 =	sand.u32 $0x7F, s10;
	s26 =	sand.u32 $0xFFFFF80, s4  }
0x1a4: {  	v31 =	vor.u32 s10, v1;
	s7 =	sadd.s32 s31, s26;
	[tilespmem:v30+s23+$0x0] =	vst.idx.msk $0xffff, v9  }
0x1a5: {  	[tilespmem:s18], [sflag:$0x5] =	stream.strided.gather [hbm4b:s7+s12], $0x2000, s13, s12, $0x38;
	[tilespmem:$0x14100] =	vst v63  }
0x1a6: {  	_ =	swait.ge [sflag:s30], $0x2000  }
0x1a7: {  	[sflag:s30] =	ssyncset.done $0x0  }
0x1a8: {  	s28 =	sor.u32 $0xA80, s11;
	[sflag:s30] =	ssyncadd.s32 $0xFFFFE000  }
0x1a9: {  	v32 =	vor.u32 s28, v0;
	v9 =	vld.idx.msk [tilespmem:v31+s19+$0x0], $0xffff  }
0x1aa: {  	v33 =	vor.u32 s10, v2;
	_ =	sdelay $0x3  }
0x1ab: {  	[tilespmem:v32+s23+$0x0] =	vst.idx.msk $0xffff, v9  }
0x1ac: {  	v34 =	vor.u32 s28, v3;
	(v2sf) =	vpush v8, $0xD;
	v9 =	vld.idx.msk [tilespmem:v33+s19+$0x0], $0xffff  }
0x1ad: {  	v35 =	vor.u32 s10, v4;
	_ =	sdelay $0x3  }
0x1ae: {  	[tilespmem:v34+s23+$0x0] =	vst.idx.msk $0xffff, v9  }
0x1af: {  	v36 =	vor.u32 s28, v5;
	v9 =	vld.idx.msk [tilespmem:v35+s19+$0x0], $0xffff  }
0x1b0: {  	v37 =	vor.u32 s10, v6;
	_ =	sdelay $0x3  }
0x1b1: {  	[tilespmem:v36+s23+$0x0] =	vst.idx.msk $0xffff, v9  }
0x1b2: {  	v38 =	vor.u32 s28, v7;
	v9 =	vld.idx.msk [tilespmem:v37+s19+$0x0], $0xffff;
	_ =	sdelay $0x2  }
0x1b3: {  	s10 =	spop (v2sf)  }
0x1b4: {  	s0 =	sand.u32 $0x7F, s0;
	s29 =	sand.u32 $0xFFFFF80, s10  }
0x1b5: {  	v39 =	vor.u32 s0, v1;
	s7 =	sadd.s32 s31, s29;
	[tilespmem:v38+s23+$0x0] =	vst.idx.msk $0xffff, v9  }
0x1b6: {  	[tilespmem:s19], [sflag:$0x6] =	stream.strided.gather [hbm4b:s7+s12], $0x2000, s13, s12, $0x38;
	[tilespmem:$0x14100] =	vst v63  }
0x1b7: {  	_ =	swait.ge [sflag:s24], $0x2000  }
0x1b8: {  	[sflag:s24] =	ssyncset.done $0x0  }
0x1b9: {  	s30 =	sor.u32 $0xB00, s11;
	[sflag:s24] =	ssyncadd.s32 $0xFFFFE000  }
0x1ba: {  	v40 =	vor.u32 s30, v0;
	v9 =	vld.idx.msk [tilespmem:v39+s20+$0x0], $0xffff  }
0x1bb: {  	v41 =	vor.u32 s0, v2;
	_ =	sdelay $0x3  }
0x1bc: {  	[tilespmem:v40+s23+$0x0] =	vst.idx.msk $0xffff, v9  }
0x1bd: {  	v42 =	vor.u32 s30, v3;
	(v2sf) =	vpush v8, $0xE;
	v9 =	vld.idx.msk [tilespmem:v41+s20+$0x0], $0xffff  }
0x1be: {  	v43 =	vor.u32 s0, v4;
	_ =	sdelay $0x3  }
0x1bf: {  	[tilespmem:v42+s23+$0x0] =	vst.idx.msk $0xffff, v9  }
0x1c0: {  	v44 =	vor.u32 s30, v5;
	v9 =	vld.idx.msk [tilespmem:v43+s20+$0x0], $0xffff  }
0x1c1: {  	v45 =	vor.u32 s0, v6;
	_ =	sdelay $0x3  }
0x1c2: {  	[tilespmem:v44+s23+$0x0] =	vst.idx.msk $0xffff, v9  }
0x1c3: {  	v46 =	vor.u32 s30, v7;
	v9 =	vld.idx.msk [tilespmem:v45+s20+$0x0], $0xffff;
	_ =	sdelay $0x2  }
0x1c4: {  	s0 =	spop (v2sf)  }
0x1c5: {  	s1 =	sand.u32 $0xFFFFF80, s0  }
0x1c6: {  	s22 =	sand.u32 $0x7F, s22;
	s7 =	sadd.s32 s31, s1;
	[tilespmem:v46+s23+$0x0] =	vst.idx.msk $0xffff, v9  }
0x1c7: {  	v47 =	vor.u32 s22, v1;
	[tilespmem:s20], [sflag:$0x7] =	stream.strided.gather [hbm4b:s7+s12], $0x2000, s13, s12, $0x38;
	[tilespmem:$0x14100] =	vst v63  }
0x1c8: {  	s7 =	simm.s32 $0x8  }
0x1c9: {  	s24 =	simm.s32 $0x8;
	_ =	swait.ge [sflag:s7], $0x2000  }
0x1ca: {  	s25 =	simm.s32 $0x8;
	[sflag:s24] =	ssyncset.done $0x0  }
0x1cb: {  	s28 =	sor.u32 $0xB80, s11;
	[sflag:s25] =	ssyncadd.s32 $0xFFFFE000  }
0x1cc: {  	v48 =	vor.u32 s28, v0;
	v9 =	vld.idx.msk [tilespmem:v47+s21+$0x0], $0xffff  }
0x1cd: {  	v49 =	vor.u32 s22, v2;
	_ =	sdelay $0x3  }
0x1ce: {  	[tilespmem:v48+s23+$0x0] =	vst.idx.msk $0xffff, v9  }
0x1cf: {  	v50 =	vor.u32 s28, v3;
	(v2sf) =	vpush v8, $0xF;
	v9 =	vld.idx.msk [tilespmem:v49+s21+$0x0], $0xffff  }
0x1d0: {  	v8 =	vor.u32 s22, v4;
	_ =	sdelay $0x3  }
0x1d1: {  	[tilespmem:v50+s23+$0x0] =	vst.idx.msk $0xffff, v9  }
0x1d2: {  	v51 =	vor.u32 s28, v5;
	v8 =	vld.idx.msk [tilespmem:v8+s21+$0x0], $0xffff  }
0x1d3: {  	v52 =	vor.u32 s22, v6;
	_ =	sdelay $0x3  }
0x1d4: {  	[tilespmem:v51+s23+$0x0] =	vst.idx.msk $0xffff, v8  }
0x1d5: {  	v53 =	vor.u32 s28, v7;
	v8 =	vld.idx.msk [tilespmem:v52+s21+$0x0], $0xffff;
	_ =	sdelay $0x2  }
0x1d6: {  	s22 =	spop (v2sf)  }
0x1d7: {  	s8 =	sand.u32 $0x7F, s8;
	s29 =	sand.u32 $0xFFFFF80, s22  }
0x1d8: {  	s26 =	simm.s32 $0x1;
	s7 =	sadd.s32 s31, s29;
	[tilespmem:v53+s23+$0x0] =	vst.idx.msk $0xffff, v8;
	v8 =	vor.u32 s8, v1  }
0x1d9: {  	[tilespmem:s21], [sflag:$0x8] =	stream.strided.gather [hbm4b:s7+s12], $0x2000, s13, s12, $0x38;
	[tilespmem:$0x14100] =	vst v63  }
0x1da: {  	_ =	swait.ge [sflag:s26], $0x2000  }
0x1db: {  	[sflag:s26] =	ssyncset.done $0x0  }
0x1dc: {  	s1 =	sor.u32 $0xC00, s11;
	[sflag:s26] =	ssyncadd.s32 $0xFFFFE000  }
0x1dd: {  	v54 =	vor.u32 s1, v0;
	v8 =	vld.idx.msk [tilespmem:v8+s14+$0x0], $0xffff  }
0x1de: {  	v55 =	vor.u32 s8, v2;
	_ =	sdelay $0x3  }
0x1df: {  	[tilespmem:v54+s23+$0x0] =	vst.idx.msk $0xffff, v8  }
0x1e0: {  	v56 =	vor.u32 s1, v3;
	v8 =	vld.idx.msk [tilespmem:v55+s14+$0x0], $0xffff  }
0x1e1: {  	v57 =	vor.u32 s8, v4;
	_ =	sdelay $0x3  }
0x1e2: {  	[tilespmem:v56+s23+$0x0] =	vst.idx.msk $0xffff, v8  }
0x1e3: {  	v58 =	vor.u32 s1, v5;
	v8 =	vld.idx.msk [tilespmem:v57+s14+$0x0], $0xffff  }
0x1e4: {  	v59 =	vor.u32 s8, v6;
	_ =	sdelay $0x3  }
0x1e5: {  	[tilespmem:v58+s23+$0x0] =	vst.idx.msk $0xffff, v8  }
0x1e6: {  	v60 =	vor.u32 s1, v7;
	v8 =	vld.idx.msk [tilespmem:v59+s14+$0x0], $0xffff;
	_ =	sdelay $0x2  }
0x1e7: {  	s9 =	sand.u32 $0x7F, s9  }
0x1e8: {  	v61 =	vor.u32 s9, v1  }
0x1e9: {  	s30 =	simm.s32 $0x2;
	[tilespmem:v60+s23+$0x0] =	vst.idx.msk $0xffff, v8  }
0x1ea: {  	_ =	swait.ge [sflag:s30], $0x2000  }
0x1eb: {  	[sflag:s30] =	ssyncset.done $0x0  }
0x1ec: {  	s26 =	sor.u32 $0xC80, s11;
	[sflag:s30] =	ssyncadd.s32 $0xFFFFE000  }
0x1ed: {  	v62 =	vor.u32 s26, v0;
	v8 =	vld.idx.msk [tilespmem:v61+s15+$0x0], $0xffff  }
0x1ee: {  	v63 =	vor.u32 s9, v2;
	_ =	sdelay $0x3  }
0x1ef: {  	[tilespmem:v62+s23+$0x0] =	vst.idx.msk $0xffff, v8  }
0x1f0: {  	v12 =	vor.u32 s26, v3;
	v8 =	vld.idx.msk [tilespmem:v63+s15+$0x0], $0xffff  }
0x1f1: {  	v13 =	vor.u32 s9, v4;
	_ =	sdelay $0x3  }
0x1f2: {  	[tilespmem:v12+s23+$0x0] =	vst.idx.msk $0xffff, v8  }
0x1f3: {  	v14 =	vor.u32 s26, v5;
	v8 =	vld.idx.msk [tilespmem:v13+s15+$0x0], $0xffff  }
0x1f4: {  	v15 =	vor.u32 s9, v6;
	_ =	sdelay $0x3  }
0x1f5: {  	[tilespmem:v14+s23+$0x0] =	vst.idx.msk $0xffff, v8  }
0x1f6: {  	v16 =	vor.u32 s26, v7;
	v8 =	vld.idx.msk [tilespmem:v15+s15+$0x0], $0xffff;
	_ =	sdelay $0x2  }
0x1f7: {  	s5 =	sand.u32 $0x7F, s5  }
0x1f8: {  	v17 =	vor.u32 s5, v1  }
0x1f9: {  	s25 =	simm.s32 $0x3;
	[tilespmem:v16+s23+$0x0] =	vst.idx.msk $0xffff, v8  }
0x1fa: {  	_ =	swait.ge [sflag:s25], $0x2000  }
0x1fb: {  	[sflag:s25] =	ssyncset.done $0x0  }
0x1fc: {  	s28 =	sor.u32 $0xD00, s11;
	[sflag:s25] =	ssyncadd.s32 $0xFFFFE000  }
0x1fd: {  	v18 =	vor.u32 s28, v0;
	v8 =	vld.idx.msk [tilespmem:v17+s16+$0x0], $0xffff  }
0x1fe: {  	v19 =	vor.u32 s5, v2;
	_ =	sdelay $0x3  }
0x1ff: {  	[tilespmem:v18+s23+$0x0] =	vst.idx.msk $0xffff, v8  }
0x200: {  	v20 =	vor.u32 s28, v3;
	v8 =	vld.idx.msk [tilespmem:v19+s16+$0x0], $0xffff  }
0x201: {  	v21 =	vor.u32 s5, v4;
	_ =	sdelay $0x3  }
0x202: {  	[tilespmem:v20+s23+$0x0] =	vst.idx.msk $0xffff, v8  }
0x203: {  	v22 =	vor.u32 s28, v5;
	v8 =	vld.idx.msk [tilespmem:v21+s16+$0x0], $0xffff  }
0x204: {  	v23 =	vor.u32 s5, v6;
	_ =	sdelay $0x3  }
0x205: {  	[tilespmem:v22+s23+$0x0] =	vst.idx.msk $0xffff, v8  }
0x206: {  	v24 =	vor.u32 s28, v7;
	v8 =	vld.idx.msk [tilespmem:v23+s16+$0x0], $0xffff;
	_ =	sdelay $0x2  }
0x207: {  	s30 =	sand.u32 $0x7F, s6  }
0x208: {  	v25 =	vor.u32 s30, v1  }
0x209: {  	s29 =	simm.s32 $0x4;
	[tilespmem:v24+s23+$0x0] =	vst.idx.msk $0xffff, v8  }
0x20a: {  	_ =	swait.ge [sflag:s29], $0x2000  }
0x20b: {  	[sflag:s29] =	ssyncset.done $0x0  }
0x20c: {  	s1 =	sor.u32 $0xD80, s11;
	[sflag:s29] =	ssyncadd.s32 $0xFFFFE000  }
0x20d: {  	v26 =	vor.u32 s1, v0;
	v8 =	vld.idx.msk [tilespmem:v25+s17+$0x0], $0xffff  }
0x20e: {  	v27 =	vor.u32 s30, v2;
	_ =	sdelay $0x3  }
0x20f: {  	[tilespmem:v26+s23+$0x0] =	vst.idx.msk $0xffff, v8  }
0x210: {  	v28 =	vor.u32 s1, v3;
	v8 =	vld.idx.msk [tilespmem:v27+s17+$0x0], $0xffff  }
0x211: {  	v29 =	vor.u32 s30, v4;
	_ =	sdelay $0x3  }
0x212: {  	[tilespmem:v28+s23+$0x0] =	vst.idx.msk $0xffff, v8  }
0x213: {  	v30 =	vor.u32 s1, v5;
	v8 =	vld.idx.msk [tilespmem:v29+s17+$0x0], $0xffff  }
0x214: {  	v31 =	vor.u32 s30, v6;
	_ =	sdelay $0x3  }
0x215: {  	[tilespmem:v30+s23+$0x0] =	vst.idx.msk $0xffff, v8  }
0x216: {  	v32 =	vor.u32 s1, v7;
	v8 =	vld.idx.msk [tilespmem:v31+s17+$0x0], $0xffff;
	_ =	sdelay $0x2  }
0x217: {  	s4 =	sand.u32 $0x7F, s4  }
0x218: {  	v33 =	vor.u32 s4, v1  }
0x219: {  	s8 =	simm.s32 $0x5;
	[tilespmem:v32+s23+$0x0] =	vst.idx.msk $0xffff, v8  }
0x21a: {  	_ =	swait.ge [sflag:s8], $0x2000  }
0x21b: {  	[sflag:s8] =	ssyncset.done $0x0  }
0x21c: {  	s9 =	sor.u32 $0xE00, s11;
	[sflag:s8] =	ssyncadd.s32 $0xFFFFE000  }
0x21d: {  	v34 =	vor.u32 s9, v0;
	v8 =	vld.idx.msk [tilespmem:v33+s18+$0x0], $0xffff  }
0x21e: {  	v35 =	vor.u32 s4, v2;
	_ =	sdelay $0x3  }
0x21f: {  	[tilespmem:v34+s23+$0x0] =	vst.idx.msk $0xffff, v8  }
0x220: {  	v36 =	vor.u32 s9, v3;
	v8 =	vld.idx.msk [tilespmem:v35+s18+$0x0], $0xffff  }
0x221: {  	v37 =	vor.u32 s4, v4;
	_ =	sdelay $0x3  }
0x222: {  	[tilespmem:v36+s23+$0x0] =	vst.idx.msk $0xffff, v8  }
0x223: {  	v38 =	vor.u32 s9, v5;
	v8 =	vld.idx.msk [tilespmem:v37+s18+$0x0], $0xffff  }
0x224: {  	v39 =	vor.u32 s4, v6;
	_ =	sdelay $0x3  }
0x225: {  	[tilespmem:v38+s23+$0x0] =	vst.idx.msk $0xffff, v8  }
0x226: {  	v40 =	vor.u32 s9, v7;
	v8 =	vld.idx.msk [tilespmem:v39+s18+$0x0], $0xffff;
	_ =	sdelay $0x2  }
0x227: {  	s10 =	sand.u32 $0x7F, s10  }
0x228: {  	v41 =	vor.u32 s10, v1  }
0x229: {  	s7 =	simm.s32 $0x6;
	[tilespmem:v40+s23+$0x0] =	vst.idx.msk $0xffff, v8  }
0x22a: {  	_ =	swait.ge [sflag:s7], $0x2000  }
0x22b: {  	[sflag:s7] =	ssyncset.done $0x0  }
0x22c: {  	s25 =	sor.u32 $0xE80, s11;
	[sflag:s7] =	ssyncadd.s32 $0xFFFFE000  }
0x22d: {  	v42 =	vor.u32 s25, v0;
	v8 =	vld.idx.msk [tilespmem:v41+s19+$0x0], $0xffff  }
0x22e: {  	v43 =	vor.u32 s10, v2;
	_ =	sdelay $0x3  }
0x22f: {  	[tilespmem:v42+s23+$0x0] =	vst.idx.msk $0xffff, v8  }
0x230: {  	v44 =	vor.u32 s25, v3;
	v8 =	vld.idx.msk [tilespmem:v43+s19+$0x0], $0xffff  }
0x231: {  	v45 =	vor.u32 s10, v4;
	_ =	sdelay $0x3  }
0x232: {  	[tilespmem:v44+s23+$0x0] =	vst.idx.msk $0xffff, v8  }
0x233: {  	v46 =	vor.u32 s25, v5;
	v8 =	vld.idx.msk [tilespmem:v45+s19+$0x0], $0xffff  }
0x234: {  	v47 =	vor.u32 s10, v6;
	_ =	sdelay $0x3  }
0x235: {  	[tilespmem:v46+s23+$0x0] =	vst.idx.msk $0xffff, v8  }
0x236: {  	v48 =	vor.u32 s25, v7;
	v8 =	vld.idx.msk [tilespmem:v47+s19+$0x0], $0xffff;
	_ =	sdelay $0x2  }
0x237: {  	s0 =	sand.u32 $0x7F, s0  }
0x238: {  	v49 =	vor.u32 s0, v1  }
0x239: {  	s24 =	simm.s32 $0x7;
	[tilespmem:v48+s23+$0x0] =	vst.idx.msk $0xffff, v8  }
0x23a: {  	_ =	swait.ge [sflag:s24], $0x2000  }
0x23b: {  	[sflag:s24] =	ssyncset.done $0x0  }
0x23c: {  	s28 =	sor.u32 $0xF00, s11;
	[sflag:s24] =	ssyncadd.s32 $0xFFFFE000  }
0x23d: {  	v50 =	vor.u32 s28, v0;
	v8 =	vld.idx.msk [tilespmem:v49+s20+$0x0], $0xffff  }
0x23e: {  	v51 =	vor.u32 s0, v2;
	_ =	sdelay $0x3  }
0x23f: {  	[tilespmem:v50+s23+$0x0] =	vst.idx.msk $0xffff, v8  }
0x240: {  	v52 =	vor.u32 s28, v3;
	v8 =	vld.idx.msk [tilespmem:v51+s20+$0x0], $0xffff  }
0x241: {  	v53 =	vor.u32 s0, v4;
	_ =	sdelay $0x3  }
0x242: {  	[tilespmem:v52+s23+$0x0] =	vst.idx.msk $0xffff, v8  }
0x243: {  	v54 =	vor.u32 s28, v5;
	v8 =	vld.idx.msk [tilespmem:v53+s20+$0x0], $0xffff  }
0x244: {  	v55 =	vor.u32 s0, v6;
	_ =	sdelay $0x3  }
0x245: {  	[tilespmem:v54+s23+$0x0] =	vst.idx.msk $0xffff, v8  }
0x246: {  	v8 =	vor.u32 s28, v7;
	v9 =	vld.idx.msk [tilespmem:v55+s20+$0x0], $0xffff;
	_ =	sdelay $0x2  }
0x247: {  	s29 =	sand.u32 $0x7F, s22  }
0x248: {  	v56 =	vor.u32 s29, v1  }
0x249: {  	s26 =	simm.s32 $0x8;
	[tilespmem:v8+s23+$0x0] =	vst.idx.msk $0xffff, v9  }
0x24a: {  	_ =	swait.ge [sflag:s26], $0x2000  }
0x24b: {  	[sflag:s26] =	ssyncset.done $0x0  }
0x24c: {  	s30 =	sor.u32 $0xF80, s11;
	[sflag:s26] =	ssyncadd.s32 $0xFFFFE000  }
0x24d: {  	v57 =	vor.u32 s30, v0;
	v8 =	vld.idx.msk [tilespmem:v56+s21+$0x0], $0xffff  }
0x24e: {  	v58 =	vor.u32 s29, v2;
	_ =	sdelay $0x3  }
0x24f: {  	[tilespmem:v57+s23+$0x0] =	vst.idx.msk $0xffff, v8  }
0x250: {  	v59 =	vor.u32 s30, v3;
	v8 =	vld.idx.msk [tilespmem:v58+s21+$0x0], $0xffff  }
0x251: {  	v60 =	vor.u32 s29, v4;
	_ =	sdelay $0x3  }
0x252: {  	[tilespmem:v59+s23+$0x0] =	vst.idx.msk $0xffff, v8  }
0x253: {  	v61 =	vor.u32 s30, v5;
	v8 =	vld.idx.msk [tilespmem:v60+s21+$0x0], $0xffff  }
0x254: {  	v62 =	vor.u32 s29, v6;
	_ =	sdelay $0x3  }
0x255: {  	[tilespmem:v61+s23+$0x0] =	vst.idx.msk $0xffff, v8  }
0x256: {  	p1 =	por p0, p0;
	v63 =	vor.u32 s30, v7;
	v8 =	vld.idx.msk [tilespmem:v62+s21+$0x0], $0xffff  }
.Ltmp0:
0x257: {  	_ = 	snop;
	(pc) =	sbr.rel @p1 .LBB2_2-.Ltmp0, $2  }
0x258: {  	_ =	sdelay $0x2  }
0x259: {  	p0 =	por $0x0, $0x0;
	s8 =	simm.s32 $0x20;
	[tilespmem:v63+s23+$0x0] =	vst.idx.msk $0xffff, v8  }
0x25a: {  	s0 =	simm.s32 $0x0;
	s4 =	rddreg [dreg:$0x9];
	s30 =	simm.s32 $0x9  }
0x25b: {  	[hbm4b:s4+s0] =	stream.linear.scatter [tilespmem:s23], [sflag:$0x9], $0x2000, $0x38;
	[tilespmem:$0x14100] =	vst v63  }
0x25c: {  	_ =	swait.ge [sflag:s30], $0x2000  }
0x25d: {  	[sflag:s30] =	ssyncset.done $0x0  }
0x25e: {  	p0 =	por $0x1, $0x1;
	[sflag:s30] =	ssyncadd.s32 $0xFFFFE000  }
.LBB2_4:
0x25f: {  	v9 =	vld [tilespmem:s0+$0x80];
	_ =	sdelay $0x4  }
0x260: {  	(v2sf) =	vpush v9, $0x0  }
0x261: {  	(v2sf) =	vpush v9, $0x1;
	_ =	sdelay $0x4  }
0x262: {  	(v2sf) =	vpush v9, $0x2;
	_ =	sdelay $0x1  }
0x263: {  	(v2sf) =	vpush v9, $0x3;
	_ =	sdelay $0x1  }
0x264: {  	(v2sf) =	vpush v9, $0x4;
	_ =	sdelay $0x4  }
0x265: {  	s4 =	spop (v2sf);
	(v2sf) =	vpush v9, $0x5  }
0x266: {  	s5 =	sand.u32 $0xFFFFF80, s4;
	s7 =	spop (v2sf);
	(v2sf) =	vpush v9, $0x6  }
0x267: {  	s5 =	sadd.s32 s3, s5;
	s11 =	sand.u32 $0xFFFFF80, s7  }
0x268: {  	v8 =	vld [tilespmem:s0+$0x90];
	[tilespmem:s14], [sflag:$0x1] =	stream.strided.gather [hbm4b:s5+s12], $0x2000, s13, s12, $0x38  }
0x269: {  	s5 =	sadd.s32 s3, s11  }
0x26a: {  	[tilespmem:s15], [sflag:$0x2] =	stream.strided.gather [hbm4b:s5+s12], $0x2000, s13, s12, $0x38;
	[tilespmem:$0x14100] =	vst v63  }
0x26b: {  	s5 =	spop (v2sf);
	(v2sf) =	vpush v9, $0x7  }
0x26c: {  	s8 =	sand.u32 $0xFFFFF80, s5  }
0x26d: {  	s6 =	spop (v2sf);
	s8 =	sadd.s32 s3, s8  }
0x26e: {  	[tilespmem:s16], [sflag:$0x3] =	stream.strided.gather [hbm4b:s8+s12], $0x2000, s13, s12, $0x38;
	[tilespmem:$0x14100] =	vst v63  }
0x26f: {  	s9 =	sand.u32 $0xFFFFF80, s6;
	s8 =	spop (v2sf)  }
0x270: {  	s9 =	sadd.s32 s3, s9;
	s10 =	sand.u32 $0xFFFFF80, s8  }
0x271: {  	[tilespmem:s17], [sflag:$0x4] =	stream.strided.gather [hbm4b:s9+s12], $0x2000, s13, s12, $0x38;
	[tilespmem:$0x14100] =	vst v63  }
0x272: {  	s10 =	sadd.s32 s3, s10  }
0x273: {  	[tilespmem:s18], [sflag:$0x5] =	stream.strided.gather [hbm4b:s10+s12], $0x2000, s13, s12, $0x38;
	[tilespmem:$0x14100] =	vst v63  }
0x274: {  	s9 =	spop (v2sf)  }
0x275: {  	s11 =	sand.u32 $0xFFFFF80, s9;
	s10 =	spop (v2sf)  }
0x276: {  	s11 =	sadd.s32 s3, s11;
	s22 =	sand.u32 $0xFFFFF80, s10  }
0x277: {  	[tilespmem:s19], [sflag:$0x6] =	stream.strided.gather [hbm4b:s11+s12], $0x2000, s13, s12, $0x38;
	[tilespmem:$0x14100] =	vst v63  }
0x278: {  	s11 =	sadd.s32 s3, s22  }
0x279: {  	[tilespmem:s20], [sflag:$0x7] =	stream.strided.gather [hbm4b:s11+s12], $0x2000, s13, s12, $0x38;
	[tilespmem:$0x14100] =	vst v63  }
0x27a: {  	s22 =	spop (v2sf)  }
0x27b: {  	s4 =	sand.u32 $0x7F, s4;
	s11 =	sand.u32 $0xFFFFF80, s22  }
0x27c: {  	s25 =	simm.s32 $0x1;
	v10 =	vor.u32 s4, v1;
	s11 =	sadd.s32 s3, s11  }
0x27d: {  	[tilespmem:s21], [sflag:$0x8] =	stream.strided.gather [hbm4b:s11+s12], $0x2000, s13, s12, $0x38;
	[tilespmem:$0x14100] =	vst v63  }
0x27e: {  	_ =	swait.ge [sflag:s25], $0x2000  }
0x27f: {  	[sflag:s25] =	ssyncset.done $0x0  }
0x280: {  	s11 =	sshll.u32 s0, $0x7;
	[sflag:s25] =	ssyncadd.s32 $0xFFFFE000  }
0x281: {  	v11 =	vor.u32 s11, v0;
	v10 =	vld.idx.msk [tilespmem:v10+s14+$0x0], $0xffff  }
0x282: {  	v12 =	vor.u32 s4, v2;
	_ =	sdelay $0x3  }
0x283: {  	[tilespmem:v11+s2+$0x0] =	vst.idx.msk $0xffff, v10  }
0x284: {  	v20 =	vor.u32 s11, v3;
	(v2sf) =	vpush v9, $0x8;
	v10 =	vld.idx.msk [tilespmem:v12+s14+$0x0], $0xffff  }
0x285: {  	v21 =	vor.u32 s4, v4;
	_ =	sdelay $0x3  }
0x286: {  	[tilespmem:v20+s2+$0x0] =	vst.idx.msk $0xffff, v10  }
0x287: {  	v22 =	vor.u32 s11, v5;
	v10 =	vld.idx.msk [tilespmem:v21+s14+$0x0], $0xffff  }
0x288: {  	v23 =	vor.u32 s4, v6;
	_ =	sdelay $0x3  }
0x289: {  	[tilespmem:v22+s2+$0x0] =	vst.idx.msk $0xffff, v10  }
0x28a: {  	v24 =	vor.u32 s11, v7;
	v10 =	vld.idx.msk [tilespmem:v23+s14+$0x0], $0xffff;
	_ =	sdelay $0x2  }
0x28b: {  	s0 =	spop (v2sf)  }
0x28c: {  	s7 =	sand.u32 $0x7F, s7;
	s4 =	sand.u32 $0xFFFFF80, s0  }
0x28d: {  	s26 =	simm.s32 $0x2;
	v25 =	vor.u32 s7, v1;
	s4 =	sadd.s32 s3, s4;
	[tilespmem:v24+s2+$0x0] =	vst.idx.msk $0xffff, v10  }
0x28e: {  	[tilespmem:s14], [sflag:$0x1] =	stream.strided.gather [hbm4b:s4+s12], $0x2000, s13, s12, $0x38;
	[tilespmem:$0x14100] =	vst v63  }
0x28f: {  	_ =	swait.ge [sflag:s26], $0x2000  }
0x290: {  	[sflag:s26] =	ssyncset.done $0x0  }
0x291: {  	s4 =	sor.u32 $0x80, s11;
	[sflag:s26] =	ssyncadd.s32 $0xFFFFE000  }
0x292: {  	v26 =	vor.u32 s4, v0;
	v10 =	vld.idx.msk [tilespmem:v25+s15+$0x0], $0xffff  }
0x293: {  	v27 =	vor.u32 s7, v2;
	_ =	sdelay $0x3  }
0x294: {  	[tilespmem:v26+s2+$0x0] =	vst.idx.msk $0xffff, v10  }
0x295: {  	v28 =	vor.u32 s4, v3;
	(v2sf) =	vpush v9, $0x9;
	v10 =	vld.idx.msk [tilespmem:v27+s15+$0x0], $0xffff  }
0x296: {  	v29 =	vor.u32 s7, v4;
	_ =	sdelay $0x3  }
0x297: {  	[tilespmem:v28+s2+$0x0] =	vst.idx.msk $0xffff, v10  }
0x298: {  	v30 =	vor.u32 s4, v5;
	v10 =	vld.idx.msk [tilespmem:v29+s15+$0x0], $0xffff  }
0x299: {  	v31 =	vor.u32 s7, v6;
	_ =	sdelay $0x3  }
0x29a: {  	[tilespmem:v30+s2+$0x0] =	vst.idx.msk $0xffff, v10  }
0x29b: {  	v32 =	vor.u32 s4, v7;
	v10 =	vld.idx.msk [tilespmem:v31+s15+$0x0], $0xffff;
	_ =	sdelay $0x2  }
0x29c: {  	s4 =	spop (v2sf)  }
0x29d: {  	s5 =	sand.u32 $0x7F, s5;
	s7 =	sand.u32 $0xFFFFF80, s4  }
0x29e: {  	s1 =	simm.s32 $0x3;
	v33 =	vor.u32 s5, v1;
	s7 =	sadd.s32 s3, s7;
	[tilespmem:v32+s2+$0x0] =	vst.idx.msk $0xffff, v10  }
0x29f: {  	[tilespmem:s15], [sflag:$0x2] =	stream.strided.gather [hbm4b:s7+s12], $0x2000, s13, s12, $0x38;
	[tilespmem:$0x14100] =	vst v63  }
0x2a0: {  	_ =	swait.ge [sflag:s1], $0x2000  }
0x2a1: {  	[sflag:s1] =	ssyncset.done $0x0  }
0x2a2: {  	s7 =	sor.u32 $0x100, s11;
	[sflag:s1] =	ssyncadd.s32 $0xFFFFE000  }
0x2a3: {  	v34 =	vor.u32 s7, v0;
	v10 =	vld.idx.msk [tilespmem:v33+s16+$0x0], $0xffff  }
0x2a4: {  	v35 =	vor.u32 s5, v2;
	_ =	sdelay $0x3  }
0x2a5: {  	[tilespmem:v34+s2+$0x0] =	vst.idx.msk $0xffff, v10  }
0x2a6: {  	v36 =	vor.u32 s7, v3;
	(v2sf) =	vpush v9, $0xA;
	v10 =	vld.idx.msk [tilespmem:v35+s16+$0x0], $0xffff  }
0x2a7: {  	v37 =	vor.u32 s5, v4;
	_ =	sdelay $0x3  }
0x2a8: {  	[tilespmem:v36+s2+$0x0] =	vst.idx.msk $0xffff, v10  }
0x2a9: {  	v38 =	vor.u32 s7, v5;
	v10 =	vld.idx.msk [tilespmem:v37+s16+$0x0], $0xffff  }
0x2aa: {  	v39 =	vor.u32 s5, v6;
	_ =	sdelay $0x3  }
0x2ab: {  	[tilespmem:v38+s2+$0x0] =	vst.idx.msk $0xffff, v10  }
0x2ac: {  	v40 =	vor.u32 s7, v7;
	v10 =	vld.idx.msk [tilespmem:v39+s16+$0x0], $0xffff;
	_ =	sdelay $0x2  }
0x2ad: {  	s5 =	spop (v2sf)  }
0x2ae: {  	s6 =	sand.u32 $0x7F, s6;
	s7 =	sand.u32 $0xFFFFF80, s5  }
0x2af: {  	s28 =	simm.s32 $0x4;
	v41 =	vor.u32 s6, v1;
	s7 =	sadd.s32 s3, s7;
	[tilespmem:v40+s2+$0x0] =	vst.idx.msk $0xffff, v10  }
0x2b0: {  	[tilespmem:s16], [sflag:$0x3] =	stream.strided.gather [hbm4b:s7+s12], $0x2000, s13, s12, $0x38;
	[tilespmem:$0x14100] =	vst v63  }
0x2b1: {  	_ =	swait.ge [sflag:s28], $0x2000  }
0x2b2: {  	[sflag:s28] =	ssyncset.done $0x0  }
0x2b3: {  	s7 =	sor.u32 $0x180, s11;
	[sflag:s28] =	ssyncadd.s32 $0xFFFFE000  }
0x2b4: {  	v42 =	vor.u32 s7, v0;
	v10 =	vld.idx.msk [tilespmem:v41+s17+$0x0], $0xffff  }
0x2b5: {  	v43 =	vor.u32 s6, v2;
	_ =	sdelay $0x3  }
0x2b6: {  	[tilespmem:v42+s2+$0x0] =	vst.idx.msk $0xffff, v10  }
0x2b7: {  	v44 =	vor.u32 s7, v3;
	(v2sf) =	vpush v9, $0xB;
	v10 =	vld.idx.msk [tilespmem:v43+s17+$0x0], $0xffff  }
0x2b8: {  	v45 =	vor.u32 s6, v4;
	_ =	sdelay $0x3  }
0x2b9: {  	[tilespmem:v44+s2+$0x0] =	vst.idx.msk $0xffff, v10  }
0x2ba: {  	v46 =	vor.u32 s7, v5;
	v10 =	vld.idx.msk [tilespmem:v45+s17+$0x0], $0xffff  }
0x2bb: {  	v47 =	vor.u32 s6, v6;
	_ =	sdelay $0x3  }
0x2bc: {  	[tilespmem:v46+s2+$0x0] =	vst.idx.msk $0xffff, v10  }
0x2bd: {  	v48 =	vor.u32 s7, v7;
	v10 =	vld.idx.msk [tilespmem:v47+s17+$0x0], $0xffff;
	_ =	sdelay $0x2  }
0x2be: {  	s6 =	spop (v2sf)  }
0x2bf: {  	s8 =	sand.u32 $0x7F, s8;
	s7 =	sand.u32 $0xFFFFF80, s6  }
0x2c0: {  	s29 =	simm.s32 $0x5;
	v49 =	vor.u32 s8, v1;
	s7 =	sadd.s32 s3, s7;
	[tilespmem:v48+s2+$0x0] =	vst.idx.msk $0xffff, v10  }
0x2c1: {  	[tilespmem:s17], [sflag:$0x4] =	stream.strided.gather [hbm4b:s7+s12], $0x2000, s13, s12, $0x38;
	[tilespmem:$0x14100] =	vst v63  }
0x2c2: {  	_ =	swait.ge [sflag:s29], $0x2000  }
0x2c3: {  	[sflag:s29] =	ssyncset.done $0x0  }
0x2c4: {  	s7 =	sor.u32 $0x200, s11;
	[sflag:s29] =	ssyncadd.s32 $0xFFFFE000  }
0x2c5: {  	v50 =	vor.u32 s7, v0;
	v10 =	vld.idx.msk [tilespmem:v49+s18+$0x0], $0xffff  }
0x2c6: {  	v51 =	vor.u32 s8, v2;
	_ =	sdelay $0x3  }
0x2c7: {  	[tilespmem:v50+s2+$0x0] =	vst.idx.msk $0xffff, v10  }
0x2c8: {  	v52 =	vor.u32 s7, v3;
	(v2sf) =	vpush v9, $0xC;
	v10 =	vld.idx.msk [tilespmem:v51+s18+$0x0], $0xffff  }
0x2c9: {  	v53 =	vor.u32 s8, v4;
	_ =	sdelay $0x3  }
0x2ca: {  	[tilespmem:v52+s2+$0x0] =	vst.idx.msk $0xffff, v10  }
0x2cb: {  	v54 =	vor.u32 s7, v5;
	v10 =	vld.idx.msk [tilespmem:v53+s18+$0x0], $0xffff  }
0x2cc: {  	v55 =	vor.u32 s8, v6;
	_ =	sdelay $0x3  }
0x2cd: {  	[tilespmem:v54+s2+$0x0] =	vst.idx.msk $0xffff, v10  }
0x2ce: {  	v56 =	vor.u32 s7, v7;
	v10 =	vld.idx.msk [tilespmem:v55+s18+$0x0], $0xffff;
	_ =	sdelay $0x2  }
0x2cf: {  	s8 =	spop (v2sf)  }
0x2d0: {  	s9 =	sand.u32 $0x7F, s9;
	s7 =	sand.u32 $0xFFFFF80, s8  }
0x2d1: {  	s30 =	simm.s32 $0x6;
	v57 =	vor.u32 s9, v1;
	s7 =	sadd.s32 s3, s7;
	[tilespmem:v56+s2+$0x0] =	vst.idx.msk $0xffff, v10  }
0x2d2: {  	[tilespmem:s18], [sflag:$0x5] =	stream.strided.gather [hbm4b:s7+s12], $0x2000, s13, s12, $0x38;
	[tilespmem:$0x14100] =	vst v63  }
0x2d3: {  	_ =	swait.ge [sflag:s30], $0x2000  }
0x2d4: {  	[sflag:s30] =	ssyncset.done $0x0  }
0x2d5: {  	s7 =	sor.u32 $0x280, s11;
	[sflag:s30] =	ssyncadd.s32 $0xFFFFE000  }
0x2d6: {  	v58 =	vor.u32 s7, v0;
	v10 =	vld.idx.msk [tilespmem:v57+s19+$0x0], $0xffff  }
0x2d7: {  	v59 =	vor.u32 s9, v2;
	_ =	sdelay $0x3  }
0x2d8: {  	[tilespmem:v58+s2+$0x0] =	vst.idx.msk $0xffff, v10  }
0x2d9: {  	v60 =	vor.u32 s7, v3;
	(v2sf) =	vpush v9, $0xD;
	v10 =	vld.idx.msk [tilespmem:v59+s19+$0x0], $0xffff  }
0x2da: {  	v61 =	vor.u32 s9, v4;
	_ =	sdelay $0x3  }
0x2db: {  	[tilespmem:v60+s2+$0x0] =	vst.idx.msk $0xffff, v10  }
0x2dc: {  	v62 =	vor.u32 s7, v5;
	v10 =	vld.idx.msk [tilespmem:v61+s19+$0x0], $0xffff  }
0x2dd: {  	v63 =	vor.u32 s9, v6;
	_ =	sdelay $0x3  }
0x2de: {  	[tilespmem:v62+s2+$0x0] =	vst.idx.msk $0xffff, v10  }
0x2df: {  	v14 =	vor.u32 s7, v7;
	v10 =	vld.idx.msk [tilespmem:v63+s19+$0x0], $0xffff;
	_ =	sdelay $0x2  }
0x2e0: {  	s9 =	spop (v2sf)  }
0x2e1: {  	s10 =	sand.u32 $0x7F, s10;
	s7 =	sand.u32 $0xFFFFF80, s9  }
0x2e2: {  	s24 =	simm.s32 $0x7;
	v15 =	vor.u32 s10, v1;
	s7 =	sadd.s32 s3, s7;
	[tilespmem:v14+s2+$0x0] =	vst.idx.msk $0xffff, v10  }
0x2e3: {  	[tilespmem:s19], [sflag:$0x6] =	stream.strided.gather [hbm4b:s7+s12], $0x2000, s13, s12, $0x38;
	[tilespmem:$0x14100] =	vst v63  }
0x2e4: {  	_ =	swait.ge [sflag:s24], $0x2000  }
0x2e5: {  	[sflag:s24] =	ssyncset.done $0x0  }
0x2e6: {  	s7 =	sor.u32 $0x300, s11;
	[sflag:s24] =	ssyncadd.s32 $0xFFFFE000  }
0x2e7: {  	v16 =	vor.u32 s7, v0;
	v10 =	vld.idx.msk [tilespmem:v15+s20+$0x0], $0xffff  }
0x2e8: {  	v17 =	vor.u32 s10, v2;
	_ =	sdelay $0x3  }
0x2e9: {  	[tilespmem:v16+s2+$0x0] =	vst.idx.msk $0xffff, v10  }
0x2ea: {  	v18 =	vor.u32 s7, v3;
	(v2sf) =	vpush v9, $0xE;
	v10 =	vld.idx.msk [tilespmem:v17+s20+$0x0], $0xffff  }
0x2eb: {  	v19 =	vor.u32 s10, v4;
	_ =	sdelay $0x3  }
0x2ec: {  	[tilespmem:v18+s2+$0x0] =	vst.idx.msk $0xffff, v10  }
0x2ed: {  	v20 =	vor.u32 s7, v5;
	v10 =	vld.idx.msk [tilespmem:v19+s20+$0x0], $0xffff  }
0x2ee: {  	v21 =	vor.u32 s10, v6;
	_ =	sdelay $0x3  }
0x2ef: {  	[tilespmem:v20+s2+$0x0] =	vst.idx.msk $0xffff, v10  }
0x2f0: {  	v22 =	vor.u32 s7, v7;
	v10 =	vld.idx.msk [tilespmem:v21+s20+$0x0], $0xffff;
	_ =	sdelay $0x2  }
0x2f1: {  	s10 =	spop (v2sf)  }
0x2f2: {  	s7 =	sand.u32 $0xFFFFF80, s10  }
0x2f3: {  	s22 =	sand.u32 $0x7F, s22;
	s7 =	sadd.s32 s3, s7;
	[tilespmem:v22+s2+$0x0] =	vst.idx.msk $0xffff, v10  }
0x2f4: {  	v23 =	vor.u32 s22, v1;
	[tilespmem:s20], [sflag:$0x7] =	stream.strided.gather [hbm4b:s7+s12], $0x2000, s13, s12, $0x38;
	[tilespmem:$0x14100] =	vst v63  }
0x2f5: {  	s7 =	simm.s32 $0x8  }
0x2f6: {  	_ =	swait.ge [sflag:s7], $0x2000;
	s7 =	simm.s32 $0x8  }
0x2f7: {  	[sflag:s7] =	ssyncset.done $0x0;
	s7 =	simm.s32 $0x8  }
0x2f8: {  	[sflag:s7] =	ssyncadd.s32 $0xFFFFE000;
	s7 =	sor.u32 $0x380, s11  }
0x2f9: {  	v10 =	vld.idx.msk [tilespmem:v23+s21+$0x0], $0xffff;
	v24 =	vor.u32 s7, v0  }
0x2fa: {  	v25 =	vor.u32 s22, v2;
	_ =	sdelay $0x3  }
0x2fb: {  	[tilespmem:v24+s2+$0x0] =	vst.idx.msk $0xffff, v10  }
0x2fc: {  	(v2sf) =	vpush v9, $0xF;
	v26 =	vor.u32 s7, v3;
	v10 =	vld.idx.msk [tilespmem:v25+s21+$0x0], $0xffff  }
0x2fd: {  	v27 =	vor.u32 s22, v4;
	_ =	sdelay $0x3  }
0x2fe: {  	[tilespmem:v26+s2+$0x0] =	vst.idx.msk $0xffff, v10  }
0x2ff: {  	v28 =	vor.u32 s7, v5;
	v9 =	vld.idx.msk [tilespmem:v27+s21+$0x0], $0xffff  }
0x300: {  	v29 =	vor.u32 s22, v6;
	_ =	sdelay $0x3  }
0x301: {  	[tilespmem:v28+s2+$0x0] =	vst.idx.msk $0xffff, v9  }
0x302: {  	v30 =	vor.u32 s7, v7;
	v9 =	vld.idx.msk [tilespmem:v29+s21+$0x0], $0xffff;
	_ =	sdelay $0x2  }
0x303: {  	s22 =	spop (v2sf)  }
0x304: {  	s0 =	sand.u32 $0x7F, s0;
	s7 =	sand.u32 $0xFFFFF80, s22  }
0x305: {  	v31 =	vor.u32 s0, v1;
	s7 =	sadd.s32 s3, s7;
	[tilespmem:v30+s2+$0x0] =	vst.idx.msk $0xffff, v9  }
0x306: {  	[tilespmem:s21], [sflag:$0x8] =	stream.strided.gather [hbm4b:s7+s12], $0x2000, s13, s12, $0x38;
	[tilespmem:$0x14100] =	vst v63  }
0x307: {  	_ =	swait.ge [sflag:s25], $0x2000  }
0x308: {  	[sflag:s25] =	ssyncset.done $0x0  }
0x309: {  	s7 =	sor.u32 $0x400, s11;
	[sflag:s25] =	ssyncadd.s32 $0xFFFFE000  }
0x30a: {  	v32 =	vor.u32 s7, v0;
	v9 =	vld.idx.msk [tilespmem:v31+s14+$0x0], $0xffff  }
0x30b: {  	v33 =	vor.u32 s0, v2;
	_ =	sdelay $0x3  }
0x30c: {  	[tilespmem:v32+s2+$0x0] =	vst.idx.msk $0xffff, v9  }
0x30d: {  	v34 =	vor.u32 s7, v3;
	(v2sf) =	vpush v8, $0x0;
	v9 =	vld.idx.msk [tilespmem:v33+s14+$0x0], $0xffff  }
0x30e: {  	v35 =	vor.u32 s0, v4;
	_ =	sdelay $0x3  }
0x30f: {  	[tilespmem:v34+s2+$0x0] =	vst.idx.msk $0xffff, v9  }
0x310: {  	v36 =	vor.u32 s7, v5;
	v9 =	vld.idx.msk [tilespmem:v35+s14+$0x0], $0xffff  }
0x311: {  	v37 =	vor.u32 s0, v6;
	_ =	sdelay $0x3  }
0x312: {  	[tilespmem:v36+s2+$0x0] =	vst.idx.msk $0xffff, v9  }
0x313: {  	v38 =	vor.u32 s7, v7;
	v9 =	vld.idx.msk [tilespmem:v37+s14+$0x0], $0xffff;
	_ =	sdelay $0x2  }
0x314: {  	s0 =	spop (v2sf)  }
0x315: {  	s4 =	sand.u32 $0x7F, s4;
	s7 =	sand.u32 $0xFFFFF80, s0  }
0x316: {  	v39 =	vor.u32 s4, v1;
	s7 =	sadd.s32 s3, s7;
	[tilespmem:v38+s2+$0x0] =	vst.idx.msk $0xffff, v9  }
0x317: {  	[tilespmem:s14], [sflag:$0x1] =	stream.strided.gather [hbm4b:s7+s12], $0x2000, s13, s12, $0x38;
	[tilespmem:$0x14100] =	vst v63  }
0x318: {  	_ =	swait.ge [sflag:s26], $0x2000  }
0x319: {  	[sflag:s26] =	ssyncset.done $0x0  }
0x31a: {  	s7 =	sor.u32 $0x480, s11;
	[sflag:s26] =	ssyncadd.s32 $0xFFFFE000  }
0x31b: {  	v40 =	vor.u32 s7, v0;
	v9 =	vld.idx.msk [tilespmem:v39+s15+$0x0], $0xffff  }
0x31c: {  	v41 =	vor.u32 s4, v2;
	_ =	sdelay $0x3  }
0x31d: {  	[tilespmem:v40+s2+$0x0] =	vst.idx.msk $0xffff, v9  }
0x31e: {  	v42 =	vor.u32 s7, v3;
	(v2sf) =	vpush v8, $0x1;
	v9 =	vld.idx.msk [tilespmem:v41+s15+$0x0], $0xffff  }
0x31f: {  	v43 =	vor.u32 s4, v4;
	_ =	sdelay $0x3  }
0x320: {  	[tilespmem:v42+s2+$0x0] =	vst.idx.msk $0xffff, v9  }
0x321: {  	v44 =	vor.u32 s7, v5;
	v9 =	vld.idx.msk [tilespmem:v43+s15+$0x0], $0xffff  }
0x322: {  	v45 =	vor.u32 s4, v6;
	_ =	sdelay $0x3  }
0x323: {  	[tilespmem:v44+s2+$0x0] =	vst.idx.msk $0xffff, v9  }
0x324: {  	v46 =	vor.u32 s7, v7;
	v9 =	vld.idx.msk [tilespmem:v45+s15+$0x0], $0xffff;
	_ =	sdelay $0x2  }
0x325: {  	s4 =	spop (v2sf)  }
0x326: {  	s5 =	sand.u32 $0x7F, s5;
	s7 =	sand.u32 $0xFFFFF80, s4  }
0x327: {  	v47 =	vor.u32 s5, v1;
	s7 =	sadd.s32 s3, s7;
	[tilespmem:v46+s2+$0x0] =	vst.idx.msk $0xffff, v9  }
0x328: {  	[tilespmem:s15], [sflag:$0x2] =	stream.strided.gather [hbm4b:s7+s12], $0x2000, s13, s12, $0x38;
	[tilespmem:$0x14100] =	vst v63  }
0x329: {  	_ =	swait.ge [sflag:s1], $0x2000  }
0x32a: {  	[sflag:s1] =	ssyncset.done $0x0  }
0x32b: {  	s7 =	sor.u32 $0x500, s11;
	[sflag:s1] =	ssyncadd.s32 $0xFFFFE000  }
0x32c: {  	v48 =	vor.u32 s7, v0;
	v9 =	vld.idx.msk [tilespmem:v47+s16+$0x0], $0xffff  }
0x32d: {  	v49 =	vor.u32 s5, v2;
	_ =	sdelay $0x3  }
0x32e: {  	[tilespmem:v48+s2+$0x0] =	vst.idx.msk $0xffff, v9  }
0x32f: {  	v50 =	vor.u32 s7, v3;
	(v2sf) =	vpush v8, $0x2;
	v9 =	vld.idx.msk [tilespmem:v49+s16+$0x0], $0xffff  }
0x330: {  	v51 =	vor.u32 s5, v4;
	_ =	sdelay $0x3  }
0x331: {  	[tilespmem:v50+s2+$0x0] =	vst.idx.msk $0xffff, v9  }
0x332: {  	v52 =	vor.u32 s7, v5;
	v9 =	vld.idx.msk [tilespmem:v51+s16+$0x0], $0xffff  }
0x333: {  	v53 =	vor.u32 s5, v6;
	_ =	sdelay $0x3  }
0x334: {  	[tilespmem:v52+s2+$0x0] =	vst.idx.msk $0xffff, v9  }
0x335: {  	v54 =	vor.u32 s7, v7;
	v9 =	vld.idx.msk [tilespmem:v53+s16+$0x0], $0xffff;
	_ =	sdelay $0x2  }
0x336: {  	s5 =	spop (v2sf)  }
0x337: {  	s6 =	sand.u32 $0x7F, s6;
	s7 =	sand.u32 $0xFFFFF80, s5  }
0x338: {  	v55 =	vor.u32 s6, v1;
	s7 =	sadd.s32 s3, s7;
	[tilespmem:v54+s2+$0x0] =	vst.idx.msk $0xffff, v9  }
0x339: {  	[tilespmem:s16], [sflag:$0x3] =	stream.strided.gather [hbm4b:s7+s12], $0x2000, s13, s12, $0x38;
	[tilespmem:$0x14100] =	vst v63  }
0x33a: {  	_ =	swait.ge [sflag:s28], $0x2000  }
0x33b: {  	[sflag:s28] =	ssyncset.done $0x0  }
0x33c: {  	s7 =	sor.u32 $0x580, s11;
	[sflag:s28] =	ssyncadd.s32 $0xFFFFE000  }
0x33d: {  	v56 =	vor.u32 s7, v0;
	v9 =	vld.idx.msk [tilespmem:v55+s17+$0x0], $0xffff  }
0x33e: {  	v57 =	vor.u32 s6, v2;
	_ =	sdelay $0x3  }
0x33f: {  	[tilespmem:v56+s2+$0x0] =	vst.idx.msk $0xffff, v9  }
0x340: {  	v58 =	vor.u32 s7, v3;
	(v2sf) =	vpush v8, $0x3;
	v9 =	vld.idx.msk [tilespmem:v57+s17+$0x0], $0xffff  }
0x341: {  	v59 =	vor.u32 s6, v4;
	_ =	sdelay $0x3  }
0x342: {  	[tilespmem:v58+s2+$0x0] =	vst.idx.msk $0xffff, v9  }
0x343: {  	v60 =	vor.u32 s7, v5;
	v9 =	vld.idx.msk [tilespmem:v59+s17+$0x0], $0xffff  }
0x344: {  	v61 =	vor.u32 s6, v6;
	_ =	sdelay $0x3  }
0x345: {  	[tilespmem:v60+s2+$0x0] =	vst.idx.msk $0xffff, v9  }
0x346: {  	v62 =	vor.u32 s7, v7;
	v9 =	vld.idx.msk [tilespmem:v61+s17+$0x0], $0xffff;
	_ =	sdelay $0x2  }
0x347: {  	s6 =	spop (v2sf)  }
0x348: {  	s8 =	sand.u32 $0x7F, s8;
	s7 =	sand.u32 $0xFFFFF80, s6  }
0x349: {  	v63 =	vor.u32 s8, v1;
	s7 =	sadd.s32 s3, s7;
	[tilespmem:v62+s2+$0x0] =	vst.idx.msk $0xffff, v9  }
0x34a: {  	[tilespmem:s17], [sflag:$0x4] =	stream.strided.gather [hbm4b:s7+s12], $0x2000, s13, s12, $0x38;
	[tilespmem:$0x14100] =	vst v63  }
0x34b: {  	_ =	swait.ge [sflag:s29], $0x2000  }
0x34c: {  	[sflag:s29] =	ssyncset.done $0x0  }
0x34d: {  	s7 =	sor.u32 $0x600, s11;
	[sflag:s29] =	ssyncadd.s32 $0xFFFFE000  }
0x34e: {  	v12 =	vor.u32 s7, v0;
	v9 =	vld.idx.msk [tilespmem:v63+s18+$0x0], $0xffff  }
0x34f: {  	v13 =	vor.u32 s8, v2;
	_ =	sdelay $0x3  }
0x350: {  	[tilespmem:v12+s2+$0x0] =	vst.idx.msk $0xffff, v9  }
0x351: {  	v14 =	vor.u32 s7, v3;
	(v2sf) =	vpush v8, $0x4;
	v9 =	vld.idx.msk [tilespmem:v13+s18+$0x0], $0xffff  }
0x352: {  	v15 =	vor.u32 s8, v4;
	_ =	sdelay $0x3  }
0x353: {  	[tilespmem:v14+s2+$0x0] =	vst.idx.msk $0xffff, v9  }
0x354: {  	v16 =	vor.u32 s7, v5;
	v9 =	vld.idx.msk [tilespmem:v15+s18+$0x0], $0xffff  }
0x355: {  	v17 =	vor.u32 s8, v6;
	_ =	sdelay $0x3  }
0x356: {  	[tilespmem:v16+s2+$0x0] =	vst.idx.msk $0xffff, v9  }
0x357: {  	v18 =	vor.u32 s7, v7;
	v9 =	vld.idx.msk [tilespmem:v17+s18+$0x0], $0xffff;
	_ =	sdelay $0x2  }
0x358: {  	s8 =	spop (v2sf)  }
0x359: {  	s9 =	sand.u32 $0x7F, s9;
	s7 =	sand.u32 $0xFFFFF80, s8  }
0x35a: {  	v19 =	vor.u32 s9, v1;
	s7 =	sadd.s32 s3, s7;
	[tilespmem:v18+s2+$0x0] =	vst.idx.msk $0xffff, v9  }
0x35b: {  	[tilespmem:s18], [sflag:$0x5] =	stream.strided.gather [hbm4b:s7+s12], $0x2000, s13, s12, $0x38;
	[tilespmem:$0x14100] =	vst v63  }
0x35c: {  	_ =	swait.ge [sflag:s30], $0x2000  }
0x35d: {  	[sflag:s30] =	ssyncset.done $0x0  }
0x35e: {  	s7 =	sor.u32 $0x680, s11;
	[sflag:s30] =	ssyncadd.s32 $0xFFFFE000  }
0x35f: {  	v20 =	vor.u32 s7, v0;
	v9 =	vld.idx.msk [tilespmem:v19+s19+$0x0], $0xffff  }
0x360: {  	v21 =	vor.u32 s9, v2;
	_ =	sdelay $0x3  }
0x361: {  	[tilespmem:v20+s2+$0x0] =	vst.idx.msk $0xffff, v9  }
0x362: {  	v22 =	vor.u32 s7, v3;
	(v2sf) =	vpush v8, $0x5;
	v9 =	vld.idx.msk [tilespmem:v21+s19+$0x0], $0xffff  }
0x363: {  	v23 =	vor.u32 s9, v4;
	_ =	sdelay $0x3  }
0x364: {  	[tilespmem:v22+s2+$0x0] =	vst.idx.msk $0xffff, v9  }
0x365: {  	v24 =	vor.u32 s7, v5;
	v9 =	vld.idx.msk [tilespmem:v23+s19+$0x0], $0xffff  }
0x366: {  	v25 =	vor.u32 s9, v6;
	_ =	sdelay $0x3  }
0x367: {  	[tilespmem:v24+s2+$0x0] =	vst.idx.msk $0xffff, v9  }
0x368: {  	v26 =	vor.u32 s7, v7;
	v9 =	vld.idx.msk [tilespmem:v25+s19+$0x0], $0xffff;
	_ =	sdelay $0x2  }
0x369: {  	s9 =	spop (v2sf)  }
0x36a: {  	s10 =	sand.u32 $0x7F, s10;
	s7 =	sand.u32 $0xFFFFF80, s9  }
0x36b: {  	v27 =	vor.u32 s10, v1;
	s7 =	sadd.s32 s3, s7;
	[tilespmem:v26+s2+$0x0] =	vst.idx.msk $0xffff, v9  }
0x36c: {  	[tilespmem:s19], [sflag:$0x6] =	stream.strided.gather [hbm4b:s7+s12], $0x2000, s13, s12, $0x38;
	[tilespmem:$0x14100] =	vst v63  }
0x36d: {  	_ =	swait.ge [sflag:s24], $0x2000  }
0x36e: {  	[sflag:s24] =	ssyncset.done $0x0  }
0x36f: {  	s7 =	sor.u32 $0x700, s11;
	[sflag:s24] =	ssyncadd.s32 $0xFFFFE000  }
0x370: {  	v28 =	vor.u32 s7, v0;
	v9 =	vld.idx.msk [tilespmem:v27+s20+$0x0], $0xffff  }
0x371: {  	v29 =	vor.u32 s10, v2;
	_ =	sdelay $0x3  }
0x372: {  	[tilespmem:v28+s2+$0x0] =	vst.idx.msk $0xffff, v9  }
0x373: {  	v30 =	vor.u32 s7, v3;
	(v2sf) =	vpush v8, $0x6;
	v9 =	vld.idx.msk [tilespmem:v29+s20+$0x0], $0xffff  }
0x374: {  	v31 =	vor.u32 s10, v4;
	_ =	sdelay $0x3  }
0x375: {  	[tilespmem:v30+s2+$0x0] =	vst.idx.msk $0xffff, v9  }
0x376: {  	v32 =	vor.u32 s7, v5;
	v9 =	vld.idx.msk [tilespmem:v31+s20+$0x0], $0xffff  }
0x377: {  	v33 =	vor.u32 s10, v6;
	_ =	sdelay $0x3  }
0x378: {  	[tilespmem:v32+s2+$0x0] =	vst.idx.msk $0xffff, v9  }
0x379: {  	v34 =	vor.u32 s7, v7;
	v9 =	vld.idx.msk [tilespmem:v33+s20+$0x0], $0xffff;
	_ =	sdelay $0x2  }
0x37a: {  	s10 =	spop (v2sf)  }
0x37b: {  	s7 =	sand.u32 $0xFFFFF80, s10  }
0x37c: {  	s22 =	sand.u32 $0x7F, s22;
	s7 =	sadd.s32 s3, s7;
	[tilespmem:v34+s2+$0x0] =	vst.idx.msk $0xffff, v9  }
0x37d: {  	v35 =	vor.u32 s22, v1;
	[tilespmem:s20], [sflag:$0x7] =	stream.strided.gather [hbm4b:s7+s12], $0x2000, s13, s12, $0x38;
	[tilespmem:$0x14100] =	vst v63  }
0x37e: {  	s7 =	simm.s32 $0x8  }
0x37f: {  	_ =	swait.ge [sflag:s7], $0x2000;
	s7 =	simm.s32 $0x8  }
0x380: {  	[sflag:s7] =	ssyncset.done $0x0;
	s7 =	simm.s32 $0x8  }
0x381: {  	[sflag:s7] =	ssyncadd.s32 $0xFFFFE000;
	s7 =	sor.u32 $0x780, s11  }
0x382: {  	v9 =	vld.idx.msk [tilespmem:v35+s21+$0x0], $0xffff;
	v36 =	vor.u32 s7, v0  }
0x383: {  	v37 =	vor.u32 s22, v2;
	_ =	sdelay $0x3  }
0x384: {  	[tilespmem:v36+s2+$0x0] =	vst.idx.msk $0xffff, v9  }
0x385: {  	(v2sf) =	vpush v8, $0x7;
	v38 =	vor.u32 s7, v3;
	v9 =	vld.idx.msk [tilespmem:v37+s21+$0x0], $0xffff  }
0x386: {  	v39 =	vor.u32 s22, v4;
	_ =	sdelay $0x3  }
0x387: {  	[tilespmem:v38+s2+$0x0] =	vst.idx.msk $0xffff, v9  }
0x388: {  	v40 =	vor.u32 s7, v5;
	v9 =	vld.idx.msk [tilespmem:v39+s21+$0x0], $0xffff  }
0x389: {  	v41 =	vor.u32 s22, v6;
	_ =	sdelay $0x3  }
0x38a: {  	[tilespmem:v40+s2+$0x0] =	vst.idx.msk $0xffff, v9  }
0x38b: {  	v42 =	vor.u32 s7, v7;
	v9 =	vld.idx.msk [tilespmem:v41+s21+$0x0], $0xffff;
	_ =	sdelay $0x2  }
0x38c: {  	s22 =	spop (v2sf)  }
0x38d: {  	s0 =	sand.u32 $0x7F, s0;
	s7 =	sand.u32 $0xFFFFF80, s22  }
0x38e: {  	v43 =	vor.u32 s0, v1;
	s7 =	sadd.s32 s3, s7;
	[tilespmem:v42+s2+$0x0] =	vst.idx.msk $0xffff, v9  }
0x38f: {  	[tilespmem:s21], [sflag:$0x8] =	stream.strided.gather [hbm4b:s7+s12], $0x2000, s13, s12, $0x38;
	[tilespmem:$0x14100] =	vst v63  }
0x390: {  	_ =	swait.ge [sflag:s25], $0x2000  }
0x391: {  	[sflag:s25] =	ssyncset.done $0x0  }
0x392: {  	[sflag:s25] =	ssyncadd.s32 $0xFFFFE000;
	s25 =	sor.u32 $0x800, s11  }
0x393: {  	v9 =	vld.idx.msk [tilespmem:v43+s14+$0x0], $0xffff;
	v44 =	vor.u32 s25, v0  }
0x394: {  	v45 =	vor.u32 s0, v2;
	_ =	sdelay $0x3  }
0x395: {  	[tilespmem:v44+s2+$0x0] =	vst.idx.msk $0xffff, v9  }
0x396: {  	(v2sf) =	vpush v8, $0x8;
	v46 =	vor.u32 s25, v3;
	v9 =	vld.idx.msk [tilespmem:v45+s14+$0x0], $0xffff  }
0x397: {  	v47 =	vor.u32 s0, v4;
	_ =	sdelay $0x3  }
0x398: {  	[tilespmem:v46+s2+$0x0] =	vst.idx.msk $0xffff, v9  }
0x399: {  	v48 =	vor.u32 s25, v5;
	v9 =	vld.idx.msk [tilespmem:v47+s14+$0x0], $0xffff  }
0x39a: {  	v49 =	vor.u32 s0, v6;
	_ =	sdelay $0x3  }
0x39b: {  	[tilespmem:v48+s2+$0x0] =	vst.idx.msk $0xffff, v9  }
0x39c: {  	v50 =	vor.u32 s25, v7;
	v9 =	vld.idx.msk [tilespmem:v49+s14+$0x0], $0xffff;
	_ =	sdelay $0x2  }
0x39d: {  	s0 =	spop (v2sf)  }
0x39e: {  	s4 =	sand.u32 $0x7F, s4;
	s25 =	sand.u32 $0xFFFFF80, s0  }
0x39f: {  	v51 =	vor.u32 s4, v1;
	s7 =	sadd.s32 s3, s25;
	[tilespmem:v50+s2+$0x0] =	vst.idx.msk $0xffff, v9  }
0x3a0: {  	[tilespmem:s14], [sflag:$0x1] =	stream.strided.gather [hbm4b:s7+s12], $0x2000, s13, s12, $0x38;
	[tilespmem:$0x14100] =	vst v63  }
0x3a1: {  	_ =	swait.ge [sflag:s26], $0x2000  }
0x3a2: {  	[sflag:s26] =	ssyncset.done $0x0  }
0x3a3: {  	[sflag:s26] =	ssyncadd.s32 $0xFFFFE000;
	s26 =	sor.u32 $0x880, s11  }
0x3a4: {  	v9 =	vld.idx.msk [tilespmem:v51+s15+$0x0], $0xffff;
	v52 =	vor.u32 s26, v0  }
0x3a5: {  	v53 =	vor.u32 s4, v2;
	_ =	sdelay $0x3  }
0x3a6: {  	[tilespmem:v52+s2+$0x0] =	vst.idx.msk $0xffff, v9  }
0x3a7: {  	(v2sf) =	vpush v8, $0x9;
	v54 =	vor.u32 s26, v3;
	v9 =	vld.idx.msk [tilespmem:v53+s15+$0x0], $0xffff  }
0x3a8: {  	v55 =	vor.u32 s4, v4;
	_ =	sdelay $0x3  }
0x3a9: {  	[tilespmem:v54+s2+$0x0] =	vst.idx.msk $0xffff, v9  }
0x3aa: {  	v56 =	vor.u32 s26, v5;
	v9 =	vld.idx.msk [tilespmem:v55+s15+$0x0], $0xffff  }
0x3ab: {  	v57 =	vor.u32 s4, v6;
	_ =	sdelay $0x3  }
0x3ac: {  	[tilespmem:v56+s2+$0x0] =	vst.idx.msk $0xffff, v9  }
0x3ad: {  	v58 =	vor.u32 s26, v7;
	v9 =	vld.idx.msk [tilespmem:v57+s15+$0x0], $0xffff;
	_ =	sdelay $0x2  }
0x3ae: {  	s4 =	spop (v2sf)  }
0x3af: {  	s5 =	sand.u32 $0x7F, s5;
	s25 =	sand.u32 $0xFFFFF80, s4  }
0x3b0: {  	v59 =	vor.u32 s5, v1;
	s7 =	sadd.s32 s3, s25;
	[tilespmem:v58+s2+$0x0] =	vst.idx.msk $0xffff, v9  }
0x3b1: {  	[tilespmem:s15], [sflag:$0x2] =	stream.strided.gather [hbm4b:s7+s12], $0x2000, s13, s12, $0x38;
	[tilespmem:$0x14100] =	vst v63  }
0x3b2: {  	_ =	swait.ge [sflag:s1], $0x2000  }
0x3b3: {  	[sflag:s1] =	ssyncset.done $0x0  }
0x3b4: {  	s26 =	sor.u32 $0x900, s11;
	[sflag:s1] =	ssyncadd.s32 $0xFFFFE000  }
0x3b5: {  	v60 =	vor.u32 s26, v0;
	v9 =	vld.idx.msk [tilespmem:v59+s16+$0x0], $0xffff  }
0x3b6: {  	v61 =	vor.u32 s5, v2;
	_ =	sdelay $0x3  }
0x3b7: {  	[tilespmem:v60+s2+$0x0] =	vst.idx.msk $0xffff, v9  }
0x3b8: {  	v62 =	vor.u32 s26, v3;
	(v2sf) =	vpush v8, $0xA;
	v9 =	vld.idx.msk [tilespmem:v61+s16+$0x0], $0xffff  }
0x3b9: {  	v63 =	vor.u32 s5, v4;
	_ =	sdelay $0x3  }
0x3ba: {  	[tilespmem:v62+s2+$0x0] =	vst.idx.msk $0xffff, v9  }
0x3bb: {  	v12 =	vor.u32 s26, v5;
	v9 =	vld.idx.msk [tilespmem:v63+s16+$0x0], $0xffff  }
0x3bc: {  	v13 =	vor.u32 s5, v6;
	_ =	sdelay $0x3  }
0x3bd: {  	[tilespmem:v12+s2+$0x0] =	vst.idx.msk $0xffff, v9  }
0x3be: {  	v14 =	vor.u32 s26, v7;
	v9 =	vld.idx.msk [tilespmem:v13+s16+$0x0], $0xffff;
	_ =	sdelay $0x2  }
0x3bf: {  	s5 =	spop (v2sf)  }
0x3c0: {  	s6 =	sand.u32 $0x7F, s6;
	s1 =	sand.u32 $0xFFFFF80, s5  }
0x3c1: {  	v15 =	vor.u32 s6, v1;
	s7 =	sadd.s32 s3, s1;
	[tilespmem:v14+s2+$0x0] =	vst.idx.msk $0xffff, v9  }
0x3c2: {  	[tilespmem:s16], [sflag:$0x3] =	stream.strided.gather [hbm4b:s7+s12], $0x2000, s13, s12, $0x38;
	[tilespmem:$0x14100] =	vst v63  }
0x3c3: {  	_ =	swait.ge [sflag:s28], $0x2000  }
0x3c4: {  	[sflag:s28] =	ssyncset.done $0x0  }
0x3c5: {  	s25 =	sor.u32 $0x980, s11;
	[sflag:s28] =	ssyncadd.s32 $0xFFFFE000  }
0x3c6: {  	v16 =	vor.u32 s25, v0;
	v9 =	vld.idx.msk [tilespmem:v15+s17+$0x0], $0xffff  }
0x3c7: {  	v17 =	vor.u32 s6, v2;
	_ =	sdelay $0x3  }
0x3c8: {  	[tilespmem:v16+s2+$0x0] =	vst.idx.msk $0xffff, v9  }
0x3c9: {  	v18 =	vor.u32 s25, v3;
	(v2sf) =	vpush v8, $0xB;
	v9 =	vld.idx.msk [tilespmem:v17+s17+$0x0], $0xffff  }
0x3ca: {  	v19 =	vor.u32 s6, v4;
	_ =	sdelay $0x3  }
0x3cb: {  	[tilespmem:v18+s2+$0x0] =	vst.idx.msk $0xffff, v9  }
0x3cc: {  	v20 =	vor.u32 s25, v5;
	v9 =	vld.idx.msk [tilespmem:v19+s17+$0x0], $0xffff  }
0x3cd: {  	v21 =	vor.u32 s6, v6;
	_ =	sdelay $0x3  }
0x3ce: {  	[tilespmem:v20+s2+$0x0] =	vst.idx.msk $0xffff, v9  }
0x3cf: {  	v22 =	vor.u32 s25, v7;
	v9 =	vld.idx.msk [tilespmem:v21+s17+$0x0], $0xffff;
	_ =	sdelay $0x2  }
0x3d0: {  	s6 =	spop (v2sf)  }
0x3d1: {  	s8 =	sand.u32 $0x7F, s8;
	s26 =	sand.u32 $0xFFFFF80, s6  }
0x3d2: {  	v23 =	vor.u32 s8, v1;
	s7 =	sadd.s32 s3, s26;
	[tilespmem:v22+s2+$0x0] =	vst.idx.msk $0xffff, v9  }
0x3d3: {  	[tilespmem:s17], [sflag:$0x4] =	stream.strided.gather [hbm4b:s7+s12], $0x2000, s13, s12, $0x38;
	[tilespmem:$0x14100] =	vst v63  }
0x3d4: {  	_ =	swait.ge [sflag:s29], $0x2000  }
0x3d5: {  	[sflag:s29] =	ssyncset.done $0x0  }
0x3d6: {  	s28 =	sor.u32 $0xA00, s11;
	[sflag:s29] =	ssyncadd.s32 $0xFFFFE000  }
0x3d7: {  	v24 =	vor.u32 s28, v0;
	v9 =	vld.idx.msk [tilespmem:v23+s18+$0x0], $0xffff  }
0x3d8: {  	v25 =	vor.u32 s8, v2;
	_ =	sdelay $0x3  }
0x3d9: {  	[tilespmem:v24+s2+$0x0] =	vst.idx.msk $0xffff, v9  }
0x3da: {  	v26 =	vor.u32 s28, v3;
	(v2sf) =	vpush v8, $0xC;
	v9 =	vld.idx.msk [tilespmem:v25+s18+$0x0], $0xffff  }
0x3db: {  	v27 =	vor.u32 s8, v4;
	_ =	sdelay $0x3  }
0x3dc: {  	[tilespmem:v26+s2+$0x0] =	vst.idx.msk $0xffff, v9  }
0x3dd: {  	v28 =	vor.u32 s28, v5;
	v9 =	vld.idx.msk [tilespmem:v27+s18+$0x0], $0xffff  }
0x3de: {  	v29 =	vor.u32 s8, v6;
	_ =	sdelay $0x3  }
0x3df: {  	[tilespmem:v28+s2+$0x0] =	vst.idx.msk $0xffff, v9  }
0x3e0: {  	v30 =	vor.u32 s28, v7;
	v9 =	vld.idx.msk [tilespmem:v29+s18+$0x0], $0xffff;
	_ =	sdelay $0x2  }
0x3e1: {  	s8 =	spop (v2sf)  }
0x3e2: {  	s9 =	sand.u32 $0x7F, s9;
	s29 =	sand.u32 $0xFFFFF80, s8  }
0x3e3: {  	v31 =	vor.u32 s9, v1;
	s7 =	sadd.s32 s3, s29;
	[tilespmem:v30+s2+$0x0] =	vst.idx.msk $0xffff, v9  }
0x3e4: {  	[tilespmem:s18], [sflag:$0x5] =	stream.strided.gather [hbm4b:s7+s12], $0x2000, s13, s12, $0x38;
	[tilespmem:$0x14100] =	vst v63  }
0x3e5: {  	_ =	swait.ge [sflag:s30], $0x2000  }
0x3e6: {  	[sflag:s30] =	ssyncset.done $0x0  }
0x3e7: {  	[sflag:s30] =	ssyncadd.s32 $0xFFFFE000;
	s30 =	sor.u32 $0xA80, s11  }
0x3e8: {  	v9 =	vld.idx.msk [tilespmem:v31+s19+$0x0], $0xffff;
	v32 =	vor.u32 s30, v0  }
0x3e9: {  	v33 =	vor.u32 s9, v2;
	_ =	sdelay $0x3  }
0x3ea: {  	[tilespmem:v32+s2+$0x0] =	vst.idx.msk $0xffff, v9  }
0x3eb: {  	(v2sf) =	vpush v8, $0xD;
	v34 =	vor.u32 s30, v3;
	v9 =	vld.idx.msk [tilespmem:v33+s19+$0x0], $0xffff  }
0x3ec: {  	v35 =	vor.u32 s9, v4;
	_ =	sdelay $0x3  }
0x3ed: {  	[tilespmem:v34+s2+$0x0] =	vst.idx.msk $0xffff, v9  }
0x3ee: {  	v36 =	vor.u32 s30, v5;
	v9 =	vld.idx.msk [tilespmem:v35+s19+$0x0], $0xffff  }
0x3ef: {  	v37 =	vor.u32 s9, v6;
	_ =	sdelay $0x3  }
0x3f0: {  	[tilespmem:v36+s2+$0x0] =	vst.idx.msk $0xffff, v9  }
0x3f1: {  	v38 =	vor.u32 s30, v7;
	v9 =	vld.idx.msk [tilespmem:v37+s19+$0x0], $0xffff;
	_ =	sdelay $0x2  }
0x3f2: {  	s9 =	spop (v2sf)  }
0x3f3: {  	s10 =	sand.u32 $0x7F, s10;
	s1 =	sand.u32 $0xFFFFF80, s9  }
0x3f4: {  	v39 =	vor.u32 s10, v1;
	s7 =	sadd.s32 s3, s1;
	[tilespmem:v38+s2+$0x0] =	vst.idx.msk $0xffff, v9  }
0x3f5: {  	[tilespmem:s19], [sflag:$0x6] =	stream.strided.gather [hbm4b:s7+s12], $0x2000, s13, s12, $0x38;
	[tilespmem:$0x14100] =	vst v63  }
0x3f6: {  	_ =	swait.ge [sflag:s24], $0x2000  }
0x3f7: {  	[sflag:s24] =	ssyncset.done $0x0  }
0x3f8: {  	[sflag:s24] =	ssyncadd.s32 $0xFFFFE000;
	s24 =	sor.u32 $0xB00, s11  }
0x3f9: {  	v9 =	vld.idx.msk [tilespmem:v39+s20+$0x0], $0xffff;
	v40 =	vor.u32 s24, v0  }
0x3fa: {  	v41 =	vor.u32 s10, v2;
	_ =	sdelay $0x3  }
0x3fb: {  	[tilespmem:v40+s2+$0x0] =	vst.idx.msk $0xffff, v9  }
0x3fc: {  	(v2sf) =	vpush v8, $0xE;
	v42 =	vor.u32 s24, v3;
	v9 =	vld.idx.msk [tilespmem:v41+s20+$0x0], $0xffff  }
0x3fd: {  	v43 =	vor.u32 s10, v4;
	_ =	sdelay $0x3  }
0x3fe: {  	[tilespmem:v42+s2+$0x0] =	vst.idx.msk $0xffff, v9  }
0x3ff: {  	v44 =	vor.u32 s24, v5;
	v9 =	vld.idx.msk [tilespmem:v43+s20+$0x0], $0xffff  }
0x400: {  	v45 =	vor.u32 s10, v6;
	_ =	sdelay $0x3  }
0x401: {  	[tilespmem:v44+s2+$0x0] =	vst.idx.msk $0xffff, v9  }
0x402: {  	v46 =	vor.u32 s24, v7;
	v9 =	vld.idx.msk [tilespmem:v45+s20+$0x0], $0xffff;
	_ =	sdelay $0x2  }
0x403: {  	s10 =	spop (v2sf)  }
0x404: {  	s22 =	sand.u32 $0x7F, s22;
	s25 =	sand.u32 $0xFFFFF80, s10  }
0x405: {  	v47 =	vor.u32 s22, v1;
	s26 =	simm.s32 $0x8;
	s7 =	sadd.s32 s3, s25;
	[tilespmem:v46+s2+$0x0] =	vst.idx.msk $0xffff, v9  }
0x406: {  	[tilespmem:s20], [sflag:$0x7] =	stream.strided.gather [hbm4b:s7+s12], $0x2000, s13, s12, $0x38;
	[tilespmem:$0x14100] =	vst v63  }
0x407: {  	s28 =	simm.s32 $0x8;
	_ =	swait.ge [sflag:s26], $0x2000  }
0x408: {  	s29 =	simm.s32 $0x8;
	[sflag:s28] =	ssyncset.done $0x0  }
0x409: {  	s1 =	sor.u32 $0xB80, s11;
	[sflag:s29] =	ssyncadd.s32 $0xFFFFE000  }
0x40a: {  	v48 =	vor.u32 s1, v0;
	v9 =	vld.idx.msk [tilespmem:v47+s21+$0x0], $0xffff  }
0x40b: {  	v49 =	vor.u32 s22, v2;
	_ =	sdelay $0x3  }
0x40c: {  	[tilespmem:v48+s2+$0x0] =	vst.idx.msk $0xffff, v9  }
0x40d: {  	v50 =	vor.u32 s1, v3;
	(v2sf) =	vpush v8, $0xF;
	v9 =	vld.idx.msk [tilespmem:v49+s21+$0x0], $0xffff  }
0x40e: {  	v8 =	vor.u32 s22, v4;
	_ =	sdelay $0x3  }
0x40f: {  	[tilespmem:v50+s2+$0x0] =	vst.idx.msk $0xffff, v9  }
0x410: {  	v51 =	vor.u32 s1, v5;
	v8 =	vld.idx.msk [tilespmem:v8+s21+$0x0], $0xffff  }
0x411: {  	v52 =	vor.u32 s22, v6;
	_ =	sdelay $0x3  }
0x412: {  	[tilespmem:v51+s2+$0x0] =	vst.idx.msk $0xffff, v8  }
0x413: {  	v53 =	vor.u32 s1, v7;
	v8 =	vld.idx.msk [tilespmem:v52+s21+$0x0], $0xffff;
	_ =	sdelay $0x2  }
0x414: {  	s22 =	spop (v2sf)  }
0x415: {  	s0 =	sand.u32 $0x7F, s0;
	s25 =	sand.u32 $0xFFFFF80, s22  }
0x416: {  	s30 =	simm.s32 $0x1;
	s7 =	sadd.s32 s3, s25;
	[tilespmem:v53+s2+$0x0] =	vst.idx.msk $0xffff, v8;
	v8 =	vor.u32 s0, v1  }
0x417: {  	[tilespmem:s21], [sflag:$0x8] =	stream.strided.gather [hbm4b:s7+s12], $0x2000, s13, s12, $0x38;
	[tilespmem:$0x14100] =	vst v63  }
0x418: {  	_ =	swait.ge [sflag:s30], $0x2000  }
0x419: {  	[sflag:s30] =	ssyncset.done $0x0  }
0x41a: {  	s28 =	sor.u32 $0xC00, s11;
	[sflag:s30] =	ssyncadd.s32 $0xFFFFE000  }
0x41b: {  	v54 =	vor.u32 s28, v0;
	v8 =	vld.idx.msk [tilespmem:v8+s14+$0x0], $0xffff  }
0x41c: {  	v55 =	vor.u32 s0, v2;
	_ =	sdelay $0x3  }
0x41d: {  	[tilespmem:v54+s2+$0x0] =	vst.idx.msk $0xffff, v8  }
0x41e: {  	v56 =	vor.u32 s28, v3;
	v8 =	vld.idx.msk [tilespmem:v55+s14+$0x0], $0xffff  }
0x41f: {  	v57 =	vor.u32 s0, v4;
	_ =	sdelay $0x3  }
0x420: {  	[tilespmem:v56+s2+$0x0] =	vst.idx.msk $0xffff, v8  }
0x421: {  	v58 =	vor.u32 s28, v5;
	v8 =	vld.idx.msk [tilespmem:v57+s14+$0x0], $0xffff  }
0x422: {  	v59 =	vor.u32 s0, v6;
	_ =	sdelay $0x3  }
0x423: {  	[tilespmem:v58+s2+$0x0] =	vst.idx.msk $0xffff, v8  }
0x424: {  	v60 =	vor.u32 s28, v7;
	v8 =	vld.idx.msk [tilespmem:v59+s14+$0x0], $0xffff;
	_ =	sdelay $0x2  }
0x425: {  	s29 =	sand.u32 $0x7F, s4  }
0x426: {  	v61 =	vor.u32 s29, v1  }
0x427: {  	s26 =	simm.s32 $0x2;
	[tilespmem:v60+s2+$0x0] =	vst.idx.msk $0xffff, v8  }
0x428: {  	_ =	swait.ge [sflag:s26], $0x2000  }
0x429: {  	[sflag:s26] =	ssyncset.done $0x0  }
0x42a: {  	s24 =	sor.u32 $0xC80, s11;
	[sflag:s26] =	ssyncadd.s32 $0xFFFFE000  }
0x42b: {  	v62 =	vor.u32 s24, v0;
	v8 =	vld.idx.msk [tilespmem:v61+s15+$0x0], $0xffff  }
0x42c: {  	v63 =	vor.u32 s29, v2;
	_ =	sdelay $0x3  }
0x42d: {  	[tilespmem:v62+s2+$0x0] =	vst.idx.msk $0xffff, v8  }
0x42e: {  	v12 =	vor.u32 s24, v3;
	v8 =	vld.idx.msk [tilespmem:v63+s15+$0x0], $0xffff  }
0x42f: {  	v13 =	vor.u32 s29, v4;
	_ =	sdelay $0x3  }
0x430: {  	[tilespmem:v12+s2+$0x0] =	vst.idx.msk $0xffff, v8  }
0x431: {  	v14 =	vor.u32 s24, v5;
	v8 =	vld.idx.msk [tilespmem:v13+s15+$0x0], $0xffff  }
0x432: {  	v15 =	vor.u32 s29, v6;
	_ =	sdelay $0x3  }
0x433: {  	[tilespmem:v14+s2+$0x0] =	vst.idx.msk $0xffff, v8  }
0x434: {  	v16 =	vor.u32 s24, v7;
	v8 =	vld.idx.msk [tilespmem:v15+s15+$0x0], $0xffff;
	_ =	sdelay $0x2  }
0x435: {  	s25 =	sand.u32 $0x7F, s5  }
0x436: {  	v17 =	vor.u32 s25, v1  }
0x437: {  	s30 =	simm.s32 $0x3;
	[tilespmem:v16+s2+$0x0] =	vst.idx.msk $0xffff, v8  }
0x438: {  	_ =	swait.ge [sflag:s30], $0x2000  }
0x439: {  	[sflag:s30] =	ssyncset.done $0x0  }
0x43a: {  	s26 =	sor.u32 $0xD00, s11;
	[sflag:s30] =	ssyncadd.s32 $0xFFFFE000  }
0x43b: {  	v18 =	vor.u32 s26, v0;
	v8 =	vld.idx.msk [tilespmem:v17+s16+$0x0], $0xffff  }
0x43c: {  	v19 =	vor.u32 s25, v2;
	_ =	sdelay $0x3  }
0x43d: {  	[tilespmem:v18+s2+$0x0] =	vst.idx.msk $0xffff, v8  }
0x43e: {  	v20 =	vor.u32 s26, v3;
	v8 =	vld.idx.msk [tilespmem:v19+s16+$0x0], $0xffff  }
0x43f: {  	v21 =	vor.u32 s25, v4;
	_ =	sdelay $0x3  }
0x440: {  	[tilespmem:v20+s2+$0x0] =	vst.idx.msk $0xffff, v8  }
0x441: {  	v22 =	vor.u32 s26, v5;
	v8 =	vld.idx.msk [tilespmem:v21+s16+$0x0], $0xffff  }
0x442: {  	v23 =	vor.u32 s25, v6;
	_ =	sdelay $0x3  }
0x443: {  	[tilespmem:v22+s2+$0x0] =	vst.idx.msk $0xffff, v8  }
0x444: {  	v24 =	vor.u32 s26, v7;
	v8 =	vld.idx.msk [tilespmem:v23+s16+$0x0], $0xffff;
	_ =	sdelay $0x2  }
0x445: {  	s28 =	sand.u32 $0x7F, s6  }
0x446: {  	v25 =	vor.u32 s28, v1  }
0x447: {  	s7 =	simm.s32 $0x4;
	[tilespmem:v24+s2+$0x0] =	vst.idx.msk $0xffff, v8  }
0x448: {  	_ =	swait.ge [sflag:s7], $0x2000  }
0x449: {  	[sflag:s7] =	ssyncset.done $0x0  }
0x44a: {  	s1 =	sor.u32 $0xD80, s11;
	[sflag:s7] =	ssyncadd.s32 $0xFFFFE000  }
0x44b: {  	v26 =	vor.u32 s1, v0;
	v8 =	vld.idx.msk [tilespmem:v25+s17+$0x0], $0xffff  }
0x44c: {  	v27 =	vor.u32 s28, v2;
	_ =	sdelay $0x3  }
0x44d: {  	[tilespmem:v26+s2+$0x0] =	vst.idx.msk $0xffff, v8  }
0x44e: {  	v28 =	vor.u32 s1, v3;
	v8 =	vld.idx.msk [tilespmem:v27+s17+$0x0], $0xffff  }
0x44f: {  	v29 =	vor.u32 s28, v4;
	_ =	sdelay $0x3  }
0x450: {  	[tilespmem:v28+s2+$0x0] =	vst.idx.msk $0xffff, v8  }
0x451: {  	v30 =	vor.u32 s1, v5;
	v8 =	vld.idx.msk [tilespmem:v29+s17+$0x0], $0xffff  }
0x452: {  	v31 =	vor.u32 s28, v6;
	_ =	sdelay $0x3  }
0x453: {  	[tilespmem:v30+s2+$0x0] =	vst.idx.msk $0xffff, v8  }
0x454: {  	v32 =	vor.u32 s1, v7;
	v8 =	vld.idx.msk [tilespmem:v31+s17+$0x0], $0xffff;
	_ =	sdelay $0x2  }
0x455: {  	s4 =	sand.u32 $0x7F, s8  }
0x456: {  	v33 =	vor.u32 s4, v1  }
0x457: {  	s30 =	simm.s32 $0x5;
	[tilespmem:v32+s2+$0x0] =	vst.idx.msk $0xffff, v8  }
0x458: {  	_ =	swait.ge [sflag:s30], $0x2000  }
0x459: {  	[sflag:s30] =	ssyncset.done $0x0  }
0x45a: {  	s7 =	sor.u32 $0xE00, s11;
	[sflag:s30] =	ssyncadd.s32 $0xFFFFE000  }
0x45b: {  	v34 =	vor.u32 s7, v0;
	v8 =	vld.idx.msk [tilespmem:v33+s18+$0x0], $0xffff  }
0x45c: {  	v35 =	vor.u32 s4, v2;
	_ =	sdelay $0x3  }
0x45d: {  	[tilespmem:v34+s2+$0x0] =	vst.idx.msk $0xffff, v8  }
0x45e: {  	v36 =	vor.u32 s7, v3;
	v8 =	vld.idx.msk [tilespmem:v35+s18+$0x0], $0xffff  }
0x45f: {  	v37 =	vor.u32 s4, v4;
	_ =	sdelay $0x3  }
0x460: {  	[tilespmem:v36+s2+$0x0] =	vst.idx.msk $0xffff, v8  }
0x461: {  	v38 =	vor.u32 s7, v5;
	v8 =	vld.idx.msk [tilespmem:v37+s18+$0x0], $0xffff  }
0x462: {  	v39 =	vor.u32 s4, v6;
	_ =	sdelay $0x3  }
0x463: {  	[tilespmem:v38+s2+$0x0] =	vst.idx.msk $0xffff, v8  }
0x464: {  	v40 =	vor.u32 s7, v7;
	v8 =	vld.idx.msk [tilespmem:v39+s18+$0x0], $0xffff;
	_ =	sdelay $0x2  }
0x465: {  	s8 =	sand.u32 $0x7F, s9  }
0x466: {  	v41 =	vor.u32 s8, v1  }
0x467: {  	s29 =	simm.s32 $0x6;
	[tilespmem:v40+s2+$0x0] =	vst.idx.msk $0xffff, v8  }
0x468: {  	_ =	swait.ge [sflag:s29], $0x2000  }
0x469: {  	[sflag:s29] =	ssyncset.done $0x0  }
0x46a: {  	s25 =	sor.u32 $0xE80, s11;
	[sflag:s29] =	ssyncadd.s32 $0xFFFFE000  }
0x46b: {  	v42 =	vor.u32 s25, v0;
	v8 =	vld.idx.msk [tilespmem:v41+s19+$0x0], $0xffff  }
0x46c: {  	v43 =	vor.u32 s8, v2;
	_ =	sdelay $0x3  }
0x46d: {  	[tilespmem:v42+s2+$0x0] =	vst.idx.msk $0xffff, v8  }
0x46e: {  	v44 =	vor.u32 s25, v3;
	v8 =	vld.idx.msk [tilespmem:v43+s19+$0x0], $0xffff  }
0x46f: {  	v45 =	vor.u32 s8, v4;
	_ =	sdelay $0x3  }
0x470: {  	[tilespmem:v44+s2+$0x0] =	vst.idx.msk $0xffff, v8  }
0x471: {  	v46 =	vor.u32 s25, v5;
	v8 =	vld.idx.msk [tilespmem:v45+s19+$0x0], $0xffff  }
0x472: {  	v47 =	vor.u32 s8, v6;
	_ =	sdelay $0x3  }
0x473: {  	[tilespmem:v46+s2+$0x0] =	vst.idx.msk $0xffff, v8  }
0x474: {  	v48 =	vor.u32 s25, v7;
	v8 =	vld.idx.msk [tilespmem:v47+s19+$0x0], $0xffff;
	_ =	sdelay $0x2  }
0x475: {  	s26 =	sand.u32 $0x7F, s10  }
0x476: {  	v49 =	vor.u32 s26, v1  }
0x477: {  	s24 =	simm.s32 $0x7;
	[tilespmem:v48+s2+$0x0] =	vst.idx.msk $0xffff, v8  }
0x478: {  	_ =	swait.ge [sflag:s24], $0x2000  }
0x479: {  	[sflag:s24] =	ssyncset.done $0x0  }
0x47a: {  	s28 =	sor.u32 $0xF00, s11;
	[sflag:s24] =	ssyncadd.s32 $0xFFFFE000  }
0x47b: {  	v50 =	vor.u32 s28, v0;
	v8 =	vld.idx.msk [tilespmem:v49+s20+$0x0], $0xffff  }
0x47c: {  	v51 =	vor.u32 s26, v2;
	_ =	sdelay $0x3  }
0x47d: {  	[tilespmem:v50+s2+$0x0] =	vst.idx.msk $0xffff, v8  }
0x47e: {  	v52 =	vor.u32 s28, v3;
	v8 =	vld.idx.msk [tilespmem:v51+s20+$0x0], $0xffff  }
0x47f: {  	v53 =	vor.u32 s26, v4;
	_ =	sdelay $0x3  }
0x480: {  	[tilespmem:v52+s2+$0x0] =	vst.idx.msk $0xffff, v8  }
0x481: {  	v54 =	vor.u32 s28, v5;
	v8 =	vld.idx.msk [tilespmem:v53+s20+$0x0], $0xffff  }
0x482: {  	v55 =	vor.u32 s26, v6;
	_ =	sdelay $0x3  }
0x483: {  	[tilespmem:v54+s2+$0x0] =	vst.idx.msk $0xffff, v8  }
0x484: {  	v8 =	vor.u32 s28, v7;
	v9 =	vld.idx.msk [tilespmem:v55+s20+$0x0], $0xffff;
	_ =	sdelay $0x2  }
0x485: {  	s29 =	sand.u32 $0x7F, s22  }
0x486: {  	v56 =	vor.u32 s29, v1  }
0x487: {  	s9 =	simm.s32 $0x8;
	[tilespmem:v8+s2+$0x0] =	vst.idx.msk $0xffff, v9  }
0x488: {  	_ =	swait.ge [sflag:s9], $0x2000  }
0x489: {  	[sflag:s9] =	ssyncset.done $0x0  }
0x48a: {  	s30 =	sor.u32 $0xF80, s11;
	[sflag:s9] =	ssyncadd.s32 $0xFFFFE000  }
0x48b: {  	v57 =	vor.u32 s30, v0;
	v8 =	vld.idx.msk [tilespmem:v56+s21+$0x0], $0xffff  }
0x48c: {  	v58 =	vor.u32 s29, v2;
	_ =	sdelay $0x3  }
0x48d: {  	[tilespmem:v57+s2+$0x0] =	vst.idx.msk $0xffff, v8  }
0x48e: {  	v59 =	vor.u32 s30, v3;
	v8 =	vld.idx.msk [tilespmem:v58+s21+$0x0], $0xffff  }
0x48f: {  	v60 =	vor.u32 s29, v4;
	_ =	sdelay $0x3  }
0x490: {  	[tilespmem:v59+s2+$0x0] =	vst.idx.msk $0xffff, v8  }
0x491: {  	v61 =	vor.u32 s30, v5;
	v8 =	vld.idx.msk [tilespmem:v60+s21+$0x0], $0xffff  }
0x492: {  	v62 =	vor.u32 s29, v6;
	_ =	sdelay $0x3  }
0x493: {  	[tilespmem:v61+s2+$0x0] =	vst.idx.msk $0xffff, v8  }
0x494: {  	p1 =	por p0, p0;
	v63 =	vor.u32 s30, v7;
	v8 =	vld.idx.msk [tilespmem:v62+s21+$0x0], $0xffff  }
.Ltmp1:
0x495: {  	_ = 	snop;
	(pc) =	sbr.rel @p1 .LBB2_4-.Ltmp1, $2  }
0x496: {  	_ =	sdelay $0x2  }
0x497: {  	p0 =	por $0x0, $0x0;
	s0 =	simm.s32 $0x20;
	[tilespmem:v63+s2+$0x0] =	vst.idx.msk $0xffff, v8  }
0x498: {  	s22 =	simm.s32 $0x0;
	s0 =	rddreg [dreg:$0xa];
	s4 =	simm.s32 $0x9  }
0x499: {  	[hbm4b:s0+s22] =	stream.linear.scatter [tilespmem:s2], [sflag:$0x9], $0x2000, $0x38;
	[tilespmem:$0x14100] =	vst v63  }
0x49a: {  	_ =	swait.ge [sflag:s4], $0x2000  }
0x49b: {  	s5 =	rddreg [dreg:$0xc]  }
0x49c: {  	s30 =	rddreg [dreg:$0xb];
	s5 =	sadd.s32 $0x1, s5  }
0x49d: {  	p0 =	sne.s32 s5, s30  }
.Ltmp2:
0x49e: {  	_ = 	snop;
	(pc) =	sbr.rel @p0 .LBB2_1-.Ltmp2, $3  }
0x49f: {  	_ =	sdelay $0x1  }
0x4a0: {  	[sflag:s4] =	ssyncset.done $0x0  }
0x4a1: {  	[sflag:s4] =	ssyncadd.s32 $0xFFFFE000  }
0x4a2: {  	_ =	sfence.sel $0x180000  }
0x4a3: {  	[bflag:$0x0] =	sbarrier.arrive $0xFFFF  }
0x4a4: {  	_ =	strace $0x90000047  }
0x4a5: {  	s0 =	stileid.u32;
	[bflag:$0x2] =	sbarrier.arrive $0xFFFF  }
0x4a6: {  	p0 =	sne.s32 s0, $0x0;
	s0 =	rddreg [dreg:$0x6]  }
0x4a7: {  	s0 =	sadd.s32 @!p0 $0x100000, s0  }
0x4a8: {  	[sflag:s0] =	ssyncadd.tile.s32 @!p0 $0x1;
	_ =	shalt  }
.Lfunc_end2:
_tile_overlayer_lowered:
.L_overlay_start_2:
0x4a9: {  	(tag) =	ssettag $0x2  }
0x4aa: {  	s0 =	rddreg [dreg:$0x0];
	s2 =	stileid.u32  }
0x4ab: {  	s1 =	rddreg [dreg:$0x1];
	p0 =	sne.s32 s2, $0x0  }
0x4ac: {  	s3 =	rddreg [dreg:$0x2];
	[bflag:$0x3] =	sbarrier.arrive $0xFFFF;
	s2 =	simm.s32 @!p0 $0x1C09  }
0x4ad: {  	[timem:s3], [sflag:s2] =	dma.local @!p0 [hbm:s0], s1  }
0x4ae: {  	s0 =	simm.s32 @!p0 $0x9  }
0x4af: {  	_ =	swait.ge @!p0 [sflag:s0], s1  }
0x4b0: {  	s1 =	ssub.s32 @!p0 $0x0, s1;
	[sflag:s0] =	ssyncset.done @!p0 $0x0  }
0x4b1: {  	[sflag:s0] =	ssyncadd.s32 @!p0 s1  }
0x4b2: {  	[bflag:$0x3] =	sbarrier.arrive $0xFFFF  }
0x4b3: {  	_ =	shalt  }

</sc_bundles>
